<compile_context>
chip_gen: v7x
topology: tpu7x:2x2x1
jax: 0.10.2.dev20260603
libtpu: 0.0.44.dev20260713+nightly
codegen_flags: <defaults>
</compile_context>

<pallas_src>
import functools

import jax
import jax.numpy as jnp
from jax import lax
from jax.experimental import pallas as pl
from jax.experimental.pallas import tpu as pltpu
from jax.experimental.pallas import tpu_sc as plsc


def _pack16(hi_f32, lo_f32):
    hb = jax.lax.bitcast_convert_type(hi_f32.astype(jnp.bfloat16),
                                      jnp.uint16).astype(jnp.uint32)
    lb = jax.lax.bitcast_convert_type(lo_f32.astype(jnp.bfloat16),
                                      jnp.uint16).astype(jnp.uint32)
    return jax.lax.bitcast_convert_type((hb << 16) | lb, jnp.int32)


def _unpack_hi(w_i32):
    return jax.lax.bitcast_convert_type(w_i32 & jnp.int32(-65536), jnp.float32)


def _unpack_lo(w_i32):
    return jax.lax.bitcast_convert_type(w_i32 << 16, jnp.float32)


def _linears_body(d, x_ref, wa, ba, wb, bb, wd, bd, we, be,
                  ax_ref, tpk_ref, ex_ref):
    x = x_ref[...]
    ax_ref[...] = jnp.dot(x, wa[...], preferred_element_type=jnp.float32) + ba[...]
    dx = jnp.dot(x, wd[...], preferred_element_type=jnp.float32) + bd[...]
    bx = jnp.dot(x, wb[...], preferred_element_type=jnp.float32) + bb[...]
    tpk_ref[...] = _pack16(dx, bx)
    ex_ref[...] = jnp.dot(x, we[...], preferred_element_type=jnp.float32) + be[...]


def _make_gather(size, cbase, d):
    mesh = plsc.VectorSubcoreMesh(core_axis_name="c", subcore_axis_name="s")
    nw = 32
    per_w = size // nw
    k = 80
    nblk = per_w // k
    assert nblk * k == per_w

    @functools.partial(
        pl.kernel, mesh=mesh,
        out_type=[jax.ShapeDtypeStruct((size, d), jnp.int32),
                  jax.ShapeDtypeStruct((size, d), jnp.float32)],
        scratch_types=[pltpu.VMEM((2, k), jnp.int32),
                       pltpu.VMEM((2, k), jnp.int32),
                       pltpu.VMEM((2, k, d), jnp.int32),
                       pltpu.VMEM((2, k, d), jnp.float32),
                       pltpu.SemaphoreType.DMA,
                       pltpu.SemaphoreType.DMA,
                       pltpu.SemaphoreType.DMA,
                       pltpu.SemaphoreType.DMA],
    )
    def gather_k(tpk_hbm, ex_hbm, src_hbm, dst_hbm, gpk_hbm, ge_hbm,
                 src_v, dst_v, gpk_v, ge_v, semi0, semi1, semg0, semg1):
        semis = (semi0, semi1)
        semgs = (semg0, semg1)
        wid = lax.axis_index("s") * 2 + lax.axis_index("c")
        base0 = wid * per_w

        def issue_idx(j, b):
            base = cbase + base0 + j * k
            pltpu.async_copy(src_hbm.at[pl.ds(base, k)], src_v.at[b],
                             semis[b])
            pltpu.async_copy(dst_hbm.at[pl.ds(base, k)], dst_v.at[b],
                             semis[b])

        def wait_idx(b):
            pltpu.make_async_copy(src_hbm.at[pl.ds(0, k)], src_v.at[b],
                                  semis[b]).wait()
            pltpu.make_async_copy(dst_hbm.at[pl.ds(0, k)], dst_v.at[b],
                                  semis[b]).wait()

        def issue_gather(b):
            pltpu.async_copy(tpk_hbm.at[src_v.at[b]], gpk_v.at[b], semgs[b])
            pltpu.async_copy(ex_hbm.at[dst_v.at[b]], ge_v.at[b], semgs[b])

        def wait_gather(b):
            pltpu.make_async_copy(tpk_hbm.at[src_v.at[b]], gpk_v.at[b],
                                  semgs[b]).wait()
            pltpu.make_async_copy(ex_hbm.at[dst_v.at[b]], ge_v.at[b],
                                  semgs[b]).wait()

        def writeback(j, b):
            base = base0 + j * k
            pltpu.sync_copy(gpk_v.at[b], gpk_hbm.at[pl.ds(base, k)])
            pltpu.sync_copy(ge_v.at[b], ge_hbm.at[pl.ds(base, k)])

        issue_idx(0, 0)
        issue_idx(1, 1)
        wait_idx(0)
        issue_gather(0)

        @pl.loop(0, nblk // 2)
        def _(m):
            j0 = 2 * m
            wait_idx(1)
            wait_gather(0)
            issue_gather(1)
            writeback(j0, 0)

            @pl.when(j0 + 2 < nblk)
            def _():
                issue_idx(j0 + 2, 0)

            wait_gather(1)
            writeback(j0 + 1, 1)

            @pl.when(j0 + 3 < nblk)
            def _():
                issue_idx(j0 + 3, 1)

            @pl.when(j0 + 2 < nblk)
            def _():
                wait_idx(0)
                issue_gather(0)

        if nblk % 2 == 1:
            wait_gather(0)
            writeback(nblk - 1, 0)

    return gather_k


def _edge_body(d, nsteps, has_prev, *refs):
    if has_prev:
        (ex_blk, gpk_blk, ge_blk, sn_blk, wc, bc, _pm, _ps, _py,
         msg_ref, sig_ref, y_ref, stats_ref) = refs
    else:
        (ex_blk, gpk_blk, ge_blk, sn_blk, wc, bc,
         msg_ref, sig_ref, y_ref, stats_ref) = refs
    i = pl.program_id(0)
    ce = jnp.dot(ex_blk[...], wc[...], preferred_element_type=jnp.float32) + bc[...]
    gpk = gpk_blk[...]
    e = ce + _unpack_hi(gpk) + ge_blk[...]
    sig = jax.nn.sigmoid(e)
    msg_ref[...] = sig * _unpack_lo(gpk)
    sig_ref[...] = sig
    y = e * sn_blk[...]
    y_ref[...] = y.astype(jnp.bfloat16)

    @pl.when(i == 0)
    def _():
        stats_ref[...] = jnp.zeros_like(stats_ref)

    stats_ref[0:1, :] += jnp.sum(y, axis=0, keepdims=True)
    stats_ref[1:2, :] += jnp.sum(y * y, axis=0, keepdims=True)


def _make_segsum(ne, n2, d):
    mesh = plsc.VectorSubcoreMesh(core_axis_name="c", subcore_axis_name="s")
    ns = 16
    per_t = ne // ns
    k = 80
    nblk = per_t // k
    half = n2 // 2
    stripe = half // ns

    @functools.partial(
        pl.kernel, mesh=mesh,
        out_type=jax.ShapeDtypeStruct((n2, d), jnp.float32),
        scratch_types=[pltpu.VMEM((2, k), jnp.int32),
                       pltpu.VMEM((2, k, d), jnp.float32),
                       pltpu.VMEM((stripe, d), jnp.float32),
                       pltpu.VMEM_SHARED((half + 8, d), jnp.float32),
                       pltpu.SemaphoreType.DMA,
                       pltpu.SemaphoreType.DMA,
                       pltpu.SemaphoreType.DMA,
                       pltpu.SemaphoreType.DMA],
    )
    def segsum_k(vals_hbm, dst_hbm, z_hbm, out_hbm,
                 idx_v, vals_v, zbuf, acc, semi0, semi1, semv0, semv1):
        semis = (semi0, semi1)
        semvs = (semv0, semv1)
        cid = lax.axis_index("c")
        sid = lax.axis_index("s")
        base_node = cid * half

        r0 = sid * stripe
        pltpu.sync_copy(z_hbm, zbuf)
        pltpu.sync_copy(zbuf, acc.at[pl.ds(r0, stripe)])

        base0 = sid * per_t

        def issue(j, b):
            base = base0 + j * k
            pltpu.async_copy(dst_hbm.at[pl.ds(base, k)], idx_v.at[b], semis[b])
            pltpu.async_copy(vals_hbm.at[pl.ds(base, k)], vals_v.at[b],
                             semvs[b])

        def drain_transform_scatter(b):
            pltpu.make_async_copy(dst_hbm.at[pl.ds(0, k)],
                                  idx_v.at[b], semis[b]).wait()
            pltpu.make_async_copy(vals_hbm.at[pl.ds(0, k)],
                                  vals_v.at[b], semvs[b]).wait()

            @pl.loop(0, k // 16)
            def _(c):
                v = idx_v[b, pl.ds(c * 16, 16)] - base_node
                ok = (v >= 0) & (v < half)
                idx_v[b, pl.ds(c * 16, 16)] = jnp.where(ok, v, half)

            pltpu.sync_copy(vals_v.at[b], acc.at[idx_v.at[b]], add=True)

        plsc.subcore_barrier()

        issue(0, 0)

        @pl.loop(0, nblk // 2)
        def _(m):
            j0 = 2 * m
            issue(j0 + 1, 1)
            drain_transform_scatter(0)

            @pl.when(j0 + 2 < nblk)
            def _():
                issue(j0 + 2, 0)

            drain_transform_scatter(1)

        plsc.subcore_barrier()

        pltpu.sync_copy(acc.at[pl.ds(r0, stripe)], zbuf)
        pltpu.sync_copy(zbuf, out_hbm.at[pl.ds(base_node + r0, stripe)])

    return segsum_k


def _h_body(x_ref, ax_ref, num_ref, den_ref, sn_ref, g_ref, b_ref,
            h_ref):
    x = x_ref[...]
    den = den_ref[...]
    safe_den = jnp.where(den != 0.0, den, 1.0)
    h = jnp.where(den > 0.0, ax_ref[...] + num_ref[...] / safe_den, x)
    h = h * sn_ref[...]
    mu = jnp.mean(h, axis=0, keepdims=True)
    var = jnp.mean((h - mu) ** 2, axis=0, keepdims=True)
    hn = (h - mu) / jnp.sqrt(var + 1e-5) * g_ref[...] + b_ref[...]
    h_ref[...] = x + jnp.maximum(hn, 0.0)


def _e_body(ne, y_ref, exin_ref, s0_ref, s1_ref, s2_ref, s3_ref,
            g_ref, b_ref, e_ref):
    stats = (s0_ref[...] + s1_ref[...]) + (s2_ref[...] + s3_ref[...])
    inv = 1.0 / ne
    mu = stats[0:1, :] * inv
    var = stats[1:2, :] * inv - mu * mu
    yv = y_ref[...].astype(jnp.float32)
    yn = (yv - mu) / jnp.sqrt(var + 1e-5) * g_ref[...] + b_ref[...]
    e_ref[...] = exin_ref[...] + jnp.maximum(yn, 0.0)


def kernel(X, E_X, edge_index, snorm_n, snorm_e, Wa, ba, Wb, bb, Wc, bc,
           Wd, bd, We, be, gamma_h, beta_h, gamma_e, beta_e):
    n, d = X.shape
    ne = E_X.shape[0]

    ba2 = ba.reshape(1, d)
    bb2 = bb.reshape(1, d)
    bc2 = bc.reshape(1, d)
    bd2 = bd.reshape(1, d)
    be2 = be.reshape(1, d)
    gh2 = gamma_h.reshape(1, d)
    bh2 = beta_h.reshape(1, d)
    ge2 = gamma_e.reshape(1, d)
    bte2 = beta_e.reshape(1, d)

    src = edge_index[0].astype(jnp.int32)
    dst = edge_index[1].astype(jnp.int32)

    ax, tpk, exd = pl.pallas_call(
        functools.partial(_linears_body, d),
        out_shape=[jax.ShapeDtypeStruct((n, d), jnp.float32),
                   jax.ShapeDtypeStruct((n, d), jnp.int32),
                   jax.ShapeDtypeStruct((n, d), jnp.float32)],
    )(X, Wa, ba2, Wb, bb2, Wd, bd2, We, be2)

    blk = 2560
    nch = 4
    q3 = ne // 8 // 2560 * 2560
    q = (ne - q3) // 3 // 2560 * 2560
    csize = [q, q, ne - 2 * q - q3, q3]
    cbase = [0, q, 2 * q, ne - q3]

    msg = sig = y = None
    stats_list = []
    for ci in range(nch):
        size, base = csize[ci], cbase[ci]
        gpk_c, ge_c = _make_gather(size, base, d)(tpk, exd, src, dst)
        nsteps = size // blk
        bb = base // blk
        has_prev = ci > 0
        om = lambda i, b=bb: (i + b, 0)
        in_specs = [pl.BlockSpec((blk, d), om),
                    pl.BlockSpec((blk, d), lambda i: (i, 0)),
                    pl.BlockSpec((blk, d), lambda i: (i, 0)),
                    pl.BlockSpec((blk, 1), om),
                    pl.BlockSpec((d, d), lambda i: (0, 0)),
                    pl.BlockSpec((1, d), lambda i: (0, 0))]
        args = [E_X, gpk_c, ge_c, snorm_e, Wc, bc2]
        aliases = {}
        if has_prev:
            in_specs += [pl.BlockSpec(memory_space=pl.ANY)] * 3
            args += [msg, sig, y]
            aliases = {6: 0, 7: 1, 8: 2}
        msg, sig, y, stats_c = pl.pallas_call(
            functools.partial(_edge_body, d, nsteps, has_prev),
            grid=(nsteps,),
            in_specs=in_specs,
            out_specs=[pl.BlockSpec((blk, d), om),
                       pl.BlockSpec((blk, d), om),
                       pl.BlockSpec((blk, d), om),
                       pl.BlockSpec((8, d), lambda i: (0, 0))],
            out_shape=[jax.ShapeDtypeStruct((ne, d), jnp.float32),
                       jax.ShapeDtypeStruct((ne, d), jnp.float32),
                       jax.ShapeDtypeStruct((ne, d), jnp.bfloat16),
                       jax.ShapeDtypeStruct((8, d), jnp.float32)],
            input_output_aliases=aliases,
            compiler_params=pltpu.CompilerParams(
                dimension_semantics=("arbitrary",)),
        )(*args)
        stats_list.append(stats_c)

    n2 = ((n + 255) // 256) * 256
    zs = jnp.zeros((n2 // 32, d), jnp.float32)
    segsum = _make_segsum(ne, n2, d)
    num = segsum(msg, dst, zs)[:n]
    den = segsum(sig, dst, zs)[:n]

    H = pl.pallas_call(
        _h_body,
        out_shape=jax.ShapeDtypeStruct((n, d), jnp.float32),
    )(X, ax, num, den, snorm_n, gh2, bh2)

    E = pl.pallas_call(
        functools.partial(_e_body, float(ne)),
        grid=(ne // blk,),
        in_specs=[pl.BlockSpec((blk, d), lambda i: (i, 0)),
                  pl.BlockSpec((blk, d), lambda i: (i, 0)),
                  pl.BlockSpec((8, d), lambda i: (0, 0)),
                  pl.BlockSpec((8, d), lambda i: (0, 0)),
                  pl.BlockSpec((8, d), lambda i: (0, 0)),
                  pl.BlockSpec((8, d), lambda i: (0, 0)),
                  pl.BlockSpec((1, d), lambda i: (0, 0)),
                  pl.BlockSpec((1, d), lambda i: (0, 0))],
        out_specs=pl.BlockSpec((blk, d), lambda i: (i, 0)),
        out_shape=jax.ShapeDtypeStruct((ne, d), jnp.float32),
        compiler_params=pltpu.CompilerParams(
            dimension_semantics=("arbitrary",)),
    )(y, E_X, stats_list[0], stats_list[1], stats_list[2], stats_list[3],
      ge2, bte2)

    return (H, E)

# --- scband reference (transcript-rebuilt; emitter-appended) ---
"""Pipeline reference for scband-gated-gcnlayer-8821862826043 (READ-ONLY COPY).

The authoritative reference and input builder live on the scoring server;
editing this copy changes nothing except your own understanding.
"""

import jax, jax.numpy as jnp
import numpy as np

N = 10000
NE = 320000
D = 128


def setup_inputs(seed: int = 0):
    key = jax.random.key(seed)
    ks = jax.random.split(key, 12)
    X = jax.random.normal(ks[0], (N, D), dtype=jnp.float32)
    E_X = jax.random.normal(ks[1], (NE, D), dtype=jnp.float32)
    edge_index = jax.random.randint(ks[2], (2, NE), 0, N)
    snorm_n = jax.random.uniform(ks[3], (N, 1), dtype=jnp.float32)
    snorm_e = jax.random.uniform(ks[4], (NE, 1), dtype=jnp.float32)
    s = 1.0 / np.sqrt(D)
    Wa = jax.random.normal(ks[5], (D, D), dtype=jnp.float32) * s
    Wb = jax.random.normal(ks[6], (D, D), dtype=jnp.float32) * s
    Wc = jax.random.normal(ks[7], (D, D), dtype=jnp.float32) * s
    Wd = jax.random.normal(ks[8], (D, D), dtype=jnp.float32) * s
    We = jax.random.normal(ks[9], (D, D), dtype=jnp.float32) * s
    ba = jnp.zeros((D,), jnp.float32)
    bb = jnp.zeros((D,), jnp.float32)
    bc = jnp.zeros((D,), jnp.float32)
    bd = jnp.zeros((D,), jnp.float32)
    be = jnp.zeros((D,), jnp.float32)
    gamma_h = jnp.ones((D,), jnp.float32)
    beta_h = jnp.zeros((D,), jnp.float32)
    gamma_e = jnp.ones((D,), jnp.float32)
    beta_e = jnp.zeros((D,), jnp.float32)
    return {"X": X, "E_X": E_X, "edge_index": edge_index, "snorm_n": snorm_n, "snorm_e": snorm_e, "Wa": Wa, "ba": ba, "Wb": Wb, "bb": bb, "Wc": Wc, "bc": bc, "Wd": Wd, "bd": bd, "We": We, "be": be, "gamma_h": gamma_h, "beta_h": beta_h, "gamma_e": gamma_e, "beta_e": beta_e}


def _batchnorm(x, gamma, beta, eps=1e-5):
    mean = jnp.mean(x, axis=0)
    var = jnp.var(x, axis=0)
    return (x - mean) / jnp.sqrt(var + eps) * gamma + beta


def reference(X, E_X, edge_index, snorm_n, snorm_e, Wa, ba, Wb, bb, Wc, bc, Wd, bd, We, be, gamma_h, beta_h, gamma_e, beta_e):
    src = edge_index[0]
    dst = edge_index[1]
    AX = X @ Wa + ba
    BX = X @ Wb + bb
    DX = X @ Wd + bd
    EX = X @ We + be
    CE = E_X @ Wc + bc
    e_j = CE + DX[src] + EX[dst]
    sigma = jax.nn.sigmoid(e_j)
    num = jax.ops.segment_sum(sigma * BX[src], dst, num_segments=N)
    den = jax.ops.segment_sum(sigma, dst, num_segments=N)
    deg = jax.ops.segment_sum(jnp.ones((NE, 1), jnp.float32), dst, num_segments=N)
    h_red = AX + jnp.nan_to_num(num / den)
    H = jnp.where(deg > 0, h_red, X)
    E = e_j
    H = H * snorm_n
    E = E * snorm_e
    H = _batchnorm(H, gamma_h, beta_h)
    E = _batchnorm(E, gamma_e, beta_e)
    H = jax.nn.relu(H)
    E = jax.nn.relu(E)
    H = X + H
    E = E_X + E
    return (H, E)

if __name__ == "__main__":
    import jax
    _d = setup_inputs()
    print(jax.jit(kernel)(*tuple(_d.values())))

</pallas_src>

<mosaic_0001>
#map = affine_map<(d0, d1) -> (0, 0)>
#map1 = affine_map<(d0, d1) -> (0)>
module attributes {stable_mosaic.version = 14 : i64} {
  func.func @gather_k(%arg0: i32, %arg1: i32, %arg2: memref<10000x128xi32, #tpu.memory_space<hbm>>, %arg3: memref<10000x128xf32, #tpu.memory_space<hbm>>, %arg4: memref<320000xi32, #tpu.memory_space<hbm>>, %arg5: memref<320000xi32, #tpu.memory_space<hbm>>, %arg6: memref<92160x128xi32, #tpu.memory_space<hbm>>, %arg7: memref<92160x128xf32, #tpu.memory_space<hbm>>, %arg8: memref<2x80xi32, #tpu.memory_space<vmem>>, %arg9: memref<2x80xi32, #tpu.memory_space<vmem>>, %arg10: memref<2x80x128xi32, #tpu.memory_space<vmem>>, %arg11: memref<2x80x128xf32, #tpu.memory_space<vmem>>, %arg12: memref<!tpu.dma_semaphore, #tpu.memory_space<semaphore_mem>>, %arg13: memref<!tpu.dma_semaphore, #tpu.memory_space<semaphore_mem>>, %arg14: memref<!tpu.dma_semaphore, #tpu.memory_space<semaphore_mem>>, %arg15: memref<!tpu.dma_semaphore, #tpu.memory_space<semaphore_mem>>) attributes {dimension_semantics = [#tpu.dimension_semantics<core_parallel>, #tpu.dimension_semantics<subcore_parallel>], iteration_bounds = array<i64: 2, 16>, scalar_prefetch = 0 : i64, scratch_operands = 8 : i64, tpu.core_type = #tpu.core_type<sc_vector_subcore>, window_params = [{transform_indices = #map}, {transform_indices = #map}, {transform_indices = #map1}, {transform_indices = #map1}, {transform_indices = #map}, {transform_indices = #map}]} {
    %mul3A = arith.constant 2 : i32
    %mul3A_0 = arith.muli %arg1, %mul3A : i32
    %add3A = arith.addi %mul3A_0, %arg0 : i32
    %mul3A_1 = arith.constant 2880 : i32
    %mul3A_2 = arith.muli %add3A, %mul3A_1 : i32
    %add3A_3 = arith.constant 92160 : i32
    %add3A_4 = arith.addi %add3A_3, %mul3A_2 : i32
    %add3A_5 = arith.constant 0 : i32
    %add3A_6 = arith.addi %add3A_4, %add3A_5 : i32
    %dma_start3A = arith.constant 0 : i32
    %dma_start3A_7 = arith.constant 0 : i32
    %dma_start3A_8 = tpu.memref_slice %arg8[%dma_start3A, %dma_start3A_7] : memref<2x80xi32, #tpu.memory_space<vmem>> -> memref<1x80xi32, #tpu.memory_space<vmem>>
    %dma_start3A_9 = tpu.memref_squeeze %dma_start3A_8 : memref<1x80xi32, #tpu.memory_space<vmem>> -> memref<80xi32, #tpu.memory_space<vmem>>
    %dma_start3A_10 = tpu.memref_slice %arg4[%add3A_6] : memref<320000xi32, #tpu.memory_space<hbm>> -> memref<80xi32, #tpu.memory_space<hbm>>
    %dma_start3A_11 = arith.constant 0 : i32
    %dma_start3A_12 = tpu.memref_slice %arg8[%dma_start3A, %dma_start3A_11] : memref<2x80xi32, #tpu.memory_space<vmem>> -> memref<1x80xi32, #tpu.memory_space<vmem>>
    %dma_start3A_13 = tpu.memref_squeeze %dma_start3A_12 : memref<1x80xi32, #tpu.memory_space<vmem>> -> memref<80xi32, #tpu.memory_space<vmem>>
    %dma_start3A_14 = tpu.memref_slice %arg4[%add3A_6] : memref<320000xi32, #tpu.memory_space<hbm>> -> memref<80xi32, #tpu.memory_space<hbm>>
    tpu.enqueue_dma source(%dma_start3A_14 : memref<80xi32, #tpu.memory_space<hbm>>) target(%dma_start3A_13 : memref<80xi32, #tpu.memory_space<vmem>>) target_semaphore(%arg12 : memref<!tpu.dma_semaphore, #tpu.memory_space<semaphore_mem>>)
    %dma_start3A_15 = arith.constant 0 : i32
    %dma_start3A_16 = arith.constant 0 : i32
    %dma_start3A_17 = tpu.memref_slice %arg9[%dma_start3A_15, %dma_start3A_16] : memref<2x80xi32, #tpu.memory_space<vmem>> -> memref<1x80xi32, #tpu.memory_space<vmem>>
    %dma_start3A_18 = tpu.memref_squeeze %dma_start3A_17 : memref<1x80xi32, #tpu.memory_space<vmem>> -> memref<80xi32, #tpu.memory_space<vmem>>
    %dma_start3A_19 = tpu.memref_slice %arg5[%add3A_6] : memref<320000xi32, #tpu.memory_space<hbm>> -> memref<80xi32, #tpu.memory_space<hbm>>
    %dma_start3A_20 = arith.constant 0 : i32
    %dma_start3A_21 = tpu.memref_slice %arg9[%dma_start3A_15, %dma_start3A_20] : memref<2x80xi32, #tpu.memory_space<vmem>> -> memref<1x80xi32, #tpu.memory_space<vmem>>
    %dma_start3A_22 = tpu.memref_squeeze %dma_start3A_21 : memref<1x80xi32, #tpu.memory_space<vmem>> -> memref<80xi32, #tpu.memory_space<vmem>>
    %dma_start3A_23 = tpu.memref_slice %arg5[%add3A_6] : memref<320000xi32, #tpu.memory_space<hbm>> -> memref<80xi32, #tpu.memory_space<hbm>>
    tpu.enqueue_dma source(%dma_start3A_23 : memref<80xi32, #tpu.memory_space<hbm>>) target(%dma_start3A_22 : memref<80xi32, #tpu.memory_space<vmem>>) target_semaphore(%arg12 : memref<!tpu.dma_semaphore, #tpu.memory_space<semaphore_mem>>)
    %add3A_24 = arith.constant 92160 : i32
    %add3A_25 = arith.addi %add3A_24, %mul3A_2 : i32
    %add3A_26 = arith.constant 80 : i32
    %add3A_27 = arith.addi %add3A_25, %add3A_26 : i32
    %dma_start3A_28 = arith.constant 1 : i32
    %dma_start3A_29 = arith.constant 0 : i32
    %dma_start3A_30 = tpu.memref_slice %arg8[%dma_start3A_28, %dma_start3A_29] : memref<2x80xi32, #tpu.memory_space<vmem>> -> memref<1x80xi32, #tpu.memory_space<vmem>>
    %dma_start3A_31 = tpu.memref_squeeze %dma_start3A_30 : memref<1x80xi32, #tpu.memory_space<vmem>> -> memref<80xi32, #tpu.memory_space<vmem>>
    %dma_start3A_32 = tpu.memref_slice %arg4[%add3A_27] : memref<320000xi32, #tpu.memory_space<hbm>> -> memref<80xi32, #tpu.memory_space<hbm>>
    %dma_start3A_33 = arith.constant 0 : i32
    %dma_start3A_34 = tpu.memref_slice %arg8[%dma_start3A_28, %dma_start3A_33] : memref<2x80xi32, #tpu.memory_space<vmem>> -> memref<1x80xi32, #tpu.memory_space<vmem>>
    %dma_start3A_35 = tpu.memref_squeeze %dma_start3A_34 : memref<1x80xi32, #tpu.memory_space<vmem>> -> memref<80xi32, #tpu.memory_space<vmem>>
    %dma_start3A_36 = tpu.memref_slice %arg4[%add3A_27] : memref<320000xi32, #tpu.memory_space<hbm>> -> memref<80xi32, #tpu.memory_space<hbm>>
    tpu.enqueue_dma source(%dma_start3A_36 : memref<80xi32, #tpu.memory_space<hbm>>) target(%dma_start3A_35 : memref<80xi32, #tpu.memory_space<vmem>>) target_semaphore(%arg13 : memref<!tpu.dma_semaphore, #tpu.memory_space<semaphore_mem>>)
    %dma_start3A_37 = arith.constant 1 : i32
    %dma_start3A_38 = arith.constant 0 : i32
    %dma_start3A_39 = tpu.memref_slice %arg9[%dma_start3A_37, %dma_start3A_38] : memref<2x80xi32, #tpu.memory_space<vmem>> -> memref<1x80xi32, #tpu.memory_space<vmem>>
    %dma_start3A_40 = tpu.memref_squeeze %dma_start3A_39 : memref<1x80xi32, #tpu.memory_space<vmem>> -> memref<80xi32, #tpu.memory_space<vmem>>
    %dma_start3A_41 = tpu.memref_slice %arg5[%add3A_27] : memref<320000xi32, #tpu.memory_space<hbm>> -> memref<80xi32, #tpu.memory_space<hbm>>
    %dma_start3A_42 = arith.constant 0 : i32
    %dma_start3A_43 = tpu.memref_slice %arg9[%dma_start3A_37, %dma_start3A_42] : memref<2x80xi32, #tpu.memory_space<vmem>> -> memref<1x80xi32, #tpu.memory_space<vmem>>
    %dma_start3A_44 = tpu.memref_squeeze %dma_start3A_43 : memref<1x80xi32, #tpu.memory_space<vmem>> -> memref<80xi32, #tpu.memory_space<vmem>>
    %dma_start3A_45 = tpu.memref_slice %arg5[%add3A_27] : memref<320000xi32, #tpu.memory_space<hbm>> -> memref<80xi32, #tpu.memory_space<hbm>>
    tpu.enqueue_dma source(%dma_start3A_45 : memref<80xi32, #tpu.memory_space<hbm>>) target(%dma_start3A_44 : memref<80xi32, #tpu.memory_space<vmem>>) target_semaphore(%arg13 : memref<!tpu.dma_semaphore, #tpu.memory_space<semaphore_mem>>)
    %dma_wait3A = arith.constant 0 : i32
    %dma_wait3A_46 = arith.constant 0 : i32
    %dma_wait3A_47 = tpu.memref_slice %arg8[%dma_wait3A, %dma_wait3A_46] : memref<2x80xi32, #tpu.memory_space<vmem>> -> memref<1x80xi32, #tpu.memory_space<vmem>>
    %dma_wait3A_48 = tpu.memref_squeeze %dma_wait3A_47 : memref<1x80xi32, #tpu.memory_space<vmem>> -> memref<80xi32, #tpu.memory_space<vmem>>
    %dma_wait3A_49 = arith.constant 0 : i32
    %dma_wait3A_50 = tpu.memref_slice %arg4[%dma_wait3A_49] : memref<320000xi32, #tpu.memory_space<hbm>> -> memref<80xi32, #tpu.memory_space<hbm>>
    %dma_wait3A_51 = arith.constant 0 : i32
    %dma_wait3A_52 = tpu.memref_slice %arg8[%dma_wait3A, %dma_wait3A_51] : memref<2x80xi32, #tpu.memory_space<vmem>> -> memref<1x80xi32, #tpu.memory_space<vmem>>
    %dma_wait3A_53 = tpu.memref_squeeze %dma_wait3A_52 : memref<1x80xi32, #tpu.memory_space<vmem>> -> memref<80xi32, #tpu.memory_space<vmem>>
    %dma_wait3A_54 = arith.constant 0 : i32
    %dma_wait3A_55 = tpu.memref_slice %arg4[%dma_wait3A_54] : memref<320000xi32, #tpu.memory_space<hbm>> -> memref<80xi32, #tpu.memory_space<hbm>>
    tpu.wait_dma2 semaphore(%arg12 : memref<!tpu.dma_semaphore, #tpu.memory_space<semaphore_mem>>) src(%dma_wait3A_55 : memref<80xi32, #tpu.memory_space<hbm>>) dst(%dma_wait3A_53 : memref<80xi32, #tpu.memory_space<vmem>>)
    %dma_wait3A_56 = arith.constant 0 : i32
    %dma_wait3A_57 = arith.constant 0 : i32
    %dma_wait3A_58 = tpu.memref_slice %arg9[%dma_wait3A_56, %dma_wait3A_57] : memref<2x80xi32, #tpu.memory_space<vmem>> -> memref<1x80xi32, #tpu.memory_space<vmem>>
    %dma_wait3A_59 = tpu.memref_squeeze %dma_wait3A_58 : memref<1x80xi32, #tpu.memory_space<vmem>> -> memref<80xi32, #tpu.memory_space<vmem>>
    %dma_wait3A_60 = arith.constant 0 : i32
    %dma_wait3A_61 = tpu.memref_slice %arg5[%dma_wait3A_60] : memref<320000xi32, #tpu.memory_space<hbm>> -> memref<80xi32, #tpu.memory_space<hbm>>
    %dma_wait3A_62 = arith.constant 0 : i32
    %dma_wait3A_63 = tpu.memref_slice %arg9[%dma_wait3A_56, %dma_wait3A_62] : memref<2x80xi32, #tpu.memory_space<vmem>> -> memref<1x80xi32, #tpu.memory_space<vmem>>
    %dma_wait3A_64 = tpu.memref_squeeze %dma_wait3A_63 : memref<1x80xi32, #tpu.memory_space<vmem>> -> memref<80xi32, #tpu.memory_space<vmem>>
    %dma_wait3A_65 = arith.constant 0 : i32
    %dma_wait3A_66 = tpu.memref_slice %arg5[%dma_wait3A_65] : memref<320000xi32, #tpu.memory_space<hbm>> -> memref<80xi32, #tpu.memory_space<hbm>>
    tpu.wait_dma2 semaphore(%arg12 : memref<!tpu.dma_semaphore, #tpu.memory_space<semaphore_mem>>) src(%dma_wait3A_66 : memref<80xi32, #tpu.memory_space<hbm>>) dst(%dma_wait3A_64 : memref<80xi32, #tpu.memory_space<vmem>>)
    %dma_start3A_67 = arith.constant 0 : i32
    %dma_start3A_68 = arith.constant 0 : i32
    %dma_start3A_69 = arith.constant 0 : i32
    %dma_start3A_70 = arith.constant 0 : i32
    %dma_start3A_71 = tpu.memref_slice %arg10[%dma_start3A_68, %dma_start3A_69, %dma_start3A_70] : memref<2x80x128xi32, #tpu.memory_space<vmem>> -> memref<1x80x128xi32, #tpu.memory_space<vmem>>
    %dma_start3A_72 = tpu.memref_squeeze %dma_start3A_71 : memref<1x80x128xi32, #tpu.memory_space<vmem>> -> memref<80x128xi32, #tpu.memory_space<vmem>>
    %dma_start3A_73 = arith.constant 0 : i32
    %dma_start3A_74 = tpu.memref_slice %arg8[%dma_start3A_67, %dma_start3A_73] : memref<2x80xi32, #tpu.memory_space<vmem>> -> memref<1x80xi32, #tpu.memory_space<vmem>>
    %dma_start3A_75 = tpu.memref_squeeze %dma_start3A_74 : memref<1x80xi32, #tpu.memory_space<vmem>> -> memref<80xi32, #tpu.memory_space<vmem>>
    %dma_start3A_76 = arith.constant 0 : i32
    %dma_start3A_77 = arith.constant 0 : i32
    %dma_start3A_78 = tpu.memref_slice %arg2[%dma_start3A_76, %dma_start3A_77] : memref<10000x128xi32, #tpu.memory_space<hbm>> -> memref<10000x128xi32, #tpu.memory_space<hbm>>
    tpu.enqueue_indirect_dma source(%dma_start3A_78 : memref<10000x128xi32, #tpu.memory_space<hbm>>) target(%dma_start3A_72 : memref<80x128xi32, #tpu.memory_space<vmem>>) offsets(%dma_start3A_75 : memref<80xi32, #tpu.memory_space<vmem>>) semaphore(%arg14 : memref<!tpu.dma_semaphore, #tpu.memory_space<semaphore_mem>>)
    %dma_start3A_79 = arith.constant 0 : i32
    %dma_start3A_80 = arith.constant 0 : i32
    %dma_start3A_81 = arith.constant 0 : i32
    %dma_start3A_82 = arith.constant 0 : i32
    %dma_start3A_83 = tpu.memref_slice %arg11[%dma_start3A_80, %dma_start3A_81, %dma_start3A_82] : memref<2x80x128xf32, #tpu.memory_space<vmem>> -> memref<1x80x128xf32, #tpu.memory_space<vmem>>
    %dma_start3A_84 = tpu.memref_squeeze %dma_start3A_83 : memref<1x80x128xf32, #tpu.memory_space<vmem>> -> memref<80x128xf32, #tpu.memory_space<vmem>>
    %dma_start3A_85 = arith.constant 0 : i32
    %dma_start3A_86 = tpu.memref_slice %arg9[%dma_start3A_79, %dma_start3A_85] : memref<2x80xi32, #tpu.memory_space<vmem>> -> memref<1x80xi32, #tpu.memory_space<vmem>>
    %dma_start3A_87 = tpu.memref_squeeze %dma_start3A_86 : memref<1x80xi32, #tpu.memory_space<vmem>> -> memref<80xi32, #tpu.memory_space<vmem>>
    %dma_start3A_88 = arith.constant 0 : i32
    %dma_start3A_89 = arith.constant 0 : i32
    %dma_start3A_90 = tpu.memref_slice %arg3[%dma_start3A_88, %dma_start3A_89] : memref<10000x128xf32, #tpu.memory_space<hbm>> -> memref<10000x128xf32, #tpu.memory_space<hbm>>
    tpu.enqueue_indirect_dma source(%dma_start3A_90 : memref<10000x128xf32, #tpu.memory_space<hbm>>) target(%dma_start3A_84 : memref<80x128xf32, #tpu.memory_space<vmem>>) offsets(%dma_start3A_87 : memref<80xi32, #tpu.memory_space<vmem>>) semaphore(%arg14 : memref<!tpu.dma_semaphore, #tpu.memory_space<semaphore_mem>>)
    %scan3A = arith.constant 0 : i32
    %scan3A_91 = arith.constant 18 : i32
    %scan3A_92 = arith.addi %scan3A, %scan3A_91 : i32
    %scan3A_93 = arith.constant 1 : i32
    scf.for %scan3A_95 = %scan3A to %scan3A_92 step %scan3A_93  : i32 {
      %mul3A_96 = arith.constant 1 : i32
      %mul3A_97 = arith.muli %scan3A_95, %mul3A_96 : i32
      %add3A_98 = arith.constant 0 : i32
      %add3A_99 = arith.addi %add3A_98, %mul3A_97 : i32
      %mul3A_100 = arith.constant 2 : i32
      %mul3A_101 = arith.muli %mul3A_100, %add3A_99 : i32
      %dma_wait3A_102 = arith.constant 1 : i32
      %dma_wait3A_103 = arith.constant 0 : i32
      %dma_wait3A_104 = tpu.memref_slice %arg8[%dma_wait3A_102, %dma_wait3A_103] : memref<2x80xi32, #tpu.memory_space<vmem>> -> memref<1x80xi32, #tpu.memory_space<vmem>>
      %dma_wait3A_105 = tpu.memref_squeeze %dma_wait3A_104 : memref<1x80xi32, #tpu.memory_space<vmem>> -> memref<80xi32, #tpu.memory_space<vmem>>
      %dma_wait3A_106 = arith.constant 0 : i32
      %dma_wait3A_107 = tpu.memref_slice %arg4[%dma_wait3A_106] : memref<320000xi32, #tpu.memory_space<hbm>> -> memref<80xi32, #tpu.memory_space<hbm>>
      %dma_wait3A_108 = arith.constant 0 : i32
      %dma_wait3A_109 = tpu.memref_slice %arg8[%dma_wait3A_102, %dma_wait3A_108] : memref<2x80xi32, #tpu.memory_space<vmem>> -> memref<1x80xi32, #tpu.memory_space<vmem>>
      %dma_wait3A_110 = tpu.memref_squeeze %dma_wait3A_109 : memref<1x80xi32, #tpu.memory_space<vmem>> -> memref<80xi32, #tpu.memory_space<vmem>>
      %dma_wait3A_111 = arith.constant 0 : i32
      %dma_wait3A_112 = tpu.memref_slice %arg4[%dma_wait3A_111] : memref<320000xi32, #tpu.memory_space<hbm>> -> memref<80xi32, #tpu.memory_space<hbm>>
      tpu.wait_dma2 semaphore(%arg13 : memref<!tpu.dma_semaphore, #tpu.memory_space<semaphore_mem>>) src(%dma_wait3A_112 : memref<80xi32, #tpu.memory_space<hbm>>) dst(%dma_wait3A_110 : memref<80xi32, #tpu.memory_space<vmem>>)
      %dma_wait3A_113 = arith.constant 1 : i32
      %dma_wait3A_114 = arith.constant 0 : i32
      %dma_wait3A_115 = tpu.memref_slice %arg9[%dma_wait3A_113, %dma_wait3A_114] : memref<2x80xi32, #tpu.memory_space<vmem>> -> memref<1x80xi32, #tpu.memory_space<vmem>>
      %dma_wait3A_116 = tpu.memref_squeeze %dma_wait3A_115 : memref<1x80xi32, #tpu.memory_space<vmem>> -> memref<80xi32, #tpu.memory_space<vmem>>
      %dma_wait3A_117 = arith.constant 0 : i32
      %dma_wait3A_118 = tpu.memref_slice %arg5[%dma_wait3A_117] : memref<320000xi32, #tpu.memory_space<hbm>> -> memref<80xi32, #tpu.memory_space<hbm>>
      %dma_wait3A_119 = arith.constant 0 : i32
      %dma_wait3A_120 = tpu.memref_slice %arg9[%dma_wait3A_113, %dma_wait3A_119] : memref<2x80xi32, #tpu.memory_space<vmem>> -> memref<1x80xi32, #tpu.memory_space<vmem>>
      %dma_wait3A_121 = tpu.memref_squeeze %dma_wait3A_120 : memref<1x80xi32, #tpu.memory_space<vmem>> -> memref<80xi32, #tpu.memory_space<vmem>>
      %dma_wait3A_122 = arith.constant 0 : i32
      %dma_wait3A_123 = tpu.memref_slice %arg5[%dma_wait3A_122] : memref<320000xi32, #tpu.memory_space<hbm>> -> memref<80xi32, #tpu.memory_space<hbm>>
      tpu.wait_dma2 semaphore(%arg13 : memref<!tpu.dma_semaphore, #tpu.memory_space<semaphore_mem>>) src(%dma_wait3A_123 : memref<80xi32, #tpu.memory_space<hbm>>) dst(%dma_wait3A_121 : memref<80xi32, #tpu.memory_space<vmem>>)
      %dma_wait3A_124 = arith.constant 0 : i32
      %dma_wait3A_125 = arith.constant 0 : i32
      %dma_wait3A_126 = arith.constant 0 : i32
      %dma_wait3A_127 = arith.constant 0 : i32
      %dma_wait3A_128 = tpu.memref_slice %arg10[%dma_wait3A_125, %dma_wait3A_126, %dma_wait3A_127] : memref<2x80x128xi32, #tpu.memory_space<vmem>> -> memref<1x80x128xi32, #tpu.memory_space<vmem>>
      %dma_wait3A_129 = tpu.memref_squeeze %dma_wait3A_128 : memref<1x80x128xi32, #tpu.memory_space<vmem>> -> memref<80x128xi32, #tpu.memory_space<vmem>>
      %dma_wait3A_130 = arith.constant 0 : i32
      %dma_wait3A_131 = tpu.memref_slice %arg8[%dma_wait3A_124, %dma_wait3A_130] : memref<2x80xi32, #tpu.memory_space<vmem>> -> memref<1x80xi32, #tpu.memory_space<vmem>>
      %dma_wait3A_132 = tpu.memref_squeeze %dma_wait3A_131 : memref<1x80xi32, #tpu.memory_space<vmem>> -> memref<80xi32, #tpu.memory_space<vmem>>
      %dma_wait3A_133 = arith.constant 0 : i32
      %dma_wait3A_134 = arith.constant 0 : i32
      %dma_wait3A_135 = tpu.memref_slice %arg2[%dma_wait3A_133, %dma_wait3A_134] : memref<10000x128xi32, #tpu.memory_space<hbm>> -> memref<10000x128xi32, #tpu.memory_space<hbm>>
      tpu.wait_indirect_dma semaphore(%arg14 : memref<!tpu.dma_semaphore, #tpu.memory_space<semaphore_mem>>) src(%dma_wait3A_135 : memref<10000x128xi32, #tpu.memory_space<hbm>>) dst(%dma_wait3A_129 : memref<80x128xi32, #tpu.memory_space<vmem>>)
      %dma_wait3A_136 = arith.constant 0 : i32
      %dma_wait3A_137 = arith.constant 0 : i32
      %dma_wait3A_138 = arith.constant 0 : i32
      %dma_wait3A_139 = arith.constant 0 : i32
      %dma_wait3A_140 = tpu.memref_slice %arg11[%dma_wait3A_137, %dma_wait3A_138, %dma_wait3A_139] : memref<2x80x128xf32, #tpu.memory_space<vmem>> -> memref<1x80x128xf32, #tpu.memory_space<vmem>>
      %dma_wait3A_141 = tpu.memref_squeeze %dma_wait3A_140 : memref<1x80x128xf32, #tpu.memory_space<vmem>> -> memref<80x128xf32, #tpu.memory_space<vmem>>
      %dma_wait3A_142 = arith.constant 0 : i32
      %dma_wait3A_143 = tpu.memref_slice %arg9[%dma_wait3A_136, %dma_wait3A_142] : memref<2x80xi32, #tpu.memory_space<vmem>> -> memref<1x80xi32, #tpu.memory_space<vmem>>
      %dma_wait3A_144 = tpu.memref_squeeze %dma_wait3A_143 : memref<1x80xi32, #tpu.memory_space<vmem>> -> memref<80xi32, #tpu.memory_space<vmem>>
      %dma_wait3A_145 = arith.constant 0 : i32
      %dma_wait3A_146 = arith.constant 0 : i32
      %dma_wait3A_147 = tpu.memref_slice %arg3[%dma_wait3A_145, %dma_wait3A_146] : memref<10000x128xf32, #tpu.memory_space<hbm>> -> memref<10000x128xf32, #tpu.memory_space<hbm>>
      tpu.wait_indirect_dma semaphore(%arg14 : memref<!tpu.dma_semaphore, #tpu.memory_space<semaphore_mem>>) src(%dma_wait3A_147 : memref<10000x128xf32, #tpu.memory_space<hbm>>) dst(%dma_wait3A_141 : memref<80x128xf32, #tpu.memory_space<vmem>>)
      %dma_start3A_148 = arith.constant 1 : i32
      %dma_start3A_149 = arith.constant 1 : i32
      %dma_start3A_150 = arith.constant 0 : i32
      %dma_start3A_151 = arith.constant 0 : i32
      %dma_start3A_152 = tpu.memref_slice %arg10[%dma_start3A_149, %dma_start3A_150, %dma_start3A_151] : memref<2x80x128xi32, #tpu.memory_space<vmem>> -> memref<1x80x128xi32, #tpu.memory_space<vmem>>
      %dma_start3A_153 = tpu.memref_squeeze %dma_start3A_152 : memref<1x80x128xi32, #tpu.memory_space<vmem>> -> memref<80x128xi32, #tpu.memory_space<vmem>>
      %dma_start3A_154 = arith.constant 0 : i32
      %dma_start3A_155 = tpu.memref_slice %arg8[%dma_start3A_148, %dma_start3A_154] : memref<2x80xi32, #tpu.memory_space<vmem>> -> memref<1x80xi32, #tpu.memory_space<vmem>>
      %dma_start3A_156 = tpu.memref_squeeze %dma_start3A_155 : memref<1x80xi32, #tpu.memory_space<vmem>> -> memref<80xi32, #tpu.memory_space<vmem>>
      %dma_start3A_157 = arith.constant 0 : i32
      %dma_start3A_158 = arith.constant 0 : i32
      %dma_start3A_159 = tpu.memref_slice %arg2[%dma_start3A_157, %dma_start3A_158] : memref<10000x128xi32, #tpu.memory_space<hbm>> -> memref<10000x128xi32, #tpu.memory_space<hbm>>
      tpu.enqueue_indirect_dma source(%dma_start3A_159 : memref<10000x128xi32, #tpu.memory_space<hbm>>) target(%dma_start3A_153 : memref<80x128xi32, #tpu.memory_space<vmem>>) offsets(%dma_start3A_156 : memref<80xi32, #tpu.memory_space<vmem>>) semaphore(%arg15 : memref<!tpu.dma_semaphore, #tpu.memory_space<semaphore_mem>>)
      %dma_start3A_160 = arith.constant 1 : i32
      %dma_start3A_161 = arith.constant 1 : i32
      %dma_start3A_162 = arith.constant 0 : i32
      %dma_start3A_163 = arith.constant 0 : i32
      %dma_start3A_164 = tpu.memref_slice %arg11[%dma_start3A_161, %dma_start3A_162, %dma_start3A_163] : memref<2x80x128xf32, #tpu.memory_space<vmem>> -> memref<1x80x128xf32, #tpu.memory_space<vmem>>
      %dma_start3A_165 = tpu.memref_squeeze %dma_start3A_164 : memref<1x80x128xf32, #tpu.memory_space<vmem>> -> memref<80x128xf32, #tpu.memory_space<vmem>>
      %dma_start3A_166 = arith.constant 0 : i32
      %dma_start3A_167 = tpu.memref_slice %arg9[%dma_start3A_160, %dma_start3A_166] : memref<2x80xi32, #tpu.memory_space<vmem>> -> memref<1x80xi32, #tpu.memory_space<vmem>>
      %dma_start3A_168 = tpu.memref_squeeze %dma_start3A_167 : memref<1x80xi32, #tpu.memory_space<vmem>> -> memref<80xi32, #tpu.memory_space<vmem>>
      %dma_start3A_169 = arith.constant 0 : i32
      %dma_start3A_170 = arith.constant 0 : i32
      %dma_start3A_171 = tpu.memref_slice %arg3[%dma_start3A_169, %dma_start3A_170] : memref<10000x128xf32, #tpu.memory_space<hbm>> -> memref<10000x128xf32, #tpu.memory_space<hbm>>
      tpu.enqueue_indirect_dma source(%dma_start3A_171 : memref<10000x128xf32, #tpu.memory_space<hbm>>) target(%dma_start3A_165 : memref<80x128xf32, #tpu.memory_space<vmem>>) offsets(%dma_start3A_168 : memref<80xi32, #tpu.memory_space<vmem>>) semaphore(%arg15 : memref<!tpu.dma_semaphore, #tpu.memory_space<semaphore_mem>>)
      %mul3A_172 = arith.constant 80 : i32
      %mul3A_173 = arith.muli %mul3A_101, %mul3A_172 : i32
      %add3A_174 = arith.addi %mul3A_2, %mul3A_173 : i32
      %run_scoped3A = arith.constant 0 : i32
      "tpu.region"() ({
        %run_scoped3A_225 = tpu.sem_alloc : memref<!tpu.dma_semaphore, #tpu.memory_space<semaphore_mem>>
        %dma_start3A_226 = arith.constant 0 : i32
        %dma_start3A_227 = arith.constant 0 : i32
        %dma_start3A_228 = tpu.memref_slice %arg10[%run_scoped3A, %dma_start3A_226, %dma_start3A_227] : memref<2x80x128xi32, #tpu.memory_space<vmem>> -> memref<1x80x128xi32, #tpu.memory_space<vmem>>
        %dma_start3A_229 = tpu.memref_squeeze %dma_start3A_228 : memref<1x80x128xi32, #tpu.memory_space<vmem>> -> memref<80x128xi32, #tpu.memory_space<vmem>>
        %dma_start3A_230 = arith.constant 0 : i32
        %dma_start3A_231 = tpu.memref_slice %arg6[%add3A_174, %dma_start3A_230] : memref<92160x128xi32, #tpu.memory_space<hbm>> -> memref<80x128xi32, #tpu.memory_space<hbm>>
        %dma_start3A_232 = arith.constant 0 : i32
        %dma_start3A_233 = tpu.memref_slice %arg6[%add3A_174, %dma_start3A_232] : memref<92160x128xi32, #tpu.memory_space<hbm>> -> memref<80x128xi32, #tpu.memory_space<hbm>>
        %dma_start3A_234 = arith.constant 0 : i32
        %dma_start3A_235 = arith.constant 0 : i32
        %dma_start3A_236 = tpu.memref_slice %arg10[%run_scoped3A, %dma_start3A_234, %dma_start3A_235] : memref<2x80x128xi32, #tpu.memory_space<vmem>> -> memref<1x80x128xi32, #tpu.memory_space<vmem>>
        %dma_start3A_237 = tpu.memref_squeeze %dma_start3A_236 : memref<1x80x128xi32, #tpu.memory_space<vmem>> -> memref<80x128xi32, #tpu.memory_space<vmem>>
        tpu.enqueue_dma source(%dma_start3A_237 : memref<80x128xi32, #tpu.memory_space<vmem>>) target(%dma_start3A_233 : memref<80x128xi32, #tpu.memory_space<hbm>>) target_semaphore(%run_scoped3A_225 : memref<!tpu.dma_semaphore, #tpu.memory_space<semaphore_mem>>)
        %dma_wait3A_238 = arith.constant 0 : i32
        %dma_wait3A_239 = arith.constant 0 : i32
        %dma_wait3A_240 = tpu.memref_slice %arg10[%run_scoped3A, %dma_wait3A_238, %dma_wait3A_239] : memref<2x80x128xi32, #tpu.memory_space<vmem>> -> memref<1x80x128xi32, #tpu.memory_space<vmem>>
        %dma_wait3A_241 = tpu.memref_squeeze %dma_wait3A_240 : memref<1x80x128xi32, #tpu.memory_space<vmem>> -> memref<80x128xi32, #tpu.memory_space<vmem>>
        %dma_wait3A_242 = arith.constant 0 : i32
        %dma_wait3A_243 = tpu.memref_slice %arg6[%add3A_174, %dma_wait3A_242] : memref<92160x128xi32, #tpu.memory_space<hbm>> -> memref<80x128xi32, #tpu.memory_space<hbm>>
        %dma_wait3A_244 = arith.constant 0 : i32
        %dma_wait3A_245 = tpu.memref_slice %arg6[%add3A_174, %dma_wait3A_244] : memref<92160x128xi32, #tpu.memory_space<hbm>> -> memref<80x128xi32, #tpu.memory_space<hbm>>
        %dma_wait3A_246 = arith.constant 0 : i32
        %dma_wait3A_247 = arith.constant 0 : i32
        %dma_wait3A_248 = tpu.memref_slice %arg10[%run_scoped3A, %dma_wait3A_246, %dma_wait3A_247] : memref<2x80x128xi32, #tpu.memory_space<vmem>> -> memref<1x80x128xi32, #tpu.memory_space<vmem>>
        %dma_wait3A_249 = tpu.memref_squeeze %dma_wait3A_248 : memref<1x80x128xi32, #tpu.memory_space<vmem>> -> memref<80x128xi32, #tpu.memory_space<vmem>>
        tpu.wait_dma2 semaphore(%run_scoped3A_225 : memref<!tpu.dma_semaphore, #tpu.memory_space<semaphore_mem>>) src(%dma_wait3A_249 : memref<80x128xi32, #tpu.memory_space<vmem>>) dst(%dma_wait3A_245 : memref<80x128xi32, #tpu.memory_space<hbm>>)
        tpu.yield
      }) : () -> ()
      %run_scoped3A_175 = arith.constant 0 : i32
      "tpu.region"() ({
        %run_scoped3A_225 = tpu.sem_alloc : memref<!tpu.dma_semaphore, #tpu.memory_space<semaphore_mem>>
        %dma_start3A_226 = arith.constant 0 : i32
        %dma_start3A_227 = arith.constant 0 : i32
        %dma_start3A_228 = tpu.memref_slice %arg11[%run_scoped3A_175, %dma_start3A_226, %dma_start3A_227] : memref<2x80x128xf32, #tpu.memory_space<vmem>> -> memref<1x80x128xf32, #tpu.memory_space<vmem>>
        %dma_start3A_229 = tpu.memref_squeeze %dma_start3A_228 : memref<1x80x128xf32, #tpu.memory_space<vmem>> -> memref<80x128xf32, #tpu.memory_space<vmem>>
        %dma_start3A_230 = arith.constant 0 : i32
        %dma_start3A_231 = tpu.memref_slice %arg7[%add3A_174, %dma_start3A_230] : memref<92160x128xf32, #tpu.memory_space<hbm>> -> memref<80x128xf32, #tpu.memory_space<hbm>>
        %dma_start3A_232 = arith.constant 0 : i32
        %dma_start3A_233 = tpu.memref_slice %arg7[%add3A_174, %dma_start3A_232] : memref<92160x128xf32, #tpu.memory_space<hbm>> -> memref<80x128xf32, #tpu.memory_space<hbm>>
        %dma_start3A_234 = arith.constant 0 : i32
        %dma_start3A_235 = arith.constant 0 : i32
        %dma_start3A_236 = tpu.memref_slice %arg11[%run_scoped3A_175, %dma_start3A_234, %dma_start3A_235] : memref<2x80x128xf32, #tpu.memory_space<vmem>> -> memref<1x80x128xf32, #tpu.memory_space<vmem>>
        %dma_start3A_237 = tpu.memref_squeeze %dma_start3A_236 : memref<1x80x128xf32, #tpu.memory_space<vmem>> -> memref<80x128xf32, #tpu.memory_space<vmem>>
        tpu.enqueue_dma source(%dma_start3A_237 : memref<80x128xf32, #tpu.memory_space<vmem>>) target(%dma_start3A_233 : memref<80x128xf32, #tpu.memory_space<hbm>>) target_semaphore(%run_scoped3A_225 : memref<!tpu.dma_semaphore, #tpu.memory_space<semaphore_mem>>)
        %dma_wait3A_238 = arith.constant 0 : i32
        %dma_wait3A_239 = arith.constant 0 : i32
        %dma_wait3A_240 = tpu.memref_slice %arg11[%run_scoped3A_175, %dma_wait3A_238, %dma_wait3A_239] : memref<2x80x128xf32, #tpu.memory_space<vmem>> -> memref<1x80x128xf32, #tpu.memory_space<vmem>>
        %dma_wait3A_241 = tpu.memref_squeeze %dma_wait3A_240 : memref<1x80x128xf32, #tpu.memory_space<vmem>> -> memref<80x128xf32, #tpu.memory_space<vmem>>
        %dma_wait3A_242 = arith.constant 0 : i32
        %dma_wait3A_243 = tpu.memref_slice %arg7[%add3A_174, %dma_wait3A_242] : memref<92160x128xf32, #tpu.memory_space<hbm>> -> memref<80x128xf32, #tpu.memory_space<hbm>>
        %dma_wait3A_244 = arith.constant 0 : i32
        %dma_wait3A_245 = tpu.memref_slice %arg7[%add3A_174, %dma_wait3A_244] : memref<92160x128xf32, #tpu.memory_space<hbm>> -> memref<80x128xf32, #tpu.memory_space<hbm>>
        %dma_wait3A_246 = arith.constant 0 : i32
        %dma_wait3A_247 = arith.constant 0 : i32
        %dma_wait3A_248 = tpu.memref_slice %arg11[%run_scoped3A_175, %dma_wait3A_246, %dma_wait3A_247] : memref<2x80x128xf32, #tpu.memory_space<vmem>> -> memref<1x80x128xf32, #tpu.memory_space<vmem>>
        %dma_wait3A_249 = tpu.memref_squeeze %dma_wait3A_248 : memref<1x80x128xf32, #tpu.memory_space<vmem>> -> memref<80x128xf32, #tpu.memory_space<vmem>>
        tpu.wait_dma2 semaphore(%run_scoped3A_225 : memref<!tpu.dma_semaphore, #tpu.memory_space<semaphore_mem>>) src(%dma_wait3A_249 : memref<80x128xf32, #tpu.memory_space<vmem>>) dst(%dma_wait3A_245 : memref<80x128xf32, #tpu.memory_space<hbm>>)
        tpu.yield
      }) : () -> ()
      %add3A_176 = arith.constant 2 : i32
      %add3A_177 = arith.addi %mul3A_101, %add3A_176 : i32
      %lt3A = arith.constant 36 : i32
      %lt3A_178 = arith.cmpi slt, %add3A_177, %lt3A : i32
      %convert_element_type3A = arith.extui %lt3A_178 : i1 to i32
      %cond3A = arith.constant 0 : i32
      %cond3A_179 = arith.cmpi ne, %convert_element_type3A, %cond3A : i32
      scf.if %cond3A_179 {
        %add3A_225 = arith.constant 2 : i32
        %add3A_226 = arith.addi %mul3A_101, %add3A_225 : i32
        %add3A_227 = arith.constant 92160 : i32
        %add3A_228 = arith.addi %add3A_227, %mul3A_2 : i32
        %mul3A_229 = arith.constant 80 : i32
        %mul3A_230 = arith.muli %add3A_226, %mul3A_229 : i32
        %add3A_231 = arith.addi %add3A_228, %mul3A_230 : i32
        %dma_start3A_232 = arith.constant 0 : i32
        %dma_start3A_233 = arith.constant 0 : i32
        %dma_start3A_234 = tpu.memref_slice %arg8[%dma_start3A_232, %dma_start3A_233] : memref<2x80xi32, #tpu.memory_space<vmem>> -> memref<1x80xi32, #tpu.memory_space<vmem>>
        %dma_start3A_235 = tpu.memref_squeeze %dma_start3A_234 : memref<1x80xi32, #tpu.memory_space<vmem>> -> memref<80xi32, #tpu.memory_space<vmem>>
        %dma_start3A_236 = tpu.memref_slice %arg4[%add3A_231] : memref<320000xi32, #tpu.memory_space<hbm>> -> memref<80xi32, #tpu.memory_space<hbm>>
        %dma_start3A_237 = arith.constant 0 : i32
        %dma_start3A_238 = tpu.memref_slice %arg8[%dma_start3A_232, %dma_start3A_237] : memref<2x80xi32, #tpu.memory_space<vmem>> -> memref<1x80xi32, #tpu.memory_space<vmem>>
        %dma_start3A_239 = tpu.memref_squeeze %dma_start3A_238 : memref<1x80xi32, #tpu.memory_space<vmem>> -> memref<80xi32, #tpu.memory_space<vmem>>
        %dma_start3A_240 = tpu.memref_slice %arg4[%add3A_231] : memref<320000xi32, #tpu.memory_space<hbm>> -> memref<80xi32, #tpu.memory_space<hbm>>
        tpu.enqueue_dma source(%dma_start3A_240 : memref<80xi32, #tpu.memory_space<hbm>>) target(%dma_start3A_239 : memref<80xi32, #tpu.memory_space<vmem>>) target_semaphore(%arg12 : memref<!tpu.dma_semaphore, #tpu.memory_space<semaphore_mem>>)
        %dma_start3A_241 = arith.constant 0 : i32
        %dma_start3A_242 = arith.constant 0 : i32
        %dma_start3A_243 = tpu.memref_slice %arg9[%dma_start3A_241, %dma_start3A_242] : memref<2x80xi32, #tpu.memory_space<vmem>> -> memref<1x80xi32, #tpu.memory_space<vmem>>
        %dma_start3A_244 = tpu.memref_squeeze %dma_start3A_243 : memref<1x80xi32, #tpu.memory_space<vmem>> -> memref<80xi32, #tpu.memory_space<vmem>>
        %dma_start3A_245 = tpu.memref_slice %arg5[%add3A_231] : memref<320000xi32, #tpu.memory_space<hbm>> -> memref<80xi32, #tpu.memory_space<hbm>>
        %dma_start3A_246 = arith.constant 0 : i32
        %dma_start3A_247 = tpu.memref_slice %arg9[%dma_start3A_241, %dma_start3A_246] : memref<2x80xi32, #tpu.memory_space<vmem>> -> memref<1x80xi32, #tpu.memory_space<vmem>>
        %dma_start3A_248 = tpu.memref_squeeze %dma_start3A_247 : memref<1x80xi32, #tpu.memory_space<vmem>> -> memref<80xi32, #tpu.memory_space<vmem>>
        %dma_start3A_249 = tpu.memref_slice %arg5[%add3A_231] : memref<320000xi32, #tpu.memory_space<hbm>> -> memref<80xi32, #tpu.memory_space<hbm>>
        tpu.enqueue_dma source(%dma_start3A_249 : memref<80xi32, #tpu.memory_space<hbm>>) target(%dma_start3A_248 : memref<80xi32, #tpu.memory_space<vmem>>) target_semaphore(%arg12 : memref<!tpu.dma_semaphore, #tpu.memory_space<semaphore_mem>>)
      } else {
      }
      %dma_wait3A_180 = arith.constant 1 : i32
      %dma_wait3A_181 = arith.constant 1 : i32
      %dma_wait3A_182 = arith.constant 0 : i32
      %dma_wait3A_183 = arith.constant 0 : i32
      %dma_wait3A_184 = tpu.memref_slice %arg10[%dma_wait3A_181, %dma_wait3A_182, %dma_wait3A_183] : memref<2x80x128xi32, #tpu.memory_space<vmem>> -> memref<1x80x128xi32, #tpu.memory_space<vmem>>
      %dma_wait3A_185 = tpu.memref_squeeze %dma_wait3A_184 : memref<1x80x128xi32, #tpu.memory_space<vmem>> -> memref<80x128xi32, #tpu.memory_space<vmem>>
      %dma_wait3A_186 = arith.constant 0 : i32
      %dma_wait3A_187 = tpu.memref_slice %arg8[%dma_wait3A_180, %dma_wait3A_186] : memref<2x80xi32, #tpu.memory_space<vmem>> -> memref<1x80xi32, #tpu.memory_space<vmem>>
      %dma_wait3A_188 = tpu.memref_squeeze %dma_wait3A_187 : memref<1x80xi32, #tpu.memory_space<vmem>> -> memref<80xi32, #tpu.memory_space<vmem>>
      %dma_wait3A_189 = arith.constant 0 : i32
      %dma_wait3A_190 = arith.constant 0 : i32
      %dma_wait3A_191 = tpu.memref_slice %arg2[%dma_wait3A_189, %dma_wait3A_190] : memref<10000x128xi32, #tpu.memory_space<hbm>> -> memref<10000x128xi32, #tpu.memory_space<hbm>>
      tpu.wait_indirect_dma semaphore(%arg15 : memref<!tpu.dma_semaphore, #tpu.memory_space<semaphore_mem>>) src(%dma_wait3A_191 : memref<10000x128xi32, #tpu.memory_space<hbm>>) dst(%dma_wait3A_185 : memref<80x128xi32, #tpu.memory_space<vmem>>)
      %dma_wait3A_192 = arith.constant 1 : i32
      %dma_wait3A_193 = arith.constant 1 : i32
      %dma_wait3A_194 = arith.constant 0 : i32
      %dma_wait3A_195 = arith.constant 0 : i32
      %dma_wait3A_196 = tpu.memref_slice %arg11[%dma_wait3A_193, %dma_wait3A_194, %dma_wait3A_195] : memref<2x80x128xf32, #tpu.memory_space<vmem>> -> memref<1x80x128xf32, #tpu.memory_space<vmem>>
      %dma_wait3A_197 = tpu.memref_squeeze %dma_wait3A_196 : memref<1x80x128xf32, #tpu.memory_space<vmem>> -> memref<80x128xf32, #tpu.memory_space<vmem>>
      %dma_wait3A_198 = arith.constant 0 : i32
      %dma_wait3A_199 = tpu.memref_slice %arg9[%dma_wait3A_192, %dma_wait3A_198] : memref<2x80xi32, #tpu.memory_space<vmem>> -> memref<1x80xi32, #tpu.memory_space<vmem>>
      %dma_wait3A_200 = tpu.memref_squeeze %dma_wait3A_199 : memref<1x80xi32, #tpu.memory_space<vmem>> -> memref<80xi32, #tpu.memory_space<vmem>>
      %dma_wait3A_201 = arith.constant 0 : i32
      %dma_wait3A_202 = arith.constant 0 : i32
      %dma_wait3A_203 = tpu.memref_slice %arg3[%dma_wait3A_201, %dma_wait3A_202] : memref<10000x128xf32, #tpu.memory_space<hbm>> -> memref<10000x128xf32, #tpu.memory_space<hbm>>
      tpu.wait_indirect_dma semaphore(%arg15 : memref<!tpu.dma_semaphore, #tpu.memory_space<semaphore_mem>>) src(%dma_wait3A_203 : memref<10000x128xf32, #tpu.memory_space<hbm>>) dst(%dma_wait3A_197 : memref<80x128xf32, #tpu.memory_space<vmem>>)
      %add3A_204 = arith.constant 1 : i32
      %add3A_205 = arith.addi %mul3A_101, %add3A_204 : i32
      %mul3A_206 = arith.constant 80 : i32
      %mul3A_207 = arith.muli %add3A_205, %mul3A_206 : i32
      %add3A_208 = arith.addi %mul3A_2, %mul3A_207 : i32
      %run_scoped3A_209 = arith.constant 1 : i32
      "tpu.region"() ({
        %run_scoped3A_225 = tpu.sem_alloc : memref<!tpu.dma_semaphore, #tpu.memory_space<semaphore_mem>>
        %dma_start3A_226 = arith.constant 0 : i32
        %dma_start3A_227 = arith.constant 0 : i32
        %dma_start3A_228 = tpu.memref_slice %arg10[%run_scoped3A_209, %dma_start3A_226, %dma_start3A_227] : memref<2x80x128xi32, #tpu.memory_space<vmem>> -> memref<1x80x128xi32, #tpu.memory_space<vmem>>
        %dma_start3A_229 = tpu.memref_squeeze %dma_start3A_228 : memref<1x80x128xi32, #tpu.memory_space<vmem>> -> memref<80x128xi32, #tpu.memory_space<vmem>>
        %dma_start3A_230 = arith.constant 0 : i32
        %dma_start3A_231 = tpu.memref_slice %arg6[%add3A_208, %dma_start3A_230] : memref<92160x128xi32, #tpu.memory_space<hbm>> -> memref<80x128xi32, #tpu.memory_space<hbm>>
        %dma_start3A_232 = arith.constant 0 : i32
        %dma_start3A_233 = tpu.memref_slice %arg6[%add3A_208, %dma_start3A_232] : memref<92160x128xi32, #tpu.memory_space<hbm>> -> memref<80x128xi32, #tpu.memory_space<hbm>>
        %dma_start3A_234 = arith.constant 0 : i32
        %dma_start3A_235 = arith.constant 0 : i32
        %dma_start3A_236 = tpu.memref_slice %arg10[%run_scoped3A_209, %dma_start3A_234, %dma_start3A_235] : memref<2x80x128xi32, #tpu.memory_space<vmem>> -> memref<1x80x128xi32, #tpu.memory_space<vmem>>
        %dma_start3A_237 = tpu.memref_squeeze %dma_start3A_236 : memref<1x80x128xi32, #tpu.memory_space<vmem>> -> memref<80x128xi32, #tpu.memory_space<vmem>>
        tpu.enqueue_dma source(%dma_start3A_237 : memref<80x128xi32, #tpu.memory_space<vmem>>) target(%dma_start3A_233 : memref<80x128xi32, #tpu.memory_space<hbm>>) target_semaphore(%run_scoped3A_225 : memref<!tpu.dma_semaphore, #tpu.memory_space<semaphore_mem>>)
        %dma_wait3A_238 = arith.constant 0 : i32
        %dma_wait3A_239 = arith.constant 0 : i32
        %dma_wait3A_240 = tpu.memref_slice %arg10[%run_scoped3A_209, %dma_wait3A_238, %dma_wait3A_239] : memref<2x80x128xi32, #tpu.memory_space<vmem>> -> memref<1x80x128xi32, #tpu.memory_space<vmem>>
        %dma_wait3A_241 = tpu.memref_squeeze %dma_wait3A_240 : memref<1x80x128xi32, #tpu.memory_space<vmem>> -> memref<80x128xi32, #tpu.memory_space<vmem>>
        %dma_wait3A_242 = arith.constant 0 : i32
        %dma_wait3A_243 = tpu.memref_slice %arg6[%add3A_208, %dma_wait3A_242] : memref<92160x128xi32, #tpu.memory_space<hbm>> -> memref<80x128xi32, #tpu.memory_space<hbm>>
        %dma_wait3A_244 = arith.constant 0 : i32
        %dma_wait3A_245 = tpu.memref_slice %arg6[%add3A_208, %dma_wait3A_244] : memref<92160x128xi32, #tpu.memory_space<hbm>> -> memref<80x128xi32, #tpu.memory_space<hbm>>
        %dma_wait3A_246 = arith.constant 0 : i32
        %dma_wait3A_247 = arith.constant 0 : i32
        %dma_wait3A_248 = tpu.memref_slice %arg10[%run_scoped3A_209, %dma_wait3A_246, %dma_wait3A_247] : memref<2x80x128xi32, #tpu.memory_space<vmem>> -> memref<1x80x128xi32, #tpu.memory_space<vmem>>
        %dma_wait3A_249 = tpu.memref_squeeze %dma_wait3A_248 : memref<1x80x128xi32, #tpu.memory_space<vmem>> -> memref<80x128xi32, #tpu.memory_space<vmem>>
        tpu.wait_dma2 semaphore(%run_scoped3A_225 : memref<!tpu.dma_semaphore, #tpu.memory_space<semaphore_mem>>) src(%dma_wait3A_249 : memref<80x128xi32, #tpu.memory_space<vmem>>) dst(%dma_wait3A_245 : memref<80x128xi32, #tpu.memory_space<hbm>>)
        tpu.yield
      }) : () -> ()
      %run_scoped3A_210 = arith.constant 1 : i32
      "tpu.region"() ({
        %run_scoped3A_225 = tpu.sem_alloc : memref<!tpu.dma_semaphore, #tpu.memory_space<semaphore_mem>>
        %dma_start3A_226 = arith.constant 0 : i32
        %dma_start3A_227 = arith.constant 0 : i32
        %dma_start3A_228 = tpu.memref_slice %arg11[%run_scoped3A_210, %dma_start3A_226, %dma_start3A_227] : memref<2x80x128xf32, #tpu.memory_space<vmem>> -> memref<1x80x128xf32, #tpu.memory_space<vmem>>
        %dma_start3A_229 = tpu.memref_squeeze %dma_start3A_228 : memref<1x80x128xf32, #tpu.memory_space<vmem>> -> memref<80x128xf32, #tpu.memory_space<vmem>>
        %dma_start3A_230 = arith.constant 0 : i32
        %dma_start3A_231 = tpu.memref_slice %arg7[%add3A_208, %dma_start3A_230] : memref<92160x128xf32, #tpu.memory_space<hbm>> -> memref<80x128xf32, #tpu.memory_space<hbm>>
        %dma_start3A_232 = arith.constant 0 : i32
        %dma_start3A_233 = tpu.memref_slice %arg7[%add3A_208, %dma_start3A_232] : memref<92160x128xf32, #tpu.memory_space<hbm>> -> memref<80x128xf32, #tpu.memory_space<hbm>>
        %dma_start3A_234 = arith.constant 0 : i32
        %dma_start3A_235 = arith.constant 0 : i32
        %dma_start3A_236 = tpu.memref_slice %arg11[%run_scoped3A_210, %dma_start3A_234, %dma_start3A_235] : memref<2x80x128xf32, #tpu.memory_space<vmem>> -> memref<1x80x128xf32, #tpu.memory_space<vmem>>
        %dma_start3A_237 = tpu.memref_squeeze %dma_start3A_236 : memref<1x80x128xf32, #tpu.memory_space<vmem>> -> memref<80x128xf32, #tpu.memory_space<vmem>>
        tpu.enqueue_dma source(%dma_start3A_237 : memref<80x128xf32, #tpu.memory_space<vmem>>) target(%dma_start3A_233 : memref<80x128xf32, #tpu.memory_space<hbm>>) target_semaphore(%run_scoped3A_225 : memref<!tpu.dma_semaphore, #tpu.memory_space<semaphore_mem>>)
        %dma_wait3A_238 = arith.constant 0 : i32
        %dma_wait3A_239 = arith.constant 0 : i32
        %dma_wait3A_240 = tpu.memref_slice %arg11[%run_scoped3A_210, %dma_wait3A_238, %dma_wait3A_239] : memref<2x80x128xf32, #tpu.memory_space<vmem>> -> memref<1x80x128xf32, #tpu.memory_space<vmem>>
        %dma_wait3A_241 = tpu.memref_squeeze %dma_wait3A_240 : memref<1x80x128xf32, #tpu.memory_space<vmem>> -> memref<80x128xf32, #tpu.memory_space<vmem>>
        %dma_wait3A_242 = arith.constant 0 : i32
        %dma_wait3A_243 = tpu.memref_slice %arg7[%add3A_208, %dma_wait3A_242] : memref<92160x128xf32, #tpu.memory_space<hbm>> -> memref<80x128xf32, #tpu.memory_space<hbm>>
        %dma_wait3A_244 = arith.constant 0 : i32
        %dma_wait3A_245 = tpu.memref_slice %arg7[%add3A_208, %dma_wait3A_244] : memref<92160x128xf32, #tpu.memory_space<hbm>> -> memref<80x128xf32, #tpu.memory_space<hbm>>
        %dma_wait3A_246 = arith.constant 0 : i32
        %dma_wait3A_247 = arith.constant 0 : i32
        %dma_wait3A_248 = tpu.memref_slice %arg11[%run_scoped3A_210, %dma_wait3A_246, %dma_wait3A_247] : memref<2x80x128xf32, #tpu.memory_space<vmem>> -> memref<1x80x128xf32, #tpu.memory_space<vmem>>
        %dma_wait3A_249 = tpu.memref_squeeze %dma_wait3A_248 : memref<1x80x128xf32, #tpu.memory_space<vmem>> -> memref<80x128xf32, #tpu.memory_space<vmem>>
        tpu.wait_dma2 semaphore(%run_scoped3A_225 : memref<!tpu.dma_semaphore, #tpu.memory_space<semaphore_mem>>) src(%dma_wait3A_249 : memref<80x128xf32, #tpu.memory_space<vmem>>) dst(%dma_wait3A_245 : memref<80x128xf32, #tpu.memory_space<hbm>>)
        tpu.yield
      }) : () -> ()
      %add3A_211 = arith.constant 3 : i32
      %add3A_212 = arith.addi %mul3A_101, %add3A_211 : i32
      %lt3A_213 = arith.constant 36 : i32
      %lt3A_214 = arith.cmpi slt, %add3A_212, %lt3A_213 : i32
      %convert_element_type3A_215 = arith.extui %lt3A_214 : i1 to i32
      %cond3A_216 = arith.constant 0 : i32
      %cond3A_217 = arith.cmpi ne, %convert_element_type3A_215, %cond3A_216 : i32
      scf.if %cond3A_217 {
        %add3A_225 = arith.constant 3 : i32
        %add3A_226 = arith.addi %mul3A_101, %add3A_225 : i32
        %add3A_227 = arith.constant 92160 : i32
        %add3A_228 = arith.addi %add3A_227, %mul3A_2 : i32
        %mul3A_229 = arith.constant 80 : i32
        %mul3A_230 = arith.muli %add3A_226, %mul3A_229 : i32
        %add3A_231 = arith.addi %add3A_228, %mul3A_230 : i32
        %dma_start3A_232 = arith.constant 1 : i32
        %dma_start3A_233 = arith.constant 0 : i32
        %dma_start3A_234 = tpu.memref_slice %arg8[%dma_start3A_232, %dma_start3A_233] : memref<2x80xi32, #tpu.memory_space<vmem>> -> memref<1x80xi32, #tpu.memory_space<vmem>>
        %dma_start3A_235 = tpu.memref_squeeze %dma_start3A_234 : memref<1x80xi32, #tpu.memory_space<vmem>> -> memref<80xi32, #tpu.memory_space<vmem>>
        %dma_start3A_236 = tpu.memref_slice %arg4[%add3A_231] : memref<320000xi32, #tpu.memory_space<hbm>> -> memref<80xi32, #tpu.memory_space<hbm>>
        %dma_start3A_237 = arith.constant 0 : i32
        %dma_start3A_238 = tpu.memref_slice %arg8[%dma_start3A_232, %dma_start3A_237] : memref<2x80xi32, #tpu.memory_space<vmem>> -> memref<1x80xi32, #tpu.memory_space<vmem>>
        %dma_start3A_239 = tpu.memref_squeeze %dma_start3A_238 : memref<1x80xi32, #tpu.memory_space<vmem>> -> memref<80xi32, #tpu.memory_space<vmem>>
        %dma_start3A_240 = tpu.memref_slice %arg4[%add3A_231] : memref<320000xi32, #tpu.memory_space<hbm>> -> memref<80xi32, #tpu.memory_space<hbm>>
        tpu.enqueue_dma source(%dma_start3A_240 : memref<80xi32, #tpu.memory_space<hbm>>) target(%dma_start3A_239 : memref<80xi32, #tpu.memory_space<vmem>>) target_semaphore(%arg13 : memref<!tpu.dma_semaphore, #tpu.memory_space<semaphore_mem>>)
        %dma_start3A_241 = arith.constant 1 : i32
        %dma_start3A_242 = arith.constant 0 : i32
        %dma_start3A_243 = tpu.memref_slice %arg9[%dma_start3A_241, %dma_start3A_242] : memref<2x80xi32, #tpu.memory_space<vmem>> -> memref<1x80xi32, #tpu.memory_space<vmem>>
        %dma_start3A_244 = tpu.memref_squeeze %dma_start3A_243 : memref<1x80xi32, #tpu.memory_space<vmem>> -> memref<80xi32, #tpu.memory_space<vmem>>
        %dma_start3A_245 = tpu.memref_slice %arg5[%add3A_231] : memref<320000xi32, #tpu.memory_space<hbm>> -> memref<80xi32, #tpu.memory_space<hbm>>
        %dma_start3A_246 = arith.constant 0 : i32
        %dma_start3A_247 = tpu.memref_slice %arg9[%dma_start3A_241, %dma_start3A_246] : memref<2x80xi32, #tpu.memory_space<vmem>> -> memref<1x80xi32, #tpu.memory_space<vmem>>
        %dma_start3A_248 = tpu.memref_squeeze %dma_start3A_247 : memref<1x80xi32, #tpu.memory_space<vmem>> -> memref<80xi32, #tpu.memory_space<vmem>>
        %dma_start3A_249 = tpu.memref_slice %arg5[%add3A_231] : memref<320000xi32, #tpu.memory_space<hbm>> -> memref<80xi32, #tpu.memory_space<hbm>>
        tpu.enqueue_dma source(%dma_start3A_249 : memref<80xi32, #tpu.memory_space<hbm>>) target(%dma_start3A_248 : memref<80xi32, #tpu.memory_space<vmem>>) target_semaphore(%arg13 : memref<!tpu.dma_semaphore, #tpu.memory_space<semaphore_mem>>)
      } else {
      }
      %add3A_218 = arith.constant 2 : i32
      %add3A_219 = arith.addi %mul3A_101, %add3A_218 : i32
      %lt3A_220 = arith.constant 36 : i32
      %lt3A_221 = arith.cmpi slt, %add3A_219, %lt3A_220 : i32
      %convert_element_type3A_222 = arith.extui %lt3A_221 : i1 to i32
      %cond3A_223 = arith.constant 0 : i32
      %cond3A_224 = arith.cmpi ne, %convert_element_type3A_222, %cond3A_223 : i32
      scf.if %cond3A_224 {
        %dma_wait3A_225 = arith.constant 0 : i32
        %dma_wait3A_226 = arith.constant 0 : i32
        %dma_wait3A_227 = tpu.memref_slice %arg8[%dma_wait3A_225, %dma_wait3A_226] : memref<2x80xi32, #tpu.memory_space<vmem>> -> memref<1x80xi32, #tpu.memory_space<vmem>>
        %dma_wait3A_228 = tpu.memref_squeeze %dma_wait3A_227 : memref<1x80xi32, #tpu.memory_space<vmem>> -> memref<80xi32, #tpu.memory_space<vmem>>
        %dma_wait3A_229 = arith.constant 0 : i32
        %dma_wait3A_230 = tpu.memref_slice %arg4[%dma_wait3A_229] : memref<320000xi32, #tpu.memory_space<hbm>> -> memref<80xi32, #tpu.memory_space<hbm>>
        %dma_wait3A_231 = arith.constant 0 : i32
        %dma_wait3A_232 = tpu.memref_slice %arg8[%dma_wait3A_225, %dma_wait3A_231] : memref<2x80xi32, #tpu.memory_space<vmem>> -> memref<1x80xi32, #tpu.memory_space<vmem>>
        %dma_wait3A_233 = tpu.memref_squeeze %dma_wait3A_232 : memref<1x80xi32, #tpu.memory_space<vmem>> -> memref<80xi32, #tpu.memory_space<vmem>>
        %dma_wait3A_234 = arith.constant 0 : i32
        %dma_wait3A_235 = tpu.memref_slice %arg4[%dma_wait3A_234] : memref<320000xi32, #tpu.memory_space<hbm>> -> memref<80xi32, #tpu.memory_space<hbm>>
        tpu.wait_dma2 semaphore(%arg12 : memref<!tpu.dma_semaphore, #tpu.memory_space<semaphore_mem>>) src(%dma_wait3A_235 : memref<80xi32, #tpu.memory_space<hbm>>) dst(%dma_wait3A_233 : memref<80xi32, #tpu.memory_space<vmem>>)
        %dma_wait3A_236 = arith.constant 0 : i32
        %dma_wait3A_237 = arith.constant 0 : i32
        %dma_wait3A_238 = tpu.memref_slice %arg9[%dma_wait3A_236, %dma_wait3A_237] : memref<2x80xi32, #tpu.memory_space<vmem>> -> memref<1x80xi32, #tpu.memory_space<vmem>>
        %dma_wait3A_239 = tpu.memref_squeeze %dma_wait3A_238 : memref<1x80xi32, #tpu.memory_space<vmem>> -> memref<80xi32, #tpu.memory_space<vmem>>
        %dma_wait3A_240 = arith.constant 0 : i32
        %dma_wait3A_241 = tpu.memref_slice %arg5[%dma_wait3A_240] : memref<320000xi32, #tpu.memory_space<hbm>> -> memref<80xi32, #tpu.memory_space<hbm>>
        %dma_wait3A_242 = arith.constant 0 : i32
        %dma_wait3A_243 = tpu.memref_slice %arg9[%dma_wait3A_236, %dma_wait3A_242] : memref<2x80xi32, #tpu.memory_space<vmem>> -> memref<1x80xi32, #tpu.memory_space<vmem>>
        %dma_wait3A_244 = tpu.memref_squeeze %dma_wait3A_243 : memref<1x80xi32, #tpu.memory_space<vmem>> -> memref<80xi32, #tpu.memory_space<vmem>>
        %dma_wait3A_245 = arith.constant 0 : i32
        %dma_wait3A_246 = tpu.memref_slice %arg5[%dma_wait3A_245] : memref<320000xi32, #tpu.memory_space<hbm>> -> memref<80xi32, #tpu.memory_space<hbm>>
        tpu.wait_dma2 semaphore(%arg12 : memref<!tpu.dma_semaphore, #tpu.memory_space<semaphore_mem>>) src(%dma_wait3A_246 : memref<80xi32, #tpu.memory_space<hbm>>) dst(%dma_wait3A_244 : memref<80xi32, #tpu.memory_space<vmem>>)
        %dma_start3A_247 = arith.constant 0 : i32
        %dma_start3A_248 = arith.constant 0 : i32
        %dma_start3A_249 = arith.constant 0 : i32
        %dma_start3A_250 = arith.constant 0 : i32
        %dma_start3A_251 = tpu.memref_slice %arg10[%dma_start3A_248, %dma_start3A_249, %dma_start3A_250] : memref<2x80x128xi32, #tpu.memory_space<vmem>> -> memref<1x80x128xi32, #tpu.memory_space<vmem>>
        %dma_start3A_252 = tpu.memref_squeeze %dma_start3A_251 : memref<1x80x128xi32, #tpu.memory_space<vmem>> -> memref<80x128xi32, #tpu.memory_space<vmem>>
        %dma_start3A_253 = arith.constant 0 : i32
        %dma_start3A_254 = tpu.memref_slice %arg8[%dma_start3A_247, %dma_start3A_253] : memref<2x80xi32, #tpu.memory_space<vmem>> -> memref<1x80xi32, #tpu.memory_space<vmem>>
        %dma_start3A_255 = tpu.memref_squeeze %dma_start3A_254 : memref<1x80xi32, #tpu.memory_space<vmem>> -> memref<80xi32, #tpu.memory_space<vmem>>
        %dma_start3A_256 = arith.constant 0 : i32
        %dma_start3A_257 = arith.constant 0 : i32
        %dma_start3A_258 = tpu.memref_slice %arg2[%dma_start3A_256, %dma_start3A_257] : memref<10000x128xi32, #tpu.memory_space<hbm>> -> memref<10000x128xi32, #tpu.memory_space<hbm>>
        tpu.enqueue_indirect_dma source(%dma_start3A_258 : memref<10000x128xi32, #tpu.memory_space<hbm>>) target(%dma_start3A_252 : memref<80x128xi32, #tpu.memory_space<vmem>>) offsets(%dma_start3A_255 : memref<80xi32, #tpu.memory_space<vmem>>) semaphore(%arg14 : memref<!tpu.dma_semaphore, #tpu.memory_space<semaphore_mem>>)
        %dma_start3A_259 = arith.constant 0 : i32
        %dma_start3A_260 = arith.constant 0 : i32
        %dma_start3A_261 = arith.constant 0 : i32
        %dma_start3A_262 = arith.constant 0 : i32
        %dma_start3A_263 = tpu.memref_slice %arg11[%dma_start3A_260, %dma_start3A_261, %dma_start3A_262] : memref<2x80x128xf32, #tpu.memory_space<vmem>> -> memref<1x80x128xf32, #tpu.memory_space<vmem>>
        %dma_start3A_264 = tpu.memref_squeeze %dma_start3A_263 : memref<1x80x128xf32, #tpu.memory_space<vmem>> -> memref<80x128xf32, #tpu.memory_space<vmem>>
        %dma_start3A_265 = arith.constant 0 : i32
        %dma_start3A_266 = tpu.memref_slice %arg9[%dma_start3A_259, %dma_start3A_265] : memref<2x80xi32, #tpu.memory_space<vmem>> -> memref<1x80xi32, #tpu.memory_space<vmem>>
        %dma_start3A_267 = tpu.memref_squeeze %dma_start3A_266 : memref<1x80xi32, #tpu.memory_space<vmem>> -> memref<80xi32, #tpu.memory_space<vmem>>
        %dma_start3A_268 = arith.constant 0 : i32
        %dma_start3A_269 = arith.constant 0 : i32
        %dma_start3A_270 = tpu.memref_slice %arg3[%dma_start3A_268, %dma_start3A_269] : memref<10000x128xf32, #tpu.memory_space<hbm>> -> memref<10000x128xf32, #tpu.memory_space<hbm>>
        tpu.enqueue_indirect_dma source(%dma_start3A_270 : memref<10000x128xf32, #tpu.memory_space<hbm>>) target(%dma_start3A_264 : memref<80x128xf32, #tpu.memory_space<vmem>>) offsets(%dma_start3A_267 : memref<80xi32, #tpu.memory_space<vmem>>) semaphore(%arg14 : memref<!tpu.dma_semaphore, #tpu.memory_space<semaphore_mem>>)
      } else {
      }
    }
    %scan3A_94 = arith.constant 18 : i32
    return
  }
}

#map = affine_map<(d0, d1) -> (0, 0)>
#map1 = affine_map<(d0, d1) -> (0)>
module attributes {stable_mosaic.version = 14 : i64} {
  func.func @gather_k(%arg0: i32, %arg1: i32, %arg2: memref<10000x128xi32, #tpu.memory_space<hbm>>, %arg3: memref<10000x128xf32, #tpu.memory_space<hbm>>, %arg4: memref<320000xi32, #tpu.memory_space<hbm>>, %arg5: memref<320000xi32, #tpu.memory_space<hbm>>, %arg6: memref<97280x128xi32, #tpu.memory_space<hbm>>, %arg7: memref<97280x128xf32, #tpu.memory_space<hbm>>, %arg8: memref<2x80xi32, #tpu.memory_space<vmem>>, %arg9: memref<2x80xi32, #tpu.memory_space<vmem>>, %arg10: memref<2x80x128xi32, #tpu.memory_space<vmem>>, %arg11: memref<2x80x128xf32, #tpu.memory_space<vmem>>, %arg12: memref<!tpu.dma_semaphore, #tpu.memory_space<semaphore_mem>>, %arg13: memref<!tpu.dma_semaphore, #tpu.memory_space<semaphore_mem>>, %arg14: memref<!tpu.dma_semaphore, #tpu.memory_space<semaphore_mem>>, %arg15: memref<!tpu.dma_semaphore, #tpu.memory_space<semaphore_mem>>) attributes {dimension_semantics = [#tpu.dimension_semantics<core_parallel>, #tpu.dimension_semantics<subcore_parallel>], iteration_bounds = array<i64: 2, 16>, scalar_prefetch = 0 : i64, scratch_operands = 8 : i64, tpu.core_type = #tpu.core_type<sc_vector_subcore>, window_params = [{transform_indices = #map}, {transform_indices = #map}, {transform_indices = #map1}, {transform_indices = #map1}, {transform_indices = #map}, {transform_indices = #map}]} {
    %mul3A = arith.constant 2 : i32
    %mul3A_0 = arith.muli %arg1, %mul3A : i32
    %add3A = arith.addi %mul3A_0, %arg0 : i32
    %mul3A_1 = arith.constant 3040 : i32
    %mul3A_2 = arith.muli %add3A, %mul3A_1 : i32
    %add3A_3 = arith.constant 184320 : i32
    %add3A_4 = arith.addi %add3A_3, %mul3A_2 : i32
    %add3A_5 = arith.constant 0 : i32
    %add3A_6 = arith.addi %add3A_4, %add3A_5 : i32
    %dma_start3A = arith.constant 0 : i32
    %dma_start3A_7 = arith.constant 0 : i32
    %dma_start3A_8 = tpu.memref_slice %arg8[%dma_start3A, %dma_start3A_7] : memref<2x80xi32, #tpu.memory_space<vmem>> -> memref<1x80xi32, #tpu.memory_space<vmem>>
    %dma_start3A_9 = tpu.memref_squeeze %dma_start3A_8 : memref<1x80xi32, #tpu.memory_space<vmem>> -> memref<80xi32, #tpu.memory_space<vmem>>
    %dma_start3A_10 = tpu.memref_slice %arg4[%add3A_6] : memref<320000xi32, #tpu.memory_space<hbm>> -> memref<80xi32, #tpu.memory_space<hbm>>
    %dma_start3A_11 = arith.constant 0 : i32
    %dma_start3A_12 = tpu.memref_slice %arg8[%dma_start3A, %dma_start3A_11] : memref<2x80xi32, #tpu.memory_space<vmem>> -> memref<1x80xi32, #tpu.memory_space<vmem>>
    %dma_start3A_13 = tpu.memref_squeeze %dma_start3A_12 : memref<1x80xi32, #tpu.memory_space<vmem>> -> memref<80xi32, #tpu.memory_space<vmem>>
    %dma_start3A_14 = tpu.memref_slice %arg4[%add3A_6] : memref<320000xi32, #tpu.memory_space<hbm>> -> memref<80xi32, #tpu.memory_space<hbm>>
    tpu.enqueue_dma source(%dma_start3A_14 : memref<80xi32, #tpu.memory_space<hbm>>) target(%dma_start3A_13 : memref<80xi32, #tpu.memory_space<vmem>>) target_semaphore(%arg12 : memref<!tpu.dma_semaphore, #tpu.memory_space<semaphore_mem>>)
    %dma_start3A_15 = arith.constant 0 : i32
    %dma_start3A_16 = arith.constant 0 : i32
    %dma_start3A_17 = tpu.memref_slice %arg9[%dma_start3A_15, %dma_start3A_16] : memref<2x80xi32, #tpu.memory_space<vmem>> -> memref<1x80xi32, #tpu.memory_space<vmem>>
    %dma_start3A_18 = tpu.memref_squeeze %dma_start3A_17 : memref<1x80xi32, #tpu.memory_space<vmem>> -> memref<80xi32, #tpu.memory_space<vmem>>
    %dma_start3A_19 = tpu.memref_slice %arg5[%add3A_6] : memref<320000xi32, #tpu.memory_space<hbm>> -> memref<80xi32, #tpu.memory_space<hbm>>
    %dma_start3A_20 = arith.constant 0 : i32
    %dma_start3A_21 = tpu.memref_slice %arg9[%dma_start3A_15, %dma_start3A_20] : memref<2x80xi32, #tpu.memory_space<vmem>> -> memref<1x80xi32, #tpu.memory_space<vmem>>
    %dma_start3A_22 = tpu.memref_squeeze %dma_start3A_21 : memref<1x80xi32, #tpu.memory_space<vmem>> -> memref<80xi32, #tpu.memory_space<vmem>>
    %dma_start3A_23 = tpu.memref_slice %arg5[%add3A_6] : memref<320000xi32, #tpu.memory_space<hbm>> -> memref<80xi32, #tpu.memory_space<hbm>>
    tpu.enqueue_dma source(%dma_start3A_23 : memref<80xi32, #tpu.memory_space<hbm>>) target(%dma_start3A_22 : memref<80xi32, #tpu.memory_space<vmem>>) target_semaphore(%arg12 : memref<!tpu.dma_semaphore, #tpu.memory_space<semaphore_mem>>)
    %add3A_24 = arith.constant 184320 : i32
    %add3A_25 = arith.addi %add3A_24, %mul3A_2 : i32
    %add3A_26 = arith.constant 80 : i32
    %add3A_27 = arith.addi %add3A_25, %add3A_26 : i32
    %dma_start3A_28 = arith.constant 1 : i32
    %dma_start3A_29 = arith.constant 0 : i32
    %dma_start3A_30 = tpu.memref_slice %arg8[%dma_start3A_28, %dma_start3A_29] : memref<2x80xi32, #tpu.memory_space<vmem>> -> memref<1x80xi32, #tpu.memory_space<vmem>>
    %dma_start3A_31 = tpu.memref_squeeze %dma_start3A_30 : memref<1x80xi32, #tpu.memory_space<vmem>> -> memref<80xi32, #tpu.memory_space<vmem>>
    %dma_start3A_32 = tpu.memref_slice %arg4[%add3A_27] : memref<320000xi32, #tpu.memory_space<hbm>> -> memref<80xi32, #tpu.memory_space<hbm>>
    %dma_start3A_33 = arith.constant 0 : i32
    %dma_start3A_34 = tpu.memref_slice %arg8[%dma_start3A_28, %dma_start3A_33] : memref<2x80xi32, #tpu.memory_space<vmem>> -> memref<1x80xi32, #tpu.memory_space<vmem>>
    %dma_start3A_35 = tpu.memref_squeeze %dma_start3A_34 : memref<1x80xi32, #tpu.memory_space<vmem>> -> memref<80xi32, #tpu.memory_space<vmem>>
    %dma_start3A_36 = tpu.memref_slice %arg4[%add3A_27] : memref<320000xi32, #tpu.memory_space<hbm>> -> memref<80xi32, #tpu.memory_space<hbm>>
    tpu.enqueue_dma source(%dma_start3A_36 : memref<80xi32, #tpu.memory_space<hbm>>) target(%dma_start3A_35 : memref<80xi32, #tpu.memory_space<vmem>>) target_semaphore(%arg13 : memref<!tpu.dma_semaphore, #tpu.memory_space<semaphore_mem>>)
    %dma_start3A_37 = arith.constant 1 : i32
    %dma_start3A_38 = arith.constant 0 : i32
    %dma_start3A_39 = tpu.memref_slice %arg9[%dma_start3A_37, %dma_start3A_38] : memref<2x80xi32, #tpu.memory_space<vmem>> -> memref<1x80xi32, #tpu.memory_space<vmem>>
    %dma_start3A_40 = tpu.memref_squeeze %dma_start3A_39 : memref<1x80xi32, #tpu.memory_space<vmem>> -> memref<80xi32, #tpu.memory_space<vmem>>
    %dma_start3A_41 = tpu.memref_slice %arg5[%add3A_27] : memref<320000xi32, #tpu.memory_space<hbm>> -> memref<80xi32, #tpu.memory_space<hbm>>
    %dma_start3A_42 = arith.constant 0 : i32
    %dma_start3A_43 = tpu.memref_slice %arg9[%dma_start3A_37, %dma_start3A_42] : memref<2x80xi32, #tpu.memory_space<vmem>> -> memref<1x80xi32, #tpu.memory_space<vmem>>
    %dma_start3A_44 = tpu.memref_squeeze %dma_start3A_43 : memref<1x80xi32, #tpu.memory_space<vmem>> -> memref<80xi32, #tpu.memory_space<vmem>>
    %dma_start3A_45 = tpu.memref_slice %arg5[%add3A_27] : memref<320000xi32, #tpu.memory_space<hbm>> -> memref<80xi32, #tpu.memory_space<hbm>>
    tpu.enqueue_dma source(%dma_start3A_45 : memref<80xi32, #tpu.memory_space<hbm>>) target(%dma_start3A_44 : memref<80xi32, #tpu.memory_space<vmem>>) target_semaphore(%arg13 : memref<!tpu.dma_semaphore, #tpu.memory_space<semaphore_mem>>)
    %dma_wait3A = arith.constant 0 : i32
    %dma_wait3A_46 = arith.constant 0 : i32
    %dma_wait3A_47 = tpu.memref_slice %arg8[%dma_wait3A, %dma_wait3A_46] : memref<2x80xi32, #tpu.memory_space<vmem>> -> memref<1x80xi32, #tpu.memory_space<vmem>>
    %dma_wait3A_48 = tpu.memref_squeeze %dma_wait3A_47 : memref<1x80xi32, #tpu.memory_space<vmem>> -> memref<80xi32, #tpu.memory_space<vmem>>
    %dma_wait3A_49 = arith.constant 0 : i32
    %dma_wait3A_50 = tpu.memref_slice %arg4[%dma_wait3A_49] : memref<320000xi32, #tpu.memory_space<hbm>> -> memref<80xi32, #tpu.memory_space<hbm>>
    %dma_wait3A_51 = arith.constant 0 : i32
    %dma_wait3A_52 = tpu.memref_slice %arg8[%dma_wait3A, %dma_wait3A_51] : memref<2x80xi32, #tpu.memory_space<vmem>> -> memref<1x80xi32, #tpu.memory_space<vmem>>
    %dma_wait3A_53 = tpu.memref_squeeze %dma_wait3A_52 : memref<1x80xi32, #tpu.memory_space<vmem>> -> memref<80xi32, #tpu.memory_space<vmem>>
    %dma_wait3A_54 = arith.constant 0 : i32
    %dma_wait3A_55 = tpu.memref_slice %arg4[%dma_wait3A_54] : memref<320000xi32, #tpu.memory_space<hbm>> -> memref<80xi32, #tpu.memory_space<hbm>>
    tpu.wait_dma2 semaphore(%arg12 : memref<!tpu.dma_semaphore, #tpu.memory_space<semaphore_mem>>) src(%dma_wait3A_55 : memref<80xi32, #tpu.memory_space<hbm>>) dst(%dma_wait3A_53 : memref<80xi32, #tpu.memory_space<vmem>>)
    %dma_wait3A_56 = arith.constant 0 : i32
    %dma_wait3A_57 = arith.constant 0 : i32
    %dma_wait3A_58 = tpu.memref_slice %arg9[%dma_wait3A_56, %dma_wait3A_57] : memref<2x80xi32, #tpu.memory_space<vmem>> -> memref<1x80xi32, #tpu.memory_space<vmem>>
    %dma_wait3A_59 = tpu.memref_squeeze %dma_wait3A_58 : memref<1x80xi32, #tpu.memory_space<vmem>> -> memref<80xi32, #tpu.memory_space<vmem>>
    %dma_wait3A_60 = arith.constant 0 : i32
    %dma_wait3A_61 = tpu.memref_slice %arg5[%dma_wait3A_60] : memref<320000xi32, #tpu.memory_space<hbm>> -> memref<80xi32, #tpu.memory_space<hbm>>
    %dma_wait3A_62 = arith.constant 0 : i32
    %dma_wait3A_63 = tpu.memref_slice %arg9[%dma_wait3A_56, %dma_wait3A_62] : memref<2x80xi32, #tpu.memory_space<vmem>> -> memref<1x80xi32, #tpu.memory_space<vmem>>
    %dma_wait3A_64 = tpu.memref_squeeze %dma_wait3A_63 : memref<1x80xi32, #tpu.memory_space<vmem>> -> memref<80xi32, #tpu.memory_space<vmem>>
    %dma_wait3A_65 = arith.constant 0 : i32
    %dma_wait3A_66 = tpu.memref_slice %arg5[%dma_wait3A_65] : memref<320000xi32, #tpu.memory_space<hbm>> -> memref<80xi32, #tpu.memory_space<hbm>>
    tpu.wait_dma2 semaphore(%arg12 : memref<!tpu.dma_semaphore, #tpu.memory_space<semaphore_mem>>) src(%dma_wait3A_66 : memref<80xi32, #tpu.memory_space<hbm>>) dst(%dma_wait3A_64 : memref<80xi32, #tpu.memory_space<vmem>>)
    %dma_start3A_67 = arith.constant 0 : i32
    %dma_start3A_68 = arith.constant 0 : i32
    %dma_start3A_69 = arith.constant 0 : i32
    %dma_start3A_70 = arith.constant 0 : i32
    %dma_start3A_71 = tpu.memref_slice %arg10[%dma_start3A_68, %dma_start3A_69, %dma_start3A_70] : memref<2x80x128xi32, #tpu.memory_space<vmem>> -> memref<1x80x128xi32, #tpu.memory_space<vmem>>
    %dma_start3A_72 = tpu.memref_squeeze %dma_start3A_71 : memref<1x80x128xi32, #tpu.memory_space<vmem>> -> memref<80x128xi32, #tpu.memory_space<vmem>>
    %dma_start3A_73 = arith.constant 0 : i32
    %dma_start3A_74 = tpu.memref_slice %arg8[%dma_start3A_67, %dma_start3A_73] : memref<2x80xi32, #tpu.memory_space<vmem>> -> memref<1x80xi32, #tpu.memory_space<vmem>>
    %dma_start3A_75 = tpu.memref_squeeze %dma_start3A_74 : memref<1x80xi32, #tpu.memory_space<vmem>> -> memref<80xi32, #tpu.memory_space<vmem>>
    %dma_start3A_76 = arith.constant 0 : i32
    %dma_start3A_77 = arith.constant 0 : i32
    %dma_start3A_78 = tpu.memref_slice %arg2[%dma_start3A_76, %dma_start3A_77] : memref<10000x128xi32, #tpu.memory_space<hbm>> -> memref<10000x128xi32, #tpu.memory_space<hbm>>
    tpu.enqueue_indirect_dma source(%dma_start3A_78 : memref<10000x128xi32, #tpu.memory_space<hbm>>) target(%dma_start3A_72 : memref<80x128xi32, #tpu.memory_space<vmem>>) offsets(%dma_start3A_75 : memref<80xi32, #tpu.memory_space<vmem>>) semaphore(%arg14 : memref<!tpu.dma_semaphore, #tpu.memory_space<semaphore_mem>>)
    %dma_start3A_79 = arith.constant 0 : i32
    %dma_start3A_80 = arith.constant 0 : i32
    %dma_start3A_81 = arith.constant 0 : i32
    %dma_start3A_82 = arith.constant 0 : i32
    %dma_start3A_83 = tpu.memref_slice %arg11[%dma_start3A_80, %dma_start3A_81, %dma_start3A_82] : memref<2x80x128xf32, #tpu.memory_space<vmem>> -> memref<1x80x128xf32, #tpu.memory_space<vmem>>
    %dma_start3A_84 = tpu.memref_squeeze %dma_start3A_83 : memref<1x80x128xf32, #tpu.memory_space<vmem>> -> memref<80x128xf32, #tpu.memory_space<vmem>>
    %dma_start3A_85 = arith.constant 0 : i32
    %dma_start3A_86 = tpu.memref_slice %arg9[%dma_start3A_79, %dma_start3A_85] : memref<2x80xi32, #tpu.memory_space<vmem>> -> memref<1x80xi32, #tpu.memory_space<vmem>>
    %dma_start3A_87 = tpu.memref_squeeze %dma_start3A_86 : memref<1x80xi32, #tpu.memory_space<vmem>> -> memref<80xi32, #tpu.memory_space<vmem>>
    %dma_start3A_88 = arith.constant 0 : i32
    %dma_start3A_89 = arith.constant 0 : i32
    %dma_start3A_90 = tpu.memref_slice %arg3[%dma_start3A_88, %dma_start3A_89] : memref<10000x128xf32, #tpu.memory_space<hbm>> -> memref<10000x128xf32, #tpu.memory_space<hbm>>
    tpu.enqueue_indirect_dma source(%dma_start3A_90 : memref<10000x128xf32, #tpu.memory_space<hbm>>) target(%dma_start3A_84 : memref<80x128xf32, #tpu.memory_space<vmem>>) offsets(%dma_start3A_87 : memref<80xi32, #tpu.memory_space<vmem>>) semaphore(%arg14 : memref<!tpu.dma_semaphore, #tpu.memory_space<semaphore_mem>>)
    %scan3A = arith.constant 0 : i32
    %scan3A_91 = arith.constant 19 : i32
    %scan3A_92 = arith.addi %scan3A, %scan3A_91 : i32
    %scan3A_93 = arith.constant 1 : i32
    scf.for %scan3A_95 = %scan3A to %scan3A_92 step %scan3A_93  : i32 {
      %mul3A_96 = arith.constant 1 : i32
      %mul3A_97 = arith.muli %scan3A_95, %mul3A_96 : i32
      %add3A_98 = arith.constant 0 : i32
      %add3A_99 = arith.addi %add3A_98, %mul3A_97 : i32
      %mul3A_100 = arith.constant 2 : i32
      %mul3A_101 = arith.muli %mul3A_100, %add3A_99 : i32
      %dma_wait3A_102 = arith.constant 1 : i32
      %dma_wait3A_103 = arith.constant 0 : i32
      %dma_wait3A_104 = tpu.memref_slice %arg8[%dma_wait3A_102, %dma_wait3A_103] : memref<2x80xi32, #tpu.memory_space<vmem>> -> memref<1x80xi32, #tpu.memory_space<vmem>>
      %dma_wait3A_105 = tpu.memref_squeeze %dma_wait3A_104 : memref<1x80xi32, #tpu.memory_space<vmem>> -> memref<80xi32, #tpu.memory_space<vmem>>
      %dma_wait3A_106 = arith.constant 0 : i32
      %dma_wait3A_107 = tpu.memref_slice %arg4[%dma_wait3A_106] : memref<320000xi32, #tpu.memory_space<hbm>> -> memref<80xi32, #tpu.memory_space<hbm>>
      %dma_wait3A_108 = arith.constant 0 : i32
      %dma_wait3A_109 = tpu.memref_slice %arg8[%dma_wait3A_102, %dma_wait3A_108] : memref<2x80xi32, #tpu.memory_space<vmem>> -> memref<1x80xi32, #tpu.memory_space<vmem>>
      %dma_wait3A_110 = tpu.memref_squeeze %dma_wait3A_109 : memref<1x80xi32, #tpu.memory_space<vmem>> -> memref<80xi32, #tpu.memory_space<vmem>>
      %dma_wait3A_111 = arith.constant 0 : i32
      %dma_wait3A_112 = tpu.memref_slice %arg4[%dma_wait3A_111] : memref<320000xi32, #tpu.memory_space<hbm>> -> memref<80xi32, #tpu.memory_space<hbm>>
      tpu.wait_dma2 semaphore(%arg13 : memref<!tpu.dma_semaphore, #tpu.memory_space<semaphore_mem>>) src(%dma_wait3A_112 : memref<80xi32, #tpu.memory_space<hbm>>) dst(%dma_wait3A_110 : memref<80xi32, #tpu.memory_space<vmem>>)
      %dma_wait3A_113 = arith.constant 1 : i32
      %dma_wait3A_114 = arith.constant 0 : i32
      %dma_wait3A_115 = tpu.memref_slice %arg9[%dma_wait3A_113, %dma_wait3A_114] : memref<2x80xi32, #tpu.memory_space<vmem>> -> memref<1x80xi32, #tpu.memory_space<vmem>>
      %dma_wait3A_116 = tpu.memref_squeeze %dma_wait3A_115 : memref<1x80xi32, #tpu.memory_space<vmem>> -> memref<80xi32, #tpu.memory_space<vmem>>
      %dma_wait3A_117 = arith.constant 0 : i32
      %dma_wait3A_118 = tpu.memref_slice %arg5[%dma_wait3A_117] : memref<320000xi32, #tpu.memory_space<hbm>> -> memref<80xi32, #tpu.memory_space<hbm>>
      %dma_wait3A_119 = arith.constant 0 : i32
      %dma_wait3A_120 = tpu.memref_slice %arg9[%dma_wait3A_113, %dma_wait3A_119] : memref<2x80xi32, #tpu.memory_space<vmem>> -> memref<1x80xi32, #tpu.memory_space<vmem>>
      %dma_wait3A_121 = tpu.memref_squeeze %dma_wait3A_120 : memref<1x80xi32, #tpu.memory_space<vmem>> -> memref<80xi32, #tpu.memory_space<vmem>>
      %dma_wait3A_122 = arith.constant 0 : i32
      %dma_wait3A_123 = tpu.memref_slice %arg5[%dma_wait3A_122] : memref<320000xi32, #tpu.memory_space<hbm>> -> memref<80xi32, #tpu.memory_space<hbm>>
      tpu.wait_dma2 semaphore(%arg13 : memref<!tpu.dma_semaphore, #tpu.memory_space<semaphore_mem>>) src(%dma_wait3A_123 : memref<80xi32, #tpu.memory_space<hbm>>) dst(%dma_wait3A_121 : memref<80xi32, #tpu.memory_space<vmem>>)
      %dma_wait3A_124 = arith.constant 0 : i32
      %dma_wait3A_125 = arith.constant 0 : i32
      %dma_wait3A_126 = arith.constant 0 : i32
      %dma_wait3A_127 = arith.constant 0 : i32
      %dma_wait3A_128 = tpu.memref_slice %arg10[%dma_wait3A_125, %dma_wait3A_126, %dma_wait3A_127] : memref<2x80x128xi32, #tpu.memory_space<vmem>> -> memref<1x80x128xi32, #tpu.memory_space<vmem>>
      %dma_wait3A_129 = tpu.memref_squeeze %dma_wait3A_128 : memref<1x80x128xi32, #tpu.memory_space<vmem>> -> memref<80x128xi32, #tpu.memory_space<vmem>>
      %dma_wait3A_130 = arith.constant 0 : i32
      %dma_wait3A_131 = tpu.memref_slice %arg8[%dma_wait3A_124, %dma_wait3A_130] : memref<2x80xi32, #tpu.memory_space<vmem>> -> memref<1x80xi32, #tpu.memory_space<vmem>>
      %dma_wait3A_132 = tpu.memref_squeeze %dma_wait3A_131 : memref<1x80xi32, #tpu.memory_space<vmem>> -> memref<80xi32, #tpu.memory_space<vmem>>
      %dma_wait3A_133 = arith.constant 0 : i32
      %dma_wait3A_134 = arith.constant 0 : i32
      %dma_wait3A_135 = tpu.memref_slice %arg2[%dma_wait3A_133, %dma_wait3A_134] : memref<10000x128xi32, #tpu.memory_space<hbm>> -> memref<10000x128xi32, #tpu.memory_space<hbm>>
      tpu.wait_indirect_dma semaphore(%arg14 : memref<!tpu.dma_semaphore, #tpu.memory_space<semaphore_mem>>) src(%dma_wait3A_135 : memref<10000x128xi32, #tpu.memory_space<hbm>>) dst(%dma_wait3A_129 : memref<80x128xi32, #tpu.memory_space<vmem>>)
      %dma_wait3A_136 = arith.constant 0 : i32
      %dma_wait3A_137 = arith.constant 0 : i32
      %dma_wait3A_138 = arith.constant 0 : i32
      %dma_wait3A_139 = arith.constant 0 : i32
      %dma_wait3A_140 = tpu.memref_slice %arg11[%dma_wait3A_137, %dma_wait3A_138, %dma_wait3A_139] : memref<2x80x128xf32, #tpu.memory_space<vmem>> -> memref<1x80x128xf32, #tpu.memory_space<vmem>>
      %dma_wait3A_141 = tpu.memref_squeeze %dma_wait3A_140 : memref<1x80x128xf32, #tpu.memory_space<vmem>> -> memref<80x128xf32, #tpu.memory_space<vmem>>
      %dma_wait3A_142 = arith.constant 0 : i32
      %dma_wait3A_143 = tpu.memref_slice %arg9[%dma_wait3A_136, %dma_wait3A_142] : memref<2x80xi32, #tpu.memory_space<vmem>> -> memref<1x80xi32, #tpu.memory_space<vmem>>
      %dma_wait3A_144 = tpu.memref_squeeze %dma_wait3A_143 : memref<1x80xi32, #tpu.memory_space<vmem>> -> memref<80xi32, #tpu.memory_space<vmem>>
      %dma_wait3A_145 = arith.constant 0 : i32
      %dma_wait3A_146 = arith.constant 0 : i32
      %dma_wait3A_147 = tpu.memref_slice %arg3[%dma_wait3A_145, %dma_wait3A_146] : memref<10000x128xf32, #tpu.memory_space<hbm>> -> memref<10000x128xf32, #tpu.memory_space<hbm>>
      tpu.wait_indirect_dma semaphore(%arg14 : memref<!tpu.dma_semaphore, #tpu.memory_space<semaphore_mem>>) src(%dma_wait3A_147 : memref<10000x128xf32, #tpu.memory_space<hbm>>) dst(%dma_wait3A_141 : memref<80x128xf32, #tpu.memory_space<vmem>>)
      %dma_start3A_148 = arith.constant 1 : i32
      %dma_start3A_149 = arith.constant 1 : i32
      %dma_start3A_150 = arith.constant 0 : i32
      %dma_start3A_151 = arith.constant 0 : i32
      %dma_start3A_152 = tpu.memref_slice %arg10[%dma_start3A_149, %dma_start3A_150, %dma_start3A_151] : memref<2x80x128xi32, #tpu.memory_space<vmem>> -> memref<1x80x128xi32, #tpu.memory_space<vmem>>
      %dma_start3A_153 = tpu.memref_squeeze %dma_start3A_152 : memref<1x80x128xi32, #tpu.memory_space<vmem>> -> memref<80x128xi32, #tpu.memory_space<vmem>>
      %dma_start3A_154 = arith.constant 0 : i32
      %dma_start3A_155 = tpu.memref_slice %arg8[%dma_start3A_148, %dma_start3A_154] : memref<2x80xi32, #tpu.memory_space<vmem>> -> memref<1x80xi32, #tpu.memory_space<vmem>>
      %dma_start3A_156 = tpu.memref_squeeze %dma_start3A_155 : memref<1x80xi32, #tpu.memory_space<vmem>> -> memref<80xi32, #tpu.memory_space<vmem>>
      %dma_start3A_157 = arith.constant 0 : i32
      %dma_start3A_158 = arith.constant 0 : i32
      %dma_start3A_159 = tpu.memref_slice %arg2[%dma_start3A_157, %dma_start3A_158] : memref<10000x128xi32, #tpu.memory_space<hbm>> -> memref<10000x128xi32, #tpu.memory_space<hbm>>
      tpu.enqueue_indirect_dma source(%dma_start3A_159 : memref<10000x128xi32, #tpu.memory_space<hbm>>) target(%dma_start3A_153 : memref<80x128xi32, #tpu.memory_space<vmem>>) offsets(%dma_start3A_156 : memref<80xi32, #tpu.memory_space<vmem>>) semaphore(%arg15 : memref<!tpu.dma_semaphore, #tpu.memory_space<semaphore_mem>>)
      %dma_start3A_160 = arith.constant 1 : i32
      %dma_start3A_161 = arith.constant 1 : i32
      %dma_start3A_162 = arith.constant 0 : i32
      %dma_start3A_163 = arith.constant 0 : i32
      %dma_start3A_164 = tpu.memref_slice %arg11[%dma_start3A_161, %dma_start3A_162, %dma_start3A_163] : memref<2x80x128xf32, #tpu.memory_space<vmem>> -> memref<1x80x128xf32, #tpu.memory_space<vmem>>
      %dma_start3A_165 = tpu.memref_squeeze %dma_start3A_164 : memref<1x80x128xf32, #tpu.memory_space<vmem>> -> memref<80x128xf32, #tpu.memory_space<vmem>>
      %dma_start3A_166 = arith.constant 0 : i32
      %dma_start3A_167 = tpu.memref_slice %arg9[%dma_start3A_160, %dma_start3A_166] : memref<2x80xi32, #tpu.memory_space<vmem>> -> memref<1x80xi32, #tpu.memory_space<vmem>>
      %dma_start3A_168 = tpu.memref_squeeze %dma_start3A_167 : memref<1x80xi32, #tpu.memory_space<vmem>> -> memref<80xi32, #tpu.memory_space<vmem>>
      %dma_start3A_169 = arith.constant 0 : i32
      %dma_start3A_170 = arith.constant 0 : i32
      %dma_start3A_171 = tpu.memref_slice %arg3[%dma_start3A_169, %dma_start3A_170] : memref<10000x128xf32, #tpu.memory_space<hbm>> -> memref<10000x128xf32, #tpu.memory_space<hbm>>
      tpu.enqueue_indirect_dma source(%dma_start3A_171 : memref<10000x128xf32, #tpu.memory_space<hbm>>) target(%dma_start3A_165 : memref<80x128xf32, #tpu.memory_space<vmem>>) offsets(%dma_start3A_168 : memref<80xi32, #tpu.memory_space<vmem>>) semaphore(%arg15 : memref<!tpu.dma_semaphore, #tpu.memory_space<semaphore_mem>>)
      %mul3A_172 = arith.constant 80 : i32
      %mul3A_173 = arith.muli %mul3A_101, %mul3A_172 : i32
      %add3A_174 = arith.addi %mul3A_2, %mul3A_173 : i32
      %run_scoped3A = arith.constant 0 : i32
      "tpu.region"() ({
        %run_scoped3A_225 = tpu.sem_alloc : memref<!tpu.dma_semaphore, #tpu.memory_space<semaphore_mem>>
        %dma_start3A_226 = arith.constant 0 : i32
        %dma_start3A_227 = arith.constant 0 : i32
        %dma_start3A_228 = tpu.memref_slice %arg10[%run_scoped3A, %dma_start3A_226, %dma_start3A_227] : memref<2x80x128xi32, #tpu.memory_space<vmem>> -> memref<1x80x128xi32, #tpu.memory_space<vmem>>
        %dma_start3A_229 = tpu.memref_squeeze %dma_start3A_228 : memref<1x80x128xi32, #tpu.memory_space<vmem>> -> memref<80x128xi32, #tpu.memory_space<vmem>>
        %dma_start3A_230 = arith.constant 0 : i32
        %dma_start3A_231 = tpu.memref_slice %arg6[%add3A_174, %dma_start3A_230] : memref<97280x128xi32, #tpu.memory_space<hbm>> -> memref<80x128xi32, #tpu.memory_space<hbm>>
        %dma_start3A_232 = arith.constant 0 : i32
        %dma_start3A_233 = tpu.memref_slice %arg6[%add3A_174, %dma_start3A_232] : memref<97280x128xi32, #tpu.memory_space<hbm>> -> memref<80x128xi32, #tpu.memory_space<hbm>>
        %dma_start3A_234 = arith.constant 0 : i32
        %dma_start3A_235 = arith.constant 0 : i32
        %dma_start3A_236 = tpu.memref_slice %arg10[%run_scoped3A, %dma_start3A_234, %dma_start3A_235] : memref<2x80x128xi32, #tpu.memory_space<vmem>> -> memref<1x80x128xi32, #tpu.memory_space<vmem>>
        %dma_start3A_237 = tpu.memref_squeeze %dma_start3A_236 : memref<1x80x128xi32, #tpu.memory_space<vmem>> -> memref<80x128xi32, #tpu.memory_space<vmem>>
        tpu.enqueue_dma source(%dma_start3A_237 : memref<80x128xi32, #tpu.memory_space<vmem>>) target(%dma_start3A_233 : memref<80x128xi32, #tpu.memory_space<hbm>>) target_semaphore(%run_scoped3A_225 : memref<!tpu.dma_semaphore, #tpu.memory_space<semaphore_mem>>)
        %dma_wait3A_238 = arith.constant 0 : i32
        %dma_wait3A_239 = arith.constant 0 : i32
        %dma_wait3A_240 = tpu.memref_slice %arg10[%run_scoped3A, %dma_wait3A_238, %dma_wait3A_239] : memref<2x80x128xi32, #tpu.memory_space<vmem>> -> memref<1x80x128xi32, #tpu.memory_space<vmem>>
        %dma_wait3A_241 = tpu.memref_squeeze %dma_wait3A_240 : memref<1x80x128xi32, #tpu.memory_space<vmem>> -> memref<80x128xi32, #tpu.memory_space<vmem>>
        %dma_wait3A_242 = arith.constant 0 : i32
        %dma_wait3A_243 = tpu.memref_slice %arg6[%add3A_174, %dma_wait3A_242] : memref<97280x128xi32, #tpu.memory_space<hbm>> -> memref<80x128xi32, #tpu.memory_space<hbm>>
        %dma_wait3A_244 = arith.constant 0 : i32
        %dma_wait3A_245 = tpu.memref_slice %arg6[%add3A_174, %dma_wait3A_244] : memref<97280x128xi32, #tpu.memory_space<hbm>> -> memref<80x128xi32, #tpu.memory_space<hbm>>
        %dma_wait3A_246 = arith.constant 0 : i32
        %dma_wait3A_247 = arith.constant 0 : i32
        %dma_wait3A_248 = tpu.memref_slice %arg10[%run_scoped3A, %dma_wait3A_246, %dma_wait3A_247] : memref<2x80x128xi32, #tpu.memory_space<vmem>> -> memref<1x80x128xi32, #tpu.memory_space<vmem>>
        %dma_wait3A_249 = tpu.memref_squeeze %dma_wait3A_248 : memref<1x80x128xi32, #tpu.memory_space<vmem>> -> memref<80x128xi32, #tpu.memory_space<vmem>>
        tpu.wait_dma2 semaphore(%run_scoped3A_225 : memref<!tpu.dma_semaphore, #tpu.memory_space<semaphore_mem>>) src(%dma_wait3A_249 : memref<80x128xi32, #tpu.memory_space<vmem>>) dst(%dma_wait3A_245 : memref<80x128xi32, #tpu.memory_space<hbm>>)
        tpu.yield
      }) : () -> ()
      %run_scoped3A_175 = arith.constant 0 : i32
      "tpu.region"() ({
        %run_scoped3A_225 = tpu.sem_alloc : memref<!tpu.dma_semaphore, #tpu.memory_space<semaphore_mem>>
        %dma_start3A_226 = arith.constant 0 : i32
        %dma_start3A_227 = arith.constant 0 : i32
        %dma_start3A_228 = tpu.memref_slice %arg11[%run_scoped3A_175, %dma_start3A_226, %dma_start3A_227] : memref<2x80x128xf32, #tpu.memory_space<vmem>> -> memref<1x80x128xf32, #tpu.memory_space<vmem>>
        %dma_start3A_229 = tpu.memref_squeeze %dma_start3A_228 : memref<1x80x128xf32, #tpu.memory_space<vmem>> -> memref<80x128xf32, #tpu.memory_space<vmem>>
        %dma_start3A_230 = arith.constant 0 : i32
        %dma_start3A_231 = tpu.memref_slice %arg7[%add3A_174, %dma_start3A_230] : memref<97280x128xf32, #tpu.memory_space<hbm>> -> memref<80x128xf32, #tpu.memory_space<hbm>>
        %dma_start3A_232 = arith.constant 0 : i32
        %dma_start3A_233 = tpu.memref_slice %arg7[%add3A_174, %dma_start3A_232] : memref<97280x128xf32, #tpu.memory_space<hbm>> -> memref<80x128xf32, #tpu.memory_space<hbm>>
        %dma_start3A_234 = arith.constant 0 : i32
        %dma_start3A_235 = arith.constant 0 : i32
        %dma_start3A_236 = tpu.memref_slice %arg11[%run_scoped3A_175, %dma_start3A_234, %dma_start3A_235] : memref<2x80x128xf32, #tpu.memory_space<vmem>> -> memref<1x80x128xf32, #tpu.memory_space<vmem>>
        %dma_start3A_237 = tpu.memref_squeeze %dma_start3A_236 : memref<1x80x128xf32, #tpu.memory_space<vmem>> -> memref<80x128xf32, #tpu.memory_space<vmem>>
        tpu.enqueue_dma source(%dma_start3A_237 : memref<80x128xf32, #tpu.memory_space<vmem>>) target(%dma_start3A_233 : memref<80x128xf32, #tpu.memory_space<hbm>>) target_semaphore(%run_scoped3A_225 : memref<!tpu.dma_semaphore, #tpu.memory_space<semaphore_mem>>)
        %dma_wait3A_238 = arith.constant 0 : i32
        %dma_wait3A_239 = arith.constant 0 : i32
        %dma_wait3A_240 = tpu.memref_slice %arg11[%run_scoped3A_175, %dma_wait3A_238, %dma_wait3A_239] : memref<2x80x128xf32, #tpu.memory_space<vmem>> -> memref<1x80x128xf32, #tpu.memory_space<vmem>>
        %dma_wait3A_241 = tpu.memref_squeeze %dma_wait3A_240 : memref<1x80x128xf32, #tpu.memory_space<vmem>> -> memref<80x128xf32, #tpu.memory_space<vmem>>
        %dma_wait3A_242 = arith.constant 0 : i32
        %dma_wait3A_243 = tpu.memref_slice %arg7[%add3A_174, %dma_wait3A_242] : memref<97280x128xf32, #tpu.memory_space<hbm>> -> memref<80x128xf32, #tpu.memory_space<hbm>>
        %dma_wait3A_244 = arith.constant 0 : i32
        %dma_wait3A_245 = tpu.memref_slice %arg7[%add3A_174, %dma_wait3A_244] : memref<97280x128xf32, #tpu.memory_space<hbm>> -> memref<80x128xf32, #tpu.memory_space<hbm>>
        %dma_wait3A_246 = arith.constant 0 : i32
        %dma_wait3A_247 = arith.constant 0 : i32
        %dma_wait3A_248 = tpu.memref_slice %arg11[%run_scoped3A_175, %dma_wait3A_246, %dma_wait3A_247] : memref<2x80x128xf32, #tpu.memory_space<vmem>> -> memref<1x80x128xf32, #tpu.memory_space<vmem>>
        %dma_wait3A_249 = tpu.memref_squeeze %dma_wait3A_248 : memref<1x80x128xf32, #tpu.memory_space<vmem>> -> memref<80x128xf32, #tpu.memory_space<vmem>>
        tpu.wait_dma2 semaphore(%run_scoped3A_225 : memref<!tpu.dma_semaphore, #tpu.memory_space<semaphore_mem>>) src(%dma_wait3A_249 : memref<80x128xf32, #tpu.memory_space<vmem>>) dst(%dma_wait3A_245 : memref<80x128xf32, #tpu.memory_space<hbm>>)
        tpu.yield
      }) : () -> ()
      %add3A_176 = arith.constant 2 : i32
      %add3A_177 = arith.addi %mul3A_101, %add3A_176 : i32
      %lt3A = arith.constant 38 : i32
      %lt3A_178 = arith.cmpi slt, %add3A_177, %lt3A : i32
      %convert_element_type3A = arith.extui %lt3A_178 : i1 to i32
      %cond3A = arith.constant 0 : i32
      %cond3A_179 = arith.cmpi ne, %convert_element_type3A, %cond3A : i32
      scf.if %cond3A_179 {
        %add3A_225 = arith.constant 2 : i32
        %add3A_226 = arith.addi %mul3A_101, %add3A_225 : i32
        %add3A_227 = arith.constant 184320 : i32
        %add3A_228 = arith.addi %add3A_227, %mul3A_2 : i32
        %mul3A_229 = arith.constant 80 : i32
        %mul3A_230 = arith.muli %add3A_226, %mul3A_229 : i32
        %add3A_231 = arith.addi %add3A_228, %mul3A_230 : i32
        %dma_start3A_232 = arith.constant 0 : i32
        %dma_start3A_233 = arith.constant 0 : i32
        %dma_start3A_234 = tpu.memref_slice %arg8[%dma_start3A_232, %dma_start3A_233] : memref<2x80xi32, #tpu.memory_space<vmem>> -> memref<1x80xi32, #tpu.memory_space<vmem>>
        %dma_start3A_235 = tpu.memref_squeeze %dma_start3A_234 : memref<1x80xi32, #tpu.memory_space<vmem>> -> memref<80xi32, #tpu.memory_space<vmem>>
        %dma_start3A_236 = tpu.memref_slice %arg4[%add3A_231] : memref<320000xi32, #tpu.memory_space<hbm>> -> memref<80xi32, #tpu.memory_space<hbm>>
        %dma_start3A_237 = arith.constant 0 : i32
        %dma_start3A_238 = tpu.memref_slice %arg8[%dma_start3A_232, %dma_start3A_237] : memref<2x80xi32, #tpu.memory_space<vmem>> -> memref<1x80xi32, #tpu.memory_space<vmem>>
        %dma_start3A_239 = tpu.memref_squeeze %dma_start3A_238 : memref<1x80xi32, #tpu.memory_space<vmem>> -> memref<80xi32, #tpu.memory_space<vmem>>
        %dma_start3A_240 = tpu.memref_slice %arg4[%add3A_231] : memref<320000xi32, #tpu.memory_space<hbm>> -> memref<80xi32, #tpu.memory_space<hbm>>
        tpu.enqueue_dma source(%dma_start3A_240 : memref<80xi32, #tpu.memory_space<hbm>>) target(%dma_start3A_239 : memref<80xi32, #tpu.memory_space<vmem>>) target_semaphore(%arg12 : memref<!tpu.dma_semaphore, #tpu.memory_space<semaphore_mem>>)
        %dma_start3A_241 = arith.constant 0 : i32
        %dma_start3A_242 = arith.constant 0 : i32
        %dma_start3A_243 = tpu.memref_slice %arg9[%dma_start3A_241, %dma_start3A_242] : memref<2x80xi32, #tpu.memory_space<vmem>> -> memref<1x80xi32, #tpu.memory_space<vmem>>
        %dma_start3A_244 = tpu.memref_squeeze %dma_start3A_243 : memref<1x80xi32, #tpu.memory_space<vmem>> -> memref<80xi32, #tpu.memory_space<vmem>>
        %dma_start3A_245 = tpu.memref_slice %arg5[%add3A_231] : memref<320000xi32, #tpu.memory_space<hbm>> -> memref<80xi32, #tpu.memory_space<hbm>>
        %dma_start3A_246 = arith.constant 0 : i32
        %dma_start3A_247 = tpu.memref_slice %arg9[%dma_start3A_241, %dma_start3A_246] : memref<2x80xi32, #tpu.memory_space<vmem>> -> memref<1x80xi32, #tpu.memory_space<vmem>>
        %dma_start3A_248 = tpu.memref_squeeze %dma_start3A_247 : memref<1x80xi32, #tpu.memory_space<vmem>> -> memref<80xi32, #tpu.memory_space<vmem>>
        %dma_start3A_249 = tpu.memref_slice %arg5[%add3A_231] : memref<320000xi32, #tpu.memory_space<hbm>> -> memref<80xi32, #tpu.memory_space<hbm>>
        tpu.enqueue_dma source(%dma_start3A_249 : memref<80xi32, #tpu.memory_space<hbm>>) target(%dma_start3A_248 : memref<80xi32, #tpu.memory_space<vmem>>) target_semaphore(%arg12 : memref<!tpu.dma_semaphore, #tpu.memory_space<semaphore_mem>>)
      } else {
      }
      %dma_wait3A_180 = arith.constant 1 : i32
      %dma_wait3A_181 = arith.constant 1 : i32
      %dma_wait3A_182 = arith.constant 0 : i32
      %dma_wait3A_183 = arith.constant 0 : i32
      %dma_wait3A_184 = tpu.memref_slice %arg10[%dma_wait3A_181, %dma_wait3A_182, %dma_wait3A_183] : memref<2x80x128xi32, #tpu.memory_space<vmem>> -> memref<1x80x128xi32, #tpu.memory_space<vmem>>
      %dma_wait3A_185 = tpu.memref_squeeze %dma_wait3A_184 : memref<1x80x128xi32, #tpu.memory_space<vmem>> -> memref<80x128xi32, #tpu.memory_space<vmem>>
      %dma_wait3A_186 = arith.constant 0 : i32
      %dma_wait3A_187 = tpu.memref_slice %arg8[%dma_wait3A_180, %dma_wait3A_186] : memref<2x80xi32, #tpu.memory_space<vmem>> -> memref<1x80xi32, #tpu.memory_space<vmem>>
      %dma_wait3A_188 = tpu.memref_squeeze %dma_wait3A_187 : memref<1x80xi32, #tpu.memory_space<vmem>> -> memref<80xi32, #tpu.memory_space<vmem>>
      %dma_wait3A_189 = arith.constant 0 : i32
      %dma_wait3A_190 = arith.constant 0 : i32
      %dma_wait3A_191 = tpu.memref_slice %arg2[%dma_wait3A_189, %dma_wait3A_190] : memref<10000x128xi32, #tpu.memory_space<hbm>> -> memref<10000x128xi32, #tpu.memory_space<hbm>>
      tpu.wait_indirect_dma semaphore(%arg15 : memref<!tpu.dma_semaphore, #tpu.memory_space<semaphore_mem>>) src(%dma_wait3A_191 : memref<10000x128xi32, #tpu.memory_space<hbm>>) dst(%dma_wait3A_185 : memref<80x128xi32, #tpu.memory_space<vmem>>)
      %dma_wait3A_192 = arith.constant 1 : i32
      %dma_wait3A_193 = arith.constant 1 : i32
      %dma_wait3A_194 = arith.constant 0 : i32
      %dma_wait3A_195 = arith.constant 0 : i32
      %dma_wait3A_196 = tpu.memref_slice %arg11[%dma_wait3A_193, %dma_wait3A_194, %dma_wait3A_195] : memref<2x80x128xf32, #tpu.memory_space<vmem>> -> memref<1x80x128xf32, #tpu.memory_space<vmem>>
      %dma_wait3A_197 = tpu.memref_squeeze %dma_wait3A_196 : memref<1x80x128xf32, #tpu.memory_space<vmem>> -> memref<80x128xf32, #tpu.memory_space<vmem>>
      %dma_wait3A_198 = arith.constant 0 : i32
      %dma_wait3A_199 = tpu.memref_slice %arg9[%dma_wait3A_192, %dma_wait3A_198] : memref<2x80xi32, #tpu.memory_space<vmem>> -> memref<1x80xi32, #tpu.memory_space<vmem>>
      %dma_wait3A_200 = tpu.memref_squeeze %dma_wait3A_199 : memref<1x80xi32, #tpu.memory_space<vmem>> -> memref<80xi32, #tpu.memory_space<vmem>>
      %dma_wait3A_201 = arith.constant 0 : i32
      %dma_wait3A_202 = arith.constant 0 : i32
      %dma_wait3A_203 = tpu.memref_slice %arg3[%dma_wait3A_201, %dma_wait3A_202] : memref<10000x128xf32, #tpu.memory_space<hbm>> -> memref<10000x128xf32, #tpu.memory_space<hbm>>
      tpu.wait_indirect_dma semaphore(%arg15 : memref<!tpu.dma_semaphore, #tpu.memory_space<semaphore_mem>>) src(%dma_wait3A_203 : memref<10000x128xf32, #tpu.memory_space<hbm>>) dst(%dma_wait3A_197 : memref<80x128xf32, #tpu.memory_space<vmem>>)
      %add3A_204 = arith.constant 1 : i32
      %add3A_205 = arith.addi %mul3A_101, %add3A_204 : i32
      %mul3A_206 = arith.constant 80 : i32
      %mul3A_207 = arith.muli %add3A_205, %mul3A_206 : i32
      %add3A_208 = arith.addi %mul3A_2, %mul3A_207 : i32
      %run_scoped3A_209 = arith.constant 1 : i32
      "tpu.region"() ({
        %run_scoped3A_225 = tpu.sem_alloc : memref<!tpu.dma_semaphore, #tpu.memory_space<semaphore_mem>>
        %dma_start3A_226 = arith.constant 0 : i32
        %dma_start3A_227 = arith.constant 0 : i32
        %dma_start3A_228 = tpu.memref_slice %arg10[%run_scoped3A_209, %dma_start3A_226, %dma_start3A_227] : memref<2x80x128xi32, #tpu.memory_space<vmem>> -> memref<1x80x128xi32, #tpu.memory_space<vmem>>
        %dma_start3A_229 = tpu.memref_squeeze %dma_start3A_228 : memref<1x80x128xi32, #tpu.memory_space<vmem>> -> memref<80x128xi32, #tpu.memory_space<vmem>>
        %dma_start3A_230 = arith.constant 0 : i32
        %dma_start3A_231 = tpu.memref_slice %arg6[%add3A_208, %dma_start3A_230] : memref<97280x128xi32, #tpu.memory_space<hbm>> -> memref<80x128xi32, #tpu.memory_space<hbm>>
        %dma_start3A_232 = arith.constant 0 : i32
        %dma_start3A_233 = tpu.memref_slice %arg6[%add3A_208, %dma_start3A_232] : memref<97280x128xi32, #tpu.memory_space<hbm>> -> memref<80x128xi32, #tpu.memory_space<hbm>>
        %dma_start3A_234 = arith.constant 0 : i32
        %dma_start3A_235 = arith.constant 0 : i32
        %dma_start3A_236 = tpu.memref_slice %arg10[%run_scoped3A_209, %dma_start3A_234, %dma_start3A_235] : memref<2x80x128xi32, #tpu.memory_space<vmem>> -> memref<1x80x128xi32, #tpu.memory_space<vmem>>
        %dma_start3A_237 = tpu.memref_squeeze %dma_start3A_236 : memref<1x80x128xi32, #tpu.memory_space<vmem>> -> memref<80x128xi32, #tpu.memory_space<vmem>>
        tpu.enqueue_dma source(%dma_start3A_237 : memref<80x128xi32, #tpu.memory_space<vmem>>) target(%dma_start3A_233 : memref<80x128xi32, #tpu.memory_space<hbm>>) target_semaphore(%run_scoped3A_225 : memref<!tpu.dma_semaphore, #tpu.memory_space<semaphore_mem>>)
        %dma_wait3A_238 = arith.constant 0 : i32
        %dma_wait3A_239 = arith.constant 0 : i32
        %dma_wait3A_240 = tpu.memref_slice %arg10[%run_scoped3A_209, %dma_wait3A_238, %dma_wait3A_239] : memref<2x80x128xi32, #tpu.memory_space<vmem>> -> memref<1x80x128xi32, #tpu.memory_space<vmem>>
        %dma_wait3A_241 = tpu.memref_squeeze %dma_wait3A_240 : memref<1x80x128xi32, #tpu.memory_space<vmem>> -> memref<80x128xi32, #tpu.memory_space<vmem>>
        %dma_wait3A_242 = arith.constant 0 : i32
        %dma_wait3A_243 = tpu.memref_slice %arg6[%add3A_208, %dma_wait3A_242] : memref<97280x128xi32, #tpu.memory_space<hbm>> -> memref<80x128xi32, #tpu.memory_space<hbm>>
        %dma_wait3A_244 = arith.constant 0 : i32
        %dma_wait3A_245 = tpu.memref_slice %arg6[%add3A_208, %dma_wait3A_244] : memref<97280x128xi32, #tpu.memory_space<hbm>> -> memref<80x128xi32, #tpu.memory_space<hbm>>
        %dma_wait3A_246 = arith.constant 0 : i32
        %dma_wait3A_247 = arith.constant 0 : i32
        %dma_wait3A_248 = tpu.memref_slice %arg10[%run_scoped3A_209, %dma_wait3A_246, %dma_wait3A_247] : memref<2x80x128xi32, #tpu.memory_space<vmem>> -> memref<1x80x128xi32, #tpu.memory_space<vmem>>
        %dma_wait3A_249 = tpu.memref_squeeze %dma_wait3A_248 : memref<1x80x128xi32, #tpu.memory_space<vmem>> -> memref<80x128xi32, #tpu.memory_space<vmem>>
        tpu.wait_dma2 semaphore(%run_scoped3A_225 : memref<!tpu.dma_semaphore, #tpu.memory_space<semaphore_mem>>) src(%dma_wait3A_249 : memref<80x128xi32, #tpu.memory_space<vmem>>) dst(%dma_wait3A_245 : memref<80x128xi32, #tpu.memory_space<hbm>>)
        tpu.yield
      }) : () -> ()
      %run_scoped3A_210 = arith.constant 1 : i32
      "tpu.region"() ({
        %run_scoped3A_225 = tpu.sem_alloc : memref<!tpu.dma_semaphore, #tpu.memory_space<semaphore_mem>>
        %dma_start3A_226 = arith.constant 0 : i32
        %dma_start3A_227 = arith.constant 0 : i32
        %dma_start3A_228 = tpu.memref_slice %arg11[%run_scoped3A_210, %dma_start3A_226, %dma_start3A_227] : memref<2x80x128xf32, #tpu.memory_space<vmem>> -> memref<1x80x128xf32, #tpu.memory_space<vmem>>
        %dma_start3A_229 = tpu.memref_squeeze %dma_start3A_228 : memref<1x80x128xf32, #tpu.memory_space<vmem>> -> memref<80x128xf32, #tpu.memory_space<vmem>>
        %dma_start3A_230 = arith.constant 0 : i32
        %dma_start3A_231 = tpu.memref_slice %arg7[%add3A_208, %dma_start3A_230] : memref<97280x128xf32, #tpu.memory_space<hbm>> -> memref<80x128xf32, #tpu.memory_space<hbm>>
        %dma_start3A_232 = arith.constant 0 : i32
        %dma_start3A_233 = tpu.memref_slice %arg7[%add3A_208, %dma_start3A_232] : memref<97280x128xf32, #tpu.memory_space<hbm>> -> memref<80x128xf32, #tpu.memory_space<hbm>>
        %dma_start3A_234 = arith.constant 0 : i32
        %dma_start3A_235 = arith.constant 0 : i32
        %dma_start3A_236 = tpu.memref_slice %arg11[%run_scoped3A_210, %dma_start3A_234, %dma_start3A_235] : memref<2x80x128xf32, #tpu.memory_space<vmem>> -> memref<1x80x128xf32, #tpu.memory_space<vmem>>
        %dma_start3A_237 = tpu.memref_squeeze %dma_start3A_236 : memref<1x80x128xf32, #tpu.memory_space<vmem>> -> memref<80x128xf32, #tpu.memory_space<vmem>>
        tpu.enqueue_dma source(%dma_start3A_237 : memref<80x128xf32, #tpu.memory_space<vmem>>) target(%dma_start3A_233 : memref<80x128xf32, #tpu.memory_space<hbm>>) target_semaphore(%run_scoped3A_225 : memref<!tpu.dma_semaphore, #tpu.memory_space<semaphore_mem>>)
        %dma_wait3A_238 = arith.constant 0 : i32
        %dma_wait3A_239 = arith.constant 0 : i32
        %dma_wait3A_240 = tpu.memref_slice %arg11[%run_scoped3A_210, %dma_wait3A_238, %dma_wait3A_239] : memref<2x80x128xf32, #tpu.memory_space<vmem>> -> memref<1x80x128xf32, #tpu.memory_space<vmem>>
        %dma_wait3A_241 = tpu.memref_squeeze %dma_wait3A_240 : memref<1x80x128xf32, #tpu.memory_space<vmem>> -> memref<80x128xf32, #tpu.memory_space<vmem>>
        %dma_wait3A_242 = arith.constant 0 : i32
        %dma_wait3A_243 = tpu.memref_slice %arg7[%add3A_208, %dma_wait3A_242] : memref<97280x128xf32, #tpu.memory_space<hbm>> -> memref<80x128xf32, #tpu.memory_space<hbm>>
        %dma_wait3A_244 = arith.constant 0 : i32
        %dma_wait3A_245 = tpu.memref_slice %arg7[%add3A_208, %dma_wait3A_244] : memref<97280x128xf32, #tpu.memory_space<hbm>> -> memref<80x128xf32, #tpu.memory_space<hbm>>
        %dma_wait3A_246 = arith.constant 0 : i32
        %dma_wait3A_247 = arith.constant 0 : i32
        %dma_wait3A_248 = tpu.memref_slice %arg11[%run_scoped3A_210, %dma_wait3A_246, %dma_wait3A_247] : memref<2x80x128xf32, #tpu.memory_space<vmem>> -> memref<1x80x128xf32, #tpu.memory_space<vmem>>
        %dma_wait3A_249 = tpu.memref_squeeze %dma_wait3A_248 : memref<1x80x128xf32, #tpu.memory_space<vmem>> -> memref<80x128xf32, #tpu.memory_space<vmem>>
        tpu.wait_dma2 semaphore(%run_scoped3A_225 : memref<!tpu.dma_semaphore, #tpu.memory_space<semaphore_mem>>) src(%dma_wait3A_249 : memref<80x128xf32, #tpu.memory_space<vmem>>) dst(%dma_wait3A_245 : memref<80x128xf32, #tpu.memory_space<hbm>>)
        tpu.yield
      }) : () -> ()
      %add3A_211 = arith.constant 3 : i32
      %add3A_212 = arith.addi %mul3A_101, %add3A_211 : i32
      %lt3A_213 = arith.constant 38 : i32
      %lt3A_214 = arith.cmpi slt, %add3A_212, %lt3A_213 : i32
      %convert_element_type3A_215 = arith.extui %lt3A_214 : i1 to i32
      %cond3A_216 = arith.constant 0 : i32
      %cond3A_217 = arith.cmpi ne, %convert_element_type3A_215, %cond3A_216 : i32
      scf.if %cond3A_217 {
        %add3A_225 = arith.constant 3 : i32
        %add3A_226 = arith.addi %mul3A_101, %add3A_225 : i32
        %add3A_227 = arith.constant 184320 : i32
        %add3A_228 = arith.addi %add3A_227, %mul3A_2 : i32
        %mul3A_229 = arith.constant 80 : i32
        %mul3A_230 = arith.muli %add3A_226, %mul3A_229 : i32
        %add3A_231 = arith.addi %add3A_228, %mul3A_230 : i32
        %dma_start3A_232 = arith.constant 1 : i32
        %dma_start3A_233 = arith.constant 0 : i32
        %dma_start3A_234 = tpu.memref_slice %arg8[%dma_start3A_232, %dma_start3A_233] : memref<2x80xi32, #tpu.memory_space<vmem>> -> memref<1x80xi32, #tpu.memory_space<vmem>>
        %dma_start3A_235 = tpu.memref_squeeze %dma_start3A_234 : memref<1x80xi32, #tpu.memory_space<vmem>> -> memref<80xi32, #tpu.memory_space<vmem>>
        %dma_start3A_236 = tpu.memref_slice %arg4[%add3A_231] : memref<320000xi32, #tpu.memory_space<hbm>> -> memref<80xi32, #tpu.memory_space<hbm>>
        %dma_start3A_237 = arith.constant 0 : i32
        %dma_start3A_238 = tpu.memref_slice %arg8[%dma_start3A_232, %dma_start3A_237] : memref<2x80xi32, #tpu.memory_space<vmem>> -> memref<1x80xi32, #tpu.memory_space<vmem>>
        %dma_start3A_239 = tpu.memref_squeeze %dma_start3A_238 : memref<1x80xi32, #tpu.memory_space<vmem>> -> memref<80xi32, #tpu.memory_space<vmem>>
        %dma_start3A_240 = tpu.memref_slice %arg4[%add3A_231] : memref<320000xi32, #tpu.memory_space<hbm>> -> memref<80xi32, #tpu.memory_space<hbm>>
        tpu.enqueue_dma source(%dma_start3A_240 : memref<80xi32, #tpu.memory_space<hbm>>) target(%dma_start3A_239 : memref<80xi32, #tpu.memory_space<vmem>>) target_semaphore(%arg13 : memref<!tpu.dma_semaphore, #tpu.memory_space<semaphore_mem>>)
        %dma_start3A_241 = arith.constant 1 : i32
        %dma_start3A_242 = arith.constant 0 : i32
        %dma_start3A_243 = tpu.memref_slice %arg9[%dma_start3A_241, %dma_start3A_242] : memref<2x80xi32, #tpu.memory_space<vmem>> -> memref<1x80xi32, #tpu.memory_space<vmem>>
        %dma_start3A_244 = tpu.memref_squeeze %dma_start3A_243 : memref<1x80xi32, #tpu.memory_space<vmem>> -> memref<80xi32, #tpu.memory_space<vmem>>
        %dma_start3A_245 = tpu.memref_slice %arg5[%add3A_231] : memref<320000xi32, #tpu.memory_space<hbm>> -> memref<80xi32, #tpu.memory_space<hbm>>
        %dma_start3A_246 = arith.constant 0 : i32
        %dma_start3A_247 = tpu.memref_slice %arg9[%dma_start3A_241, %dma_start3A_246] : memref<2x80xi32, #tpu.memory_space<vmem>> -> memref<1x80xi32, #tpu.memory_space<vmem>>
        %dma_start3A_248 = tpu.memref_squeeze %dma_start3A_247 : memref<1x80xi32, #tpu.memory_space<vmem>> -> memref<80xi32, #tpu.memory_space<vmem>>
        %dma_start3A_249 = tpu.memref_slice %arg5[%add3A_231] : memref<320000xi32, #tpu.memory_space<hbm>> -> memref<80xi32, #tpu.memory_space<hbm>>
        tpu.enqueue_dma source(%dma_start3A_249 : memref<80xi32, #tpu.memory_space<hbm>>) target(%dma_start3A_248 : memref<80xi32, #tpu.memory_space<vmem>>) target_semaphore(%arg13 : memref<!tpu.dma_semaphore, #tpu.memory_space<semaphore_mem>>)
      } else {
      }
      %add3A_218 = arith.constant 2 : i32
      %add3A_219 = arith.addi %mul3A_101, %add3A_218 : i32
      %lt3A_220 = arith.constant 38 : i32
      %lt3A_221 = arith.cmpi slt, %add3A_219, %lt3A_220 : i32
      %convert_element_type3A_222 = arith.extui %lt3A_221 : i1 to i32
      %cond3A_223 = arith.constant 0 : i32
      %cond3A_224 = arith.cmpi ne, %convert_element_type3A_222, %cond3A_223 : i32
      scf.if %cond3A_224 {
        %dma_wait3A_225 = arith.constant 0 : i32
        %dma_wait3A_226 = arith.constant 0 : i32
        %dma_wait3A_227 = tpu.memref_slice %arg8[%dma_wait3A_225, %dma_wait3A_226] : memref<2x80xi32, #tpu.memory_space<vmem>> -> memref<1x80xi32, #tpu.memory_space<vmem>>
        %dma_wait3A_228 = tpu.memref_squeeze %dma_wait3A_227 : memref<1x80xi32, #tpu.memory_space<vmem>> -> memref<80xi32, #tpu.memory_space<vmem>>
        %dma_wait3A_229 = arith.constant 0 : i32
        %dma_wait3A_230 = tpu.memref_slice %arg4[%dma_wait3A_229] : memref<320000xi32, #tpu.memory_space<hbm>> -> memref<80xi32, #tpu.memory_space<hbm>>
        %dma_wait3A_231 = arith.constant 0 : i32
        %dma_wait3A_232 = tpu.memref_slice %arg8[%dma_wait3A_225, %dma_wait3A_231] : memref<2x80xi32, #tpu.memory_space<vmem>> -> memref<1x80xi32, #tpu.memory_space<vmem>>
        %dma_wait3A_233 = tpu.memref_squeeze %dma_wait3A_232 : memref<1x80xi32, #tpu.memory_space<vmem>> -> memref<80xi32, #tpu.memory_space<vmem>>
        %dma_wait3A_234 = arith.constant 0 : i32
        %dma_wait3A_235 = tpu.memref_slice %arg4[%dma_wait3A_234] : memref<320000xi32, #tpu.memory_space<hbm>> -> memref<80xi32, #tpu.memory_space<hbm>>
        tpu.wait_dma2 semaphore(%arg12 : memref<!tpu.dma_semaphore, #tpu.memory_space<semaphore_mem>>) src(%dma_wait3A_235 : memref<80xi32, #tpu.memory_space<hbm>>) dst(%dma_wait3A_233 : memref<80xi32, #tpu.memory_space<vmem>>)
        %dma_wait3A_236 = arith.constant 0 : i32
        %dma_wait3A_237 = arith.constant 0 : i32
        %dma_wait3A_238 = tpu.memref_slice %arg9[%dma_wait3A_236, %dma_wait3A_237] : memref<2x80xi32, #tpu.memory_space<vmem>> -> memref<1x80xi32, #tpu.memory_space<vmem>>
        %dma_wait3A_239 = tpu.memref_squeeze %dma_wait3A_238 : memref<1x80xi32, #tpu.memory_space<vmem>> -> memref<80xi32, #tpu.memory_space<vmem>>
        %dma_wait3A_240 = arith.constant 0 : i32
        %dma_wait3A_241 = tpu.memref_slice %arg5[%dma_wait3A_240] : memref<320000xi32, #tpu.memory_space<hbm>> -> memref<80xi32, #tpu.memory_space<hbm>>
        %dma_wait3A_242 = arith.constant 0 : i32
        %dma_wait3A_243 = tpu.memref_slice %arg9[%dma_wait3A_236, %dma_wait3A_242] : memref<2x80xi32, #tpu.memory_space<vmem>> -> memref<1x80xi32, #tpu.memory_space<vmem>>
        %dma_wait3A_244 = tpu.memref_squeeze %dma_wait3A_243 : memref<1x80xi32, #tpu.memory_space<vmem>> -> memref<80xi32, #tpu.memory_space<vmem>>
        %dma_wait3A_245 = arith.constant 0 : i32
        %dma_wait3A_246 = tpu.memref_slice %arg5[%dma_wait3A_245] : memref<320000xi32, #tpu.memory_space<hbm>> -> memref<80xi32, #tpu.memory_space<hbm>>
        tpu.wait_dma2 semaphore(%arg12 : memref<!tpu.dma_semaphore, #tpu.memory_space<semaphore_mem>>) src(%dma_wait3A_246 : memref<80xi32, #tpu.memory_space<hbm>>) dst(%dma_wait3A_244 : memref<80xi32, #tpu.memory_space<vmem>>)
        %dma_start3A_247 = arith.constant 0 : i32
        %dma_start3A_248 = arith.constant 0 : i32
        %dma_start3A_249 = arith.constant 0 : i32
        %dma_start3A_250 = arith.constant 0 : i32
        %dma_start3A_251 = tpu.memref_slice %arg10[%dma_start3A_248, %dma_start3A_249, %dma_start3A_250] : memref<2x80x128xi32, #tpu.memory_space<vmem>> -> memref<1x80x128xi32, #tpu.memory_space<vmem>>
        %dma_start3A_252 = tpu.memref_squeeze %dma_start3A_251 : memref<1x80x128xi32, #tpu.memory_space<vmem>> -> memref<80x128xi32, #tpu.memory_space<vmem>>
        %dma_start3A_253 = arith.constant 0 : i32
        %dma_start3A_254 = tpu.memref_slice %arg8[%dma_start3A_247, %dma_start3A_253] : memref<2x80xi32, #tpu.memory_space<vmem>> -> memref<1x80xi32, #tpu.memory_space<vmem>>
        %dma_start3A_255 = tpu.memref_squeeze %dma_start3A_254 : memref<1x80xi32, #tpu.memory_space<vmem>> -> memref<80xi32, #tpu.memory_space<vmem>>
        %dma_start3A_256 = arith.constant 0 : i32
        %dma_start3A_257 = arith.constant 0 : i32
        %dma_start3A_258 = tpu.memref_slice %arg2[%dma_start3A_256, %dma_start3A_257] : memref<10000x128xi32, #tpu.memory_space<hbm>> -> memref<10000x128xi32, #tpu.memory_space<hbm>>
        tpu.enqueue_indirect_dma source(%dma_start3A_258 : memref<10000x128xi32, #tpu.memory_space<hbm>>) target(%dma_start3A_252 : memref<80x128xi32, #tpu.memory_space<vmem>>) offsets(%dma_start3A_255 : memref<80xi32, #tpu.memory_space<vmem>>) semaphore(%arg14 : memref<!tpu.dma_semaphore, #tpu.memory_space<semaphore_mem>>)
        %dma_start3A_259 = arith.constant 0 : i32
        %dma_start3A_260 = arith.constant 0 : i32
        %dma_start3A_261 = arith.constant 0 : i32
        %dma_start3A_262 = arith.constant 0 : i32
        %dma_start3A_263 = tpu.memref_slice %arg11[%dma_start3A_260, %dma_start3A_261, %dma_start3A_262] : memref<2x80x128xf32, #tpu.memory_space<vmem>> -> memref<1x80x128xf32, #tpu.memory_space<vmem>>
        %dma_start3A_264 = tpu.memref_squeeze %dma_start3A_263 : memref<1x80x128xf32, #tpu.memory_space<vmem>> -> memref<80x128xf32, #tpu.memory_space<vmem>>
        %dma_start3A_265 = arith.constant 0 : i32
        %dma_start3A_266 = tpu.memref_slice %arg9[%dma_start3A_259, %dma_start3A_265] : memref<2x80xi32, #tpu.memory_space<vmem>> -> memref<1x80xi32, #tpu.memory_space<vmem>>
        %dma_start3A_267 = tpu.memref_squeeze %dma_start3A_266 : memref<1x80xi32, #tpu.memory_space<vmem>> -> memref<80xi32, #tpu.memory_space<vmem>>
        %dma_start3A_268 = arith.constant 0 : i32
        %dma_start3A_269 = arith.constant 0 : i32
        %dma_start3A_270 = tpu.memref_slice %arg3[%dma_start3A_268, %dma_start3A_269] : memref<10000x128xf32, #tpu.memory_space<hbm>> -> memref<10000x128xf32, #tpu.memory_space<hbm>>
        tpu.enqueue_indirect_dma source(%dma_start3A_270 : memref<10000x128xf32, #tpu.memory_space<hbm>>) target(%dma_start3A_264 : memref<80x128xf32, #tpu.memory_space<vmem>>) offsets(%dma_start3A_267 : memref<80xi32, #tpu.memory_space<vmem>>) semaphore(%arg14 : memref<!tpu.dma_semaphore, #tpu.memory_space<semaphore_mem>>)
      } else {
      }
    }
    %scan3A_94 = arith.constant 19 : i32
    return
  }
}

#map = affine_map<(d0, d1) -> (0, 0)>
#map1 = affine_map<(d0, d1) -> (0)>
module attributes {stable_mosaic.version = 14 : i64} {
  func.func @gather_k(%arg0: i32, %arg1: i32, %arg2: memref<10000x128xi32, #tpu.memory_space<hbm>>, %arg3: memref<10000x128xf32, #tpu.memory_space<hbm>>, %arg4: memref<320000xi32, #tpu.memory_space<hbm>>, %arg5: memref<320000xi32, #tpu.memory_space<hbm>>, %arg6: memref<38400x128xi32, #tpu.memory_space<hbm>>, %arg7: memref<38400x128xf32, #tpu.memory_space<hbm>>, %arg8: memref<2x80xi32, #tpu.memory_space<vmem>>, %arg9: memref<2x80xi32, #tpu.memory_space<vmem>>, %arg10: memref<2x80x128xi32, #tpu.memory_space<vmem>>, %arg11: memref<2x80x128xf32, #tpu.memory_space<vmem>>, %arg12: memref<!tpu.dma_semaphore, #tpu.memory_space<semaphore_mem>>, %arg13: memref<!tpu.dma_semaphore, #tpu.memory_space<semaphore_mem>>, %arg14: memref<!tpu.dma_semaphore, #tpu.memory_space<semaphore_mem>>, %arg15: memref<!tpu.dma_semaphore, #tpu.memory_space<semaphore_mem>>) attributes {dimension_semantics = [#tpu.dimension_semantics<core_parallel>, #tpu.dimension_semantics<subcore_parallel>], iteration_bounds = array<i64: 2, 16>, scalar_prefetch = 0 : i64, scratch_operands = 8 : i64, tpu.core_type = #tpu.core_type<sc_vector_subcore>, window_params = [{transform_indices = #map}, {transform_indices = #map}, {transform_indices = #map1}, {transform_indices = #map1}, {transform_indices = #map}, {transform_indices = #map}]} {
    %mul3A = arith.constant 2 : i32
    %mul3A_0 = arith.muli %arg1, %mul3A : i32
    %add3A = arith.addi %mul3A_0, %arg0 : i32
    %mul3A_1 = arith.constant 1200 : i32
    %mul3A_2 = arith.muli %add3A, %mul3A_1 : i32
    %add3A_3 = arith.constant 281600 : i32
    %add3A_4 = arith.addi %add3A_3, %mul3A_2 : i32
    %add3A_5 = arith.constant 0 : i32
    %add3A_6 = arith.addi %add3A_4, %add3A_5 : i32
    %dma_start3A = arith.constant 0 : i32
    %dma_start3A_7 = arith.constant 0 : i32
    %dma_start3A_8 = tpu.memref_slice %arg8[%dma_start3A, %dma_start3A_7] : memref<2x80xi32, #tpu.memory_space<vmem>> -> memref<1x80xi32, #tpu.memory_space<vmem>>
    %dma_start3A_9 = tpu.memref_squeeze %dma_start3A_8 : memref<1x80xi32, #tpu.memory_space<vmem>> -> memref<80xi32, #tpu.memory_space<vmem>>
    %dma_start3A_10 = tpu.memref_slice %arg4[%add3A_6] : memref<320000xi32, #tpu.memory_space<hbm>> -> memref<80xi32, #tpu.memory_space<hbm>>
    %dma_start3A_11 = arith.constant 0 : i32
    %dma_start3A_12 = tpu.memref_slice %arg8[%dma_start3A, %dma_start3A_11] : memref<2x80xi32, #tpu.memory_space<vmem>> -> memref<1x80xi32, #tpu.memory_space<vmem>>
    %dma_start3A_13 = tpu.memref_squeeze %dma_start3A_12 : memref<1x80xi32, #tpu.memory_space<vmem>> -> memref<80xi32, #tpu.memory_space<vmem>>
    %dma_start3A_14 = tpu.memref_slice %arg4[%add3A_6] : memref<320000xi32, #tpu.memory_space<hbm>> -> memref<80xi32, #tpu.memory_space<hbm>>
    tpu.enqueue_dma source(%dma_start3A_14 : memref<80xi32, #tpu.memory_space<hbm>>) target(%dma_start3A_13 : memref<80xi32, #tpu.memory_space<vmem>>) target_semaphore(%arg12 : memref<!tpu.dma_semaphore, #tpu.memory_space<semaphore_mem>>)
    %dma_start3A_15 = arith.constant 0 : i32
    %dma_start3A_16 = arith.constant 0 : i32
    %dma_start3A_17 = tpu.memref_slice %arg9[%dma_start3A_15, %dma_start3A_16] : memref<2x80xi32, #tpu.memory_space<vmem>> -> memref<1x80xi32, #tpu.memory_space<vmem>>
    %dma_start3A_18 = tpu.memref_squeeze %dma_start3A_17 : memref<1x80xi32, #tpu.memory_space<vmem>> -> memref<80xi32, #tpu.memory_space<vmem>>
    %dma_start3A_19 = tpu.memref_slice %arg5[%add3A_6] : memref<320000xi32, #tpu.memory_space<hbm>> -> memref<80xi32, #tpu.memory_space<hbm>>
    %dma_start3A_20 = arith.constant 0 : i32
    %dma_start3A_21 = tpu.memref_slice %arg9[%dma_start3A_15, %dma_start3A_20] : memref<2x80xi32, #tpu.memory_space<vmem>> -> memref<1x80xi32, #tpu.memory_space<vmem>>
    %dma_start3A_22 = tpu.memref_squeeze %dma_start3A_21 : memref<1x80xi32, #tpu.memory_space<vmem>> -> memref<80xi32, #tpu.memory_space<vmem>>
    %dma_start3A_23 = tpu.memref_slice %arg5[%add3A_6] : memref<320000xi32, #tpu.memory_space<hbm>> -> memref<80xi32, #tpu.memory_space<hbm>>
    tpu.enqueue_dma source(%dma_start3A_23 : memref<80xi32, #tpu.memory_space<hbm>>) target(%dma_start3A_22 : memref<80xi32, #tpu.memory_space<vmem>>) target_semaphore(%arg12 : memref<!tpu.dma_semaphore, #tpu.memory_space<semaphore_mem>>)
    %add3A_24 = arith.constant 281600 : i32
    %add3A_25 = arith.addi %add3A_24, %mul3A_2 : i32
    %add3A_26 = arith.constant 80 : i32
    %add3A_27 = arith.addi %add3A_25, %add3A_26 : i32
    %dma_start3A_28 = arith.constant 1 : i32
    %dma_start3A_29 = arith.constant 0 : i32
    %dma_start3A_30 = tpu.memref_slice %arg8[%dma_start3A_28, %dma_start3A_29] : memref<2x80xi32, #tpu.memory_space<vmem>> -> memref<1x80xi32, #tpu.memory_space<vmem>>
    %dma_start3A_31 = tpu.memref_squeeze %dma_start3A_30 : memref<1x80xi32, #tpu.memory_space<vmem>> -> memref<80xi32, #tpu.memory_space<vmem>>
    %dma_start3A_32 = tpu.memref_slice %arg4[%add3A_27] : memref<320000xi32, #tpu.memory_space<hbm>> -> memref<80xi32, #tpu.memory_space<hbm>>
    %dma_start3A_33 = arith.constant 0 : i32
    %dma_start3A_34 = tpu.memref_slice %arg8[%dma_start3A_28, %dma_start3A_33] : memref<2x80xi32, #tpu.memory_space<vmem>> -> memref<1x80xi32, #tpu.memory_space<vmem>>
    %dma_start3A_35 = tpu.memref_squeeze %dma_start3A_34 : memref<1x80xi32, #tpu.memory_space<vmem>> -> memref<80xi32, #tpu.memory_space<vmem>>
    %dma_start3A_36 = tpu.memref_slice %arg4[%add3A_27] : memref<320000xi32, #tpu.memory_space<hbm>> -> memref<80xi32, #tpu.memory_space<hbm>>
    tpu.enqueue_dma source(%dma_start3A_36 : memref<80xi32, #tpu.memory_space<hbm>>) target(%dma_start3A_35 : memref<80xi32, #tpu.memory_space<vmem>>) target_semaphore(%arg13 : memref<!tpu.dma_semaphore, #tpu.memory_space<semaphore_mem>>)
    %dma_start3A_37 = arith.constant 1 : i32
    %dma_start3A_38 = arith.constant 0 : i32
    %dma_start3A_39 = tpu.memref_slice %arg9[%dma_start3A_37, %dma_start3A_38] : memref<2x80xi32, #tpu.memory_space<vmem>> -> memref<1x80xi32, #tpu.memory_space<vmem>>
    %dma_start3A_40 = tpu.memref_squeeze %dma_start3A_39 : memref<1x80xi32, #tpu.memory_space<vmem>> -> memref<80xi32, #tpu.memory_space<vmem>>
    %dma_start3A_41 = tpu.memref_slice %arg5[%add3A_27] : memref<320000xi32, #tpu.memory_space<hbm>> -> memref<80xi32, #tpu.memory_space<hbm>>
    %dma_start3A_42 = arith.constant 0 : i32
    %dma_start3A_43 = tpu.memref_slice %arg9[%dma_start3A_37, %dma_start3A_42] : memref<2x80xi32, #tpu.memory_space<vmem>> -> memref<1x80xi32, #tpu.memory_space<vmem>>
    %dma_start3A_44 = tpu.memref_squeeze %dma_start3A_43 : memref<1x80xi32, #tpu.memory_space<vmem>> -> memref<80xi32, #tpu.memory_space<vmem>>
    %dma_start3A_45 = tpu.memref_slice %arg5[%add3A_27] : memref<320000xi32, #tpu.memory_space<hbm>> -> memref<80xi32, #tpu.memory_space<hbm>>
    tpu.enqueue_dma source(%dma_start3A_45 : memref<80xi32, #tpu.memory_space<hbm>>) target(%dma_start3A_44 : memref<80xi32, #tpu.memory_space<vmem>>) target_semaphore(%arg13 : memref<!tpu.dma_semaphore, #tpu.memory_space<semaphore_mem>>)
    %dma_wait3A = arith.constant 0 : i32
    %dma_wait3A_46 = arith.constant 0 : i32
    %dma_wait3A_47 = tpu.memref_slice %arg8[%dma_wait3A, %dma_wait3A_46] : memref<2x80xi32, #tpu.memory_space<vmem>> -> memref<1x80xi32, #tpu.memory_space<vmem>>
    %dma_wait3A_48 = tpu.memref_squeeze %dma_wait3A_47 : memref<1x80xi32, #tpu.memory_space<vmem>> -> memref<80xi32, #tpu.memory_space<vmem>>
    %dma_wait3A_49 = arith.constant 0 : i32
    %dma_wait3A_50 = tpu.memref_slice %arg4[%dma_wait3A_49] : memref<320000xi32, #tpu.memory_space<hbm>> -> memref<80xi32, #tpu.memory_space<hbm>>
    %dma_wait3A_51 = arith.constant 0 : i32
    %dma_wait3A_52 = tpu.memref_slice %arg8[%dma_wait3A, %dma_wait3A_51] : memref<2x80xi32, #tpu.memory_space<vmem>> -> memref<1x80xi32, #tpu.memory_space<vmem>>
    %dma_wait3A_53 = tpu.memref_squeeze %dma_wait3A_52 : memref<1x80xi32, #tpu.memory_space<vmem>> -> memref<80xi32, #tpu.memory_space<vmem>>
    %dma_wait3A_54 = arith.constant 0 : i32
    %dma_wait3A_55 = tpu.memref_slice %arg4[%dma_wait3A_54] : memref<320000xi32, #tpu.memory_space<hbm>> -> memref<80xi32, #tpu.memory_space<hbm>>
    tpu.wait_dma2 semaphore(%arg12 : memref<!tpu.dma_semaphore, #tpu.memory_space<semaphore_mem>>) src(%dma_wait3A_55 : memref<80xi32, #tpu.memory_space<hbm>>) dst(%dma_wait3A_53 : memref<80xi32, #tpu.memory_space<vmem>>)
    %dma_wait3A_56 = arith.constant 0 : i32
    %dma_wait3A_57 = arith.constant 0 : i32
    %dma_wait3A_58 = tpu.memref_slice %arg9[%dma_wait3A_56, %dma_wait3A_57] : memref<2x80xi32, #tpu.memory_space<vmem>> -> memref<1x80xi32, #tpu.memory_space<vmem>>
    %dma_wait3A_59 = tpu.memref_squeeze %dma_wait3A_58 : memref<1x80xi32, #tpu.memory_space<vmem>> -> memref<80xi32, #tpu.memory_space<vmem>>
    %dma_wait3A_60 = arith.constant 0 : i32
    %dma_wait3A_61 = tpu.memref_slice %arg5[%dma_wait3A_60] : memref<320000xi32, #tpu.memory_space<hbm>> -> memref<80xi32, #tpu.memory_space<hbm>>
    %dma_wait3A_62 = arith.constant 0 : i32
    %dma_wait3A_63 = tpu.memref_slice %arg9[%dma_wait3A_56, %dma_wait3A_62] : memref<2x80xi32, #tpu.memory_space<vmem>> -> memref<1x80xi32, #tpu.memory_space<vmem>>
    %dma_wait3A_64 = tpu.memref_squeeze %dma_wait3A_63 : memref<1x80xi32, #tpu.memory_space<vmem>> -> memref<80xi32, #tpu.memory_space<vmem>>
    %dma_wait3A_65 = arith.constant 0 : i32
    %dma_wait3A_66 = tpu.memref_slice %arg5[%dma_wait3A_65] : memref<320000xi32, #tpu.memory_space<hbm>> -> memref<80xi32, #tpu.memory_space<hbm>>
    tpu.wait_dma2 semaphore(%arg12 : memref<!tpu.dma_semaphore, #tpu.memory_space<semaphore_mem>>) src(%dma_wait3A_66 : memref<80xi32, #tpu.memory_space<hbm>>) dst(%dma_wait3A_64 : memref<80xi32, #tpu.memory_space<vmem>>)
    %dma_start3A_67 = arith.constant 0 : i32
    %dma_start3A_68 = arith.constant 0 : i32
    %dma_start3A_69 = arith.constant 0 : i32
    %dma_start3A_70 = arith.constant 0 : i32
    %dma_start3A_71 = tpu.memref_slice %arg10[%dma_start3A_68, %dma_start3A_69, %dma_start3A_70] : memref<2x80x128xi32, #tpu.memory_space<vmem>> -> memref<1x80x128xi32, #tpu.memory_space<vmem>>
    %dma_start3A_72 = tpu.memref_squeeze %dma_start3A_71 : memref<1x80x128xi32, #tpu.memory_space<vmem>> -> memref<80x128xi32, #tpu.memory_space<vmem>>
    %dma_start3A_73 = arith.constant 0 : i32
    %dma_start3A_74 = tpu.memref_slice %arg8[%dma_start3A_67, %dma_start3A_73] : memref<2x80xi32, #tpu.memory_space<vmem>> -> memref<1x80xi32, #tpu.memory_space<vmem>>
    %dma_start3A_75 = tpu.memref_squeeze %dma_start3A_74 : memref<1x80xi32, #tpu.memory_space<vmem>> -> memref<80xi32, #tpu.memory_space<vmem>>
    %dma_start3A_76 = arith.constant 0 : i32
    %dma_start3A_77 = arith.constant 0 : i32
    %dma_start3A_78 = tpu.memref_slice %arg2[%dma_start3A_76, %dma_start3A_77] : memref<10000x128xi32, #tpu.memory_space<hbm>> -> memref<10000x128xi32, #tpu.memory_space<hbm>>
    tpu.enqueue_indirect_dma source(%dma_start3A_78 : memref<10000x128xi32, #tpu.memory_space<hbm>>) target(%dma_start3A_72 : memref<80x128xi32, #tpu.memory_space<vmem>>) offsets(%dma_start3A_75 : memref<80xi32, #tpu.memory_space<vmem>>) semaphore(%arg14 : memref<!tpu.dma_semaphore, #tpu.memory_space<semaphore_mem>>)
    %dma_start3A_79 = arith.constant 0 : i32
    %dma_start3A_80 = arith.constant 0 : i32
    %dma_start3A_81 = arith.constant 0 : i32
    %dma_start3A_82 = arith.constant 0 : i32
    %dma_start3A_83 = tpu.memref_slice %arg11[%dma_start3A_80, %dma_start3A_81, %dma_start3A_82] : memref<2x80x128xf32, #tpu.memory_space<vmem>> -> memref<1x80x128xf32, #tpu.memory_space<vmem>>
    %dma_start3A_84 = tpu.memref_squeeze %dma_start3A_83 : memref<1x80x128xf32, #tpu.memory_space<vmem>> -> memref<80x128xf32, #tpu.memory_space<vmem>>
    %dma_start3A_85 = arith.constant 0 : i32
    %dma_start3A_86 = tpu.memref_slice %arg9[%dma_start3A_79, %dma_start3A_85] : memref<2x80xi32, #tpu.memory_space<vmem>> -> memref<1x80xi32, #tpu.memory_space<vmem>>
    %dma_start3A_87 = tpu.memref_squeeze %dma_start3A_86 : memref<1x80xi32, #tpu.memory_space<vmem>> -> memref<80xi32, #tpu.memory_space<vmem>>
    %dma_start3A_88 = arith.constant 0 : i32
    %dma_start3A_89 = arith.constant 0 : i32
    %dma_start3A_90 = tpu.memref_slice %arg3[%dma_start3A_88, %dma_start3A_89] : memref<10000x128xf32, #tpu.memory_space<hbm>> -> memref<10000x128xf32, #tpu.memory_space<hbm>>
    tpu.enqueue_indirect_dma source(%dma_start3A_90 : memref<10000x128xf32, #tpu.memory_space<hbm>>) target(%dma_start3A_84 : memref<80x128xf32, #tpu.memory_space<vmem>>) offsets(%dma_start3A_87 : memref<80xi32, #tpu.memory_space<vmem>>) semaphore(%arg14 : memref<!tpu.dma_semaphore, #tpu.memory_space<semaphore_mem>>)
    %scan3A = arith.constant 0 : i32
    %scan3A_91 = arith.constant 7 : i32
    %scan3A_92 = arith.addi %scan3A, %scan3A_91 : i32
    %scan3A_93 = arith.constant 1 : i32
    scf.for %scan3A_122 = %scan3A to %scan3A_92 step %scan3A_93  : i32 {
      %mul3A_123 = arith.constant 1 : i32
      %mul3A_124 = arith.muli %scan3A_122, %mul3A_123 : i32
      %add3A_125 = arith.constant 0 : i32
      %add3A_126 = arith.addi %add3A_125, %mul3A_124 : i32
      %mul3A_127 = arith.constant 2 : i32
      %mul3A_128 = arith.muli %mul3A_127, %add3A_126 : i32
      %dma_wait3A_129 = arith.constant 1 : i32
      %dma_wait3A_130 = arith.constant 0 : i32
      %dma_wait3A_131 = tpu.memref_slice %arg8[%dma_wait3A_129, %dma_wait3A_130] : memref<2x80xi32, #tpu.memory_space<vmem>> -> memref<1x80xi32, #tpu.memory_space<vmem>>
      %dma_wait3A_132 = tpu.memref_squeeze %dma_wait3A_131 : memref<1x80xi32, #tpu.memory_space<vmem>> -> memref<80xi32, #tpu.memory_space<vmem>>
      %dma_wait3A_133 = arith.constant 0 : i32
      %dma_wait3A_134 = tpu.memref_slice %arg4[%dma_wait3A_133] : memref<320000xi32, #tpu.memory_space<hbm>> -> memref<80xi32, #tpu.memory_space<hbm>>
      %dma_wait3A_135 = arith.constant 0 : i32
      %dma_wait3A_136 = tpu.memref_slice %arg8[%dma_wait3A_129, %dma_wait3A_135] : memref<2x80xi32, #tpu.memory_space<vmem>> -> memref<1x80xi32, #tpu.memory_space<vmem>>
      %dma_wait3A_137 = tpu.memref_squeeze %dma_wait3A_136 : memref<1x80xi32, #tpu.memory_space<vmem>> -> memref<80xi32, #tpu.memory_space<vmem>>
      %dma_wait3A_138 = arith.constant 0 : i32
      %dma_wait3A_139 = tpu.memref_slice %arg4[%dma_wait3A_138] : memref<320000xi32, #tpu.memory_space<hbm>> -> memref<80xi32, #tpu.memory_space<hbm>>
      tpu.wait_dma2 semaphore(%arg13 : memref<!tpu.dma_semaphore, #tpu.memory_space<semaphore_mem>>) src(%dma_wait3A_139 : memref<80xi32, #tpu.memory_space<hbm>>) dst(%dma_wait3A_137 : memref<80xi32, #tpu.memory_space<vmem>>)
      %dma_wait3A_140 = arith.constant 1 : i32
      %dma_wait3A_141 = arith.constant 0 : i32
      %dma_wait3A_142 = tpu.memref_slice %arg9[%dma_wait3A_140, %dma_wait3A_141] : memref<2x80xi32, #tpu.memory_space<vmem>> -> memref<1x80xi32, #tpu.memory_space<vmem>>
      %dma_wait3A_143 = tpu.memref_squeeze %dma_wait3A_142 : memref<1x80xi32, #tpu.memory_space<vmem>> -> memref<80xi32, #tpu.memory_space<vmem>>
      %dma_wait3A_144 = arith.constant 0 : i32
      %dma_wait3A_145 = tpu.memref_slice %arg5[%dma_wait3A_144] : memref<320000xi32, #tpu.memory_space<hbm>> -> memref<80xi32, #tpu.memory_space<hbm>>
      %dma_wait3A_146 = arith.constant 0 : i32
      %dma_wait3A_147 = tpu.memref_slice %arg9[%dma_wait3A_140, %dma_wait3A_146] : memref<2x80xi32, #tpu.memory_space<vmem>> -> memref<1x80xi32, #tpu.memory_space<vmem>>
      %dma_wait3A_148 = tpu.memref_squeeze %dma_wait3A_147 : memref<1x80xi32, #tpu.memory_space<vmem>> -> memref<80xi32, #tpu.memory_space<vmem>>
      %dma_wait3A_149 = arith.constant 0 : i32
      %dma_wait3A_150 = tpu.memref_slice %arg5[%dma_wait3A_149] : memref<320000xi32, #tpu.memory_space<hbm>> -> memref<80xi32, #tpu.memory_space<hbm>>
      tpu.wait_dma2 semaphore(%arg13 : memref<!tpu.dma_semaphore, #tpu.memory_space<semaphore_mem>>) src(%dma_wait3A_150 : memref<80xi32, #tpu.memory_space<hbm>>) dst(%dma_wait3A_148 : memref<80xi32, #tpu.memory_space<vmem>>)
      %dma_wait3A_151 = arith.constant 0 : i32
      %dma_wait3A_152 = arith.constant 0 : i32
      %dma_wait3A_153 = arith.constant 0 : i32
      %dma_wait3A_154 = arith.constant 0 : i32
      %dma_wait3A_155 = tpu.memref_slice %arg10[%dma_wait3A_152, %dma_wait3A_153, %dma_wait3A_154] : memref<2x80x128xi32, #tpu.memory_space<vmem>> -> memref<1x80x128xi32, #tpu.memory_space<vmem>>
      %dma_wait3A_156 = tpu.memref_squeeze %dma_wait3A_155 : memref<1x80x128xi32, #tpu.memory_space<vmem>> -> memref<80x128xi32, #tpu.memory_space<vmem>>
      %dma_wait3A_157 = arith.constant 0 : i32
      %dma_wait3A_158 = tpu.memref_slice %arg8[%dma_wait3A_151, %dma_wait3A_157] : memref<2x80xi32, #tpu.memory_space<vmem>> -> memref<1x80xi32, #tpu.memory_space<vmem>>
      %dma_wait3A_159 = tpu.memref_squeeze %dma_wait3A_158 : memref<1x80xi32, #tpu.memory_space<vmem>> -> memref<80xi32, #tpu.memory_space<vmem>>
      %dma_wait3A_160 = arith.constant 0 : i32
      %dma_wait3A_161 = arith.constant 0 : i32
      %dma_wait3A_162 = tpu.memref_slice %arg2[%dma_wait3A_160, %dma_wait3A_161] : memref<10000x128xi32, #tpu.memory_space<hbm>> -> memref<10000x128xi32, #tpu.memory_space<hbm>>
      tpu.wait_indirect_dma semaphore(%arg14 : memref<!tpu.dma_semaphore, #tpu.memory_space<semaphore_mem>>) src(%dma_wait3A_162 : memref<10000x128xi32, #tpu.memory_space<hbm>>) dst(%dma_wait3A_156 : memref<80x128xi32, #tpu.memory_space<vmem>>)
      %dma_wait3A_163 = arith.constant 0 : i32
      %dma_wait3A_164 = arith.constant 0 : i32
      %dma_wait3A_165 = arith.constant 0 : i32
      %dma_wait3A_166 = arith.constant 0 : i32
      %dma_wait3A_167 = tpu.memref_slice %arg11[%dma_wait3A_164, %dma_wait3A_165, %dma_wait3A_166] : memref<2x80x128xf32, #tpu.memory_space<vmem>> -> memref<1x80x128xf32, #tpu.memory_space<vmem>>
      %dma_wait3A_168 = tpu.memref_squeeze %dma_wait3A_167 : memref<1x80x128xf32, #tpu.memory_space<vmem>> -> memref<80x128xf32, #tpu.memory_space<vmem>>
      %dma_wait3A_169 = arith.constant 0 : i32
      %dma_wait3A_170 = tpu.memref_slice %arg9[%dma_wait3A_163, %dma_wait3A_169] : memref<2x80xi32, #tpu.memory_space<vmem>> -> memref<1x80xi32, #tpu.memory_space<vmem>>
      %dma_wait3A_171 = tpu.memref_squeeze %dma_wait3A_170 : memref<1x80xi32, #tpu.memory_space<vmem>> -> memref<80xi32, #tpu.memory_space<vmem>>
      %dma_wait3A_172 = arith.constant 0 : i32
      %dma_wait3A_173 = arith.constant 0 : i32
      %dma_wait3A_174 = tpu.memref_slice %arg3[%dma_wait3A_172, %dma_wait3A_173] : memref<10000x128xf32, #tpu.memory_space<hbm>> -> memref<10000x128xf32, #tpu.memory_space<hbm>>
      tpu.wait_indirect_dma semaphore(%arg14 : memref<!tpu.dma_semaphore, #tpu.memory_space<semaphore_mem>>) src(%dma_wait3A_174 : memref<10000x128xf32, #tpu.memory_space<hbm>>) dst(%dma_wait3A_168 : memref<80x128xf32, #tpu.memory_space<vmem>>)
      %dma_start3A_175 = arith.constant 1 : i32
      %dma_start3A_176 = arith.constant 1 : i32
      %dma_start3A_177 = arith.constant 0 : i32
      %dma_start3A_178 = arith.constant 0 : i32
      %dma_start3A_179 = tpu.memref_slice %arg10[%dma_start3A_176, %dma_start3A_177, %dma_start3A_178] : memref<2x80x128xi32, #tpu.memory_space<vmem>> -> memref<1x80x128xi32, #tpu.memory_space<vmem>>
      %dma_start3A_180 = tpu.memref_squeeze %dma_start3A_179 : memref<1x80x128xi32, #tpu.memory_space<vmem>> -> memref<80x128xi32, #tpu.memory_space<vmem>>
      %dma_start3A_181 = arith.constant 0 : i32
      %dma_start3A_182 = tpu.memref_slice %arg8[%dma_start3A_175, %dma_start3A_181] : memref<2x80xi32, #tpu.memory_space<vmem>> -> memref<1x80xi32, #tpu.memory_space<vmem>>
      %dma_start3A_183 = tpu.memref_squeeze %dma_start3A_182 : memref<1x80xi32, #tpu.memory_space<vmem>> -> memref<80xi32, #tpu.memory_space<vmem>>
      %dma_start3A_184 = arith.constant 0 : i32
      %dma_start3A_185 = arith.constant 0 : i32
      %dma_start3A_186 = tpu.memref_slice %arg2[%dma_start3A_184, %dma_start3A_185] : memref<10000x128xi32, #tpu.memory_space<hbm>> -> memref<10000x128xi32, #tpu.memory_space<hbm>>
      tpu.enqueue_indirect_dma source(%dma_start3A_186 : memref<10000x128xi32, #tpu.memory_space<hbm>>) target(%dma_start3A_180 : memref<80x128xi32, #tpu.memory_space<vmem>>) offsets(%dma_start3A_183 : memref<80xi32, #tpu.memory_space<vmem>>) semaphore(%arg15 : memref<!tpu.dma_semaphore, #tpu.memory_space<semaphore_mem>>)
      %dma_start3A_187 = arith.constant 1 : i32
      %dma_start3A_188 = arith.constant 1 : i32
      %dma_start3A_189 = arith.constant 0 : i32
      %dma_start3A_190 = arith.constant 0 : i32
      %dma_start3A_191 = tpu.memref_slice %arg11[%dma_start3A_188, %dma_start3A_189, %dma_start3A_190] : memref<2x80x128xf32, #tpu.memory_space<vmem>> -> memref<1x80x128xf32, #tpu.memory_space<vmem>>
      %dma_start3A_192 = tpu.memref_squeeze %dma_start3A_191 : memref<1x80x128xf32, #tpu.memory_space<vmem>> -> memref<80x128xf32, #tpu.memory_space<vmem>>
      %dma_start3A_193 = arith.constant 0 : i32
      %dma_start3A_194 = tpu.memref_slice %arg9[%dma_start3A_187, %dma_start3A_193] : memref<2x80xi32, #tpu.memory_space<vmem>> -> memref<1x80xi32, #tpu.memory_space<vmem>>
      %dma_start3A_195 = tpu.memref_squeeze %dma_start3A_194 : memref<1x80xi32, #tpu.memory_space<vmem>> -> memref<80xi32, #tpu.memory_space<vmem>>
      %dma_start3A_196 = arith.constant 0 : i32
      %dma_start3A_197 = arith.constant 0 : i32
      %dma_start3A_198 = tpu.memref_slice %arg3[%dma_start3A_196, %dma_start3A_197] : memref<10000x128xf32, #tpu.memory_space<hbm>> -> memref<10000x128xf32, #tpu.memory_space<hbm>>
      tpu.enqueue_indirect_dma source(%dma_start3A_198 : memref<10000x128xf32, #tpu.memory_space<hbm>>) target(%dma_start3A_192 : memref<80x128xf32, #tpu.memory_space<vmem>>) offsets(%dma_start3A_195 : memref<80xi32, #tpu.memory_space<vmem>>) semaphore(%arg15 : memref<!tpu.dma_semaphore, #tpu.memory_space<semaphore_mem>>)
      %mul3A_199 = arith.constant 80 : i32
      %mul3A_200 = arith.muli %mul3A_128, %mul3A_199 : i32
      %add3A_201 = arith.addi %mul3A_2, %mul3A_200 : i32
      %run_scoped3A_202 = arith.constant 0 : i32
      "tpu.region"() ({
        %run_scoped3A_253 = tpu.sem_alloc : memref<!tpu.dma_semaphore, #tpu.memory_space<semaphore_mem>>
        %dma_start3A_254 = arith.constant 0 : i32
        %dma_start3A_255 = arith.constant 0 : i32
        %dma_start3A_256 = tpu.memref_slice %arg10[%run_scoped3A_202, %dma_start3A_254, %dma_start3A_255] : memref<2x80x128xi32, #tpu.memory_space<vmem>> -> memref<1x80x128xi32, #tpu.memory_space<vmem>>
        %dma_start3A_257 = tpu.memref_squeeze %dma_start3A_256 : memref<1x80x128xi32, #tpu.memory_space<vmem>> -> memref<80x128xi32, #tpu.memory_space<vmem>>
        %dma_start3A_258 = arith.constant 0 : i32
        %dma_start3A_259 = tpu.memref_slice %arg6[%add3A_201, %dma_start3A_258] : memref<38400x128xi32, #tpu.memory_space<hbm>> -> memref<80x128xi32, #tpu.memory_space<hbm>>
        %dma_start3A_260 = arith.constant 0 : i32
        %dma_start3A_261 = tpu.memref_slice %arg6[%add3A_201, %dma_start3A_260] : memref<38400x128xi32, #tpu.memory_space<hbm>> -> memref<80x128xi32, #tpu.memory_space<hbm>>
        %dma_start3A_262 = arith.constant 0 : i32
        %dma_start3A_263 = arith.constant 0 : i32
        %dma_start3A_264 = tpu.memref_slice %arg10[%run_scoped3A_202, %dma_start3A_262, %dma_start3A_263] : memref<2x80x128xi32, #tpu.memory_space<vmem>> -> memref<1x80x128xi32, #tpu.memory_space<vmem>>
        %dma_start3A_265 = tpu.memref_squeeze %dma_start3A_264 : memref<1x80x128xi32, #tpu.memory_space<vmem>> -> memref<80x128xi32, #tpu.memory_space<vmem>>
        tpu.enqueue_dma source(%dma_start3A_265 : memref<80x128xi32, #tpu.memory_space<vmem>>) target(%dma_start3A_261 : memref<80x128xi32, #tpu.memory_space<hbm>>) target_semaphore(%run_scoped3A_253 : memref<!tpu.dma_semaphore, #tpu.memory_space<semaphore_mem>>)
        %dma_wait3A_266 = arith.constant 0 : i32
        %dma_wait3A_267 = arith.constant 0 : i32
        %dma_wait3A_268 = tpu.memref_slice %arg10[%run_scoped3A_202, %dma_wait3A_266, %dma_wait3A_267] : memref<2x80x128xi32, #tpu.memory_space<vmem>> -> memref<1x80x128xi32, #tpu.memory_space<vmem>>
        %dma_wait3A_269 = tpu.memref_squeeze %dma_wait3A_268 : memref<1x80x128xi32, #tpu.memory_space<vmem>> -> memref<80x128xi32, #tpu.memory_space<vmem>>
        %dma_wait3A_270 = arith.constant 0 : i32
        %dma_wait3A_271 = tpu.memref_slice %arg6[%add3A_201, %dma_wait3A_270] : memref<38400x128xi32, #tpu.memory_space<hbm>> -> memref<80x128xi32, #tpu.memory_space<hbm>>
        %dma_wait3A_272 = arith.constant 0 : i32
        %dma_wait3A_273 = tpu.memref_slice %arg6[%add3A_201, %dma_wait3A_272] : memref<38400x128xi32, #tpu.memory_space<hbm>> -> memref<80x128xi32, #tpu.memory_space<hbm>>
        %dma_wait3A_274 = arith.constant 0 : i32
        %dma_wait3A_275 = arith.constant 0 : i32
        %dma_wait3A_276 = tpu.memref_slice %arg10[%run_scoped3A_202, %dma_wait3A_274, %dma_wait3A_275] : memref<2x80x128xi32, #tpu.memory_space<vmem>> -> memref<1x80x128xi32, #tpu.memory_space<vmem>>
        %dma_wait3A_277 = tpu.memref_squeeze %dma_wait3A_276 : memref<1x80x128xi32, #tpu.memory_space<vmem>> -> memref<80x128xi32, #tpu.memory_space<vmem>>
        tpu.wait_dma2 semaphore(%run_scoped3A_253 : memref<!tpu.dma_semaphore, #tpu.memory_space<semaphore_mem>>) src(%dma_wait3A_277 : memref<80x128xi32, #tpu.memory_space<vmem>>) dst(%dma_wait3A_273 : memref<80x128xi32, #tpu.memory_space<hbm>>)
        tpu.yield
      }) : () -> ()
      %run_scoped3A_203 = arith.constant 0 : i32
      "tpu.region"() ({
        %run_scoped3A_253 = tpu.sem_alloc : memref<!tpu.dma_semaphore, #tpu.memory_space<semaphore_mem>>
        %dma_start3A_254 = arith.constant 0 : i32
        %dma_start3A_255 = arith.constant 0 : i32
        %dma_start3A_256 = tpu.memref_slice %arg11[%run_scoped3A_203, %dma_start3A_254, %dma_start3A_255] : memref<2x80x128xf32, #tpu.memory_space<vmem>> -> memref<1x80x128xf32, #tpu.memory_space<vmem>>
        %dma_start3A_257 = tpu.memref_squeeze %dma_start3A_256 : memref<1x80x128xf32, #tpu.memory_space<vmem>> -> memref<80x128xf32, #tpu.memory_space<vmem>>
        %dma_start3A_258 = arith.constant 0 : i32
        %dma_start3A_259 = tpu.memref_slice %arg7[%add3A_201, %dma_start3A_258] : memref<38400x128xf32, #tpu.memory_space<hbm>> -> memref<80x128xf32, #tpu.memory_space<hbm>>
        %dma_start3A_260 = arith.constant 0 : i32
        %dma_start3A_261 = tpu.memref_slice %arg7[%add3A_201, %dma_start3A_260] : memref<38400x128xf32, #tpu.memory_space<hbm>> -> memref<80x128xf32, #tpu.memory_space<hbm>>
        %dma_start3A_262 = arith.constant 0 : i32
        %dma_start3A_263 = arith.constant 0 : i32
        %dma_start3A_264 = tpu.memref_slice %arg11[%run_scoped3A_203, %dma_start3A_262, %dma_start3A_263] : memref<2x80x128xf32, #tpu.memory_space<vmem>> -> memref<1x80x128xf32, #tpu.memory_space<vmem>>
        %dma_start3A_265 = tpu.memref_squeeze %dma_start3A_264 : memref<1x80x128xf32, #tpu.memory_space<vmem>> -> memref<80x128xf32, #tpu.memory_space<vmem>>
        tpu.enqueue_dma source(%dma_start3A_265 : memref<80x128xf32, #tpu.memory_space<vmem>>) target(%dma_start3A_261 : memref<80x128xf32, #tpu.memory_space<hbm>>) target_semaphore(%run_scoped3A_253 : memref<!tpu.dma_semaphore, #tpu.memory_space<semaphore_mem>>)
        %dma_wait3A_266 = arith.constant 0 : i32
        %dma_wait3A_267 = arith.constant 0 : i32
        %dma_wait3A_268 = tpu.memref_slice %arg11[%run_scoped3A_203, %dma_wait3A_266, %dma_wait3A_267] : memref<2x80x128xf32, #tpu.memory_space<vmem>> -> memref<1x80x128xf32, #tpu.memory_space<vmem>>
        %dma_wait3A_269 = tpu.memref_squeeze %dma_wait3A_268 : memref<1x80x128xf32, #tpu.memory_space<vmem>> -> memref<80x128xf32, #tpu.memory_space<vmem>>
        %dma_wait3A_270 = arith.constant 0 : i32
        %dma_wait3A_271 = tpu.memref_slice %arg7[%add3A_201, %dma_wait3A_270] : memref<38400x128xf32, #tpu.memory_space<hbm>> -> memref<80x128xf32, #tpu.memory_space<hbm>>
        %dma_wait3A_272 = arith.constant 0 : i32
        %dma_wait3A_273 = tpu.memref_slice %arg7[%add3A_201, %dma_wait3A_272] : memref<38400x128xf32, #tpu.memory_space<hbm>> -> memref<80x128xf32, #tpu.memory_space<hbm>>
        %dma_wait3A_274 = arith.constant 0 : i32
        %dma_wait3A_275 = arith.constant 0 : i32
        %dma_wait3A_276 = tpu.memref_slice %arg11[%run_scoped3A_203, %dma_wait3A_274, %dma_wait3A_275] : memref<2x80x128xf32, #tpu.memory_space<vmem>> -> memref<1x80x128xf32, #tpu.memory_space<vmem>>
        %dma_wait3A_277 = tpu.memref_squeeze %dma_wait3A_276 : memref<1x80x128xf32, #tpu.memory_space<vmem>> -> memref<80x128xf32, #tpu.memory_space<vmem>>
        tpu.wait_dma2 semaphore(%run_scoped3A_253 : memref<!tpu.dma_semaphore, #tpu.memory_space<semaphore_mem>>) src(%dma_wait3A_277 : memref<80x128xf32, #tpu.memory_space<vmem>>) dst(%dma_wait3A_273 : memref<80x128xf32, #tpu.memory_space<hbm>>)
        tpu.yield
      }) : () -> ()
      %add3A_204 = arith.constant 2 : i32
      %add3A_205 = arith.addi %mul3A_128, %add3A_204 : i32
      %lt3A = arith.constant 15 : i32
      %lt3A_206 = arith.cmpi slt, %add3A_205, %lt3A : i32
      %convert_element_type3A = arith.extui %lt3A_206 : i1 to i32
      %cond3A = arith.constant 0 : i32
      %cond3A_207 = arith.cmpi ne, %convert_element_type3A, %cond3A : i32
      scf.if %cond3A_207 {
        %add3A_253 = arith.constant 2 : i32
        %add3A_254 = arith.addi %mul3A_128, %add3A_253 : i32
        %add3A_255 = arith.constant 281600 : i32
        %add3A_256 = arith.addi %add3A_255, %mul3A_2 : i32
        %mul3A_257 = arith.constant 80 : i32
        %mul3A_258 = arith.muli %add3A_254, %mul3A_257 : i32
        %add3A_259 = arith.addi %add3A_256, %mul3A_258 : i32
        %dma_start3A_260 = arith.constant 0 : i32
        %dma_start3A_261 = arith.constant 0 : i32
        %dma_start3A_262 = tpu.memref_slice %arg8[%dma_start3A_260, %dma_start3A_261] : memref<2x80xi32, #tpu.memory_space<vmem>> -> memref<1x80xi32, #tpu.memory_space<vmem>>
        %dma_start3A_263 = tpu.memref_squeeze %dma_start3A_262 : memref<1x80xi32, #tpu.memory_space<vmem>> -> memref<80xi32, #tpu.memory_space<vmem>>
        %dma_start3A_264 = tpu.memref_slice %arg4[%add3A_259] : memref<320000xi32, #tpu.memory_space<hbm>> -> memref<80xi32, #tpu.memory_space<hbm>>
        %dma_start3A_265 = arith.constant 0 : i32
        %dma_start3A_266 = tpu.memref_slice %arg8[%dma_start3A_260, %dma_start3A_265] : memref<2x80xi32, #tpu.memory_space<vmem>> -> memref<1x80xi32, #tpu.memory_space<vmem>>
        %dma_start3A_267 = tpu.memref_squeeze %dma_start3A_266 : memref<1x80xi32, #tpu.memory_space<vmem>> -> memref<80xi32, #tpu.memory_space<vmem>>
        %dma_start3A_268 = tpu.memref_slice %arg4[%add3A_259] : memref<320000xi32, #tpu.memory_space<hbm>> -> memref<80xi32, #tpu.memory_space<hbm>>
        tpu.enqueue_dma source(%dma_start3A_268 : memref<80xi32, #tpu.memory_space<hbm>>) target(%dma_start3A_267 : memref<80xi32, #tpu.memory_space<vmem>>) target_semaphore(%arg12 : memref<!tpu.dma_semaphore, #tpu.memory_space<semaphore_mem>>)
        %dma_start3A_269 = arith.constant 0 : i32
        %dma_start3A_270 = arith.constant 0 : i32
        %dma_start3A_271 = tpu.memref_slice %arg9[%dma_start3A_269, %dma_start3A_270] : memref<2x80xi32, #tpu.memory_space<vmem>> -> memref<1x80xi32, #tpu.memory_space<vmem>>
        %dma_start3A_272 = tpu.memref_squeeze %dma_start3A_271 : memref<1x80xi32, #tpu.memory_space<vmem>> -> memref<80xi32, #tpu.memory_space<vmem>>
        %dma_start3A_273 = tpu.memref_slice %arg5[%add3A_259] : memref<320000xi32, #tpu.memory_space<hbm>> -> memref<80xi32, #tpu.memory_space<hbm>>
        %dma_start3A_274 = arith.constant 0 : i32
        %dma_start3A_275 = tpu.memref_slice %arg9[%dma_start3A_269, %dma_start3A_274] : memref<2x80xi32, #tpu.memory_space<vmem>> -> memref<1x80xi32, #tpu.memory_space<vmem>>
        %dma_start3A_276 = tpu.memref_squeeze %dma_start3A_275 : memref<1x80xi32, #tpu.memory_space<vmem>> -> memref<80xi32, #tpu.memory_space<vmem>>
        %dma_start3A_277 = tpu.memref_slice %arg5[%add3A_259] : memref<320000xi32, #tpu.memory_space<hbm>> -> memref<80xi32, #tpu.memory_space<hbm>>
        tpu.enqueue_dma source(%dma_start3A_277 : memref<80xi32, #tpu.memory_space<hbm>>) target(%dma_start3A_276 : memref<80xi32, #tpu.memory_space<vmem>>) target_semaphore(%arg12 : memref<!tpu.dma_semaphore, #tpu.memory_space<semaphore_mem>>)
      } else {
      }
      %dma_wait3A_208 = arith.constant 1 : i32
      %dma_wait3A_209 = arith.constant 1 : i32
      %dma_wait3A_210 = arith.constant 0 : i32
      %dma_wait3A_211 = arith.constant 0 : i32
      %dma_wait3A_212 = tpu.memref_slice %arg10[%dma_wait3A_209, %dma_wait3A_210, %dma_wait3A_211] : memref<2x80x128xi32, #tpu.memory_space<vmem>> -> memref<1x80x128xi32, #tpu.memory_space<vmem>>
      %dma_wait3A_213 = tpu.memref_squeeze %dma_wait3A_212 : memref<1x80x128xi32, #tpu.memory_space<vmem>> -> memref<80x128xi32, #tpu.memory_space<vmem>>
      %dma_wait3A_214 = arith.constant 0 : i32
      %dma_wait3A_215 = tpu.memref_slice %arg8[%dma_wait3A_208, %dma_wait3A_214] : memref<2x80xi32, #tpu.memory_space<vmem>> -> memref<1x80xi32, #tpu.memory_space<vmem>>
      %dma_wait3A_216 = tpu.memref_squeeze %dma_wait3A_215 : memref<1x80xi32, #tpu.memory_space<vmem>> -> memref<80xi32, #tpu.memory_space<vmem>>
      %dma_wait3A_217 = arith.constant 0 : i32
      %dma_wait3A_218 = arith.constant 0 : i32
      %dma_wait3A_219 = tpu.memref_slice %arg2[%dma_wait3A_217, %dma_wait3A_218] : memref<10000x128xi32, #tpu.memory_space<hbm>> -> memref<10000x128xi32, #tpu.memory_space<hbm>>
      tpu.wait_indirect_dma semaphore(%arg15 : memref<!tpu.dma_semaphore, #tpu.memory_space<semaphore_mem>>) src(%dma_wait3A_219 : memref<10000x128xi32, #tpu.memory_space<hbm>>) dst(%dma_wait3A_213 : memref<80x128xi32, #tpu.memory_space<vmem>>)
      %dma_wait3A_220 = arith.constant 1 : i32
      %dma_wait3A_221 = arith.constant 1 : i32
      %dma_wait3A_222 = arith.constant 0 : i32
      %dma_wait3A_223 = arith.constant 0 : i32
      %dma_wait3A_224 = tpu.memref_slice %arg11[%dma_wait3A_221, %dma_wait3A_222, %dma_wait3A_223] : memref<2x80x128xf32, #tpu.memory_space<vmem>> -> memref<1x80x128xf32, #tpu.memory_space<vmem>>
      %dma_wait3A_225 = tpu.memref_squeeze %dma_wait3A_224 : memref<1x80x128xf32, #tpu.memory_space<vmem>> -> memref<80x128xf32, #tpu.memory_space<vmem>>
      %dma_wait3A_226 = arith.constant 0 : i32
      %dma_wait3A_227 = tpu.memref_slice %arg9[%dma_wait3A_220, %dma_wait3A_226] : memref<2x80xi32, #tpu.memory_space<vmem>> -> memref<1x80xi32, #tpu.memory_space<vmem>>
      %dma_wait3A_228 = tpu.memref_squeeze %dma_wait3A_227 : memref<1x80xi32, #tpu.memory_space<vmem>> -> memref<80xi32, #tpu.memory_space<vmem>>
      %dma_wait3A_229 = arith.constant 0 : i32
      %dma_wait3A_230 = arith.constant 0 : i32
      %dma_wait3A_231 = tpu.memref_slice %arg3[%dma_wait3A_229, %dma_wait3A_230] : memref<10000x128xf32, #tpu.memory_space<hbm>> -> memref<10000x128xf32, #tpu.memory_space<hbm>>
      tpu.wait_indirect_dma semaphore(%arg15 : memref<!tpu.dma_semaphore, #tpu.memory_space<semaphore_mem>>) src(%dma_wait3A_231 : memref<10000x128xf32, #tpu.memory_space<hbm>>) dst(%dma_wait3A_225 : memref<80x128xf32, #tpu.memory_space<vmem>>)
      %add3A_232 = arith.constant 1 : i32
      %add3A_233 = arith.addi %mul3A_128, %add3A_232 : i32
      %mul3A_234 = arith.constant 80 : i32
      %mul3A_235 = arith.muli %add3A_233, %mul3A_234 : i32
      %add3A_236 = arith.addi %mul3A_2, %mul3A_235 : i32
      %run_scoped3A_237 = arith.constant 1 : i32
      "tpu.region"() ({
        %run_scoped3A_253 = tpu.sem_alloc : memref<!tpu.dma_semaphore, #tpu.memory_space<semaphore_mem>>
        %dma_start3A_254 = arith.constant 0 : i32
        %dma_start3A_255 = arith.constant 0 : i32
        %dma_start3A_256 = tpu.memref_slice %arg10[%run_scoped3A_237, %dma_start3A_254, %dma_start3A_255] : memref<2x80x128xi32, #tpu.memory_space<vmem>> -> memref<1x80x128xi32, #tpu.memory_space<vmem>>
        %dma_start3A_257 = tpu.memref_squeeze %dma_start3A_256 : memref<1x80x128xi32, #tpu.memory_space<vmem>> -> memref<80x128xi32, #tpu.memory_space<vmem>>
        %dma_start3A_258 = arith.constant 0 : i32
        %dma_start3A_259 = tpu.memref_slice %arg6[%add3A_236, %dma_start3A_258] : memref<38400x128xi32, #tpu.memory_space<hbm>> -> memref<80x128xi32, #tpu.memory_space<hbm>>
        %dma_start3A_260 = arith.constant 0 : i32
        %dma_start3A_261 = tpu.memref_slice %arg6[%add3A_236, %dma_start3A_260] : memref<38400x128xi32, #tpu.memory_space<hbm>> -> memref<80x128xi32, #tpu.memory_space<hbm>>
        %dma_start3A_262 = arith.constant 0 : i32
        %dma_start3A_263 = arith.constant 0 : i32
        %dma_start3A_264 = tpu.memref_slice %arg10[%run_scoped3A_237, %dma_start3A_262, %dma_start3A_263] : memref<2x80x128xi32, #tpu.memory_space<vmem>> -> memref<1x80x128xi32, #tpu.memory_space<vmem>>
        %dma_start3A_265 = tpu.memref_squeeze %dma_start3A_264 : memref<1x80x128xi32, #tpu.memory_space<vmem>> -> memref<80x128xi32, #tpu.memory_space<vmem>>
        tpu.enqueue_dma source(%dma_start3A_265 : memref<80x128xi32, #tpu.memory_space<vmem>>) target(%dma_start3A_261 : memref<80x128xi32, #tpu.memory_space<hbm>>) target_semaphore(%run_scoped3A_253 : memref<!tpu.dma_semaphore, #tpu.memory_space<semaphore_mem>>)
        %dma_wait3A_266 = arith.constant 0 : i32
        %dma_wait3A_267 = arith.constant 0 : i32
        %dma_wait3A_268 = tpu.memref_slice %arg10[%run_scoped3A_237, %dma_wait3A_266, %dma_wait3A_267] : memref<2x80x128xi32, #tpu.memory_space<vmem>> -> memref<1x80x128xi32, #tpu.memory_space<vmem>>
        %dma_wait3A_269 = tpu.memref_squeeze %dma_wait3A_268 : memref<1x80x128xi32, #tpu.memory_space<vmem>> -> memref<80x128xi32, #tpu.memory_space<vmem>>
        %dma_wait3A_270 = arith.constant 0 : i32
        %dma_wait3A_271 = tpu.memref_slice %arg6[%add3A_236, %dma_wait3A_270] : memref<38400x128xi32, #tpu.memory_space<hbm>> -> memref<80x128xi32, #tpu.memory_space<hbm>>
        %dma_wait3A_272 = arith.constant 0 : i32
        %dma_wait3A_273 = tpu.memref_slice %arg6[%add3A_236, %dma_wait3A_272] : memref<38400x128xi32, #tpu.memory_space<hbm>> -> memref<80x128xi32, #tpu.memory_space<hbm>>
        %dma_wait3A_274 = arith.constant 0 : i32
        %dma_wait3A_275 = arith.constant 0 : i32
        %dma_wait3A_276 = tpu.memref_slice %arg10[%run_scoped3A_237, %dma_wait3A_274, %dma_wait3A_275] : memref<2x80x128xi32, #tpu.memory_space<vmem>> -> memref<1x80x128xi32, #tpu.memory_space<vmem>>
        %dma_wait3A_277 = tpu.memref_squeeze %dma_wait3A_276 : memref<1x80x128xi32, #tpu.memory_space<vmem>> -> memref<80x128xi32, #tpu.memory_space<vmem>>
        tpu.wait_dma2 semaphore(%run_scoped3A_253 : memref<!tpu.dma_semaphore, #tpu.memory_space<semaphore_mem>>) src(%dma_wait3A_277 : memref<80x128xi32, #tpu.memory_space<vmem>>) dst(%dma_wait3A_273 : memref<80x128xi32, #tpu.memory_space<hbm>>)
        tpu.yield
      }) : () -> ()
      %run_scoped3A_238 = arith.constant 1 : i32
      "tpu.region"() ({
        %run_scoped3A_253 = tpu.sem_alloc : memref<!tpu.dma_semaphore, #tpu.memory_space<semaphore_mem>>
        %dma_start3A_254 = arith.constant 0 : i32
        %dma_start3A_255 = arith.constant 0 : i32
        %dma_start3A_256 = tpu.memref_slice %arg11[%run_scoped3A_238, %dma_start3A_254, %dma_start3A_255] : memref<2x80x128xf32, #tpu.memory_space<vmem>> -> memref<1x80x128xf32, #tpu.memory_space<vmem>>
        %dma_start3A_257 = tpu.memref_squeeze %dma_start3A_256 : memref<1x80x128xf32, #tpu.memory_space<vmem>> -> memref<80x128xf32, #tpu.memory_space<vmem>>
        %dma_start3A_258 = arith.constant 0 : i32
        %dma_start3A_259 = tpu.memref_slice %arg7[%add3A_236, %dma_start3A_258] : memref<38400x128xf32, #tpu.memory_space<hbm>> -> memref<80x128xf32, #tpu.memory_space<hbm>>
        %dma_start3A_260 = arith.constant 0 : i32
        %dma_start3A_261 = tpu.memref_slice %arg7[%add3A_236, %dma_start3A_260] : memref<38400x128xf32, #tpu.memory_space<hbm>> -> memref<80x128xf32, #tpu.memory_space<hbm>>
        %dma_start3A_262 = arith.constant 0 : i32
        %dma_start3A_263 = arith.constant 0 : i32
        %dma_start3A_264 = tpu.memref_slice %arg11[%run_scoped3A_238, %dma_start3A_262, %dma_start3A_263] : memref<2x80x128xf32, #tpu.memory_space<vmem>> -> memref<1x80x128xf32, #tpu.memory_space<vmem>>
        %dma_start3A_265 = tpu.memref_squeeze %dma_start3A_264 : memref<1x80x128xf32, #tpu.memory_space<vmem>> -> memref<80x128xf32, #tpu.memory_space<vmem>>
        tpu.enqueue_dma source(%dma_start3A_265 : memref<80x128xf32, #tpu.memory_space<vmem>>) target(%dma_start3A_261 : memref<80x128xf32, #tpu.memory_space<hbm>>) target_semaphore(%run_scoped3A_253 : memref<!tpu.dma_semaphore, #tpu.memory_space<semaphore_mem>>)
        %dma_wait3A_266 = arith.constant 0 : i32
        %dma_wait3A_267 = arith.constant 0 : i32
        %dma_wait3A_268 = tpu.memref_slice %arg11[%run_scoped3A_238, %dma_wait3A_266, %dma_wait3A_267] : memref<2x80x128xf32, #tpu.memory_space<vmem>> -> memref<1x80x128xf32, #tpu.memory_space<vmem>>
        %dma_wait3A_269 = tpu.memref_squeeze %dma_wait3A_268 : memref<1x80x128xf32, #tpu.memory_space<vmem>> -> memref<80x128xf32, #tpu.memory_space<vmem>>
        %dma_wait3A_270 = arith.constant 0 : i32
        %dma_wait3A_271 = tpu.memref_slice %arg7[%add3A_236, %dma_wait3A_270] : memref<38400x128xf32, #tpu.memory_space<hbm>> -> memref<80x128xf32, #tpu.memory_space<hbm>>
        %dma_wait3A_272 = arith.constant 0 : i32
        %dma_wait3A_273 = tpu.memref_slice %arg7[%add3A_236, %dma_wait3A_272] : memref<38400x128xf32, #tpu.memory_space<hbm>> -> memref<80x128xf32, #tpu.memory_space<hbm>>
        %dma_wait3A_274 = arith.constant 0 : i32
        %dma_wait3A_275 = arith.constant 0 : i32
        %dma_wait3A_276 = tpu.memref_slice %arg11[%run_scoped3A_238, %dma_wait3A_274, %dma_wait3A_275] : memref<2x80x128xf32, #tpu.memory_space<vmem>> -> memref<1x80x128xf32, #tpu.memory_space<vmem>>
        %dma_wait3A_277 = tpu.memref_squeeze %dma_wait3A_276 : memref<1x80x128xf32, #tpu.memory_space<vmem>> -> memref<80x128xf32, #tpu.memory_space<vmem>>
        tpu.wait_dma2 semaphore(%run_scoped3A_253 : memref<!tpu.dma_semaphore, #tpu.memory_space<semaphore_mem>>) src(%dma_wait3A_277 : memref<80x128xf32, #tpu.memory_space<vmem>>) dst(%dma_wait3A_273 : memref<80x128xf32, #tpu.memory_space<hbm>>)
        tpu.yield
      }) : () -> ()
      %add3A_239 = arith.constant 3 : i32
      %add3A_240 = arith.addi %mul3A_128, %add3A_239 : i32
      %lt3A_241 = arith.constant 15 : i32
      %lt3A_242 = arith.cmpi slt, %add3A_240, %lt3A_241 : i32
      %convert_element_type3A_243 = arith.extui %lt3A_242 : i1 to i32
      %cond3A_244 = arith.constant 0 : i32
      %cond3A_245 = arith.cmpi ne, %convert_element_type3A_243, %cond3A_244 : i32
      scf.if %cond3A_245 {
        %add3A_253 = arith.constant 3 : i32
        %add3A_254 = arith.addi %mul3A_128, %add3A_253 : i32
        %add3A_255 = arith.constant 281600 : i32
        %add3A_256 = arith.addi %add3A_255, %mul3A_2 : i32
        %mul3A_257 = arith.constant 80 : i32
        %mul3A_258 = arith.muli %add3A_254, %mul3A_257 : i32
        %add3A_259 = arith.addi %add3A_256, %mul3A_258 : i32
        %dma_start3A_260 = arith.constant 1 : i32
        %dma_start3A_261 = arith.constant 0 : i32
        %dma_start3A_262 = tpu.memref_slice %arg8[%dma_start3A_260, %dma_start3A_261] : memref<2x80xi32, #tpu.memory_space<vmem>> -> memref<1x80xi32, #tpu.memory_space<vmem>>
        %dma_start3A_263 = tpu.memref_squeeze %dma_start3A_262 : memref<1x80xi32, #tpu.memory_space<vmem>> -> memref<80xi32, #tpu.memory_space<vmem>>
        %dma_start3A_264 = tpu.memref_slice %arg4[%add3A_259] : memref<320000xi32, #tpu.memory_space<hbm>> -> memref<80xi32, #tpu.memory_space<hbm>>
        %dma_start3A_265 = arith.constant 0 : i32
        %dma_start3A_266 = tpu.memref_slice %arg8[%dma_start3A_260, %dma_start3A_265] : memref<2x80xi32, #tpu.memory_space<vmem>> -> memref<1x80xi32, #tpu.memory_space<vmem>>
        %dma_start3A_267 = tpu.memref_squeeze %dma_start3A_266 : memref<1x80xi32, #tpu.memory_space<vmem>> -> memref<80xi32, #tpu.memory_space<vmem>>
        %dma_start3A_268 = tpu.memref_slice %arg4[%add3A_259] : memref<320000xi32, #tpu.memory_space<hbm>> -> memref<80xi32, #tpu.memory_space<hbm>>
        tpu.enqueue_dma source(%dma_start3A_268 : memref<80xi32, #tpu.memory_space<hbm>>) target(%dma_start3A_267 : memref<80xi32, #tpu.memory_space<vmem>>) target_semaphore(%arg13 : memref<!tpu.dma_semaphore, #tpu.memory_space<semaphore_mem>>)
        %dma_start3A_269 = arith.constant 1 : i32
        %dma_start3A_270 = arith.constant 0 : i32
        %dma_start3A_271 = tpu.memref_slice %arg9[%dma_start3A_269, %dma_start3A_270] : memref<2x80xi32, #tpu.memory_space<vmem>> -> memref<1x80xi32, #tpu.memory_space<vmem>>
        %dma_start3A_272 = tpu.memref_squeeze %dma_start3A_271 : memref<1x80xi32, #tpu.memory_space<vmem>> -> memref<80xi32, #tpu.memory_space<vmem>>
        %dma_start3A_273 = tpu.memref_slice %arg5[%add3A_259] : memref<320000xi32, #tpu.memory_space<hbm>> -> memref<80xi32, #tpu.memory_space<hbm>>
        %dma_start3A_274 = arith.constant 0 : i32
        %dma_start3A_275 = tpu.memref_slice %arg9[%dma_start3A_269, %dma_start3A_274] : memref<2x80xi32, #tpu.memory_space<vmem>> -> memref<1x80xi32, #tpu.memory_space<vmem>>
        %dma_start3A_276 = tpu.memref_squeeze %dma_start3A_275 : memref<1x80xi32, #tpu.memory_space<vmem>> -> memref<80xi32, #tpu.memory_space<vmem>>
        %dma_start3A_277 = tpu.memref_slice %arg5[%add3A_259] : memref<320000xi32, #tpu.memory_space<hbm>> -> memref<80xi32, #tpu.memory_space<hbm>>
        tpu.enqueue_dma source(%dma_start3A_277 : memref<80xi32, #tpu.memory_space<hbm>>) target(%dma_start3A_276 : memref<80xi32, #tpu.memory_space<vmem>>) target_semaphore(%arg13 : memref<!tpu.dma_semaphore, #tpu.memory_space<semaphore_mem>>)
      } else {
      }
      %add3A_246 = arith.constant 2 : i32
      %add3A_247 = arith.addi %mul3A_128, %add3A_246 : i32
      %lt3A_248 = arith.constant 15 : i32
      %lt3A_249 = arith.cmpi slt, %add3A_247, %lt3A_248 : i32
      %convert_element_type3A_250 = arith.extui %lt3A_249 : i1 to i32
      %cond3A_251 = arith.constant 0 : i32
      %cond3A_252 = arith.cmpi ne, %convert_element_type3A_250, %cond3A_251 : i32
      scf.if %cond3A_252 {
        %dma_wait3A_253 = arith.constant 0 : i32
        %dma_wait3A_254 = arith.constant 0 : i32
        %dma_wait3A_255 = tpu.memref_slice %arg8[%dma_wait3A_253, %dma_wait3A_254] : memref<2x80xi32, #tpu.memory_space<vmem>> -> memref<1x80xi32, #tpu.memory_space<vmem>>
        %dma_wait3A_256 = tpu.memref_squeeze %dma_wait3A_255 : memref<1x80xi32, #tpu.memory_space<vmem>> -> memref<80xi32, #tpu.memory_space<vmem>>
        %dma_wait3A_257 = arith.constant 0 : i32
        %dma_wait3A_258 = tpu.memref_slice %arg4[%dma_wait3A_257] : memref<320000xi32, #tpu.memory_space<hbm>> -> memref<80xi32, #tpu.memory_space<hbm>>
        %dma_wait3A_259 = arith.constant 0 : i32
        %dma_wait3A_260 = tpu.memref_slice %arg8[%dma_wait3A_253, %dma_wait3A_259] : memref<2x80xi32, #tpu.memory_space<vmem>> -> memref<1x80xi32, #tpu.memory_space<vmem>>
        %dma_wait3A_261 = tpu.memref_squeeze %dma_wait3A_260 : memref<1x80xi32, #tpu.memory_space<vmem>> -> memref<80xi32, #tpu.memory_space<vmem>>
        %dma_wait3A_262 = arith.constant 0 : i32
        %dma_wait3A_263 = tpu.memref_slice %arg4[%dma_wait3A_262] : memref<320000xi32, #tpu.memory_space<hbm>> -> memref<80xi32, #tpu.memory_space<hbm>>
        tpu.wait_dma2 semaphore(%arg12 : memref<!tpu.dma_semaphore, #tpu.memory_space<semaphore_mem>>) src(%dma_wait3A_263 : memref<80xi32, #tpu.memory_space<hbm>>) dst(%dma_wait3A_261 : memref<80xi32, #tpu.memory_space<vmem>>)
        %dma_wait3A_264 = arith.constant 0 : i32
        %dma_wait3A_265 = arith.constant 0 : i32
        %dma_wait3A_266 = tpu.memref_slice %arg9[%dma_wait3A_264, %dma_wait3A_265] : memref<2x80xi32, #tpu.memory_space<vmem>> -> memref<1x80xi32, #tpu.memory_space<vmem>>
        %dma_wait3A_267 = tpu.memref_squeeze %dma_wait3A_266 : memref<1x80xi32, #tpu.memory_space<vmem>> -> memref<80xi32, #tpu.memory_space<vmem>>
        %dma_wait3A_268 = arith.constant 0 : i32
        %dma_wait3A_269 = tpu.memref_slice %arg5[%dma_wait3A_268] : memref<320000xi32, #tpu.memory_space<hbm>> -> memref<80xi32, #tpu.memory_space<hbm>>
        %dma_wait3A_270 = arith.constant 0 : i32
        %dma_wait3A_271 = tpu.memref_slice %arg9[%dma_wait3A_264, %dma_wait3A_270] : memref<2x80xi32, #tpu.memory_space<vmem>> -> memref<1x80xi32, #tpu.memory_space<vmem>>
        %dma_wait3A_272 = tpu.memref_squeeze %dma_wait3A_271 : memref<1x80xi32, #tpu.memory_space<vmem>> -> memref<80xi32, #tpu.memory_space<vmem>>
        %dma_wait3A_273 = arith.constant 0 : i32
        %dma_wait3A_274 = tpu.memref_slice %arg5[%dma_wait3A_273] : memref<320000xi32, #tpu.memory_space<hbm>> -> memref<80xi32, #tpu.memory_space<hbm>>
        tpu.wait_dma2 semaphore(%arg12 : memref<!tpu.dma_semaphore, #tpu.memory_space<semaphore_mem>>) src(%dma_wait3A_274 : memref<80xi32, #tpu.memory_space<hbm>>) dst(%dma_wait3A_272 : memref<80xi32, #tpu.memory_space<vmem>>)
        %dma_start3A_275 = arith.constant 0 : i32
        %dma_start3A_276 = arith.constant 0 : i32
        %dma_start3A_277 = arith.constant 0 : i32
        %dma_start3A_278 = arith.constant 0 : i32
        %dma_start3A_279 = tpu.memref_slice %arg10[%dma_start3A_276, %dma_start3A_277, %dma_start3A_278] : memref<2x80x128xi32, #tpu.memory_space<vmem>> -> memref<1x80x128xi32, #tpu.memory_space<vmem>>
        %dma_start3A_280 = tpu.memref_squeeze %dma_start3A_279 : memref<1x80x128xi32, #tpu.memory_space<vmem>> -> memref<80x128xi32, #tpu.memory_space<vmem>>
        %dma_start3A_281 = arith.constant 0 : i32
        %dma_start3A_282 = tpu.memref_slice %arg8[%dma_start3A_275, %dma_start3A_281] : memref<2x80xi32, #tpu.memory_space<vmem>> -> memref<1x80xi32, #tpu.memory_space<vmem>>
        %dma_start3A_283 = tpu.memref_squeeze %dma_start3A_282 : memref<1x80xi32, #tpu.memory_space<vmem>> -> memref<80xi32, #tpu.memory_space<vmem>>
        %dma_start3A_284 = arith.constant 0 : i32
        %dma_start3A_285 = arith.constant 0 : i32
        %dma_start3A_286 = tpu.memref_slice %arg2[%dma_start3A_284, %dma_start3A_285] : memref<10000x128xi32, #tpu.memory_space<hbm>> -> memref<10000x128xi32, #tpu.memory_space<hbm>>
        tpu.enqueue_indirect_dma source(%dma_start3A_286 : memref<10000x128xi32, #tpu.memory_space<hbm>>) target(%dma_start3A_280 : memref<80x128xi32, #tpu.memory_space<vmem>>) offsets(%dma_start3A_283 : memref<80xi32, #tpu.memory_space<vmem>>) semaphore(%arg14 : memref<!tpu.dma_semaphore, #tpu.memory_space<semaphore_mem>>)
        %dma_start3A_287 = arith.constant 0 : i32
        %dma_start3A_288 = arith.constant 0 : i32
        %dma_start3A_289 = arith.constant 0 : i32
        %dma_start3A_290 = arith.constant 0 : i32
        %dma_start3A_291 = tpu.memref_slice %arg11[%dma_start3A_288, %dma_start3A_289, %dma_start3A_290] : memref<2x80x128xf32, #tpu.memory_space<vmem>> -> memref<1x80x128xf32, #tpu.memory_space<vmem>>
        %dma_start3A_292 = tpu.memref_squeeze %dma_start3A_291 : memref<1x80x128xf32, #tpu.memory_space<vmem>> -> memref<80x128xf32, #tpu.memory_space<vmem>>
        %dma_start3A_293 = arith.constant 0 : i32
        %dma_start3A_294 = tpu.memref_slice %arg9[%dma_start3A_287, %dma_start3A_293] : memref<2x80xi32, #tpu.memory_space<vmem>> -> memref<1x80xi32, #tpu.memory_space<vmem>>
        %dma_start3A_295 = tpu.memref_squeeze %dma_start3A_294 : memref<1x80xi32, #tpu.memory_space<vmem>> -> memref<80xi32, #tpu.memory_space<vmem>>
        %dma_start3A_296 = arith.constant 0 : i32
        %dma_start3A_297 = arith.constant 0 : i32
        %dma_start3A_298 = tpu.memref_slice %arg3[%dma_start3A_296, %dma_start3A_297] : memref<10000x128xf32, #tpu.memory_space<hbm>> -> memref<10000x128xf32, #tpu.memory_space<hbm>>
        tpu.enqueue_indirect_dma source(%dma_start3A_298 : memref<10000x128xf32, #tpu.memory_space<hbm>>) target(%dma_start3A_292 : memref<80x128xf32, #tpu.memory_space<vmem>>) offsets(%dma_start3A_295 : memref<80xi32, #tpu.memory_space<vmem>>) semaphore(%arg14 : memref<!tpu.dma_semaphore, #tpu.memory_space<semaphore_mem>>)
      } else {
      }
    }
    %scan3A_94 = arith.constant 7 : i32
    %dma_wait3A_95 = arith.constant 0 : i32
    %dma_wait3A_96 = arith.constant 0 : i32
    %dma_wait3A_97 = arith.constant 0 : i32
    %dma_wait3A_98 = arith.constant 0 : i32
    %dma_wait3A_99 = tpu.memref_slice %arg10[%dma_wait3A_96, %dma_wait3A_97, %dma_wait3A_98] : memref<2x80x128xi32, #tpu.memory_space<vmem>> -> memref<1x80x128xi32, #tpu.memory_space<vmem>>
    %dma_wait3A_100 = tpu.memref_squeeze %dma_wait3A_99 : memref<1x80x128xi32, #tpu.memory_space<vmem>> -> memref<80x128xi32, #tpu.memory_space<vmem>>
    %dma_wait3A_101 = arith.constant 0 : i32
    %dma_wait3A_102 = tpu.memref_slice %arg8[%dma_wait3A_95, %dma_wait3A_101] : memref<2x80xi32, #tpu.memory_space<vmem>> -> memref<1x80xi32, #tpu.memory_space<vmem>>
    %dma_wait3A_103 = tpu.memref_squeeze %dma_wait3A_102 : memref<1x80xi32, #tpu.memory_space<vmem>> -> memref<80xi32, #tpu.memory_space<vmem>>
    %dma_wait3A_104 = arith.constant 0 : i32
    %dma_wait3A_105 = arith.constant 0 : i32
    %dma_wait3A_106 = tpu.memref_slice %arg2[%dma_wait3A_104, %dma_wait3A_105] : memref<10000x128xi32, #tpu.memory_space<hbm>> -> memref<10000x128xi32, #tpu.memory_space<hbm>>
    tpu.wait_indirect_dma semaphore(%arg14 : memref<!tpu.dma_semaphore, #tpu.memory_space<semaphore_mem>>) src(%dma_wait3A_106 : memref<10000x128xi32, #tpu.memory_space<hbm>>) dst(%dma_wait3A_100 : memref<80x128xi32, #tpu.memory_space<vmem>>)
    %dma_wait3A_107 = arith.constant 0 : i32
    %dma_wait3A_108 = arith.constant 0 : i32
    %dma_wait3A_109 = arith.constant 0 : i32
    %dma_wait3A_110 = arith.constant 0 : i32
    %dma_wait3A_111 = tpu.memref_slice %arg11[%dma_wait3A_108, %dma_wait3A_109, %dma_wait3A_110] : memref<2x80x128xf32, #tpu.memory_space<vmem>> -> memref<1x80x128xf32, #tpu.memory_space<vmem>>
    %dma_wait3A_112 = tpu.memref_squeeze %dma_wait3A_111 : memref<1x80x128xf32, #tpu.memory_space<vmem>> -> memref<80x128xf32, #tpu.memory_space<vmem>>
    %dma_wait3A_113 = arith.constant 0 : i32
    %dma_wait3A_114 = tpu.memref_slice %arg9[%dma_wait3A_107, %dma_wait3A_113] : memref<2x80xi32, #tpu.memory_space<vmem>> -> memref<1x80xi32, #tpu.memory_space<vmem>>
    %dma_wait3A_115 = tpu.memref_squeeze %dma_wait3A_114 : memref<1x80xi32, #tpu.memory_space<vmem>> -> memref<80xi32, #tpu.memory_space<vmem>>
    %dma_wait3A_116 = arith.constant 0 : i32
    %dma_wait3A_117 = arith.constant 0 : i32
    %dma_wait3A_118 = tpu.memref_slice %arg3[%dma_wait3A_116, %dma_wait3A_117] : memref<10000x128xf32, #tpu.memory_space<hbm>> -> memref<10000x128xf32, #tpu.memory_space<hbm>>
    tpu.wait_indirect_dma semaphore(%arg14 : memref<!tpu.dma_semaphore, #tpu.memory_space<semaphore_mem>>) src(%dma_wait3A_118 : memref<10000x128xf32, #tpu.memory_space<hbm>>) dst(%dma_wait3A_112 : memref<80x128xf32, #tpu.memory_space<vmem>>)
    %add3A_119 = arith.constant 1120 : i32
    %add3A_120 = arith.addi %mul3A_2, %add3A_119 : i32
    %run_scoped3A = arith.constant 0 : i32
    "tpu.region"() ({
      %run_scoped3A_122 = tpu.sem_alloc : memref<!tpu.dma_semaphore, #tpu.memory_space<semaphore_mem>>
      %dma_start3A_123 = arith.constant 0 : i32
      %dma_start3A_124 = arith.constant 0 : i32
      %dma_start3A_125 = tpu.memref_slice %arg10[%run_scoped3A, %dma_start3A_123, %dma_start3A_124] : memref<2x80x128xi32, #tpu.memory_space<vmem>> -> memref<1x80x128xi32, #tpu.memory_space<vmem>>
      %dma_start3A_126 = tpu.memref_squeeze %dma_start3A_125 : memref<1x80x128xi32, #tpu.memory_space<vmem>> -> memref<80x128xi32, #tpu.memory_space<vmem>>
      %dma_start3A_127 = arith.constant 0 : i32
      %dma_start3A_128 = tpu.memref_slice %arg6[%add3A_120, %dma_start3A_127] : memref<38400x128xi32, #tpu.memory_space<hbm>> -> memref<80x128xi32, #tpu.memory_space<hbm>>
      %dma_start3A_129 = arith.constant 0 : i32
      %dma_start3A_130 = tpu.memref_slice %arg6[%add3A_120, %dma_start3A_129] : memref<38400x128xi32, #tpu.memory_space<hbm>> -> memref<80x128xi32, #tpu.memory_space<hbm>>
      %dma_start3A_131 = arith.constant 0 : i32
      %dma_start3A_132 = arith.constant 0 : i32
      %dma_start3A_133 = tpu.memref_slice %arg10[%run_scoped3A, %dma_start3A_131, %dma_start3A_132] : memref<2x80x128xi32, #tpu.memory_space<vmem>> -> memref<1x80x128xi32, #tpu.memory_space<vmem>>
      %dma_start3A_134 = tpu.memref_squeeze %dma_start3A_133 : memref<1x80x128xi32, #tpu.memory_space<vmem>> -> memref<80x128xi32, #tpu.memory_space<vmem>>
      tpu.enqueue_dma source(%dma_start3A_134 : memref<80x128xi32, #tpu.memory_space<vmem>>) target(%dma_start3A_130 : memref<80x128xi32, #tpu.memory_space<hbm>>) target_semaphore(%run_scoped3A_122 : memref<!tpu.dma_semaphore, #tpu.memory_space<semaphore_mem>>)
      %dma_wait3A_135 = arith.constant 0 : i32
      %dma_wait3A_136 = arith.constant 0 : i32
      %dma_wait3A_137 = tpu.memref_slice %arg10[%run_scoped3A, %dma_wait3A_135, %dma_wait3A_136] : memref<2x80x128xi32, #tpu.memory_space<vmem>> -> memref<1x80x128xi32, #tpu.memory_space<vmem>>
      %dma_wait3A_138 = tpu.memref_squeeze %dma_wait3A_137 : memref<1x80x128xi32, #tpu.memory_space<vmem>> -> memref<80x128xi32, #tpu.memory_space<vmem>>
      %dma_wait3A_139 = arith.constant 0 : i32
      %dma_wait3A_140 = tpu.memref_slice %arg6[%add3A_120, %dma_wait3A_139] : memref<38400x128xi32, #tpu.memory_space<hbm>> -> memref<80x128xi32, #tpu.memory_space<hbm>>
      %dma_wait3A_141 = arith.constant 0 : i32
      %dma_wait3A_142 = tpu.memref_slice %arg6[%add3A_120, %dma_wait3A_141] : memref<38400x128xi32, #tpu.memory_space<hbm>> -> memref<80x128xi32, #tpu.memory_space<hbm>>
      %dma_wait3A_143 = arith.constant 0 : i32
      %dma_wait3A_144 = arith.constant 0 : i32
      %dma_wait3A_145 = tpu.memref_slice %arg10[%run_scoped3A, %dma_wait3A_143, %dma_wait3A_144] : memref<2x80x128xi32, #tpu.memory_space<vmem>> -> memref<1x80x128xi32, #tpu.memory_space<vmem>>
      %dma_wait3A_146 = tpu.memref_squeeze %dma_wait3A_145 : memref<1x80x128xi32, #tpu.memory_space<vmem>> -> memref<80x128xi32, #tpu.memory_space<vmem>>
      tpu.wait_dma2 semaphore(%run_scoped3A_122 : memref<!tpu.dma_semaphore, #tpu.memory_space<semaphore_mem>>) src(%dma_wait3A_146 : memref<80x128xi32, #tpu.memory_space<vmem>>) dst(%dma_wait3A_142 : memref<80x128xi32, #tpu.memory_space<hbm>>)
      tpu.yield
    }) : () -> ()
    %run_scoped3A_121 = arith.constant 0 : i32
    "tpu.region"() ({
      %run_scoped3A_122 = tpu.sem_alloc : memref<!tpu.dma_semaphore, #tpu.memory_space<semaphore_mem>>
      %dma_start3A_123 = arith.constant 0 : i32
      %dma_start3A_124 = arith.constant 0 : i32
      %dma_start3A_125 = tpu.memref_slice %arg11[%run_scoped3A_121, %dma_start3A_123, %dma_start3A_124] : memref<2x80x128xf32, #tpu.memory_space<vmem>> -> memref<1x80x128xf32, #tpu.memory_space<vmem>>
      %dma_start3A_126 = tpu.memref_squeeze %dma_start3A_125 : memref<1x80x128xf32, #tpu.memory_space<vmem>> -> memref<80x128xf32, #tpu.memory_space<vmem>>
      %dma_start3A_127 = arith.constant 0 : i32
      %dma_start3A_128 = tpu.memref_slice %arg7[%add3A_120, %dma_start3A_127] : memref<38400x128xf32, #tpu.memory_space<hbm>> -> memref<80x128xf32, #tpu.memory_space<hbm>>
      %dma_start3A_129 = arith.constant 0 : i32
      %dma_start3A_130 = tpu.memref_slice %arg7[%add3A_120, %dma_start3A_129] : memref<38400x128xf32, #tpu.memory_space<hbm>> -> memref<80x128xf32, #tpu.memory_space<hbm>>
      %dma_start3A_131 = arith.constant 0 : i32
      %dma_start3A_132 = arith.constant 0 : i32
      %dma_start3A_133 = tpu.memref_slice %arg11[%run_scoped3A_121, %dma_start3A_131, %dma_start3A_132] : memref<2x80x128xf32, #tpu.memory_space<vmem>> -> memref<1x80x128xf32, #tpu.memory_space<vmem>>
      %dma_start3A_134 = tpu.memref_squeeze %dma_start3A_133 : memref<1x80x128xf32, #tpu.memory_space<vmem>> -> memref<80x128xf32, #tpu.memory_space<vmem>>
      tpu.enqueue_dma source(%dma_start3A_134 : memref<80x128xf32, #tpu.memory_space<vmem>>) target(%dma_start3A_130 : memref<80x128xf32, #tpu.memory_space<hbm>>) target_semaphore(%run_scoped3A_122 : memref<!tpu.dma_semaphore, #tpu.memory_space<semaphore_mem>>)
      %dma_wait3A_135 = arith.constant 0 : i32
      %dma_wait3A_136 = arith.constant 0 : i32
      %dma_wait3A_137 = tpu.memref_slice %arg11[%run_scoped3A_121, %dma_wait3A_135, %dma_wait3A_136] : memref<2x80x128xf32, #tpu.memory_space<vmem>> -> memref<1x80x128xf32, #tpu.memory_space<vmem>>
      %dma_wait3A_138 = tpu.memref_squeeze %dma_wait3A_137 : memref<1x80x128xf32, #tpu.memory_space<vmem>> -> memref<80x128xf32, #tpu.memory_space<vmem>>
      %dma_wait3A_139 = arith.constant 0 : i32
      %dma_wait3A_140 = tpu.memref_slice %arg7[%add3A_120, %dma_wait3A_139] : memref<38400x128xf32, #tpu.memory_space<hbm>> -> memref<80x128xf32, #tpu.memory_space<hbm>>
      %dma_wait3A_141 = arith.constant 0 : i32
      %dma_wait3A_142 = tpu.memref_slice %arg7[%add3A_120, %dma_wait3A_141] : memref<38400x128xf32, #tpu.memory_space<hbm>> -> memref<80x128xf32, #tpu.memory_space<hbm>>
      %dma_wait3A_143 = arith.constant 0 : i32
      %dma_wait3A_144 = arith.constant 0 : i32
      %dma_wait3A_145 = tpu.memref_slice %arg11[%run_scoped3A_121, %dma_wait3A_143, %dma_wait3A_144] : memref<2x80x128xf32, #tpu.memory_space<vmem>> -> memref<1x80x128xf32, #tpu.memory_space<vmem>>
      %dma_wait3A_146 = tpu.memref_squeeze %dma_wait3A_145 : memref<1x80x128xf32, #tpu.memory_space<vmem>> -> memref<80x128xf32, #tpu.memory_space<vmem>>
      tpu.wait_dma2 semaphore(%run_scoped3A_122 : memref<!tpu.dma_semaphore, #tpu.memory_space<semaphore_mem>>) src(%dma_wait3A_146 : memref<80x128xf32, #tpu.memory_space<vmem>>) dst(%dma_wait3A_142 : memref<80x128xf32, #tpu.memory_space<hbm>>)
      tpu.yield
    }) : () -> ()
    return
  }
}

#map = affine_map<(d0, d1) -> (0, 0)>
#map1 = affine_map<(d0, d1) -> (0)>
module attributes {stable_mosaic.version = 14 : i64} {
  func.func @gather_k(%arg0: i32, %arg1: i32, %arg2: memref<10000x128xi32, #tpu.memory_space<hbm>>, %arg3: memref<10000x128xf32, #tpu.memory_space<hbm>>, %arg4: memref<320000xi32, #tpu.memory_space<hbm>>, %arg5: memref<320000xi32, #tpu.memory_space<hbm>>, %arg6: memref<92160x128xi32, #tpu.memory_space<hbm>>, %arg7: memref<92160x128xf32, #tpu.memory_space<hbm>>, %arg8: memref<2x80xi32, #tpu.memory_space<vmem>>, %arg9: memref<2x80xi32, #tpu.memory_space<vmem>>, %arg10: memref<2x80x128xi32, #tpu.memory_space<vmem>>, %arg11: memref<2x80x128xf32, #tpu.memory_space<vmem>>, %arg12: memref<!tpu.dma_semaphore, #tpu.memory_space<semaphore_mem>>, %arg13: memref<!tpu.dma_semaphore, #tpu.memory_space<semaphore_mem>>, %arg14: memref<!tpu.dma_semaphore, #tpu.memory_space<semaphore_mem>>, %arg15: memref<!tpu.dma_semaphore, #tpu.memory_space<semaphore_mem>>) attributes {dimension_semantics = [#tpu.dimension_semantics<core_parallel>, #tpu.dimension_semantics<subcore_parallel>], iteration_bounds = array<i64: 2, 16>, scalar_prefetch = 0 : i64, scratch_operands = 8 : i64, tpu.core_type = #tpu.core_type<sc_vector_subcore>, window_params = [{transform_indices = #map}, {transform_indices = #map}, {transform_indices = #map1}, {transform_indices = #map1}, {transform_indices = #map}, {transform_indices = #map}]} {
    %mul3A = arith.constant 2 : i32
    %mul3A_0 = arith.muli %arg1, %mul3A : i32
    %add3A = arith.addi %mul3A_0, %arg0 : i32
    %mul3A_1 = arith.constant 2880 : i32
    %mul3A_2 = arith.muli %add3A, %mul3A_1 : i32
    %add3A_3 = arith.constant 0 : i32
    %add3A_4 = arith.addi %add3A_3, %mul3A_2 : i32
    %add3A_5 = arith.constant 0 : i32
    %add3A_6 = arith.addi %add3A_4, %add3A_5 : i32
    %dma_start3A = arith.constant 0 : i32
    %dma_start3A_7 = arith.constant 0 : i32
    %dma_start3A_8 = tpu.memref_slice %arg8[%dma_start3A, %dma_start3A_7] : memref<2x80xi32, #tpu.memory_space<vmem>> -> memref<1x80xi32, #tpu.memory_space<vmem>>
    %dma_start3A_9 = tpu.memref_squeeze %dma_start3A_8 : memref<1x80xi32, #tpu.memory_space<vmem>> -> memref<80xi32, #tpu.memory_space<vmem>>
    %dma_start3A_10 = tpu.memref_slice %arg4[%add3A_6] : memref<320000xi32, #tpu.memory_space<hbm>> -> memref<80xi32, #tpu.memory_space<hbm>>
    %dma_start3A_11 = arith.constant 0 : i32
    %dma_start3A_12 = tpu.memref_slice %arg8[%dma_start3A, %dma_start3A_11] : memref<2x80xi32, #tpu.memory_space<vmem>> -> memref<1x80xi32, #tpu.memory_space<vmem>>
    %dma_start3A_13 = tpu.memref_squeeze %dma_start3A_12 : memref<1x80xi32, #tpu.memory_space<vmem>> -> memref<80xi32, #tpu.memory_space<vmem>>
    %dma_start3A_14 = tpu.memref_slice %arg4[%add3A_6] : memref<320000xi32, #tpu.memory_space<hbm>> -> memref<80xi32, #tpu.memory_space<hbm>>
    tpu.enqueue_dma source(%dma_start3A_14 : memref<80xi32, #tpu.memory_space<hbm>>) target(%dma_start3A_13 : memref<80xi32, #tpu.memory_space<vmem>>) target_semaphore(%arg12 : memref<!tpu.dma_semaphore, #tpu.memory_space<semaphore_mem>>)
    %dma_start3A_15 = arith.constant 0 : i32
    %dma_start3A_16 = arith.constant 0 : i32
    %dma_start3A_17 = tpu.memref_slice %arg9[%dma_start3A_15, %dma_start3A_16] : memref<2x80xi32, #tpu.memory_space<vmem>> -> memref<1x80xi32, #tpu.memory_space<vmem>>
    %dma_start3A_18 = tpu.memref_squeeze %dma_start3A_17 : memref<1x80xi32, #tpu.memory_space<vmem>> -> memref<80xi32, #tpu.memory_space<vmem>>
    %dma_start3A_19 = tpu.memref_slice %arg5[%add3A_6] : memref<320000xi32, #tpu.memory_space<hbm>> -> memref<80xi32, #tpu.memory_space<hbm>>
    %dma_start3A_20 = arith.constant 0 : i32
    %dma_start3A_21 = tpu.memref_slice %arg9[%dma_start3A_15, %dma_start3A_20] : memref<2x80xi32, #tpu.memory_space<vmem>> -> memref<1x80xi32, #tpu.memory_space<vmem>>
    %dma_start3A_22 = tpu.memref_squeeze %dma_start3A_21 : memref<1x80xi32, #tpu.memory_space<vmem>> -> memref<80xi32, #tpu.memory_space<vmem>>
    %dma_start3A_23 = tpu.memref_slice %arg5[%add3A_6] : memref<320000xi32, #tpu.memory_space<hbm>> -> memref<80xi32, #tpu.memory_space<hbm>>
    tpu.enqueue_dma source(%dma_start3A_23 : memref<80xi32, #tpu.memory_space<hbm>>) target(%dma_start3A_22 : memref<80xi32, #tpu.memory_space<vmem>>) target_semaphore(%arg12 : memref<!tpu.dma_semaphore, #tpu.memory_space<semaphore_mem>>)
    %add3A_24 = arith.constant 0 : i32
    %add3A_25 = arith.addi %add3A_24, %mul3A_2 : i32
    %add3A_26 = arith.constant 80 : i32
    %add3A_27 = arith.addi %add3A_25, %add3A_26 : i32
    %dma_start3A_28 = arith.constant 1 : i32
    %dma_start3A_29 = arith.constant 0 : i32
    %dma_start3A_30 = tpu.memref_slice %arg8[%dma_start3A_28, %dma_start3A_29] : memref<2x80xi32, #tpu.memory_space<vmem>> -> memref<1x80xi32, #tpu.memory_space<vmem>>
    %dma_start3A_31 = tpu.memref_squeeze %dma_start3A_30 : memref<1x80xi32, #tpu.memory_space<vmem>> -> memref<80xi32, #tpu.memory_space<vmem>>
    %dma_start3A_32 = tpu.memref_slice %arg4[%add3A_27] : memref<320000xi32, #tpu.memory_space<hbm>> -> memref<80xi32, #tpu.memory_space<hbm>>
    %dma_start3A_33 = arith.constant 0 : i32
    %dma_start3A_34 = tpu.memref_slice %arg8[%dma_start3A_28, %dma_start3A_33] : memref<2x80xi32, #tpu.memory_space<vmem>> -> memref<1x80xi32, #tpu.memory_space<vmem>>
    %dma_start3A_35 = tpu.memref_squeeze %dma_start3A_34 : memref<1x80xi32, #tpu.memory_space<vmem>> -> memref<80xi32, #tpu.memory_space<vmem>>
    %dma_start3A_36 = tpu.memref_slice %arg4[%add3A_27] : memref<320000xi32, #tpu.memory_space<hbm>> -> memref<80xi32, #tpu.memory_space<hbm>>
    tpu.enqueue_dma source(%dma_start3A_36 : memref<80xi32, #tpu.memory_space<hbm>>) target(%dma_start3A_35 : memref<80xi32, #tpu.memory_space<vmem>>) target_semaphore(%arg13 : memref<!tpu.dma_semaphore, #tpu.memory_space<semaphore_mem>>)
    %dma_start3A_37 = arith.constant 1 : i32
    %dma_start3A_38 = arith.constant 0 : i32
    %dma_start3A_39 = tpu.memref_slice %arg9[%dma_start3A_37, %dma_start3A_38] : memref<2x80xi32, #tpu.memory_space<vmem>> -> memref<1x80xi32, #tpu.memory_space<vmem>>
    %dma_start3A_40 = tpu.memref_squeeze %dma_start3A_39 : memref<1x80xi32, #tpu.memory_space<vmem>> -> memref<80xi32, #tpu.memory_space<vmem>>
    %dma_start3A_41 = tpu.memref_slice %arg5[%add3A_27] : memref<320000xi32, #tpu.memory_space<hbm>> -> memref<80xi32, #tpu.memory_space<hbm>>
    %dma_start3A_42 = arith.constant 0 : i32
    %dma_start3A_43 = tpu.memref_slice %arg9[%dma_start3A_37, %dma_start3A_42] : memref<2x80xi32, #tpu.memory_space<vmem>> -> memref<1x80xi32, #tpu.memory_space<vmem>>
    %dma_start3A_44 = tpu.memref_squeeze %dma_start3A_43 : memref<1x80xi32, #tpu.memory_space<vmem>> -> memref<80xi32, #tpu.memory_space<vmem>>
    %dma_start3A_45 = tpu.memref_slice %arg5[%add3A_27] : memref<320000xi32, #tpu.memory_space<hbm>> -> memref<80xi32, #tpu.memory_space<hbm>>
    tpu.enqueue_dma source(%dma_start3A_45 : memref<80xi32, #tpu.memory_space<hbm>>) target(%dma_start3A_44 : memref<80xi32, #tpu.memory_space<vmem>>) target_semaphore(%arg13 : memref<!tpu.dma_semaphore, #tpu.memory_space<semaphore_mem>>)
    %dma_wait3A = arith.constant 0 : i32
    %dma_wait3A_46 = arith.constant 0 : i32
    %dma_wait3A_47 = tpu.memref_slice %arg8[%dma_wait3A, %dma_wait3A_46] : memref<2x80xi32, #tpu.memory_space<vmem>> -> memref<1x80xi32, #tpu.memory_space<vmem>>
    %dma_wait3A_48 = tpu.memref_squeeze %dma_wait3A_47 : memref<1x80xi32, #tpu.memory_space<vmem>> -> memref<80xi32, #tpu.memory_space<vmem>>
    %dma_wait3A_49 = arith.constant 0 : i32
    %dma_wait3A_50 = tpu.memref_slice %arg4[%dma_wait3A_49] : memref<320000xi32, #tpu.memory_space<hbm>> -> memref<80xi32, #tpu.memory_space<hbm>>
    %dma_wait3A_51 = arith.constant 0 : i32
    %dma_wait3A_52 = tpu.memref_slice %arg8[%dma_wait3A, %dma_wait3A_51] : memref<2x80xi32, #tpu.memory_space<vmem>> -> memref<1x80xi32, #tpu.memory_space<vmem>>
    %dma_wait3A_53 = tpu.memref_squeeze %dma_wait3A_52 : memref<1x80xi32, #tpu.memory_space<vmem>> -> memref<80xi32, #tpu.memory_space<vmem>>
    %dma_wait3A_54 = arith.constant 0 : i32
    %dma_wait3A_55 = tpu.memref_slice %arg4[%dma_wait3A_54] : memref<320000xi32, #tpu.memory_space<hbm>> -> memref<80xi32, #tpu.memory_space<hbm>>
    tpu.wait_dma2 semaphore(%arg12 : memref<!tpu.dma_semaphore, #tpu.memory_space<semaphore_mem>>) src(%dma_wait3A_55 : memref<80xi32, #tpu.memory_space<hbm>>) dst(%dma_wait3A_53 : memref<80xi32, #tpu.memory_space<vmem>>)
    %dma_wait3A_56 = arith.constant 0 : i32
    %dma_wait3A_57 = arith.constant 0 : i32
    %dma_wait3A_58 = tpu.memref_slice %arg9[%dma_wait3A_56, %dma_wait3A_57] : memref<2x80xi32, #tpu.memory_space<vmem>> -> memref<1x80xi32, #tpu.memory_space<vmem>>
    %dma_wait3A_59 = tpu.memref_squeeze %dma_wait3A_58 : memref<1x80xi32, #tpu.memory_space<vmem>> -> memref<80xi32, #tpu.memory_space<vmem>>
    %dma_wait3A_60 = arith.constant 0 : i32
    %dma_wait3A_61 = tpu.memref_slice %arg5[%dma_wait3A_60] : memref<320000xi32, #tpu.memory_space<hbm>> -> memref<80xi32, #tpu.memory_space<hbm>>
    %dma_wait3A_62 = arith.constant 0 : i32
    %dma_wait3A_63 = tpu.memref_slice %arg9[%dma_wait3A_56, %dma_wait3A_62] : memref<2x80xi32, #tpu.memory_space<vmem>> -> memref<1x80xi32, #tpu.memory_space<vmem>>
    %dma_wait3A_64 = tpu.memref_squeeze %dma_wait3A_63 : memref<1x80xi32, #tpu.memory_space<vmem>> -> memref<80xi32, #tpu.memory_space<vmem>>
    %dma_wait3A_65 = arith.constant 0 : i32
    %dma_wait3A_66 = tpu.memref_slice %arg5[%dma_wait3A_65] : memref<320000xi32, #tpu.memory_space<hbm>> -> memref<80xi32, #tpu.memory_space<hbm>>
    tpu.wait_dma2 semaphore(%arg12 : memref<!tpu.dma_semaphore, #tpu.memory_space<semaphore_mem>>) src(%dma_wait3A_66 : memref<80xi32, #tpu.memory_space<hbm>>) dst(%dma_wait3A_64 : memref<80xi32, #tpu.memory_space<vmem>>)
    %dma_start3A_67 = arith.constant 0 : i32
    %dma_start3A_68 = arith.constant 0 : i32
    %dma_start3A_69 = arith.constant 0 : i32
    %dma_start3A_70 = arith.constant 0 : i32
    %dma_start3A_71 = tpu.memref_slice %arg10[%dma_start3A_68, %dma_start3A_69, %dma_start3A_70] : memref<2x80x128xi32, #tpu.memory_space<vmem>> -> memref<1x80x128xi32, #tpu.memory_space<vmem>>
    %dma_start3A_72 = tpu.memref_squeeze %dma_start3A_71 : memref<1x80x128xi32, #tpu.memory_space<vmem>> -> memref<80x128xi32, #tpu.memory_space<vmem>>
    %dma_start3A_73 = arith.constant 0 : i32
    %dma_start3A_74 = tpu.memref_slice %arg8[%dma_start3A_67, %dma_start3A_73] : memref<2x80xi32, #tpu.memory_space<vmem>> -> memref<1x80xi32, #tpu.memory_space<vmem>>
    %dma_start3A_75 = tpu.memref_squeeze %dma_start3A_74 : memref<1x80xi32, #tpu.memory_space<vmem>> -> memref<80xi32, #tpu.memory_space<vmem>>
    %dma_start3A_76 = arith.constant 0 : i32
    %dma_start3A_77 = arith.constant 0 : i32
    %dma_start3A_78 = tpu.memref_slice %arg2[%dma_start3A_76, %dma_start3A_77] : memref<10000x128xi32, #tpu.memory_space<hbm>> -> memref<10000x128xi32, #tpu.memory_space<hbm>>
    tpu.enqueue_indirect_dma source(%dma_start3A_78 : memref<10000x128xi32, #tpu.memory_space<hbm>>) target(%dma_start3A_72 : memref<80x128xi32, #tpu.memory_space<vmem>>) offsets(%dma_start3A_75 : memref<80xi32, #tpu.memory_space<vmem>>) semaphore(%arg14 : memref<!tpu.dma_semaphore, #tpu.memory_space<semaphore_mem>>)
    %dma_start3A_79 = arith.constant 0 : i32
    %dma_start3A_80 = arith.constant 0 : i32
    %dma_start3A_81 = arith.constant 0 : i32
    %dma_start3A_82 = arith.constant 0 : i32
    %dma_start3A_83 = tpu.memref_slice %arg11[%dma_start3A_80, %dma_start3A_81, %dma_start3A_82] : memref<2x80x128xf32, #tpu.memory_space<vmem>> -> memref<1x80x128xf32, #tpu.memory_space<vmem>>
    %dma_start3A_84 = tpu.memref_squeeze %dma_start3A_83 : memref<1x80x128xf32, #tpu.memory_space<vmem>> -> memref<80x128xf32, #tpu.memory_space<vmem>>
    %dma_start3A_85 = arith.constant 0 : i32
    %dma_start3A_86 = tpu.memref_slice %arg9[%dma_start3A_79, %dma_start3A_85] : memref<2x80xi32, #tpu.memory_space<vmem>> -> memref<1x80xi32, #tpu.memory_space<vmem>>
    %dma_start3A_87 = tpu.memref_squeeze %dma_start3A_86 : memref<1x80xi32, #tpu.memory_space<vmem>> -> memref<80xi32, #tpu.memory_space<vmem>>
    %dma_start3A_88 = arith.constant 0 : i32
    %dma_start3A_89 = arith.constant 0 : i32
    %dma_start3A_90 = tpu.memref_slice %arg3[%dma_start3A_88, %dma_start3A_89] : memref<10000x128xf32, #tpu.memory_space<hbm>> -> memref<10000x128xf32, #tpu.memory_space<hbm>>
    tpu.enqueue_indirect_dma source(%dma_start3A_90 : memref<10000x128xf32, #tpu.memory_space<hbm>>) target(%dma_start3A_84 : memref<80x128xf32, #tpu.memory_space<vmem>>) offsets(%dma_start3A_87 : memref<80xi32, #tpu.memory_space<vmem>>) semaphore(%arg14 : memref<!tpu.dma_semaphore, #tpu.memory_space<semaphore_mem>>)
    %scan3A = arith.constant 0 : i32
    %scan3A_91 = arith.constant 18 : i32
    %scan3A_92 = arith.addi %scan3A, %scan3A_91 : i32
    %scan3A_93 = arith.constant 1 : i32
    scf.for %scan3A_95 = %scan3A to %scan3A_92 step %scan3A_93  : i32 {
      %mul3A_96 = arith.constant 1 : i32
      %mul3A_97 = arith.muli %scan3A_95, %mul3A_96 : i32
      %add3A_98 = arith.constant 0 : i32
      %add3A_99 = arith.addi %add3A_98, %mul3A_97 : i32
      %mul3A_100 = arith.constant 2 : i32
      %mul3A_101 = arith.muli %mul3A_100, %add3A_99 : i32
      %dma_wait3A_102 = arith.constant 1 : i32
      %dma_wait3A_103 = arith.constant 0 : i32
      %dma_wait3A_104 = tpu.memref_slice %arg8[%dma_wait3A_102, %dma_wait3A_103] : memref<2x80xi32, #tpu.memory_space<vmem>> -> memref<1x80xi32, #tpu.memory_space<vmem>>
      %dma_wait3A_105 = tpu.memref_squeeze %dma_wait3A_104 : memref<1x80xi32, #tpu.memory_space<vmem>> -> memref<80xi32, #tpu.memory_space<vmem>>
      %dma_wait3A_106 = arith.constant 0 : i32
      %dma_wait3A_107 = tpu.memref_slice %arg4[%dma_wait3A_106] : memref<320000xi32, #tpu.memory_space<hbm>> -> memref<80xi32, #tpu.memory_space<hbm>>
      %dma_wait3A_108 = arith.constant 0 : i32
      %dma_wait3A_109 = tpu.memref_slice %arg8[%dma_wait3A_102, %dma_wait3A_108] : memref<2x80xi32, #tpu.memory_space<vmem>> -> memref<1x80xi32, #tpu.memory_space<vmem>>
      %dma_wait3A_110 = tpu.memref_squeeze %dma_wait3A_109 : memref<1x80xi32, #tpu.memory_space<vmem>> -> memref<80xi32, #tpu.memory_space<vmem>>
      %dma_wait3A_111 = arith.constant 0 : i32
      %dma_wait3A_112 = tpu.memref_slice %arg4[%dma_wait3A_111] : memref<320000xi32, #tpu.memory_space<hbm>> -> memref<80xi32, #tpu.memory_space<hbm>>
      tpu.wait_dma2 semaphore(%arg13 : memref<!tpu.dma_semaphore, #tpu.memory_space<semaphore_mem>>) src(%dma_wait3A_112 : memref<80xi32, #tpu.memory_space<hbm>>) dst(%dma_wait3A_110 : memref<80xi32, #tpu.memory_space<vmem>>)
      %dma_wait3A_113 = arith.constant 1 : i32
      %dma_wait3A_114 = arith.constant 0 : i32
      %dma_wait3A_115 = tpu.memref_slice %arg9[%dma_wait3A_113, %dma_wait3A_114] : memref<2x80xi32, #tpu.memory_space<vmem>> -> memref<1x80xi32, #tpu.memory_space<vmem>>
      %dma_wait3A_116 = tpu.memref_squeeze %dma_wait3A_115 : memref<1x80xi32, #tpu.memory_space<vmem>> -> memref<80xi32, #tpu.memory_space<vmem>>
      %dma_wait3A_117 = arith.constant 0 : i32
      %dma_wait3A_118 = tpu.memref_slice %arg5[%dma_wait3A_117] : memref<320000xi32, #tpu.memory_space<hbm>> -> memref<80xi32, #tpu.memory_space<hbm>>
      %dma_wait3A_119 = arith.constant 0 : i32
      %dma_wait3A_120 = tpu.memref_slice %arg9[%dma_wait3A_113, %dma_wait3A_119] : memref<2x80xi32, #tpu.memory_space<vmem>> -> memref<1x80xi32, #tpu.memory_space<vmem>>
      %dma_wait3A_121 = tpu.memref_squeeze %dma_wait3A_120 : memref<1x80xi32, #tpu.memory_space<vmem>> -> memref<80xi32, #tpu.memory_space<vmem>>
      %dma_wait3A_122 = arith.constant 0 : i32
      %dma_wait3A_123 = tpu.memref_slice %arg5[%dma_wait3A_122] : memref<320000xi32, #tpu.memory_space<hbm>> -> memref<80xi32, #tpu.memory_space<hbm>>
      tpu.wait_dma2 semaphore(%arg13 : memref<!tpu.dma_semaphore, #tpu.memory_space<semaphore_mem>>) src(%dma_wait3A_123 : memref<80xi32, #tpu.memory_space<hbm>>) dst(%dma_wait3A_121 : memref<80xi32, #tpu.memory_space<vmem>>)
      %dma_wait3A_124 = arith.constant 0 : i32
      %dma_wait3A_125 = arith.constant 0 : i32
      %dma_wait3A_126 = arith.constant 0 : i32
      %dma_wait3A_127 = arith.constant 0 : i32
      %dma_wait3A_128 = tpu.memref_slice %arg10[%dma_wait3A_125, %dma_wait3A_126, %dma_wait3A_127] : memref<2x80x128xi32, #tpu.memory_space<vmem>> -> memref<1x80x128xi32, #tpu.memory_space<vmem>>
      %dma_wait3A_129 = tpu.memref_squeeze %dma_wait3A_128 : memref<1x80x128xi32, #tpu.memory_space<vmem>> -> memref<80x128xi32, #tpu.memory_space<vmem>>
      %dma_wait3A_130 = arith.constant 0 : i32
      %dma_wait3A_131 = tpu.memref_slice %arg8[%dma_wait3A_124, %dma_wait3A_130] : memref<2x80xi32, #tpu.memory_space<vmem>> -> memref<1x80xi32, #tpu.memory_space<vmem>>
      %dma_wait3A_132 = tpu.memref_squeeze %dma_wait3A_131 : memref<1x80xi32, #tpu.memory_space<vmem>> -> memref<80xi32, #tpu.memory_space<vmem>>
      %dma_wait3A_133 = arith.constant 0 : i32
      %dma_wait3A_134 = arith.constant 0 : i32
      %dma_wait3A_135 = tpu.memref_slice %arg2[%dma_wait3A_133, %dma_wait3A_134] : memref<10000x128xi32, #tpu.memory_space<hbm>> -> memref<10000x128xi32, #tpu.memory_space<hbm>>
      tpu.wait_indirect_dma semaphore(%arg14 : memref<!tpu.dma_semaphore, #tpu.memory_space<semaphore_mem>>) src(%dma_wait3A_135 : memref<10000x128xi32, #tpu.memory_space<hbm>>) dst(%dma_wait3A_129 : memref<80x128xi32, #tpu.memory_space<vmem>>)
      %dma_wait3A_136 = arith.constant 0 : i32
      %dma_wait3A_137 = arith.constant 0 : i32
      %dma_wait3A_138 = arith.constant 0 : i32
      %dma_wait3A_139 = arith.constant 0 : i32
      %dma_wait3A_140 = tpu.memref_slice %arg11[%dma_wait3A_137, %dma_wait3A_138, %dma_wait3A_139] : memref<2x80x128xf32, #tpu.memory_space<vmem>> -> memref<1x80x128xf32, #tpu.memory_space<vmem>>
      %dma_wait3A_141 = tpu.memref_squeeze %dma_wait3A_140 : memref<1x80x128xf32, #tpu.memory_space<vmem>> -> memref<80x128xf32, #tpu.memory_space<vmem>>
      %dma_wait3A_142 = arith.constant 0 : i32
      %dma_wait3A_143 = tpu.memref_slice %arg9[%dma_wait3A_136, %dma_wait3A_142] : memref<2x80xi32, #tpu.memory_space<vmem>> -> memref<1x80xi32, #tpu.memory_space<vmem>>
      %dma_wait3A_144 = tpu.memref_squeeze %dma_wait3A_143 : memref<1x80xi32, #tpu.memory_space<vmem>> -> memref<80xi32, #tpu.memory_space<vmem>>
      %dma_wait3A_145 = arith.constant 0 : i32
      %dma_wait3A_146 = arith.constant 0 : i32
      %dma_wait3A_147 = tpu.memref_slice %arg3[%dma_wait3A_145, %dma_wait3A_146] : memref<10000x128xf32, #tpu.memory_space<hbm>> -> memref<10000x128xf32, #tpu.memory_space<hbm>>
      tpu.wait_indirect_dma semaphore(%arg14 : memref<!tpu.dma_semaphore, #tpu.memory_space<semaphore_mem>>) src(%dma_wait3A_147 : memref<10000x128xf32, #tpu.memory_space<hbm>>) dst(%dma_wait3A_141 : memref<80x128xf32, #tpu.memory_space<vmem>>)
      %dma_start3A_148 = arith.constant 1 : i32
      %dma_start3A_149 = arith.constant 1 : i32
      %dma_start3A_150 = arith.constant 0 : i32
      %dma_start3A_151 = arith.constant 0 : i32
      %dma_start3A_152 = tpu.memref_slice %arg10[%dma_start3A_149, %dma_start3A_150, %dma_start3A_151] : memref<2x80x128xi32, #tpu.memory_space<vmem>> -> memref<1x80x128xi32, #tpu.memory_space<vmem>>
      %dma_start3A_153 = tpu.memref_squeeze %dma_start3A_152 : memref<1x80x128xi32, #tpu.memory_space<vmem>> -> memref<80x128xi32, #tpu.memory_space<vmem>>
      %dma_start3A_154 = arith.constant 0 : i32
      %dma_start3A_155 = tpu.memref_slice %arg8[%dma_start3A_148, %dma_start3A_154] : memref<2x80xi32, #tpu.memory_space<vmem>> -> memref<1x80xi32, #tpu.memory_space<vmem>>
      %dma_start3A_156 = tpu.memref_squeeze %dma_start3A_155 : memref<1x80xi32, #tpu.memory_space<vmem>> -> memref<80xi32, #tpu.memory_space<vmem>>
      %dma_start3A_157 = arith.constant 0 : i32
      %dma_start3A_158 = arith.constant 0 : i32
      %dma_start3A_159 = tpu.memref_slice %arg2[%dma_start3A_157, %dma_start3A_158] : memref<10000x128xi32, #tpu.memory_space<hbm>> -> memref<10000x128xi32, #tpu.memory_space<hbm>>
      tpu.enqueue_indirect_dma source(%dma_start3A_159 : memref<10000x128xi32, #tpu.memory_space<hbm>>) target(%dma_start3A_153 : memref<80x128xi32, #tpu.memory_space<vmem>>) offsets(%dma_start3A_156 : memref<80xi32, #tpu.memory_space<vmem>>) semaphore(%arg15 : memref<!tpu.dma_semaphore, #tpu.memory_space<semaphore_mem>>)
      %dma_start3A_160 = arith.constant 1 : i32
      %dma_start3A_161 = arith.constant 1 : i32
      %dma_start3A_162 = arith.constant 0 : i32
      %dma_start3A_163 = arith.constant 0 : i32
      %dma_start3A_164 = tpu.memref_slice %arg11[%dma_start3A_161, %dma_start3A_162, %dma_start3A_163] : memref<2x80x128xf32, #tpu.memory_space<vmem>> -> memref<1x80x128xf32, #tpu.memory_space<vmem>>
      %dma_start3A_165 = tpu.memref_squeeze %dma_start3A_164 : memref<1x80x128xf32, #tpu.memory_space<vmem>> -> memref<80x128xf32, #tpu.memory_space<vmem>>
      %dma_start3A_166 = arith.constant 0 : i32
      %dma_start3A_167 = tpu.memref_slice %arg9[%dma_start3A_160, %dma_start3A_166] : memref<2x80xi32, #tpu.memory_space<vmem>> -> memref<1x80xi32, #tpu.memory_space<vmem>>
      %dma_start3A_168 = tpu.memref_squeeze %dma_start3A_167 : memref<1x80xi32, #tpu.memory_space<vmem>> -> memref<80xi32, #tpu.memory_space<vmem>>
      %dma_start3A_169 = arith.constant 0 : i32
      %dma_start3A_170 = arith.constant 0 : i32
      %dma_start3A_171 = tpu.memref_slice %arg3[%dma_start3A_169, %dma_start3A_170] : memref<10000x128xf32, #tpu.memory_space<hbm>> -> memref<10000x128xf32, #tpu.memory_space<hbm>>
      tpu.enqueue_indirect_dma source(%dma_start3A_171 : memref<10000x128xf32, #tpu.memory_space<hbm>>) target(%dma_start3A_165 : memref<80x128xf32, #tpu.memory_space<vmem>>) offsets(%dma_start3A_168 : memref<80xi32, #tpu.memory_space<vmem>>) semaphore(%arg15 : memref<!tpu.dma_semaphore, #tpu.memory_space<semaphore_mem>>)
      %mul3A_172 = arith.constant 80 : i32
      %mul3A_173 = arith.muli %mul3A_101, %mul3A_172 : i32
      %add3A_174 = arith.addi %mul3A_2, %mul3A_173 : i32
      %run_scoped3A = arith.constant 0 : i32
      "tpu.region"() ({
        %run_scoped3A_225 = tpu.sem_alloc : memref<!tpu.dma_semaphore, #tpu.memory_space<semaphore_mem>>
        %dma_start3A_226 = arith.constant 0 : i32
        %dma_start3A_227 = arith.constant 0 : i32
        %dma_start3A_228 = tpu.memref_slice %arg10[%run_scoped3A, %dma_start3A_226, %dma_start3A_227] : memref<2x80x128xi32, #tpu.memory_space<vmem>> -> memref<1x80x128xi32, #tpu.memory_space<vmem>>
        %dma_start3A_229 = tpu.memref_squeeze %dma_start3A_228 : memref<1x80x128xi32, #tpu.memory_space<vmem>> -> memref<80x128xi32, #tpu.memory_space<vmem>>
        %dma_start3A_230 = arith.constant 0 : i32
        %dma_start3A_231 = tpu.memref_slice %arg6[%add3A_174, %dma_start3A_230] : memref<92160x128xi32, #tpu.memory_space<hbm>> -> memref<80x128xi32, #tpu.memory_space<hbm>>
        %dma_start3A_232 = arith.constant 0 : i32
        %dma_start3A_233 = tpu.memref_slice %arg6[%add3A_174, %dma_start3A_232] : memref<92160x128xi32, #tpu.memory_space<hbm>> -> memref<80x128xi32, #tpu.memory_space<hbm>>
        %dma_start3A_234 = arith.constant 0 : i32
        %dma_start3A_235 = arith.constant 0 : i32
        %dma_start3A_236 = tpu.memref_slice %arg10[%run_scoped3A, %dma_start3A_234, %dma_start3A_235] : memref<2x80x128xi32, #tpu.memory_space<vmem>> -> memref<1x80x128xi32, #tpu.memory_space<vmem>>
        %dma_start3A_237 = tpu.memref_squeeze %dma_start3A_236 : memref<1x80x128xi32, #tpu.memory_space<vmem>> -> memref<80x128xi32, #tpu.memory_space<vmem>>
        tpu.enqueue_dma source(%dma_start3A_237 : memref<80x128xi32, #tpu.memory_space<vmem>>) target(%dma_start3A_233 : memref<80x128xi32, #tpu.memory_space<hbm>>) target_semaphore(%run_scoped3A_225 : memref<!tpu.dma_semaphore, #tpu.memory_space<semaphore_mem>>)
        %dma_wait3A_238 = arith.constant 0 : i32
        %dma_wait3A_239 = arith.constant 0 : i32
        %dma_wait3A_240 = tpu.memref_slice %arg10[%run_scoped3A, %dma_wait3A_238, %dma_wait3A_239] : memref<2x80x128xi32, #tpu.memory_space<vmem>> -> memref<1x80x128xi32, #tpu.memory_space<vmem>>
        %dma_wait3A_241 = tpu.memref_squeeze %dma_wait3A_240 : memref<1x80x128xi32, #tpu.memory_space<vmem>> -> memref<80x128xi32, #tpu.memory_space<vmem>>
        %dma_wait3A_242 = arith.constant 0 : i32
        %dma_wait3A_243 = tpu.memref_slice %arg6[%add3A_174, %dma_wait3A_242] : memref<92160x128xi32, #tpu.memory_space<hbm>> -> memref<80x128xi32, #tpu.memory_space<hbm>>
        %dma_wait3A_244 = arith.constant 0 : i32
        %dma_wait3A_245 = tpu.memref_slice %arg6[%add3A_174, %dma_wait3A_244] : memref<92160x128xi32, #tpu.memory_space<hbm>> -> memref<80x128xi32, #tpu.memory_space<hbm>>
        %dma_wait3A_246 = arith.constant 0 : i32
        %dma_wait3A_247 = arith.constant 0 : i32
        %dma_wait3A_248 = tpu.memref_slice %arg10[%run_scoped3A, %dma_wait3A_246, %dma_wait3A_247] : memref<2x80x128xi32, #tpu.memory_space<vmem>> -> memref<1x80x128xi32, #tpu.memory_space<vmem>>
        %dma_wait3A_249 = tpu.memref_squeeze %dma_wait3A_248 : memref<1x80x128xi32, #tpu.memory_space<vmem>> -> memref<80x128xi32, #tpu.memory_space<vmem>>
        tpu.wait_dma2 semaphore(%run_scoped3A_225 : memref<!tpu.dma_semaphore, #tpu.memory_space<semaphore_mem>>) src(%dma_wait3A_249 : memref<80x128xi32, #tpu.memory_space<vmem>>) dst(%dma_wait3A_245 : memref<80x128xi32, #tpu.memory_space<hbm>>)
        tpu.yield
      }) : () -> ()
      %run_scoped3A_175 = arith.constant 0 : i32
      "tpu.region"() ({
        %run_scoped3A_225 = tpu.sem_alloc : memref<!tpu.dma_semaphore, #tpu.memory_space<semaphore_mem>>
        %dma_start3A_226 = arith.constant 0 : i32
        %dma_start3A_227 = arith.constant 0 : i32
        %dma_start3A_228 = tpu.memref_slice %arg11[%run_scoped3A_175, %dma_start3A_226, %dma_start3A_227] : memref<2x80x128xf32, #tpu.memory_space<vmem>> -> memref<1x80x128xf32, #tpu.memory_space<vmem>>
        %dma_start3A_229 = tpu.memref_squeeze %dma_start3A_228 : memref<1x80x128xf32, #tpu.memory_space<vmem>> -> memref<80x128xf32, #tpu.memory_space<vmem>>
        %dma_start3A_230 = arith.constant 0 : i32
        %dma_start3A_231 = tpu.memref_slice %arg7[%add3A_174, %dma_start3A_230] : memref<92160x128xf32, #tpu.memory_space<hbm>> -> memref<80x128xf32, #tpu.memory_space<hbm>>
        %dma_start3A_232 = arith.constant 0 : i32
        %dma_start3A_233 = tpu.memref_slice %arg7[%add3A_174, %dma_start3A_232] : memref<92160x128xf32, #tpu.memory_space<hbm>> -> memref<80x128xf32, #tpu.memory_space<hbm>>
        %dma_start3A_234 = arith.constant 0 : i32
        %dma_start3A_235 = arith.constant 0 : i32
        %dma_start3A_236 = tpu.memref_slice %arg11[%run_scoped3A_175, %dma_start3A_234, %dma_start3A_235] : memref<2x80x128xf32, #tpu.memory_space<vmem>> -> memref<1x80x128xf32, #tpu.memory_space<vmem>>
        %dma_start3A_237 = tpu.memref_squeeze %dma_start3A_236 : memref<1x80x128xf32, #tpu.memory_space<vmem>> -> memref<80x128xf32, #tpu.memory_space<vmem>>
        tpu.enqueue_dma source(%dma_start3A_237 : memref<80x128xf32, #tpu.memory_space<vmem>>) target(%dma_start3A_233 : memref<80x128xf32, #tpu.memory_space<hbm>>) target_semaphore(%run_scoped3A_225 : memref<!tpu.dma_semaphore, #tpu.memory_space<semaphore_mem>>)
        %dma_wait3A_238 = arith.constant 0 : i32
        %dma_wait3A_239 = arith.constant 0 : i32
        %dma_wait3A_240 = tpu.memref_slice %arg11[%run_scoped3A_175, %dma_wait3A_238, %dma_wait3A_239] : memref<2x80x128xf32, #tpu.memory_space<vmem>> -> memref<1x80x128xf32, #tpu.memory_space<vmem>>
        %dma_wait3A_241 = tpu.memref_squeeze %dma_wait3A_240 : memref<1x80x128xf32, #tpu.memory_space<vmem>> -> memref<80x128xf32, #tpu.memory_space<vmem>>
        %dma_wait3A_242 = arith.constant 0 : i32
        %dma_wait3A_243 = tpu.memref_slice %arg7[%add3A_174, %dma_wait3A_242] : memref<92160x128xf32, #tpu.memory_space<hbm>> -> memref<80x128xf32, #tpu.memory_space<hbm>>
        %dma_wait3A_244 = arith.constant 0 : i32
        %dma_wait3A_245 = tpu.memref_slice %arg7[%add3A_174, %dma_wait3A_244] : memref<92160x128xf32, #tpu.memory_space<hbm>> -> memref<80x128xf32, #tpu.memory_space<hbm>>
        %dma_wait3A_246 = arith.constant 0 : i32
        %dma_wait3A_247 = arith.constant 0 : i32
        %dma_wait3A_248 = tpu.memref_slice %arg11[%run_scoped3A_175, %dma_wait3A_246, %dma_wait3A_247] : memref<2x80x128xf32, #tpu.memory_space<vmem>> -> memref<1x80x128xf32, #tpu.memory_space<vmem>>
        %dma_wait3A_249 = tpu.memref_squeeze %dma_wait3A_248 : memref<1x80x128xf32, #tpu.memory_space<vmem>> -> memref<80x128xf32, #tpu.memory_space<vmem>>
        tpu.wait_dma2 semaphore(%run_scoped3A_225 : memref<!tpu.dma_semaphore, #tpu.memory_space<semaphore_mem>>) src(%dma_wait3A_249 : memref<80x128xf32, #tpu.memory_space<vmem>>) dst(%dma_wait3A_245 : memref<80x128xf32, #tpu.memory_space<hbm>>)
        tpu.yield
      }) : () -> ()
      %add3A_176 = arith.constant 2 : i32
      %add3A_177 = arith.addi %mul3A_101, %add3A_176 : i32
      %lt3A = arith.constant 36 : i32
      %lt3A_178 = arith.cmpi slt, %add3A_177, %lt3A : i32
      %convert_element_type3A = arith.extui %lt3A_178 : i1 to i32
      %cond3A = arith.constant 0 : i32
      %cond3A_179 = arith.cmpi ne, %convert_element_type3A, %cond3A : i32
      scf.if %cond3A_179 {
        %add3A_225 = arith.constant 2 : i32
        %add3A_226 = arith.addi %mul3A_101, %add3A_225 : i32
        %add3A_227 = arith.constant 0 : i32
        %add3A_228 = arith.addi %add3A_227, %mul3A_2 : i32
        %mul3A_229 = arith.constant 80 : i32
        %mul3A_230 = arith.muli %add3A_226, %mul3A_229 : i32
        %add3A_231 = arith.addi %add3A_228, %mul3A_230 : i32
        %dma_start3A_232 = arith.constant 0 : i32
        %dma_start3A_233 = arith.constant 0 : i32
        %dma_start3A_234 = tpu.memref_slice %arg8[%dma_start3A_232, %dma_start3A_233] : memref<2x80xi32, #tpu.memory_space<vmem>> -> memref<1x80xi32, #tpu.memory_space<vmem>>
        %dma_start3A_235 = tpu.memref_squeeze %dma_start3A_234 : memref<1x80xi32, #tpu.memory_space<vmem>> -> memref<80xi32, #tpu.memory_space<vmem>>
        %dma_start3A_236 = tpu.memref_slice %arg4[%add3A_231] : memref<320000xi32, #tpu.memory_space<hbm>> -> memref<80xi32, #tpu.memory_space<hbm>>
        %dma_start3A_237 = arith.constant 0 : i32
        %dma_start3A_238 = tpu.memref_slice %arg8[%dma_start3A_232, %dma_start3A_237] : memref<2x80xi32, #tpu.memory_space<vmem>> -> memref<1x80xi32, #tpu.memory_space<vmem>>
        %dma_start3A_239 = tpu.memref_squeeze %dma_start3A_238 : memref<1x80xi32, #tpu.memory_space<vmem>> -> memref<80xi32, #tpu.memory_space<vmem>>
        %dma_start3A_240 = tpu.memref_slice %arg4[%add3A_231] : memref<320000xi32, #tpu.memory_space<hbm>> -> memref<80xi32, #tpu.memory_space<hbm>>
        tpu.enqueue_dma source(%dma_start3A_240 : memref<80xi32, #tpu.memory_space<hbm>>) target(%dma_start3A_239 : memref<80xi32, #tpu.memory_space<vmem>>) target_semaphore(%arg12 : memref<!tpu.dma_semaphore, #tpu.memory_space<semaphore_mem>>)
        %dma_start3A_241 = arith.constant 0 : i32
        %dma_start3A_242 = arith.constant 0 : i32
        %dma_start3A_243 = tpu.memref_slice %arg9[%dma_start3A_241, %dma_start3A_242] : memref<2x80xi32, #tpu.memory_space<vmem>> -> memref<1x80xi32, #tpu.memory_space<vmem>>
        %dma_start3A_244 = tpu.memref_squeeze %dma_start3A_243 : memref<1x80xi32, #tpu.memory_space<vmem>> -> memref<80xi32, #tpu.memory_space<vmem>>
        %dma_start3A_245 = tpu.memref_slice %arg5[%add3A_231] : memref<320000xi32, #tpu.memory_space<hbm>> -> memref<80xi32, #tpu.memory_space<hbm>>
        %dma_start3A_246 = arith.constant 0 : i32
        %dma_start3A_247 = tpu.memref_slice %arg9[%dma_start3A_241, %dma_start3A_246] : memref<2x80xi32, #tpu.memory_space<vmem>> -> memref<1x80xi32, #tpu.memory_space<vmem>>
        %dma_start3A_248 = tpu.memref_squeeze %dma_start3A_247 : memref<1x80xi32, #tpu.memory_space<vmem>> -> memref<80xi32, #tpu.memory_space<vmem>>
        %dma_start3A_249 = tpu.memref_slice %arg5[%add3A_231] : memref<320000xi32, #tpu.memory_space<hbm>> -> memref<80xi32, #tpu.memory_space<hbm>>
        tpu.enqueue_dma source(%dma_start3A_249 : memref<80xi32, #tpu.memory_space<hbm>>) target(%dma_start3A_248 : memref<80xi32, #tpu.memory_space<vmem>>) target_semaphore(%arg12 : memref<!tpu.dma_semaphore, #tpu.memory_space<semaphore_mem>>)
      } else {
      }
      %dma_wait3A_180 = arith.constant 1 : i32
      %dma_wait3A_181 = arith.constant 1 : i32
      %dma_wait3A_182 = arith.constant 0 : i32
      %dma_wait3A_183 = arith.constant 0 : i32
      %dma_wait3A_184 = tpu.memref_slice %arg10[%dma_wait3A_181, %dma_wait3A_182, %dma_wait3A_183] : memref<2x80x128xi32, #tpu.memory_space<vmem>> -> memref<1x80x128xi32, #tpu.memory_space<vmem>>
      %dma_wait3A_185 = tpu.memref_squeeze %dma_wait3A_184 : memref<1x80x128xi32, #tpu.memory_space<vmem>> -> memref<80x128xi32, #tpu.memory_space<vmem>>
      %dma_wait3A_186 = arith.constant 0 : i32
      %dma_wait3A_187 = tpu.memref_slice %arg8[%dma_wait3A_180, %dma_wait3A_186] : memref<2x80xi32, #tpu.memory_space<vmem>> -> memref<1x80xi32, #tpu.memory_space<vmem>>
      %dma_wait3A_188 = tpu.memref_squeeze %dma_wait3A_187 : memref<1x80xi32, #tpu.memory_space<vmem>> -> memref<80xi32, #tpu.memory_space<vmem>>
      %dma_wait3A_189 = arith.constant 0 : i32
      %dma_wait3A_190 = arith.constant 0 : i32
      %dma_wait3A_191 = tpu.memref_slice %arg2[%dma_wait3A_189, %dma_wait3A_190] : memref<10000x128xi32, #tpu.memory_space<hbm>> -> memref<10000x128xi32, #tpu.memory_space<hbm>>
      tpu.wait_indirect_dma semaphore(%arg15 : memref<!tpu.dma_semaphore, #tpu.memory_space<semaphore_mem>>) src(%dma_wait3A_191 : memref<10000x128xi32, #tpu.memory_space<hbm>>) dst(%dma_wait3A_185 : memref<80x128xi32, #tpu.memory_space<vmem>>)
      %dma_wait3A_192 = arith.constant 1 : i32
      %dma_wait3A_193 = arith.constant 1 : i32
      %dma_wait3A_194 = arith.constant 0 : i32
      %dma_wait3A_195 = arith.constant 0 : i32
      %dma_wait3A_196 = tpu.memref_slice %arg11[%dma_wait3A_193, %dma_wait3A_194, %dma_wait3A_195] : memref<2x80x128xf32, #tpu.memory_space<vmem>> -> memref<1x80x128xf32, #tpu.memory_space<vmem>>
      %dma_wait3A_197 = tpu.memref_squeeze %dma_wait3A_196 : memref<1x80x128xf32, #tpu.memory_space<vmem>> -> memref<80x128xf32, #tpu.memory_space<vmem>>
      %dma_wait3A_198 = arith.constant 0 : i32
      %dma_wait3A_199 = tpu.memref_slice %arg9[%dma_wait3A_192, %dma_wait3A_198] : memref<2x80xi32, #tpu.memory_space<vmem>> -> memref<1x80xi32, #tpu.memory_space<vmem>>
      %dma_wait3A_200 = tpu.memref_squeeze %dma_wait3A_199 : memref<1x80xi32, #tpu.memory_space<vmem>> -> memref<80xi32, #tpu.memory_space<vmem>>
      %dma_wait3A_201 = arith.constant 0 : i32
      %dma_wait3A_202 = arith.constant 0 : i32
      %dma_wait3A_203 = tpu.memref_slice %arg3[%dma_wait3A_201, %dma_wait3A_202] : memref<10000x128xf32, #tpu.memory_space<hbm>> -> memref<10000x128xf32, #tpu.memory_space<hbm>>
      tpu.wait_indirect_dma semaphore(%arg15 : memref<!tpu.dma_semaphore, #tpu.memory_space<semaphore_mem>>) src(%dma_wait3A_203 : memref<10000x128xf32, #tpu.memory_space<hbm>>) dst(%dma_wait3A_197 : memref<80x128xf32, #tpu.memory_space<vmem>>)
      %add3A_204 = arith.constant 1 : i32
      %add3A_205 = arith.addi %mul3A_101, %add3A_204 : i32
      %mul3A_206 = arith.constant 80 : i32
      %mul3A_207 = arith.muli %add3A_205, %mul3A_206 : i32
      %add3A_208 = arith.addi %mul3A_2, %mul3A_207 : i32
      %run_scoped3A_209 = arith.constant 1 : i32
      "tpu.region"() ({
        %run_scoped3A_225 = tpu.sem_alloc : memref<!tpu.dma_semaphore, #tpu.memory_space<semaphore_mem>>
        %dma_start3A_226 = arith.constant 0 : i32
        %dma_start3A_227 = arith.constant 0 : i32
        %dma_start3A_228 = tpu.memref_slice %arg10[%run_scoped3A_209, %dma_start3A_226, %dma_start3A_227] : memref<2x80x128xi32, #tpu.memory_space<vmem>> -> memref<1x80x128xi32, #tpu.memory_space<vmem>>
        %dma_start3A_229 = tpu.memref_squeeze %dma_start3A_228 : memref<1x80x128xi32, #tpu.memory_space<vmem>> -> memref<80x128xi32, #tpu.memory_space<vmem>>
        %dma_start3A_230 = arith.constant 0 : i32
        %dma_start3A_231 = tpu.memref_slice %arg6[%add3A_208, %dma_start3A_230] : memref<92160x128xi32, #tpu.memory_space<hbm>> -> memref<80x128xi32, #tpu.memory_space<hbm>>
        %dma_start3A_232 = arith.constant 0 : i32
        %dma_start3A_233 = tpu.memref_slice %arg6[%add3A_208, %dma_start3A_232] : memref<92160x128xi32, #tpu.memory_space<hbm>> -> memref<80x128xi32, #tpu.memory_space<hbm>>
        %dma_start3A_234 = arith.constant 0 : i32
        %dma_start3A_235 = arith.constant 0 : i32
        %dma_start3A_236 = tpu.memref_slice %arg10[%run_scoped3A_209, %dma_start3A_234, %dma_start3A_235] : memref<2x80x128xi32, #tpu.memory_space<vmem>> -> memref<1x80x128xi32, #tpu.memory_space<vmem>>
        %dma_start3A_237 = tpu.memref_squeeze %dma_start3A_236 : memref<1x80x128xi32, #tpu.memory_space<vmem>> -> memref<80x128xi32, #tpu.memory_space<vmem>>
        tpu.enqueue_dma source(%dma_start3A_237 : memref<80x128xi32, #tpu.memory_space<vmem>>) target(%dma_start3A_233 : memref<80x128xi32, #tpu.memory_space<hbm>>) target_semaphore(%run_scoped3A_225 : memref<!tpu.dma_semaphore, #tpu.memory_space<semaphore_mem>>)
        %dma_wait3A_238 = arith.constant 0 : i32
        %dma_wait3A_239 = arith.constant 0 : i32
        %dma_wait3A_240 = tpu.memref_slice %arg10[%run_scoped3A_209, %dma_wait3A_238, %dma_wait3A_239] : memref<2x80x128xi32, #tpu.memory_space<vmem>> -> memref<1x80x128xi32, #tpu.memory_space<vmem>>
        %dma_wait3A_241 = tpu.memref_squeeze %dma_wait3A_240 : memref<1x80x128xi32, #tpu.memory_space<vmem>> -> memref<80x128xi32, #tpu.memory_space<vmem>>
        %dma_wait3A_242 = arith.constant 0 : i32
        %dma_wait3A_243 = tpu.memref_slice %arg6[%add3A_208, %dma_wait3A_242] : memref<92160x128xi32, #tpu.memory_space<hbm>> -> memref<80x128xi32, #tpu.memory_space<hbm>>
        %dma_wait3A_244 = arith.constant 0 : i32
        %dma_wait3A_245 = tpu.memref_slice %arg6[%add3A_208, %dma_wait3A_244] : memref<92160x128xi32, #tpu.memory_space<hbm>> -> memref<80x128xi32, #tpu.memory_space<hbm>>
        %dma_wait3A_246 = arith.constant 0 : i32
        %dma_wait3A_247 = arith.constant 0 : i32
        %dma_wait3A_248 = tpu.memref_slice %arg10[%run_scoped3A_209, %dma_wait3A_246, %dma_wait3A_247] : memref<2x80x128xi32, #tpu.memory_space<vmem>> -> memref<1x80x128xi32, #tpu.memory_space<vmem>>
        %dma_wait3A_249 = tpu.memref_squeeze %dma_wait3A_248 : memref<1x80x128xi32, #tpu.memory_space<vmem>> -> memref<80x128xi32, #tpu.memory_space<vmem>>
        tpu.wait_dma2 semaphore(%run_scoped3A_225 : memref<!tpu.dma_semaphore, #tpu.memory_space<semaphore_mem>>) src(%dma_wait3A_249 : memref<80x128xi32, #tpu.memory_space<vmem>>) dst(%dma_wait3A_245 : memref<80x128xi32, #tpu.memory_space<hbm>>)
        tpu.yield
      }) : () -> ()
      %run_scoped3A_210 = arith.constant 1 : i32
      "tpu.region"() ({
        %run_scoped3A_225 = tpu.sem_alloc : memref<!tpu.dma_semaphore, #tpu.memory_space<semaphore_mem>>
        %dma_start3A_226 = arith.constant 0 : i32
        %dma_start3A_227 = arith.constant 0 : i32
        %dma_start3A_228 = tpu.memref_slice %arg11[%run_scoped3A_210, %dma_start3A_226, %dma_start3A_227] : memref<2x80x128xf32, #tpu.memory_space<vmem>> -> memref<1x80x128xf32, #tpu.memory_space<vmem>>
        %dma_start3A_229 = tpu.memref_squeeze %dma_start3A_228 : memref<1x80x128xf32, #tpu.memory_space<vmem>> -> memref<80x128xf32, #tpu.memory_space<vmem>>
        %dma_start3A_230 = arith.constant 0 : i32
        %dma_start3A_231 = tpu.memref_slice %arg7[%add3A_208, %dma_start3A_230] : memref<92160x128xf32, #tpu.memory_space<hbm>> -> memref<80x128xf32, #tpu.memory_space<hbm>>
        %dma_start3A_232 = arith.constant 0 : i32
        %dma_start3A_233 = tpu.memref_slice %arg7[%add3A_208, %dma_start3A_232] : memref<92160x128xf32, #tpu.memory_space<hbm>> -> memref<80x128xf32, #tpu.memory_space<hbm>>
        %dma_start3A_234 = arith.constant 0 : i32
        %dma_start3A_235 = arith.constant 0 : i32
        %dma_start3A_236 = tpu.memref_slice %arg11[%run_scoped3A_210, %dma_start3A_234, %dma_start3A_235] : memref<2x80x128xf32, #tpu.memory_space<vmem>> -> memref<1x80x128xf32, #tpu.memory_space<vmem>>
        %dma_start3A_237 = tpu.memref_squeeze %dma_start3A_236 : memref<1x80x128xf32, #tpu.memory_space<vmem>> -> memref<80x128xf32, #tpu.memory_space<vmem>>
        tpu.enqueue_dma source(%dma_start3A_237 : memref<80x128xf32, #tpu.memory_space<vmem>>) target(%dma_start3A_233 : memref<80x128xf32, #tpu.memory_space<hbm>>) target_semaphore(%run_scoped3A_225 : memref<!tpu.dma_semaphore, #tpu.memory_space<semaphore_mem>>)
        %dma_wait3A_238 = arith.constant 0 : i32
        %dma_wait3A_239 = arith.constant 0 : i32
        %dma_wait3A_240 = tpu.memref_slice %arg11[%run_scoped3A_210, %dma_wait3A_238, %dma_wait3A_239] : memref<2x80x128xf32, #tpu.memory_space<vmem>> -> memref<1x80x128xf32, #tpu.memory_space<vmem>>
        %dma_wait3A_241 = tpu.memref_squeeze %dma_wait3A_240 : memref<1x80x128xf32, #tpu.memory_space<vmem>> -> memref<80x128xf32, #tpu.memory_space<vmem>>
        %dma_wait3A_242 = arith.constant 0 : i32
        %dma_wait3A_243 = tpu.memref_slice %arg7[%add3A_208, %dma_wait3A_242] : memref<92160x128xf32, #tpu.memory_space<hbm>> -> memref<80x128xf32, #tpu.memory_space<hbm>>
        %dma_wait3A_244 = arith.constant 0 : i32
        %dma_wait3A_245 = tpu.memref_slice %arg7[%add3A_208, %dma_wait3A_244] : memref<92160x128xf32, #tpu.memory_space<hbm>> -> memref<80x128xf32, #tpu.memory_space<hbm>>
        %dma_wait3A_246 = arith.constant 0 : i32
        %dma_wait3A_247 = arith.constant 0 : i32
        %dma_wait3A_248 = tpu.memref_slice %arg11[%run_scoped3A_210, %dma_wait3A_246, %dma_wait3A_247] : memref<2x80x128xf32, #tpu.memory_space<vmem>> -> memref<1x80x128xf32, #tpu.memory_space<vmem>>
        %dma_wait3A_249 = tpu.memref_squeeze %dma_wait3A_248 : memref<1x80x128xf32, #tpu.memory_space<vmem>> -> memref<80x128xf32, #tpu.memory_space<vmem>>
        tpu.wait_dma2 semaphore(%run_scoped3A_225 : memref<!tpu.dma_semaphore, #tpu.memory_space<semaphore_mem>>) src(%dma_wait3A_249 : memref<80x128xf32, #tpu.memory_space<vmem>>) dst(%dma_wait3A_245 : memref<80x128xf32, #tpu.memory_space<hbm>>)
        tpu.yield
      }) : () -> ()
      %add3A_211 = arith.constant 3 : i32
      %add3A_212 = arith.addi %mul3A_101, %add3A_211 : i32
      %lt3A_213 = arith.constant 36 : i32
      %lt3A_214 = arith.cmpi slt, %add3A_212, %lt3A_213 : i32
      %convert_element_type3A_215 = arith.extui %lt3A_214 : i1 to i32
      %cond3A_216 = arith.constant 0 : i32
      %cond3A_217 = arith.cmpi ne, %convert_element_type3A_215, %cond3A_216 : i32
      scf.if %cond3A_217 {
        %add3A_225 = arith.constant 3 : i32
        %add3A_226 = arith.addi %mul3A_101, %add3A_225 : i32
        %add3A_227 = arith.constant 0 : i32
        %add3A_228 = arith.addi %add3A_227, %mul3A_2 : i32
        %mul3A_229 = arith.constant 80 : i32
        %mul3A_230 = arith.muli %add3A_226, %mul3A_229 : i32
        %add3A_231 = arith.addi %add3A_228, %mul3A_230 : i32
        %dma_start3A_232 = arith.constant 1 : i32
        %dma_start3A_233 = arith.constant 0 : i32
        %dma_start3A_234 = tpu.memref_slice %arg8[%dma_start3A_232, %dma_start3A_233] : memref<2x80xi32, #tpu.memory_space<vmem>> -> memref<1x80xi32, #tpu.memory_space<vmem>>
        %dma_start3A_235 = tpu.memref_squeeze %dma_start3A_234 : memref<1x80xi32, #tpu.memory_space<vmem>> -> memref<80xi32, #tpu.memory_space<vmem>>
        %dma_start3A_236 = tpu.memref_slice %arg4[%add3A_231] : memref<320000xi32, #tpu.memory_space<hbm>> -> memref<80xi32, #tpu.memory_space<hbm>>
        %dma_start3A_237 = arith.constant 0 : i32
        %dma_start3A_238 = tpu.memref_slice %arg8[%dma_start3A_232, %dma_start3A_237] : memref<2x80xi32, #tpu.memory_space<vmem>> -> memref<1x80xi32, #tpu.memory_space<vmem>>
        %dma_start3A_239 = tpu.memref_squeeze %dma_start3A_238 : memref<1x80xi32, #tpu.memory_space<vmem>> -> memref<80xi32, #tpu.memory_space<vmem>>
        %dma_start3A_240 = tpu.memref_slice %arg4[%add3A_231] : memref<320000xi32, #tpu.memory_space<hbm>> -> memref<80xi32, #tpu.memory_space<hbm>>
        tpu.enqueue_dma source(%dma_start3A_240 : memref<80xi32, #tpu.memory_space<hbm>>) target(%dma_start3A_239 : memref<80xi32, #tpu.memory_space<vmem>>) target_semaphore(%arg13 : memref<!tpu.dma_semaphore, #tpu.memory_space<semaphore_mem>>)
        %dma_start3A_241 = arith.constant 1 : i32
        %dma_start3A_242 = arith.constant 0 : i32
        %dma_start3A_243 = tpu.memref_slice %arg9[%dma_start3A_241, %dma_start3A_242] : memref<2x80xi32, #tpu.memory_space<vmem>> -> memref<1x80xi32, #tpu.memory_space<vmem>>
        %dma_start3A_244 = tpu.memref_squeeze %dma_start3A_243 : memref<1x80xi32, #tpu.memory_space<vmem>> -> memref<80xi32, #tpu.memory_space<vmem>>
        %dma_start3A_245 = tpu.memref_slice %arg5[%add3A_231] : memref<320000xi32, #tpu.memory_space<hbm>> -> memref<80xi32, #tpu.memory_space<hbm>>
        %dma_start3A_246 = arith.constant 0 : i32
        %dma_start3A_247 = tpu.memref_slice %arg9[%dma_start3A_241, %dma_start3A_246] : memref<2x80xi32, #tpu.memory_space<vmem>> -> memref<1x80xi32, #tpu.memory_space<vmem>>
        %dma_start3A_248 = tpu.memref_squeeze %dma_start3A_247 : memref<1x80xi32, #tpu.memory_space<vmem>> -> memref<80xi32, #tpu.memory_space<vmem>>
        %dma_start3A_249 = tpu.memref_slice %arg5[%add3A_231] : memref<320000xi32, #tpu.memory_space<hbm>> -> memref<80xi32, #tpu.memory_space<hbm>>
        tpu.enqueue_dma source(%dma_start3A_249 : memref<80xi32, #tpu.memory_space<hbm>>) target(%dma_start3A_248 : memref<80xi32, #tpu.memory_space<vmem>>) target_semaphore(%arg13 : memref<!tpu.dma_semaphore, #tpu.memory_space<semaphore_mem>>)
      } else {
      }
      %add3A_218 = arith.constant 2 : i32
      %add3A_219 = arith.addi %mul3A_101, %add3A_218 : i32
      %lt3A_220 = arith.constant 36 : i32
      %lt3A_221 = arith.cmpi slt, %add3A_219, %lt3A_220 : i32
      %convert_element_type3A_222 = arith.extui %lt3A_221 : i1 to i32
      %cond3A_223 = arith.constant 0 : i32
      %cond3A_224 = arith.cmpi ne, %convert_element_type3A_222, %cond3A_223 : i32
      scf.if %cond3A_224 {
        %dma_wait3A_225 = arith.constant 0 : i32
        %dma_wait3A_226 = arith.constant 0 : i32
        %dma_wait3A_227 = tpu.memref_slice %arg8[%dma_wait3A_225, %dma_wait3A_226] : memref<2x80xi32, #tpu.memory_space<vmem>> -> memref<1x80xi32, #tpu.memory_space<vmem>>
        %dma_wait3A_228 = tpu.memref_squeeze %dma_wait3A_227 : memref<1x80xi32, #tpu.memory_space<vmem>> -> memref<80xi32, #tpu.memory_space<vmem>>
        %dma_wait3A_229 = arith.constant 0 : i32
        %dma_wait3A_230 = tpu.memref_slice %arg4[%dma_wait3A_229] : memref<320000xi32, #tpu.memory_space<hbm>> -> memref<80xi32, #tpu.memory_space<hbm>>
        %dma_wait3A_231 = arith.constant 0 : i32
        %dma_wait3A_232 = tpu.memref_slice %arg8[%dma_wait3A_225, %dma_wait3A_231] : memref<2x80xi32, #tpu.memory_space<vmem>> -> memref<1x80xi32, #tpu.memory_space<vmem>>
        %dma_wait3A_233 = tpu.memref_squeeze %dma_wait3A_232 : memref<1x80xi32, #tpu.memory_space<vmem>> -> memref<80xi32, #tpu.memory_space<vmem>>
        %dma_wait3A_234 = arith.constant 0 : i32
        %dma_wait3A_235 = tpu.memref_slice %arg4[%dma_wait3A_234] : memref<320000xi32, #tpu.memory_space<hbm>> -> memref<80xi32, #tpu.memory_space<hbm>>
        tpu.wait_dma2 semaphore(%arg12 : memref<!tpu.dma_semaphore, #tpu.memory_space<semaphore_mem>>) src(%dma_wait3A_235 : memref<80xi32, #tpu.memory_space<hbm>>) dst(%dma_wait3A_233 : memref<80xi32, #tpu.memory_space<vmem>>)
        %dma_wait3A_236 = arith.constant 0 : i32
        %dma_wait3A_237 = arith.constant 0 : i32
        %dma_wait3A_238 = tpu.memref_slice %arg9[%dma_wait3A_236, %dma_wait3A_237] : memref<2x80xi32, #tpu.memory_space<vmem>> -> memref<1x80xi32, #tpu.memory_space<vmem>>
        %dma_wait3A_239 = tpu.memref_squeeze %dma_wait3A_238 : memref<1x80xi32, #tpu.memory_space<vmem>> -> memref<80xi32, #tpu.memory_space<vmem>>
        %dma_wait3A_240 = arith.constant 0 : i32
        %dma_wait3A_241 = tpu.memref_slice %arg5[%dma_wait3A_240] : memref<320000xi32, #tpu.memory_space<hbm>> -> memref<80xi32, #tpu.memory_space<hbm>>
        %dma_wait3A_242 = arith.constant 0 : i32
        %dma_wait3A_243 = tpu.memref_slice %arg9[%dma_wait3A_236, %dma_wait3A_242] : memref<2x80xi32, #tpu.memory_space<vmem>> -> memref<1x80xi32, #tpu.memory_space<vmem>>
        %dma_wait3A_244 = tpu.memref_squeeze %dma_wait3A_243 : memref<1x80xi32, #tpu.memory_space<vmem>> -> memref<80xi32, #tpu.memory_space<vmem>>
        %dma_wait3A_245 = arith.constant 0 : i32
        %dma_wait3A_246 = tpu.memref_slice %arg5[%dma_wait3A_245] : memref<320000xi32, #tpu.memory_space<hbm>> -> memref<80xi32, #tpu.memory_space<hbm>>
        tpu.wait_dma2 semaphore(%arg12 : memref<!tpu.dma_semaphore, #tpu.memory_space<semaphore_mem>>) src(%dma_wait3A_246 : memref<80xi32, #tpu.memory_space<hbm>>) dst(%dma_wait3A_244 : memref<80xi32, #tpu.memory_space<vmem>>)
        %dma_start3A_247 = arith.constant 0 : i32
        %dma_start3A_248 = arith.constant 0 : i32
        %dma_start3A_249 = arith.constant 0 : i32
        %dma_start3A_250 = arith.constant 0 : i32
        %dma_start3A_251 = tpu.memref_slice %arg10[%dma_start3A_248, %dma_start3A_249, %dma_start3A_250] : memref<2x80x128xi32, #tpu.memory_space<vmem>> -> memref<1x80x128xi32, #tpu.memory_space<vmem>>
        %dma_start3A_252 = tpu.memref_squeeze %dma_start3A_251 : memref<1x80x128xi32, #tpu.memory_space<vmem>> -> memref<80x128xi32, #tpu.memory_space<vmem>>
        %dma_start3A_253 = arith.constant 0 : i32
        %dma_start3A_254 = tpu.memref_slice %arg8[%dma_start3A_247, %dma_start3A_253] : memref<2x80xi32, #tpu.memory_space<vmem>> -> memref<1x80xi32, #tpu.memory_space<vmem>>
        %dma_start3A_255 = tpu.memref_squeeze %dma_start3A_254 : memref<1x80xi32, #tpu.memory_space<vmem>> -> memref<80xi32, #tpu.memory_space<vmem>>
        %dma_start3A_256 = arith.constant 0 : i32
        %dma_start3A_257 = arith.constant 0 : i32
        %dma_start3A_258 = tpu.memref_slice %arg2[%dma_start3A_256, %dma_start3A_257] : memref<10000x128xi32, #tpu.memory_space<hbm>> -> memref<10000x128xi32, #tpu.memory_space<hbm>>
        tpu.enqueue_indirect_dma source(%dma_start3A_258 : memref<10000x128xi32, #tpu.memory_space<hbm>>) target(%dma_start3A_252 : memref<80x128xi32, #tpu.memory_space<vmem>>) offsets(%dma_start3A_255 : memref<80xi32, #tpu.memory_space<vmem>>) semaphore(%arg14 : memref<!tpu.dma_semaphore, #tpu.memory_space<semaphore_mem>>)
        %dma_start3A_259 = arith.constant 0 : i32
        %dma_start3A_260 = arith.constant 0 : i32
        %dma_start3A_261 = arith.constant 0 : i32
        %dma_start3A_262 = arith.constant 0 : i32
        %dma_start3A_263 = tpu.memref_slice %arg11[%dma_start3A_260, %dma_start3A_261, %dma_start3A_262] : memref<2x80x128xf32, #tpu.memory_space<vmem>> -> memref<1x80x128xf32, #tpu.memory_space<vmem>>
        %dma_start3A_264 = tpu.memref_squeeze %dma_start3A_263 : memref<1x80x128xf32, #tpu.memory_space<vmem>> -> memref<80x128xf32, #tpu.memory_space<vmem>>
        %dma_start3A_265 = arith.constant 0 : i32
        %dma_start3A_266 = tpu.memref_slice %arg9[%dma_start3A_259, %dma_start3A_265] : memref<2x80xi32, #tpu.memory_space<vmem>> -> memref<1x80xi32, #tpu.memory_space<vmem>>
        %dma_start3A_267 = tpu.memref_squeeze %dma_start3A_266 : memref<1x80xi32, #tpu.memory_space<vmem>> -> memref<80xi32, #tpu.memory_space<vmem>>
        %dma_start3A_268 = arith.constant 0 : i32
        %dma_start3A_269 = arith.constant 0 : i32
        %dma_start3A_270 = tpu.memref_slice %arg3[%dma_start3A_268, %dma_start3A_269] : memref<10000x128xf32, #tpu.memory_space<hbm>> -> memref<10000x128xf32, #tpu.memory_space<hbm>>
        tpu.enqueue_indirect_dma source(%dma_start3A_270 : memref<10000x128xf32, #tpu.memory_space<hbm>>) target(%dma_start3A_264 : memref<80x128xf32, #tpu.memory_space<vmem>>) offsets(%dma_start3A_267 : memref<80xi32, #tpu.memory_space<vmem>>) semaphore(%arg14 : memref<!tpu.dma_semaphore, #tpu.memory_space<semaphore_mem>>)
      } else {
      }
    }
    %scan3A_94 = arith.constant 18 : i32
    return
  }
}

#map = affine_map<(d0, d1) -> (0, 0)>
#map1 = affine_map<(d0, d1) -> (0)>
module attributes {stable_mosaic.version = 14 : i64} {
  func.func @segsum_k(%arg0: i32, %arg1: i32, %arg2: memref<320000x128xf32, #tpu.memory_space<hbm>>, %arg3: memref<320000xi32, #tpu.memory_space<hbm>>, %arg4: memref<320x128xf32, #tpu.memory_space<hbm>>, %arg5: memref<10240x128xf32, #tpu.memory_space<hbm>>, %arg6: memref<2x80xi32, #tpu.memory_space<vmem>>, %arg7: memref<2x80x128xf32, #tpu.memory_space<vmem>>, %arg8: memref<320x128xf32, #tpu.memory_space<vmem>>, %arg9: memref<5128x128xf32, #tpu.memory_space<vmem_shared>>, %arg10: memref<!tpu.dma_semaphore, #tpu.memory_space<semaphore_mem>>, %arg11: memref<!tpu.dma_semaphore, #tpu.memory_space<semaphore_mem>>, %arg12: memref<!tpu.dma_semaphore, #tpu.memory_space<semaphore_mem>>, %arg13: memref<!tpu.dma_semaphore, #tpu.memory_space<semaphore_mem>>) attributes {dimension_semantics = [#tpu.dimension_semantics<core_parallel>, #tpu.dimension_semantics<subcore_parallel>], iteration_bounds = array<i64: 2, 16>, scalar_prefetch = 0 : i64, scratch_operands = 8 : i64, tpu.core_type = #tpu.core_type<sc_vector_subcore>, window_params = [{transform_indices = #map}, {transform_indices = #map1}, {transform_indices = #map}, {transform_indices = #map}]} {
    %mul3A = arith.constant 5120 : i32
    %mul3A_0 = arith.muli %arg0, %mul3A : i32
    %mul3A_1 = arith.constant 320 : i32
    %mul3A_2 = arith.muli %arg1, %mul3A_1 : i32
    "tpu.region"() ({
      %run_scoped3A = tpu.sem_alloc : memref<!tpu.dma_semaphore, #tpu.memory_space<semaphore_mem>>
      tpu.enqueue_dma source(%arg4 : memref<320x128xf32, #tpu.memory_space<hbm>>) target(%arg8 : memref<320x128xf32, #tpu.memory_space<vmem>>) target_semaphore(%run_scoped3A : memref<!tpu.dma_semaphore, #tpu.memory_space<semaphore_mem>>)
      tpu.wait_dma2 semaphore(%run_scoped3A : memref<!tpu.dma_semaphore, #tpu.memory_space<semaphore_mem>>) src(%arg4 : memref<320x128xf32, #tpu.memory_space<hbm>>) dst(%arg8 : memref<320x128xf32, #tpu.memory_space<vmem>>)
      tpu.yield
    }) : () -> ()
    "tpu.region"() ({
      %run_scoped3A = tpu.sem_alloc : memref<!tpu.dma_semaphore, #tpu.memory_space<semaphore_mem>>
      %dma_start3A_33 = arith.constant 0 : i32
      %dma_start3A_34 = tpu.memref_slice %arg9[%mul3A_2, %dma_start3A_33] : memref<5128x128xf32, #tpu.memory_space<vmem_shared>> -> memref<320x128xf32, #tpu.memory_space<vmem_shared>>
      %dma_start3A_35 = arith.constant 0 : i32
      %dma_start3A_36 = tpu.memref_slice %arg9[%mul3A_2, %dma_start3A_35] : memref<5128x128xf32, #tpu.memory_space<vmem_shared>> -> memref<320x128xf32, #tpu.memory_space<vmem_shared>>
      tpu.enqueue_dma source(%arg8 : memref<320x128xf32, #tpu.memory_space<vmem>>) target(%dma_start3A_36 : memref<320x128xf32, #tpu.memory_space<vmem_shared>>) target_semaphore(%run_scoped3A : memref<!tpu.dma_semaphore, #tpu.memory_space<semaphore_mem>>)
      %dma_wait3A = arith.constant 0 : i32
      %dma_wait3A_37 = tpu.memref_slice %arg9[%mul3A_2, %dma_wait3A] : memref<5128x128xf32, #tpu.memory_space<vmem_shared>> -> memref<320x128xf32, #tpu.memory_space<vmem_shared>>
      %dma_wait3A_38 = arith.constant 0 : i32
      %dma_wait3A_39 = tpu.memref_slice %arg9[%mul3A_2, %dma_wait3A_38] : memref<5128x128xf32, #tpu.memory_space<vmem_shared>> -> memref<320x128xf32, #tpu.memory_space<vmem_shared>>
      tpu.wait_dma2 semaphore(%run_scoped3A : memref<!tpu.dma_semaphore, #tpu.memory_space<semaphore_mem>>) src(%arg8 : memref<320x128xf32, #tpu.memory_space<vmem>>) dst(%dma_wait3A_39 : memref<320x128xf32, #tpu.memory_space<vmem_shared>>)
      tpu.yield
    }) : () -> ()
    %mul3A_3 = arith.constant 20000 : i32
    %mul3A_4 = arith.muli %arg1, %mul3A_3 : i32
    %barrier3A = arith.constant 0 : index
    tpu.barrier barrier_id(%barrier3A)
    %add3A = arith.constant 0 : i32
    %add3A_5 = arith.addi %mul3A_4, %add3A : i32
    %dma_start3A = arith.constant 0 : i32
    %dma_start3A_6 = arith.constant 0 : i32
    %dma_start3A_7 = tpu.memref_slice %arg6[%dma_start3A, %dma_start3A_6] : memref<2x80xi32, #tpu.memory_space<vmem>> -> memref<1x80xi32, #tpu.memory_space<vmem>>
    %dma_start3A_8 = tpu.memref_squeeze %dma_start3A_7 : memref<1x80xi32, #tpu.memory_space<vmem>> -> memref<80xi32, #tpu.memory_space<vmem>>
    %dma_start3A_9 = tpu.memref_slice %arg3[%add3A_5] : memref<320000xi32, #tpu.memory_space<hbm>> -> memref<80xi32, #tpu.memory_space<hbm>>
    %dma_start3A_10 = arith.constant 0 : i32
    %dma_start3A_11 = tpu.memref_slice %arg6[%dma_start3A, %dma_start3A_10] : memref<2x80xi32, #tpu.memory_space<vmem>> -> memref<1x80xi32, #tpu.memory_space<vmem>>
    %dma_start3A_12 = tpu.memref_squeeze %dma_start3A_11 : memref<1x80xi32, #tpu.memory_space<vmem>> -> memref<80xi32, #tpu.memory_space<vmem>>
    %dma_start3A_13 = tpu.memref_slice %arg3[%add3A_5] : memref<320000xi32, #tpu.memory_space<hbm>> -> memref<80xi32, #tpu.memory_space<hbm>>
    tpu.enqueue_dma source(%dma_start3A_13 : memref<80xi32, #tpu.memory_space<hbm>>) target(%dma_start3A_12 : memref<80xi32, #tpu.memory_space<vmem>>) target_semaphore(%arg10 : memref<!tpu.dma_semaphore, #tpu.memory_space<semaphore_mem>>)
    %dma_start3A_14 = arith.constant 0 : i32
    %dma_start3A_15 = arith.constant 0 : i32
    %dma_start3A_16 = arith.constant 0 : i32
    %dma_start3A_17 = tpu.memref_slice %arg7[%dma_start3A_14, %dma_start3A_15, %dma_start3A_16] : memref<2x80x128xf32, #tpu.memory_space<vmem>> -> memref<1x80x128xf32, #tpu.memory_space<vmem>>
    %dma_start3A_18 = tpu.memref_squeeze %dma_start3A_17 : memref<1x80x128xf32, #tpu.memory_space<vmem>> -> memref<80x128xf32, #tpu.memory_space<vmem>>
    %dma_start3A_19 = arith.constant 0 : i32
    %dma_start3A_20 = tpu.memref_slice %arg2[%add3A_5, %dma_start3A_19] : memref<320000x128xf32, #tpu.memory_space<hbm>> -> memref<80x128xf32, #tpu.memory_space<hbm>>
    %dma_start3A_21 = arith.constant 0 : i32
    %dma_start3A_22 = arith.constant 0 : i32
    %dma_start3A_23 = tpu.memref_slice %arg7[%dma_start3A_14, %dma_start3A_21, %dma_start3A_22] : memref<2x80x128xf32, #tpu.memory_space<vmem>> -> memref<1x80x128xf32, #tpu.memory_space<vmem>>
    %dma_start3A_24 = tpu.memref_squeeze %dma_start3A_23 : memref<1x80x128xf32, #tpu.memory_space<vmem>> -> memref<80x128xf32, #tpu.memory_space<vmem>>
    %dma_start3A_25 = arith.constant 0 : i32
    %dma_start3A_26 = tpu.memref_slice %arg2[%add3A_5, %dma_start3A_25] : memref<320000x128xf32, #tpu.memory_space<hbm>> -> memref<80x128xf32, #tpu.memory_space<hbm>>
    tpu.enqueue_dma source(%dma_start3A_26 : memref<80x128xf32, #tpu.memory_space<hbm>>) target(%dma_start3A_24 : memref<80x128xf32, #tpu.memory_space<vmem>>) target_semaphore(%arg12 : memref<!tpu.dma_semaphore, #tpu.memory_space<semaphore_mem>>)
    %scan3A = arith.constant 0 : i32
    %scan3A_27 = arith.constant 125 : i32
    %scan3A_28 = arith.addi %scan3A, %scan3A_27 : i32
    %scan3A_29 = arith.constant 1 : i32
    scf.for %scan3A_33 = %scan3A to %scan3A_28 step %scan3A_29  : i32 {
      %mul3A_34 = arith.constant 1 : i32
      %mul3A_35 = arith.muli %scan3A_33, %mul3A_34 : i32
      %add3A_36 = arith.constant 0 : i32
      %add3A_37 = arith.addi %add3A_36, %mul3A_35 : i32
      %mul3A_38 = arith.constant 2 : i32
      %mul3A_39 = arith.muli %mul3A_38, %add3A_37 : i32
      %add3A_40 = arith.constant 1 : i32
      %add3A_41 = arith.addi %mul3A_39, %add3A_40 : i32
      %mul3A_42 = arith.constant 80 : i32
      %mul3A_43 = arith.muli %add3A_41, %mul3A_42 : i32
      %add3A_44 = arith.addi %mul3A_4, %mul3A_43 : i32
      %dma_start3A_45 = arith.constant 1 : i32
      %dma_start3A_46 = arith.constant 0 : i32
      %dma_start3A_47 = tpu.memref_slice %arg6[%dma_start3A_45, %dma_start3A_46] : memref<2x80xi32, #tpu.memory_space<vmem>> -> memref<1x80xi32, #tpu.memory_space<vmem>>
      %dma_start3A_48 = tpu.memref_squeeze %dma_start3A_47 : memref<1x80xi32, #tpu.memory_space<vmem>> -> memref<80xi32, #tpu.memory_space<vmem>>
      %dma_start3A_49 = tpu.memref_slice %arg3[%add3A_44] : memref<320000xi32, #tpu.memory_space<hbm>> -> memref<80xi32, #tpu.memory_space<hbm>>
      %dma_start3A_50 = arith.constant 0 : i32
      %dma_start3A_51 = tpu.memref_slice %arg6[%dma_start3A_45, %dma_start3A_50] : memref<2x80xi32, #tpu.memory_space<vmem>> -> memref<1x80xi32, #tpu.memory_space<vmem>>
      %dma_start3A_52 = tpu.memref_squeeze %dma_start3A_51 : memref<1x80xi32, #tpu.memory_space<vmem>> -> memref<80xi32, #tpu.memory_space<vmem>>
      %dma_start3A_53 = tpu.memref_slice %arg3[%add3A_44] : memref<320000xi32, #tpu.memory_space<hbm>> -> memref<80xi32, #tpu.memory_space<hbm>>
      tpu.enqueue_dma source(%dma_start3A_53 : memref<80xi32, #tpu.memory_space<hbm>>) target(%dma_start3A_52 : memref<80xi32, #tpu.memory_space<vmem>>) target_semaphore(%arg11 : memref<!tpu.dma_semaphore, #tpu.memory_space<semaphore_mem>>)
      %dma_start3A_54 = arith.constant 1 : i32
      %dma_start3A_55 = arith.constant 0 : i32
      %dma_start3A_56 = arith.constant 0 : i32
      %dma_start3A_57 = tpu.memref_slice %arg7[%dma_start3A_54, %dma_start3A_55, %dma_start3A_56] : memref<2x80x128xf32, #tpu.memory_space<vmem>> -> memref<1x80x128xf32, #tpu.memory_space<vmem>>
      %dma_start3A_58 = tpu.memref_squeeze %dma_start3A_57 : memref<1x80x128xf32, #tpu.memory_space<vmem>> -> memref<80x128xf32, #tpu.memory_space<vmem>>
      %dma_start3A_59 = arith.constant 0 : i32
      %dma_start3A_60 = tpu.memref_slice %arg2[%add3A_44, %dma_start3A_59] : memref<320000x128xf32, #tpu.memory_space<hbm>> -> memref<80x128xf32, #tpu.memory_space<hbm>>
      %dma_start3A_61 = arith.constant 0 : i32
      %dma_start3A_62 = arith.constant 0 : i32
      %dma_start3A_63 = tpu.memref_slice %arg7[%dma_start3A_54, %dma_start3A_61, %dma_start3A_62] : memref<2x80x128xf32, #tpu.memory_space<vmem>> -> memref<1x80x128xf32, #tpu.memory_space<vmem>>
      %dma_start3A_64 = tpu.memref_squeeze %dma_start3A_63 : memref<1x80x128xf32, #tpu.memory_space<vmem>> -> memref<80x128xf32, #tpu.memory_space<vmem>>
      %dma_start3A_65 = arith.constant 0 : i32
      %dma_start3A_66 = tpu.memref_slice %arg2[%add3A_44, %dma_start3A_65] : memref<320000x128xf32, #tpu.memory_space<hbm>> -> memref<80x128xf32, #tpu.memory_space<hbm>>
      tpu.enqueue_dma source(%dma_start3A_66 : memref<80x128xf32, #tpu.memory_space<hbm>>) target(%dma_start3A_64 : memref<80x128xf32, #tpu.memory_space<vmem>>) target_semaphore(%arg13 : memref<!tpu.dma_semaphore, #tpu.memory_space<semaphore_mem>>)
      %dma_wait3A = arith.constant 0 : i32
      %dma_wait3A_67 = arith.constant 0 : i32
      %dma_wait3A_68 = tpu.memref_slice %arg6[%dma_wait3A, %dma_wait3A_67] : memref<2x80xi32, #tpu.memory_space<vmem>> -> memref<1x80xi32, #tpu.memory_space<vmem>>
      %dma_wait3A_69 = tpu.memref_squeeze %dma_wait3A_68 : memref<1x80xi32, #tpu.memory_space<vmem>> -> memref<80xi32, #tpu.memory_space<vmem>>
      %dma_wait3A_70 = arith.constant 0 : i32
      %dma_wait3A_71 = tpu.memref_slice %arg3[%dma_wait3A_70] : memref<320000xi32, #tpu.memory_space<hbm>> -> memref<80xi32, #tpu.memory_space<hbm>>
      %dma_wait3A_72 = arith.constant 0 : i32
      %dma_wait3A_73 = tpu.memref_slice %arg6[%dma_wait3A, %dma_wait3A_72] : memref<2x80xi32, #tpu.memory_space<vmem>> -> memref<1x80xi32, #tpu.memory_space<vmem>>
      %dma_wait3A_74 = tpu.memref_squeeze %dma_wait3A_73 : memref<1x80xi32, #tpu.memory_space<vmem>> -> memref<80xi32, #tpu.memory_space<vmem>>
      %dma_wait3A_75 = arith.constant 0 : i32
      %dma_wait3A_76 = tpu.memref_slice %arg3[%dma_wait3A_75] : memref<320000xi32, #tpu.memory_space<hbm>> -> memref<80xi32, #tpu.memory_space<hbm>>
      tpu.wait_dma2 semaphore(%arg10 : memref<!tpu.dma_semaphore, #tpu.memory_space<semaphore_mem>>) src(%dma_wait3A_76 : memref<80xi32, #tpu.memory_space<hbm>>) dst(%dma_wait3A_74 : memref<80xi32, #tpu.memory_space<vmem>>)
      %dma_wait3A_77 = arith.constant 0 : i32
      %dma_wait3A_78 = arith.constant 0 : i32
      %dma_wait3A_79 = arith.constant 0 : i32
      %dma_wait3A_80 = tpu.memref_slice %arg7[%dma_wait3A_77, %dma_wait3A_78, %dma_wait3A_79] : memref<2x80x128xf32, #tpu.memory_space<vmem>> -> memref<1x80x128xf32, #tpu.memory_space<vmem>>
      %dma_wait3A_81 = tpu.memref_squeeze %dma_wait3A_80 : memref<1x80x128xf32, #tpu.memory_space<vmem>> -> memref<80x128xf32, #tpu.memory_space<vmem>>
      %dma_wait3A_82 = arith.constant 0 : i32
      %dma_wait3A_83 = arith.constant 0 : i32
      %dma_wait3A_84 = tpu.memref_slice %arg2[%dma_wait3A_82, %dma_wait3A_83] : memref<320000x128xf32, #tpu.memory_space<hbm>> -> memref<80x128xf32, #tpu.memory_space<hbm>>
      %dma_wait3A_85 = arith.constant 0 : i32
      %dma_wait3A_86 = arith.constant 0 : i32
      %dma_wait3A_87 = tpu.memref_slice %arg7[%dma_wait3A_77, %dma_wait3A_85, %dma_wait3A_86] : memref<2x80x128xf32, #tpu.memory_space<vmem>> -> memref<1x80x128xf32, #tpu.memory_space<vmem>>
      %dma_wait3A_88 = tpu.memref_squeeze %dma_wait3A_87 : memref<1x80x128xf32, #tpu.memory_space<vmem>> -> memref<80x128xf32, #tpu.memory_space<vmem>>
      %dma_wait3A_89 = arith.constant 0 : i32
      %dma_wait3A_90 = arith.constant 0 : i32
      %dma_wait3A_91 = tpu.memref_slice %arg2[%dma_wait3A_89, %dma_wait3A_90] : memref<320000x128xf32, #tpu.memory_space<hbm>> -> memref<80x128xf32, #tpu.memory_space<hbm>>
      tpu.wait_dma2 semaphore(%arg12 : memref<!tpu.dma_semaphore, #tpu.memory_space<semaphore_mem>>) src(%dma_wait3A_91 : memref<80x128xf32, #tpu.memory_space<hbm>>) dst(%dma_wait3A_88 : memref<80x128xf32, #tpu.memory_space<vmem>>)
      %scan3A_92 = arith.constant 0 : i32
      %scan3A_93 = arith.constant 5 : i32
      %scan3A_94 = arith.addi %scan3A_92, %scan3A_93 : i32
      %scan3A_95 = arith.constant 1 : i32
      scf.for %scan3A_135 = %scan3A_92 to %scan3A_94 step %scan3A_95  : i32 {
        %mul3A_136 = arith.constant 1 : i32
        %mul3A_137 = arith.muli %scan3A_135, %mul3A_136 : i32
        %add3A_138 = arith.constant 0 : i32
        %add3A_139 = arith.addi %add3A_138, %mul3A_137 : i32
        %mul3A_140 = arith.constant 16 : i32
        %mul3A_141 = arith.muli %add3A_139, %mul3A_140 : i32
        %get3A = arith.constant 0 : i32
        %get3A_142 = arith.index_cast %get3A : i32 to index
        %get3A_143 = arith.index_cast %mul3A_141 : i32 to index
        %get3A_144 = tpu.vector_load %arg6[%get3A_142, %get3A_143] {strides = array<i32>} : memref<2x80xi32, #tpu.memory_space<vmem>>, vector<1x16xi32>,
        %get3A_145 = vector.shape_cast %get3A_144 : vector<1x16xi32> to vector<16xi32>
        %sub3A = vector.broadcast %mul3A_0 : i32 to vector<16xi32>
        %sub3A_146 = arith.subi %get3A_145, %sub3A : vector<16xi32>
        %ge3A = arith.constant 0 : i32
        %ge3A_147 = vector.broadcast %ge3A : i32 to vector<16xi32>
        %ge3A_148 = arith.cmpi sge, %sub3A_146, %ge3A_147 : vector<16xi32>
        %lt3A_149 = arith.constant 5120 : i32
        %lt3A_150 = vector.broadcast %lt3A_149 : i32 to vector<16xi32>
        %lt3A_151 = arith.cmpi slt, %sub3A_146, %lt3A_150 : vector<16xi32>
        %and3A = arith.andi %ge3A_148, %lt3A_151 : vector<16xi1>
        %jit3A = arith.constant 5120 : i32
        %broadcast_in_dim3A = vector.broadcast %jit3A : i32 to vector<16xi32>
        %select_n3A = arith.select %and3A, %sub3A_146, %broadcast_in_dim3A : vector<16xi1>, vector<16xi32>
        %mul3A_152 = arith.constant 16 : i32
        %mul3A_153 = arith.muli %add3A_139, %mul3A_152 : i32
        %swap3A = arith.constant 0 : i32
        %swap3A_154 = arith.index_cast %swap3A : i32 to index
        %swap3A_155 = arith.index_cast %mul3A_153 : i32 to index
        %swap3A_156 = tpu.vector_load %arg6[%swap3A_154, %swap3A_155] {strides = array<i32>} : memref<2x80xi32, #tpu.memory_space<vmem>>, vector<1x16xi32>,
        %swap3A_157 = vector.shape_cast %swap3A_156 : vector<1x16xi32> to vector<16xi32>
        %swap3A_158 = vector.shape_cast %select_n3A : vector<16xi32> to vector<1x16xi32>
        tpu.vector_store %arg6[%swap3A_154, %swap3A_155], %swap3A_158 {strides = array<i32>} : memref<2x80xi32, #tpu.memory_space<vmem>>, vector<1x16xi32>,
      }
      %scan3A_96 = arith.constant 5 : i32
      %run_scoped3A = arith.constant 0 : i32
      %run_scoped3A_97 = arith.constant 0 : i32
      "tpu.region"() ({
        %run_scoped3A_135 = tpu.sem_alloc : memref<!tpu.dma_semaphore, #tpu.memory_space<semaphore_mem>>
        %dma_start3A_136 = arith.constant 0 : i32
        %dma_start3A_137 = arith.constant 0 : i32
        %dma_start3A_138 = tpu.memref_slice %arg7[%run_scoped3A, %dma_start3A_136, %dma_start3A_137] : memref<2x80x128xf32, #tpu.memory_space<vmem>> -> memref<1x80x128xf32, #tpu.memory_space<vmem>>
        %dma_start3A_139 = tpu.memref_squeeze %dma_start3A_138 : memref<1x80x128xf32, #tpu.memory_space<vmem>> -> memref<80x128xf32, #tpu.memory_space<vmem>>
        %dma_start3A_140 = arith.constant 0 : i32
        %dma_start3A_141 = tpu.memref_slice %arg6[%run_scoped3A_97, %dma_start3A_140] : memref<2x80xi32, #tpu.memory_space<vmem>> -> memref<1x80xi32, #tpu.memory_space<vmem>>
        %dma_start3A_142 = tpu.memref_squeeze %dma_start3A_141 : memref<1x80xi32, #tpu.memory_space<vmem>> -> memref<80xi32, #tpu.memory_space<vmem>>
        %dma_start3A_143 = arith.constant 0 : i32
        %dma_start3A_144 = arith.constant 0 : i32
        %dma_start3A_145 = tpu.memref_slice %arg9[%dma_start3A_143, %dma_start3A_144] : memref<5128x128xf32, #tpu.memory_space<vmem_shared>> -> memref<5128x128xf32, #tpu.memory_space<vmem_shared>>
        tpu.enqueue_indirect_dma source(%dma_start3A_139 : memref<80x128xf32, #tpu.memory_space<vmem>>) target(%dma_start3A_145 : memref<5128x128xf32, #tpu.memory_space<vmem_shared>>) offsets(%dma_start3A_142 : memref<80xi32, #tpu.memory_space<vmem>>) semaphore(%run_scoped3A_135 : memref<!tpu.dma_semaphore, #tpu.memory_space<semaphore_mem>>) {add = true}
        %dma_wait3A_146 = arith.constant 0 : i32
        %dma_wait3A_147 = arith.constant 0 : i32
        %dma_wait3A_148 = tpu.memref_slice %arg7[%run_scoped3A, %dma_wait3A_146, %dma_wait3A_147] : memref<2x80x128xf32, #tpu.memory_space<vmem>> -> memref<1x80x128xf32, #tpu.memory_space<vmem>>
        %dma_wait3A_149 = tpu.memref_squeeze %dma_wait3A_148 : memref<1x80x128xf32, #tpu.memory_space<vmem>> -> memref<80x128xf32, #tpu.memory_space<vmem>>
        %dma_wait3A_150 = arith.constant 0 : i32
        %dma_wait3A_151 = tpu.memref_slice %arg6[%run_scoped3A_97, %dma_wait3A_150] : memref<2x80xi32, #tpu.memory_space<vmem>> -> memref<1x80xi32, #tpu.memory_space<vmem>>
        %dma_wait3A_152 = tpu.memref_squeeze %dma_wait3A_151 : memref<1x80xi32, #tpu.memory_space<vmem>> -> memref<80xi32, #tpu.memory_space<vmem>>
        %dma_wait3A_153 = arith.constant 0 : i32
        %dma_wait3A_154 = arith.constant 0 : i32
        %dma_wait3A_155 = tpu.memref_slice %arg9[%dma_wait3A_153, %dma_wait3A_154] : memref<5128x128xf32, #tpu.memory_space<vmem_shared>> -> memref<5128x128xf32, #tpu.memory_space<vmem_shared>>
        tpu.wait_indirect_dma semaphore(%run_scoped3A_135 : memref<!tpu.dma_semaphore, #tpu.memory_space<semaphore_mem>>) src(%dma_wait3A_149 : memref<80x128xf32, #tpu.memory_space<vmem>>) dst(%dma_wait3A_155 : memref<5128x128xf32, #tpu.memory_space<vmem_shared>>)
        tpu.yield
      }) : () -> ()
      %add3A_98 = arith.constant 2 : i32
      %add3A_99 = arith.addi %mul3A_39, %add3A_98 : i32
      %lt3A = arith.constant 250 : i32
      %lt3A_100 = arith.cmpi slt, %add3A_99, %lt3A : i32
      %convert_element_type3A = arith.extui %lt3A_100 : i1 to i32
      %cond3A = arith.constant 0 : i32
      %cond3A_101 = arith.cmpi ne, %convert_element_type3A, %cond3A : i32
      scf.if %cond3A_101 {
        %add3A_135 = arith.constant 2 : i32
        %add3A_136 = arith.addi %mul3A_39, %add3A_135 : i32
        %mul3A_137 = arith.constant 80 : i32
        %mul3A_138 = arith.muli %add3A_136, %mul3A_137 : i32
        %add3A_139 = arith.addi %mul3A_4, %mul3A_138 : i32
        %dma_start3A_140 = arith.constant 0 : i32
        %dma_start3A_141 = arith.constant 0 : i32
        %dma_start3A_142 = tpu.memref_slice %arg6[%dma_start3A_140, %dma_start3A_141] : memref<2x80xi32, #tpu.memory_space<vmem>> -> memref<1x80xi32, #tpu.memory_space<vmem>>
        %dma_start3A_143 = tpu.memref_squeeze %dma_start3A_142 : memref<1x80xi32, #tpu.memory_space<vmem>> -> memref<80xi32, #tpu.memory_space<vmem>>
        %dma_start3A_144 = tpu.memref_slice %arg3[%add3A_139] : memref<320000xi32, #tpu.memory_space<hbm>> -> memref<80xi32, #tpu.memory_space<hbm>>
        %dma_start3A_145 = arith.constant 0 : i32
        %dma_start3A_146 = tpu.memref_slice %arg6[%dma_start3A_140, %dma_start3A_145] : memref<2x80xi32, #tpu.memory_space<vmem>> -> memref<1x80xi32, #tpu.memory_space<vmem>>
        %dma_start3A_147 = tpu.memref_squeeze %dma_start3A_146 : memref<1x80xi32, #tpu.memory_space<vmem>> -> memref<80xi32, #tpu.memory_space<vmem>>
        %dma_start3A_148 = tpu.memref_slice %arg3[%add3A_139] : memref<320000xi32, #tpu.memory_space<hbm>> -> memref<80xi32, #tpu.memory_space<hbm>>
        tpu.enqueue_dma source(%dma_start3A_148 : memref<80xi32, #tpu.memory_space<hbm>>) target(%dma_start3A_147 : memref<80xi32, #tpu.memory_space<vmem>>) target_semaphore(%arg10 : memref<!tpu.dma_semaphore, #tpu.memory_space<semaphore_mem>>)
        %dma_start3A_149 = arith.constant 0 : i32
        %dma_start3A_150 = arith.constant 0 : i32
        %dma_start3A_151 = arith.constant 0 : i32
        %dma_start3A_152 = tpu.memref_slice %arg7[%dma_start3A_149, %dma_start3A_150, %dma_start3A_151] : memref<2x80x128xf32, #tpu.memory_space<vmem>> -> memref<1x80x128xf32, #tpu.memory_space<vmem>>
        %dma_start3A_153 = tpu.memref_squeeze %dma_start3A_152 : memref<1x80x128xf32, #tpu.memory_space<vmem>> -> memref<80x128xf32, #tpu.memory_space<vmem>>
        %dma_start3A_154 = arith.constant 0 : i32
        %dma_start3A_155 = tpu.memref_slice %arg2[%add3A_139, %dma_start3A_154] : memref<320000x128xf32, #tpu.memory_space<hbm>> -> memref<80x128xf32, #tpu.memory_space<hbm>>
        %dma_start3A_156 = arith.constant 0 : i32
        %dma_start3A_157 = arith.constant 0 : i32
        %dma_start3A_158 = tpu.memref_slice %arg7[%dma_start3A_149, %dma_start3A_156, %dma_start3A_157] : memref<2x80x128xf32, #tpu.memory_space<vmem>> -> memref<1x80x128xf32, #tpu.memory_space<vmem>>
        %dma_start3A_159 = tpu.memref_squeeze %dma_start3A_158 : memref<1x80x128xf32, #tpu.memory_space<vmem>> -> memref<80x128xf32, #tpu.memory_space<vmem>>
        %dma_start3A_160 = arith.constant 0 : i32
        %dma_start3A_161 = tpu.memref_slice %arg2[%add3A_139, %dma_start3A_160] : memref<320000x128xf32, #tpu.memory_space<hbm>> -> memref<80x128xf32, #tpu.memory_space<hbm>>
        tpu.enqueue_dma source(%dma_start3A_161 : memref<80x128xf32, #tpu.memory_space<hbm>>) target(%dma_start3A_159 : memref<80x128xf32, #tpu.memory_space<vmem>>) target_semaphore(%arg12 : memref<!tpu.dma_semaphore, #tpu.memory_space<semaphore_mem>>)
      } else {
      }
      %dma_wait3A_102 = arith.constant 1 : i32
      %dma_wait3A_103 = arith.constant 0 : i32
      %dma_wait3A_104 = tpu.memref_slice %arg6[%dma_wait3A_102, %dma_wait3A_103] : memref<2x80xi32, #tpu.memory_space<vmem>> -> memref<1x80xi32, #tpu.memory_space<vmem>>
      %dma_wait3A_105 = tpu.memref_squeeze %dma_wait3A_104 : memref<1x80xi32, #tpu.memory_space<vmem>> -> memref<80xi32, #tpu.memory_space<vmem>>
      %dma_wait3A_106 = arith.constant 0 : i32
      %dma_wait3A_107 = tpu.memref_slice %arg3[%dma_wait3A_106] : memref<320000xi32, #tpu.memory_space<hbm>> -> memref<80xi32, #tpu.memory_space<hbm>>
      %dma_wait3A_108 = arith.constant 0 : i32
      %dma_wait3A_109 = tpu.memref_slice %arg6[%dma_wait3A_102, %dma_wait3A_108] : memref<2x80xi32, #tpu.memory_space<vmem>> -> memref<1x80xi32, #tpu.memory_space<vmem>>
      %dma_wait3A_110 = tpu.memref_squeeze %dma_wait3A_109 : memref<1x80xi32, #tpu.memory_space<vmem>> -> memref<80xi32, #tpu.memory_space<vmem>>
      %dma_wait3A_111 = arith.constant 0 : i32
      %dma_wait3A_112 = tpu.memref_slice %arg3[%dma_wait3A_111] : memref<320000xi32, #tpu.memory_space<hbm>> -> memref<80xi32, #tpu.memory_space<hbm>>
      tpu.wait_dma2 semaphore(%arg11 : memref<!tpu.dma_semaphore, #tpu.memory_space<semaphore_mem>>) src(%dma_wait3A_112 : memref<80xi32, #tpu.memory_space<hbm>>) dst(%dma_wait3A_110 : memref<80xi32, #tpu.memory_space<vmem>>)
      %dma_wait3A_113 = arith.constant 1 : i32
      %dma_wait3A_114 = arith.constant 0 : i32
      %dma_wait3A_115 = arith.constant 0 : i32
      %dma_wait3A_116 = tpu.memref_slice %arg7[%dma_wait3A_113, %dma_wait3A_114, %dma_wait3A_115] : memref<2x80x128xf32, #tpu.memory_space<vmem>> -> memref<1x80x128xf32, #tpu.memory_space<vmem>>
      %dma_wait3A_117 = tpu.memref_squeeze %dma_wait3A_116 : memref<1x80x128xf32, #tpu.memory_space<vmem>> -> memref<80x128xf32, #tpu.memory_space<vmem>>
      %dma_wait3A_118 = arith.constant 0 : i32
      %dma_wait3A_119 = arith.constant 0 : i32
      %dma_wait3A_120 = tpu.memref_slice %arg2[%dma_wait3A_118, %dma_wait3A_119] : memref<320000x128xf32, #tpu.memory_space<hbm>> -> memref<80x128xf32, #tpu.memory_space<hbm>>
      %dma_wait3A_121 = arith.constant 0 : i32
      %dma_wait3A_122 = arith.constant 0 : i32
      %dma_wait3A_123 = tpu.memref_slice %arg7[%dma_wait3A_113, %dma_wait3A_121, %dma_wait3A_122] : memref<2x80x128xf32, #tpu.memory_space<vmem>> -> memref<1x80x128xf32, #tpu.memory_space<vmem>>
      %dma_wait3A_124 = tpu.memref_squeeze %dma_wait3A_123 : memref<1x80x128xf32, #tpu.memory_space<vmem>> -> memref<80x128xf32, #tpu.memory_space<vmem>>
      %dma_wait3A_125 = arith.constant 0 : i32
      %dma_wait3A_126 = arith.constant 0 : i32
      %dma_wait3A_127 = tpu.memref_slice %arg2[%dma_wait3A_125, %dma_wait3A_126] : memref<320000x128xf32, #tpu.memory_space<hbm>> -> memref<80x128xf32, #tpu.memory_space<hbm>>
      tpu.wait_dma2 semaphore(%arg13 : memref<!tpu.dma_semaphore, #tpu.memory_space<semaphore_mem>>) src(%dma_wait3A_127 : memref<80x128xf32, #tpu.memory_space<hbm>>) dst(%dma_wait3A_124 : memref<80x128xf32, #tpu.memory_space<vmem>>)
      %scan3A_128 = arith.constant 0 : i32
      %scan3A_129 = arith.constant 5 : i32
      %scan3A_130 = arith.addi %scan3A_128, %scan3A_129 : i32
      %scan3A_131 = arith.constant 1 : i32
      scf.for %scan3A_135 = %scan3A_128 to %scan3A_130 step %scan3A_131  : i32 {
        %mul3A_136 = arith.constant 1 : i32
        %mul3A_137 = arith.muli %scan3A_135, %mul3A_136 : i32
        %add3A_138 = arith.constant 0 : i32
        %add3A_139 = arith.addi %add3A_138, %mul3A_137 : i32
        %mul3A_140 = arith.constant 16 : i32
        %mul3A_141 = arith.muli %add3A_139, %mul3A_140 : i32
        %get3A = arith.constant 1 : i32
        %get3A_142 = arith.index_cast %get3A : i32 to index
        %get3A_143 = arith.index_cast %mul3A_141 : i32 to index
        %get3A_144 = tpu.vector_load %arg6[%get3A_142, %get3A_143] {strides = array<i32>} : memref<2x80xi32, #tpu.memory_space<vmem>>, vector<1x16xi32>,
        %get3A_145 = vector.shape_cast %get3A_144 : vector<1x16xi32> to vector<16xi32>
        %sub3A = vector.broadcast %mul3A_0 : i32 to vector<16xi32>
        %sub3A_146 = arith.subi %get3A_145, %sub3A : vector<16xi32>
        %ge3A = arith.constant 0 : i32
        %ge3A_147 = vector.broadcast %ge3A : i32 to vector<16xi32>
        %ge3A_148 = arith.cmpi sge, %sub3A_146, %ge3A_147 : vector<16xi32>
        %lt3A_149 = arith.constant 5120 : i32
        %lt3A_150 = vector.broadcast %lt3A_149 : i32 to vector<16xi32>
        %lt3A_151 = arith.cmpi slt, %sub3A_146, %lt3A_150 : vector<16xi32>
        %and3A = arith.andi %ge3A_148, %lt3A_151 : vector<16xi1>
        %jit3A = arith.constant 5120 : i32
        %broadcast_in_dim3A = vector.broadcast %jit3A : i32 to vector<16xi32>
        %select_n3A = arith.select %and3A, %sub3A_146, %broadcast_in_dim3A : vector<16xi1>, vector<16xi32>
        %mul3A_152 = arith.constant 16 : i32
        %mul3A_153 = arith.muli %add3A_139, %mul3A_152 : i32
        %swap3A = arith.constant 1 : i32
        %swap3A_154 = arith.index_cast %swap3A : i32 to index
        %swap3A_155 = arith.index_cast %mul3A_153 : i32 to index
        %swap3A_156 = tpu.vector_load %arg6[%swap3A_154, %swap3A_155] {strides = array<i32>} : memref<2x80xi32, #tpu.memory_space<vmem>>, vector<1x16xi32>,
        %swap3A_157 = vector.shape_cast %swap3A_156 : vector<1x16xi32> to vector<16xi32>
        %swap3A_158 = vector.shape_cast %select_n3A : vector<16xi32> to vector<1x16xi32>
        tpu.vector_store %arg6[%swap3A_154, %swap3A_155], %swap3A_158 {strides = array<i32>} : memref<2x80xi32, #tpu.memory_space<vmem>>, vector<1x16xi32>,
      }
      %scan3A_132 = arith.constant 5 : i32
      %run_scoped3A_133 = arith.constant 1 : i32
      %run_scoped3A_134 = arith.constant 1 : i32
      "tpu.region"() ({
        %run_scoped3A_135 = tpu.sem_alloc : memref<!tpu.dma_semaphore, #tpu.memory_space<semaphore_mem>>
        %dma_start3A_136 = arith.constant 0 : i32
        %dma_start3A_137 = arith.constant 0 : i32
        %dma_start3A_138 = tpu.memref_slice %arg7[%run_scoped3A_133, %dma_start3A_136, %dma_start3A_137] : memref<2x80x128xf32, #tpu.memory_space<vmem>> -> memref<1x80x128xf32, #tpu.memory_space<vmem>>
        %dma_start3A_139 = tpu.memref_squeeze %dma_start3A_138 : memref<1x80x128xf32, #tpu.memory_space<vmem>> -> memref<80x128xf32, #tpu.memory_space<vmem>>
        %dma_start3A_140 = arith.constant 0 : i32
        %dma_start3A_141 = tpu.memref_slice %arg6[%run_scoped3A_134, %dma_start3A_140] : memref<2x80xi32, #tpu.memory_space<vmem>> -> memref<1x80xi32, #tpu.memory_space<vmem>>
        %dma_start3A_142 = tpu.memref_squeeze %dma_start3A_141 : memref<1x80xi32, #tpu.memory_space<vmem>> -> memref<80xi32, #tpu.memory_space<vmem>>
        %dma_start3A_143 = arith.constant 0 : i32
        %dma_start3A_144 = arith.constant 0 : i32
        %dma_start3A_145 = tpu.memref_slice %arg9[%dma_start3A_143, %dma_start3A_144] : memref<5128x128xf32, #tpu.memory_space<vmem_shared>> -> memref<5128x128xf32, #tpu.memory_space<vmem_shared>>
        tpu.enqueue_indirect_dma source(%dma_start3A_139 : memref<80x128xf32, #tpu.memory_space<vmem>>) target(%dma_start3A_145 : memref<5128x128xf32, #tpu.memory_space<vmem_shared>>) offsets(%dma_start3A_142 : memref<80xi32, #tpu.memory_space<vmem>>) semaphore(%run_scoped3A_135 : memref<!tpu.dma_semaphore, #tpu.memory_space<semaphore_mem>>) {add = true}
        %dma_wait3A_146 = arith.constant 0 : i32
        %dma_wait3A_147 = arith.constant 0 : i32
        %dma_wait3A_148 = tpu.memref_slice %arg7[%run_scoped3A_133, %dma_wait3A_146, %dma_wait3A_147] : memref<2x80x128xf32, #tpu.memory_space<vmem>> -> memref<1x80x128xf32, #tpu.memory_space<vmem>>
        %dma_wait3A_149 = tpu.memref_squeeze %dma_wait3A_148 : memref<1x80x128xf32, #tpu.memory_space<vmem>> -> memref<80x128xf32, #tpu.memory_space<vmem>>
        %dma_wait3A_150 = arith.constant 0 : i32
        %dma_wait3A_151 = tpu.memref_slice %arg6[%run_scoped3A_134, %dma_wait3A_150] : memref<2x80xi32, #tpu.memory_space<vmem>> -> memref<1x80xi32, #tpu.memory_space<vmem>>
        %dma_wait3A_152 = tpu.memref_squeeze %dma_wait3A_151 : memref<1x80xi32, #tpu.memory_space<vmem>> -> memref<80xi32, #tpu.memory_space<vmem>>
        %dma_wait3A_153 = arith.constant 0 : i32
        %dma_wait3A_154 = arith.constant 0 : i32
        %dma_wait3A_155 = tpu.memref_slice %arg9[%dma_wait3A_153, %dma_wait3A_154] : memref<5128x128xf32, #tpu.memory_space<vmem_shared>> -> memref<5128x128xf32, #tpu.memory_space<vmem_shared>>
        tpu.wait_indirect_dma semaphore(%run_scoped3A_135 : memref<!tpu.dma_semaphore, #tpu.memory_space<semaphore_mem>>) src(%dma_wait3A_149 : memref<80x128xf32, #tpu.memory_space<vmem>>) dst(%dma_wait3A_155 : memref<5128x128xf32, #tpu.memory_space<vmem_shared>>)
        tpu.yield
      }) : () -> ()
    }
    %scan3A_30 = arith.constant 125 : i32
    %barrier3A_31 = arith.constant 0 : index
    tpu.barrier barrier_id(%barrier3A_31)
    "tpu.region"() ({
      %run_scoped3A = tpu.sem_alloc : memref<!tpu.dma_semaphore, #tpu.memory_space<semaphore_mem>>
      %dma_start3A_33 = arith.constant 0 : i32
      %dma_start3A_34 = tpu.memref_slice %arg9[%mul3A_2, %dma_start3A_33] : memref<5128x128xf32, #tpu.memory_space<vmem_shared>> -> memref<320x128xf32, #tpu.memory_space<vmem_shared>>
      %dma_start3A_35 = arith.constant 0 : i32
      %dma_start3A_36 = tpu.memref_slice %arg9[%mul3A_2, %dma_start3A_35] : memref<5128x128xf32, #tpu.memory_space<vmem_shared>> -> memref<320x128xf32, #tpu.memory_space<vmem_shared>>
      tpu.enqueue_dma source(%dma_start3A_36 : memref<320x128xf32, #tpu.memory_space<vmem_shared>>) target(%arg8 : memref<320x128xf32, #tpu.memory_space<vmem>>) target_semaphore(%run_scoped3A : memref<!tpu.dma_semaphore, #tpu.memory_space<semaphore_mem>>)
      %dma_wait3A = arith.constant 0 : i32
      %dma_wait3A_37 = tpu.memref_slice %arg9[%mul3A_2, %dma_wait3A] : memref<5128x128xf32, #tpu.memory_space<vmem_shared>> -> memref<320x128xf32, #tpu.memory_space<vmem_shared>>
      %dma_wait3A_38 = arith.constant 0 : i32
      %dma_wait3A_39 = tpu.memref_slice %arg9[%mul3A_2, %dma_wait3A_38] : memref<5128x128xf32, #tpu.memory_space<vmem_shared>> -> memref<320x128xf32, #tpu.memory_space<vmem_shared>>
      tpu.wait_dma2 semaphore(%run_scoped3A : memref<!tpu.dma_semaphore, #tpu.memory_space<semaphore_mem>>) src(%dma_wait3A_39 : memref<320x128xf32, #tpu.memory_space<vmem_shared>>) dst(%arg8 : memref<320x128xf32, #tpu.memory_space<vmem>>)
      tpu.yield
    }) : () -> ()
    %add3A_32 = arith.addi %mul3A_0, %mul3A_2 : i32
    "tpu.region"() ({
      %run_scoped3A = tpu.sem_alloc : memref<!tpu.dma_semaphore, #tpu.memory_space<semaphore_mem>>
      %dma_start3A_33 = arith.constant 0 : i32
      %dma_start3A_34 = tpu.memref_slice %arg5[%add3A_32, %dma_start3A_33] : memref<10240x128xf32, #tpu.memory_space<hbm>> -> memref<320x128xf32, #tpu.memory_space<hbm>>
      %dma_start3A_35 = arith.constant 0 : i32
      %dma_start3A_36 = tpu.memref_slice %arg5[%add3A_32, %dma_start3A_35] : memref<10240x128xf32, #tpu.memory_space<hbm>> -> memref<320x128xf32, #tpu.memory_space<hbm>>
      tpu.enqueue_dma source(%arg8 : memref<320x128xf32, #tpu.memory_space<vmem>>) target(%dma_start3A_36 : memref<320x128xf32, #tpu.memory_space<hbm>>) target_semaphore(%run_scoped3A : memref<!tpu.dma_semaphore, #tpu.memory_space<semaphore_mem>>)
      %dma_wait3A = arith.constant 0 : i32
      %dma_wait3A_37 = tpu.memref_slice %arg5[%add3A_32, %dma_wait3A] : memref<10240x128xf32, #tpu.memory_space<hbm>> -> memref<320x128xf32, #tpu.memory_space<hbm>>
      %dma_wait3A_38 = arith.constant 0 : i32
      %dma_wait3A_39 = tpu.memref_slice %arg5[%add3A_32, %dma_wait3A_38] : memref<10240x128xf32, #tpu.memory_space<hbm>> -> memref<320x128xf32, #tpu.memory_space<hbm>>
      tpu.wait_dma2 semaphore(%run_scoped3A : memref<!tpu.dma_semaphore, #tpu.memory_space<semaphore_mem>>) src(%arg8 : memref<320x128xf32, #tpu.memory_space<vmem>>) dst(%dma_wait3A_39 : memref<320x128xf32, #tpu.memory_space<hbm>>)
      tpu.yield
    }) : () -> ()
    return
  }
}

#map = affine_map<(d0, d1) -> (0, 0)>
#map1 = affine_map<(d0, d1) -> (0)>
module attributes {stable_mosaic.version = 14 : i64} {
  func.func @segsum_k(%arg0: i32, %arg1: i32, %arg2: memref<320000x128xf32, #tpu.memory_space<hbm>>, %arg3: memref<320000xi32, #tpu.memory_space<hbm>>, %arg4: memref<320x128xf32, #tpu.memory_space<hbm>>, %arg5: memref<10240x128xf32, #tpu.memory_space<hbm>>, %arg6: memref<2x80xi32, #tpu.memory_space<vmem>>, %arg7: memref<2x80x128xf32, #tpu.memory_space<vmem>>, %arg8: memref<320x128xf32, #tpu.memory_space<vmem>>, %arg9: memref<5128x128xf32, #tpu.memory_space<vmem_shared>>, %arg10: memref<!tpu.dma_semaphore, #tpu.memory_space<semaphore_mem>>, %arg11: memref<!tpu.dma_semaphore, #tpu.memory_space<semaphore_mem>>, %arg12: memref<!tpu.dma_semaphore, #tpu.memory_space<semaphore_mem>>, %arg13: memref<!tpu.dma_semaphore, #tpu.memory_space<semaphore_mem>>) attributes {dimension_semantics = [#tpu.dimension_semantics<core_parallel>, #tpu.dimension_semantics<subcore_parallel>], iteration_bounds = array<i64: 2, 16>, scalar_prefetch = 0 : i64, scratch_operands = 8 : i64, tpu.core_type = #tpu.core_type<sc_vector_subcore>, window_params = [{transform_indices = #map}, {transform_indices = #map1}, {transform_indices = #map}, {transform_indices = #map}]} {
    %mul3A = arith.constant 5120 : i32
    %mul3A_0 = arith.muli %arg0, %mul3A : i32
    %mul3A_1 = arith.constant 320 : i32
    %mul3A_2 = arith.muli %arg1, %mul3A_1 : i32
    "tpu.region"() ({
      %run_scoped3A = tpu.sem_alloc : memref<!tpu.dma_semaphore, #tpu.memory_space<semaphore_mem>>
      tpu.enqueue_dma source(%arg4 : memref<320x128xf32, #tpu.memory_space<hbm>>) target(%arg8 : memref<320x128xf32, #tpu.memory_space<vmem>>) target_semaphore(%run_scoped3A : memref<!tpu.dma_semaphore, #tpu.memory_space<semaphore_mem>>)
      tpu.wait_dma2 semaphore(%run_scoped3A : memref<!tpu.dma_semaphore, #tpu.memory_space<semaphore_mem>>) src(%arg4 : memref<320x128xf32, #tpu.memory_space<hbm>>) dst(%arg8 : memref<320x128xf32, #tpu.memory_space<vmem>>)
      tpu.yield
    }) : () -> ()
    "tpu.region"() ({
      %run_scoped3A = tpu.sem_alloc : memref<!tpu.dma_semaphore, #tpu.memory_space<semaphore_mem>>
      %dma_start3A_33 = arith.constant 0 : i32
      %dma_start3A_34 = tpu.memref_slice %arg9[%mul3A_2, %dma_start3A_33] : memref<5128x128xf32, #tpu.memory_space<vmem_shared>> -> memref<320x128xf32, #tpu.memory_space<vmem_shared>>
      %dma_start3A_35 = arith.constant 0 : i32
      %dma_start3A_36 = tpu.memref_slice %arg9[%mul3A_2, %dma_start3A_35] : memref<5128x128xf32, #tpu.memory_space<vmem_shared>> -> memref<320x128xf32, #tpu.memory_space<vmem_shared>>
      tpu.enqueue_dma source(%arg8 : memref<320x128xf32, #tpu.memory_space<vmem>>) target(%dma_start3A_36 : memref<320x128xf32, #tpu.memory_space<vmem_shared>>) target_semaphore(%run_scoped3A : memref<!tpu.dma_semaphore, #tpu.memory_space<semaphore_mem>>)
      %dma_wait3A = arith.constant 0 : i32
      %dma_wait3A_37 = tpu.memref_slice %arg9[%mul3A_2, %dma_wait3A] : memref<5128x128xf32, #tpu.memory_space<vmem_shared>> -> memref<320x128xf32, #tpu.memory_space<vmem_shared>>
      %dma_wait3A_38 = arith.constant 0 : i32
      %dma_wait3A_39 = tpu.memref_slice %arg9[%mul3A_2, %dma_wait3A_38] : memref<5128x128xf32, #tpu.memory_space<vmem_shared>> -> memref<320x128xf32, #tpu.memory_space<vmem_shared>>
      tpu.wait_dma2 semaphore(%run_scoped3A : memref<!tpu.dma_semaphore, #tpu.memory_space<semaphore_mem>>) src(%arg8 : memref<320x128xf32, #tpu.memory_space<vmem>>) dst(%dma_wait3A_39 : memref<320x128xf32, #tpu.memory_space<vmem_shared>>)
      tpu.yield
    }) : () -> ()
    %mul3A_3 = arith.constant 20000 : i32
    %mul3A_4 = arith.muli %arg1, %mul3A_3 : i32
    %barrier3A = arith.constant 0 : index
    tpu.barrier barrier_id(%barrier3A)
    %add3A = arith.constant 0 : i32
    %add3A_5 = arith.addi %mul3A_4, %add3A : i32
    %dma_start3A = arith.constant 0 : i32
    %dma_start3A_6 = arith.constant 0 : i32
    %dma_start3A_7 = tpu.memref_slice %arg6[%dma_start3A, %dma_start3A_6] : memref<2x80xi32, #tpu.memory_space<vmem>> -> memref<1x80xi32, #tpu.memory_space<vmem>>
    %dma_start3A_8 = tpu.memref_squeeze %dma_start3A_7 : memref<1x80xi32, #tpu.memory_space<vmem>> -> memref<80xi32, #tpu.memory_space<vmem>>
    %dma_start3A_9 = tpu.memref_slice %arg3[%add3A_5] : memref<320000xi32, #tpu.memory_space<hbm>> -> memref<80xi32, #tpu.memory_space<hbm>>
    %dma_start3A_10 = arith.constant 0 : i32
    %dma_start3A_11 = tpu.memref_slice %arg6[%dma_start3A, %dma_start3A_10] : memref<2x80xi32, #tpu.memory_space<vmem>> -> memref<1x80xi32, #tpu.memory_space<vmem>>
    %dma_start3A_12 = tpu.memref_squeeze %dma_start3A_11 : memref<1x80xi32, #tpu.memory_space<vmem>> -> memref<80xi32, #tpu.memory_space<vmem>>
    %dma_start3A_13 = tpu.memref_slice %arg3[%add3A_5] : memref<320000xi32, #tpu.memory_space<hbm>> -> memref<80xi32, #tpu.memory_space<hbm>>
    tpu.enqueue_dma source(%dma_start3A_13 : memref<80xi32, #tpu.memory_space<hbm>>) target(%dma_start3A_12 : memref<80xi32, #tpu.memory_space<vmem>>) target_semaphore(%arg10 : memref<!tpu.dma_semaphore, #tpu.memory_space<semaphore_mem>>)
    %dma_start3A_14 = arith.constant 0 : i32
    %dma_start3A_15 = arith.constant 0 : i32
    %dma_start3A_16 = arith.constant 0 : i32
    %dma_start3A_17 = tpu.memref_slice %arg7[%dma_start3A_14, %dma_start3A_15, %dma_start3A_16] : memref<2x80x128xf32, #tpu.memory_space<vmem>> -> memref<1x80x128xf32, #tpu.memory_space<vmem>>
    %dma_start3A_18 = tpu.memref_squeeze %dma_start3A_17 : memref<1x80x128xf32, #tpu.memory_space<vmem>> -> memref<80x128xf32, #tpu.memory_space<vmem>>
    %dma_start3A_19 = arith.constant 0 : i32
    %dma_start3A_20 = tpu.memref_slice %arg2[%add3A_5, %dma_start3A_19] : memref<320000x128xf32, #tpu.memory_space<hbm>> -> memref<80x128xf32, #tpu.memory_space<hbm>>
    %dma_start3A_21 = arith.constant 0 : i32
    %dma_start3A_22 = arith.constant 0 : i32
    %dma_start3A_23 = tpu.memref_slice %arg7[%dma_start3A_14, %dma_start3A_21, %dma_start3A_22] : memref<2x80x128xf32, #tpu.memory_space<vmem>> -> memref<1x80x128xf32, #tpu.memory_space<vmem>>
    %dma_start3A_24 = tpu.memref_squeeze %dma_start3A_23 : memref<1x80x128xf32, #tpu.memory_space<vmem>> -> memref<80x128xf32, #tpu.memory_space<vmem>>
    %dma_start3A_25 = arith.constant 0 : i32
    %dma_start3A_26 = tpu.memref_slice %arg2[%add3A_5, %dma_start3A_25] : memref<320000x128xf32, #tpu.memory_space<hbm>> -> memref<80x128xf32, #tpu.memory_space<hbm>>
    tpu.enqueue_dma source(%dma_start3A_26 : memref<80x128xf32, #tpu.memory_space<hbm>>) target(%dma_start3A_24 : memref<80x128xf32, #tpu.memory_space<vmem>>) target_semaphore(%arg12 : memref<!tpu.dma_semaphore, #tpu.memory_space<semaphore_mem>>)
    %scan3A = arith.constant 0 : i32
    %scan3A_27 = arith.constant 125 : i32
    %scan3A_28 = arith.addi %scan3A, %scan3A_27 : i32
    %scan3A_29 = arith.constant 1 : i32
    scf.for %scan3A_33 = %scan3A to %scan3A_28 step %scan3A_29  : i32 {
      %mul3A_34 = arith.constant 1 : i32
      %mul3A_35 = arith.muli %scan3A_33, %mul3A_34 : i32
      %add3A_36 = arith.constant 0 : i32
      %add3A_37 = arith.addi %add3A_36, %mul3A_35 : i32
      %mul3A_38 = arith.constant 2 : i32
      %mul3A_39 = arith.muli %mul3A_38, %add3A_37 : i32
      %add3A_40 = arith.constant 1 : i32
      %add3A_41 = arith.addi %mul3A_39, %add3A_40 : i32
      %mul3A_42 = arith.constant 80 : i32
      %mul3A_43 = arith.muli %add3A_41, %mul3A_42 : i32
      %add3A_44 = arith.addi %mul3A_4, %mul3A_43 : i32
      %dma_start3A_45 = arith.constant 1 : i32
      %dma_start3A_46 = arith.constant 0 : i32
      %dma_start3A_47 = tpu.memref_slice %arg6[%dma_start3A_45, %dma_start3A_46] : memref<2x80xi32, #tpu.memory_space<vmem>> -> memref<1x80xi32, #tpu.memory_space<vmem>>
      %dma_start3A_48 = tpu.memref_squeeze %dma_start3A_47 : memref<1x80xi32, #tpu.memory_space<vmem>> -> memref<80xi32, #tpu.memory_space<vmem>>
      %dma_start3A_49 = tpu.memref_slice %arg3[%add3A_44] : memref<320000xi32, #tpu.memory_space<hbm>> -> memref<80xi32, #tpu.memory_space<hbm>>
      %dma_start3A_50 = arith.constant 0 : i32
      %dma_start3A_51 = tpu.memref_slice %arg6[%dma_start3A_45, %dma_start3A_50] : memref<2x80xi32, #tpu.memory_space<vmem>> -> memref<1x80xi32, #tpu.memory_space<vmem>>
      %dma_start3A_52 = tpu.memref_squeeze %dma_start3A_51 : memref<1x80xi32, #tpu.memory_space<vmem>> -> memref<80xi32, #tpu.memory_space<vmem>>
      %dma_start3A_53 = tpu.memref_slice %arg3[%add3A_44] : memref<320000xi32, #tpu.memory_space<hbm>> -> memref<80xi32, #tpu.memory_space<hbm>>
      tpu.enqueue_dma source(%dma_start3A_53 : memref<80xi32, #tpu.memory_space<hbm>>) target(%dma_start3A_52 : memref<80xi32, #tpu.memory_space<vmem>>) target_semaphore(%arg11 : memref<!tpu.dma_semaphore, #tpu.memory_space<semaphore_mem>>)
      %dma_start3A_54 = arith.constant 1 : i32
      %dma_start3A_55 = arith.constant 0 : i32
      %dma_start3A_56 = arith.constant 0 : i32
      %dma_start3A_57 = tpu.memref_slice %arg7[%dma_start3A_54, %dma_start3A_55, %dma_start3A_56] : memref<2x80x128xf32, #tpu.memory_space<vmem>> -> memref<1x80x128xf32, #tpu.memory_space<vmem>>
      %dma_start3A_58 = tpu.memref_squeeze %dma_start3A_57 : memref<1x80x128xf32, #tpu.memory_space<vmem>> -> memref<80x128xf32, #tpu.memory_space<vmem>>
      %dma_start3A_59 = arith.constant 0 : i32
      %dma_start3A_60 = tpu.memref_slice %arg2[%add3A_44, %dma_start3A_59] : memref<320000x128xf32, #tpu.memory_space<hbm>> -> memref<80x128xf32, #tpu.memory_space<hbm>>
      %dma_start3A_61 = arith.constant 0 : i32
      %dma_start3A_62 = arith.constant 0 : i32
      %dma_start3A_63 = tpu.memref_slice %arg7[%dma_start3A_54, %dma_start3A_61, %dma_start3A_62] : memref<2x80x128xf32, #tpu.memory_space<vmem>> -> memref<1x80x128xf32, #tpu.memory_space<vmem>>
      %dma_start3A_64 = tpu.memref_squeeze %dma_start3A_63 : memref<1x80x128xf32, #tpu.memory_space<vmem>> -> memref<80x128xf32, #tpu.memory_space<vmem>>
      %dma_start3A_65 = arith.constant 0 : i32
      %dma_start3A_66 = tpu.memref_slice %arg2[%add3A_44, %dma_start3A_65] : memref<320000x128xf32, #tpu.memory_space<hbm>> -> memref<80x128xf32, #tpu.memory_space<hbm>>
      tpu.enqueue_dma source(%dma_start3A_66 : memref<80x128xf32, #tpu.memory_space<hbm>>) target(%dma_start3A_64 : memref<80x128xf32, #tpu.memory_space<vmem>>) target_semaphore(%arg13 : memref<!tpu.dma_semaphore, #tpu.memory_space<semaphore_mem>>)
      %dma_wait3A = arith.constant 0 : i32
      %dma_wait3A_67 = arith.constant 0 : i32
      %dma_wait3A_68 = tpu.memref_slice %arg6[%dma_wait3A, %dma_wait3A_67] : memref<2x80xi32, #tpu.memory_space<vmem>> -> memref<1x80xi32, #tpu.memory_space<vmem>>
      %dma_wait3A_69 = tpu.memref_squeeze %dma_wait3A_68 : memref<1x80xi32, #tpu.memory_space<vmem>> -> memref<80xi32, #tpu.memory_space<vmem>>
      %dma_wait3A_70 = arith.constant 0 : i32
      %dma_wait3A_71 = tpu.memref_slice %arg3[%dma_wait3A_70] : memref<320000xi32, #tpu.memory_space<hbm>> -> memref<80xi32, #tpu.memory_space<hbm>>
      %dma_wait3A_72 = arith.constant 0 : i32
      %dma_wait3A_73 = tpu.memref_slice %arg6[%dma_wait3A, %dma_wait3A_72] : memref<2x80xi32, #tpu.memory_space<vmem>> -> memref<1x80xi32, #tpu.memory_space<vmem>>
      %dma_wait3A_74 = tpu.memref_squeeze %dma_wait3A_73 : memref<1x80xi32, #tpu.memory_space<vmem>> -> memref<80xi32, #tpu.memory_space<vmem>>
      %dma_wait3A_75 = arith.constant 0 : i32
      %dma_wait3A_76 = tpu.memref_slice %arg3[%dma_wait3A_75] : memref<320000xi32, #tpu.memory_space<hbm>> -> memref<80xi32, #tpu.memory_space<hbm>>
      tpu.wait_dma2 semaphore(%arg10 : memref<!tpu.dma_semaphore, #tpu.memory_space<semaphore_mem>>) src(%dma_wait3A_76 : memref<80xi32, #tpu.memory_space<hbm>>) dst(%dma_wait3A_74 : memref<80xi32, #tpu.memory_space<vmem>>)
      %dma_wait3A_77 = arith.constant 0 : i32
      %dma_wait3A_78 = arith.constant 0 : i32
      %dma_wait3A_79 = arith.constant 0 : i32
      %dma_wait3A_80 = tpu.memref_slice %arg7[%dma_wait3A_77, %dma_wait3A_78, %dma_wait3A_79] : memref<2x80x128xf32, #tpu.memory_space<vmem>> -> memref<1x80x128xf32, #tpu.memory_space<vmem>>
      %dma_wait3A_81 = tpu.memref_squeeze %dma_wait3A_80 : memref<1x80x128xf32, #tpu.memory_space<vmem>> -> memref<80x128xf32, #tpu.memory_space<vmem>>
      %dma_wait3A_82 = arith.constant 0 : i32
      %dma_wait3A_83 = arith.constant 0 : i32
      %dma_wait3A_84 = tpu.memref_slice %arg2[%dma_wait3A_82, %dma_wait3A_83] : memref<320000x128xf32, #tpu.memory_space<hbm>> -> memref<80x128xf32, #tpu.memory_space<hbm>>
      %dma_wait3A_85 = arith.constant 0 : i32
      %dma_wait3A_86 = arith.constant 0 : i32
      %dma_wait3A_87 = tpu.memref_slice %arg7[%dma_wait3A_77, %dma_wait3A_85, %dma_wait3A_86] : memref<2x80x128xf32, #tpu.memory_space<vmem>> -> memref<1x80x128xf32, #tpu.memory_space<vmem>>
      %dma_wait3A_88 = tpu.memref_squeeze %dma_wait3A_87 : memref<1x80x128xf32, #tpu.memory_space<vmem>> -> memref<80x128xf32, #tpu.memory_space<vmem>>
      %dma_wait3A_89 = arith.constant 0 : i32
      %dma_wait3A_90 = arith.constant 0 : i32
      %dma_wait3A_91 = tpu.memref_slice %arg2[%dma_wait3A_89, %dma_wait3A_90] : memref<320000x128xf32, #tpu.memory_space<hbm>> -> memref<80x128xf32, #tpu.memory_space<hbm>>
      tpu.wait_dma2 semaphore(%arg12 : memref<!tpu.dma_semaphore, #tpu.memory_space<semaphore_mem>>) src(%dma_wait3A_91 : memref<80x128xf32, #tpu.memory_space<hbm>>) dst(%dma_wait3A_88 : memref<80x128xf32, #tpu.memory_space<vmem>>)
      %scan3A_92 = arith.constant 0 : i32
      %scan3A_93 = arith.constant 5 : i32
      %scan3A_94 = arith.addi %scan3A_92, %scan3A_93 : i32
      %scan3A_95 = arith.constant 1 : i32
      scf.for %scan3A_135 = %scan3A_92 to %scan3A_94 step %scan3A_95  : i32 {
        %mul3A_136 = arith.constant 1 : i32
        %mul3A_137 = arith.muli %scan3A_135, %mul3A_136 : i32
        %add3A_138 = arith.constant 0 : i32
        %add3A_139 = arith.addi %add3A_138, %mul3A_137 : i32
        %mul3A_140 = arith.constant 16 : i32
        %mul3A_141 = arith.muli %add3A_139, %mul3A_140 : i32
        %get3A = arith.constant 0 : i32
        %get3A_142 = arith.index_cast %get3A : i32 to index
        %get3A_143 = arith.index_cast %mul3A_141 : i32 to index
        %get3A_144 = tpu.vector_load %arg6[%get3A_142, %get3A_143] {strides = array<i32>} : memref<2x80xi32, #tpu.memory_space<vmem>>, vector<1x16xi32>,
        %get3A_145 = vector.shape_cast %get3A_144 : vector<1x16xi32> to vector<16xi32>
        %sub3A = vector.broadcast %mul3A_0 : i32 to vector<16xi32>
        %sub3A_146 = arith.subi %get3A_145, %sub3A : vector<16xi32>
        %ge3A = arith.constant 0 : i32
        %ge3A_147 = vector.broadcast %ge3A : i32 to vector<16xi32>
        %ge3A_148 = arith.cmpi sge, %sub3A_146, %ge3A_147 : vector<16xi32>
        %lt3A_149 = arith.constant 5120 : i32
        %lt3A_150 = vector.broadcast %lt3A_149 : i32 to vector<16xi32>
        %lt3A_151 = arith.cmpi slt, %sub3A_146, %lt3A_150 : vector<16xi32>
        %and3A = arith.andi %ge3A_148, %lt3A_151 : vector<16xi1>
        %jit3A = arith.constant 5120 : i32
        %broadcast_in_dim3A = vector.broadcast %jit3A : i32 to vector<16xi32>
        %select_n3A = arith.select %and3A, %sub3A_146, %broadcast_in_dim3A : vector<16xi1>, vector<16xi32>
        %mul3A_152 = arith.constant 16 : i32
        %mul3A_153 = arith.muli %add3A_139, %mul3A_152 : i32
        %swap3A = arith.constant 0 : i32
        %swap3A_154 = arith.index_cast %swap3A : i32 to index
        %swap3A_155 = arith.index_cast %mul3A_153 : i32 to index
        %swap3A_156 = tpu.vector_load %arg6[%swap3A_154, %swap3A_155] {strides = array<i32>} : memref<2x80xi32, #tpu.memory_space<vmem>>, vector<1x16xi32>,
        %swap3A_157 = vector.shape_cast %swap3A_156 : vector<1x16xi32> to vector<16xi32>
        %swap3A_158 = vector.shape_cast %select_n3A : vector<16xi32> to vector<1x16xi32>
        tpu.vector_store %arg6[%swap3A_154, %swap3A_155], %swap3A_158 {strides = array<i32>} : memref<2x80xi32, #tpu.memory_space<vmem>>, vector<1x16xi32>,
      }
      %scan3A_96 = arith.constant 5 : i32
      %run_scoped3A = arith.constant 0 : i32
      %run_scoped3A_97 = arith.constant 0 : i32
      "tpu.region"() ({
        %run_scoped3A_135 = tpu.sem_alloc : memref<!tpu.dma_semaphore, #tpu.memory_space<semaphore_mem>>
        %dma_start3A_136 = arith.constant 0 : i32
        %dma_start3A_137 = arith.constant 0 : i32
        %dma_start3A_138 = tpu.memref_slice %arg7[%run_scoped3A, %dma_start3A_136, %dma_start3A_137] : memref<2x80x128xf32, #tpu.memory_space<vmem>> -> memref<1x80x128xf32, #tpu.memory_space<vmem>>
        %dma_start3A_139 = tpu.memref_squeeze %dma_start3A_138 : memref<1x80x128xf32, #tpu.memory_space<vmem>> -> memref<80x128xf32, #tpu.memory_space<vmem>>
        %dma_start3A_140 = arith.constant 0 : i32
        %dma_start3A_141 = tpu.memref_slice %arg6[%run_scoped3A_97, %dma_start3A_140] : memref<2x80xi32, #tpu.memory_space<vmem>> -> memref<1x80xi32, #tpu.memory_space<vmem>>
        %dma_start3A_142 = tpu.memref_squeeze %dma_start3A_141 : memref<1x80xi32, #tpu.memory_space<vmem>> -> memref<80xi32, #tpu.memory_space<vmem>>
        %dma_start3A_143 = arith.constant 0 : i32
        %dma_start3A_144 = arith.constant 0 : i32
        %dma_start3A_145 = tpu.memref_slice %arg9[%dma_start3A_143, %dma_start3A_144] : memref<5128x128xf32, #tpu.memory_space<vmem_shared>> -> memref<5128x128xf32, #tpu.memory_space<vmem_shared>>
        tpu.enqueue_indirect_dma source(%dma_start3A_139 : memref<80x128xf32, #tpu.memory_space<vmem>>) target(%dma_start3A_145 : memref<5128x128xf32, #tpu.memory_space<vmem_shared>>) offsets(%dma_start3A_142 : memref<80xi32, #tpu.memory_space<vmem>>) semaphore(%run_scoped3A_135 : memref<!tpu.dma_semaphore, #tpu.memory_space<semaphore_mem>>) {add = true}
        %dma_wait3A_146 = arith.constant 0 : i32
        %dma_wait3A_147 = arith.constant 0 : i32
        %dma_wait3A_148 = tpu.memref_slice %arg7[%run_scoped3A, %dma_wait3A_146, %dma_wait3A_147] : memref<2x80x128xf32, #tpu.memory_space<vmem>> -> memref<1x80x128xf32, #tpu.memory_space<vmem>>
        %dma_wait3A_149 = tpu.memref_squeeze %dma_wait3A_148 : memref<1x80x128xf32, #tpu.memory_space<vmem>> -> memref<80x128xf32, #tpu.memory_space<vmem>>
        %dma_wait3A_150 = arith.constant 0 : i32
        %dma_wait3A_151 = tpu.memref_slice %arg6[%run_scoped3A_97, %dma_wait3A_150] : memref<2x80xi32, #tpu.memory_space<vmem>> -> memref<1x80xi32, #tpu.memory_space<vmem>>
        %dma_wait3A_152 = tpu.memref_squeeze %dma_wait3A_151 : memref<1x80xi32, #tpu.memory_space<vmem>> -> memref<80xi32, #tpu.memory_space<vmem>>
        %dma_wait3A_153 = arith.constant 0 : i32
        %dma_wait3A_154 = arith.constant 0 : i32
        %dma_wait3A_155 = tpu.memref_slice %arg9[%dma_wait3A_153, %dma_wait3A_154] : memref<5128x128xf32, #tpu.memory_space<vmem_shared>> -> memref<5128x128xf32, #tpu.memory_space<vmem_shared>>
        tpu.wait_indirect_dma semaphore(%run_scoped3A_135 : memref<!tpu.dma_semaphore, #tpu.memory_space<semaphore_mem>>) src(%dma_wait3A_149 : memref<80x128xf32, #tpu.memory_space<vmem>>) dst(%dma_wait3A_155 : memref<5128x128xf32, #tpu.memory_space<vmem_shared>>)
        tpu.yield
      }) : () -> ()
      %add3A_98 = arith.constant 2 : i32
      %add3A_99 = arith.addi %mul3A_39, %add3A_98 : i32
      %lt3A = arith.constant 250 : i32
      %lt3A_100 = arith.cmpi slt, %add3A_99, %lt3A : i32
      %convert_element_type3A = arith.extui %lt3A_100 : i1 to i32
      %cond3A = arith.constant 0 : i32
      %cond3A_101 = arith.cmpi ne, %convert_element_type3A, %cond3A : i32
      scf.if %cond3A_101 {
        %add3A_135 = arith.constant 2 : i32
        %add3A_136 = arith.addi %mul3A_39, %add3A_135 : i32
        %mul3A_137 = arith.constant 80 : i32
        %mul3A_138 = arith.muli %add3A_136, %mul3A_137 : i32
        %add3A_139 = arith.addi %mul3A_4, %mul3A_138 : i32
        %dma_start3A_140 = arith.constant 0 : i32
        %dma_start3A_141 = arith.constant 0 : i32
        %dma_start3A_142 = tpu.memref_slice %arg6[%dma_start3A_140, %dma_start3A_141] : memref<2x80xi32, #tpu.memory_space<vmem>> -> memref<1x80xi32, #tpu.memory_space<vmem>>
        %dma_start3A_143 = tpu.memref_squeeze %dma_start3A_142 : memref<1x80xi32, #tpu.memory_space<vmem>> -> memref<80xi32, #tpu.memory_space<vmem>>
        %dma_start3A_144 = tpu.memref_slice %arg3[%add3A_139] : memref<320000xi32, #tpu.memory_space<hbm>> -> memref<80xi32, #tpu.memory_space<hbm>>
        %dma_start3A_145 = arith.constant 0 : i32
        %dma_start3A_146 = tpu.memref_slice %arg6[%dma_start3A_140, %dma_start3A_145] : memref<2x80xi32, #tpu.memory_space<vmem>> -> memref<1x80xi32, #tpu.memory_space<vmem>>
        %dma_start3A_147 = tpu.memref_squeeze %dma_start3A_146 : memref<1x80xi32, #tpu.memory_space<vmem>> -> memref<80xi32, #tpu.memory_space<vmem>>
        %dma_start3A_148 = tpu.memref_slice %arg3[%add3A_139] : memref<320000xi32, #tpu.memory_space<hbm>> -> memref<80xi32, #tpu.memory_space<hbm>>
        tpu.enqueue_dma source(%dma_start3A_148 : memref<80xi32, #tpu.memory_space<hbm>>) target(%dma_start3A_147 : memref<80xi32, #tpu.memory_space<vmem>>) target_semaphore(%arg10 : memref<!tpu.dma_semaphore, #tpu.memory_space<semaphore_mem>>)
        %dma_start3A_149 = arith.constant 0 : i32
        %dma_start3A_150 = arith.constant 0 : i32
        %dma_start3A_151 = arith.constant 0 : i32
        %dma_start3A_152 = tpu.memref_slice %arg7[%dma_start3A_149, %dma_start3A_150, %dma_start3A_151] : memref<2x80x128xf32, #tpu.memory_space<vmem>> -> memref<1x80x128xf32, #tpu.memory_space<vmem>>
        %dma_start3A_153 = tpu.memref_squeeze %dma_start3A_152 : memref<1x80x128xf32, #tpu.memory_space<vmem>> -> memref<80x128xf32, #tpu.memory_space<vmem>>
        %dma_start3A_154 = arith.constant 0 : i32
        %dma_start3A_155 = tpu.memref_slice %arg2[%add3A_139, %dma_start3A_154] : memref<320000x128xf32, #tpu.memory_space<hbm>> -> memref<80x128xf32, #tpu.memory_space<hbm>>
        %dma_start3A_156 = arith.constant 0 : i32
        %dma_start3A_157 = arith.constant 0 : i32
        %dma_start3A_158 = tpu.memref_slice %arg7[%dma_start3A_149, %dma_start3A_156, %dma_start3A_157] : memref<2x80x128xf32, #tpu.memory_space<vmem>> -> memref<1x80x128xf32, #tpu.memory_space<vmem>>
        %dma_start3A_159 = tpu.memref_squeeze %dma_start3A_158 : memref<1x80x128xf32, #tpu.memory_space<vmem>> -> memref<80x128xf32, #tpu.memory_space<vmem>>
        %dma_start3A_160 = arith.constant 0 : i32
        %dma_start3A_161 = tpu.memref_slice %arg2[%add3A_139, %dma_start3A_160] : memref<320000x128xf32, #tpu.memory_space<hbm>> -> memref<80x128xf32, #tpu.memory_space<hbm>>
        tpu.enqueue_dma source(%dma_start3A_161 : memref<80x128xf32, #tpu.memory_space<hbm>>) target(%dma_start3A_159 : memref<80x128xf32, #tpu.memory_space<vmem>>) target_semaphore(%arg12 : memref<!tpu.dma_semaphore, #tpu.memory_space<semaphore_mem>>)
      } else {
      }
      %dma_wait3A_102 = arith.constant 1 : i32
      %dma_wait3A_103 = arith.constant 0 : i32
      %dma_wait3A_104 = tpu.memref_slice %arg6[%dma_wait3A_102, %dma_wait3A_103] : memref<2x80xi32, #tpu.memory_space<vmem>> -> memref<1x80xi32, #tpu.memory_space<vmem>>
      %dma_wait3A_105 = tpu.memref_squeeze %dma_wait3A_104 : memref<1x80xi32, #tpu.memory_space<vmem>> -> memref<80xi32, #tpu.memory_space<vmem>>
      %dma_wait3A_106 = arith.constant 0 : i32
      %dma_wait3A_107 = tpu.memref_slice %arg3[%dma_wait3A_106] : memref<320000xi32, #tpu.memory_space<hbm>> -> memref<80xi32, #tpu.memory_space<hbm>>
      %dma_wait3A_108 = arith.constant 0 : i32
      %dma_wait3A_109 = tpu.memref_slice %arg6[%dma_wait3A_102, %dma_wait3A_108] : memref<2x80xi32, #tpu.memory_space<vmem>> -> memref<1x80xi32, #tpu.memory_space<vmem>>
      %dma_wait3A_110 = tpu.memref_squeeze %dma_wait3A_109 : memref<1x80xi32, #tpu.memory_space<vmem>> -> memref<80xi32, #tpu.memory_space<vmem>>
      %dma_wait3A_111 = arith.constant 0 : i32
      %dma_wait3A_112 = tpu.memref_slice %arg3[%dma_wait3A_111] : memref<320000xi32, #tpu.memory_space<hbm>> -> memref<80xi32, #tpu.memory_space<hbm>>
      tpu.wait_dma2 semaphore(%arg11 : memref<!tpu.dma_semaphore, #tpu.memory_space<semaphore_mem>>) src(%dma_wait3A_112 : memref<80xi32, #tpu.memory_space<hbm>>) dst(%dma_wait3A_110 : memref<80xi32, #tpu.memory_space<vmem>>)
      %dma_wait3A_113 = arith.constant 1 : i32
      %dma_wait3A_114 = arith.constant 0 : i32
      %dma_wait3A_115 = arith.constant 0 : i32
      %dma_wait3A_116 = tpu.memref_slice %arg7[%dma_wait3A_113, %dma_wait3A_114, %dma_wait3A_115] : memref<2x80x128xf32, #tpu.memory_space<vmem>> -> memref<1x80x128xf32, #tpu.memory_space<vmem>>
      %dma_wait3A_117 = tpu.memref_squeeze %dma_wait3A_116 : memref<1x80x128xf32, #tpu.memory_space<vmem>> -> memref<80x128xf32, #tpu.memory_space<vmem>>
      %dma_wait3A_118 = arith.constant 0 : i32
      %dma_wait3A_119 = arith.constant 0 : i32
      %dma_wait3A_120 = tpu.memref_slice %arg2[%dma_wait3A_118, %dma_wait3A_119] : memref<320000x128xf32, #tpu.memory_space<hbm>> -> memref<80x128xf32, #tpu.memory_space<hbm>>
      %dma_wait3A_121 = arith.constant 0 : i32
      %dma_wait3A_122 = arith.constant 0 : i32
      %dma_wait3A_123 = tpu.memref_slice %arg7[%dma_wait3A_113, %dma_wait3A_121, %dma_wait3A_122] : memref<2x80x128xf32, #tpu.memory_space<vmem>> -> memref<1x80x128xf32, #tpu.memory_space<vmem>>
      %dma_wait3A_124 = tpu.memref_squeeze %dma_wait3A_123 : memref<1x80x128xf32, #tpu.memory_space<vmem>> -> memref<80x128xf32, #tpu.memory_space<vmem>>
      %dma_wait3A_125 = arith.constant 0 : i32
      %dma_wait3A_126 = arith.constant 0 : i32
      %dma_wait3A_127 = tpu.memref_slice %arg2[%dma_wait3A_125, %dma_wait3A_126] : memref<320000x128xf32, #tpu.memory_space<hbm>> -> memref<80x128xf32, #tpu.memory_space<hbm>>
      tpu.wait_dma2 semaphore(%arg13 : memref<!tpu.dma_semaphore, #tpu.memory_space<semaphore_mem>>) src(%dma_wait3A_127 : memref<80x128xf32, #tpu.memory_space<hbm>>) dst(%dma_wait3A_124 : memref<80x128xf32, #tpu.memory_space<vmem>>)
      %scan3A_128 = arith.constant 0 : i32
      %scan3A_129 = arith.constant 5 : i32
      %scan3A_130 = arith.addi %scan3A_128, %scan3A_129 : i32
      %scan3A_131 = arith.constant 1 : i32
      scf.for %scan3A_135 = %scan3A_128 to %scan3A_130 step %scan3A_131  : i32 {
        %mul3A_136 = arith.constant 1 : i32
        %mul3A_137 = arith.muli %scan3A_135, %mul3A_136 : i32
        %add3A_138 = arith.constant 0 : i32
        %add3A_139 = arith.addi %add3A_138, %mul3A_137 : i32
        %mul3A_140 = arith.constant 16 : i32
        %mul3A_141 = arith.muli %add3A_139, %mul3A_140 : i32
        %get3A = arith.constant 1 : i32
        %get3A_142 = arith.index_cast %get3A : i32 to index
        %get3A_143 = arith.index_cast %mul3A_141 : i32 to index
        %get3A_144 = tpu.vector_load %arg6[%get3A_142, %get3A_143] {strides = array<i32>} : memref<2x80xi32, #tpu.memory_space<vmem>>, vector<1x16xi32>,
        %get3A_145 = vector.shape_cast %get3A_144 : vector<1x16xi32> to vector<16xi32>
        %sub3A = vector.broadcast %mul3A_0 : i32 to vector<16xi32>
        %sub3A_146 = arith.subi %get3A_145, %sub3A : vector<16xi32>
        %ge3A = arith.constant 0 : i32
        %ge3A_147 = vector.broadcast %ge3A : i32 to vector<16xi32>
        %ge3A_148 = arith.cmpi sge, %sub3A_146, %ge3A_147 : vector<16xi32>
        %lt3A_149 = arith.constant 5120 : i32
        %lt3A_150 = vector.broadcast %lt3A_149 : i32 to vector<16xi32>
        %lt3A_151 = arith.cmpi slt, %sub3A_146, %lt3A_150 : vector<16xi32>
        %and3A = arith.andi %ge3A_148, %lt3A_151 : vector<16xi1>
        %jit3A = arith.constant 5120 : i32
        %broadcast_in_dim3A = vector.broadcast %jit3A : i32 to vector<16xi32>
        %select_n3A = arith.select %and3A, %sub3A_146, %broadcast_in_dim3A : vector<16xi1>, vector<16xi32>
        %mul3A_152 = arith.constant 16 : i32
        %mul3A_153 = arith.muli %add3A_139, %mul3A_152 : i32
        %swap3A = arith.constant 1 : i32
        %swap3A_154 = arith.index_cast %swap3A : i32 to index
        %swap3A_155 = arith.index_cast %mul3A_153 : i32 to index
        %swap3A_156 = tpu.vector_load %arg6[%swap3A_154, %swap3A_155] {strides = array<i32>} : memref<2x80xi32, #tpu.memory_space<vmem>>, vector<1x16xi32>,
        %swap3A_157 = vector.shape_cast %swap3A_156 : vector<1x16xi32> to vector<16xi32>
        %swap3A_158 = vector.shape_cast %select_n3A : vector<16xi32> to vector<1x16xi32>
        tpu.vector_store %arg6[%swap3A_154, %swap3A_155], %swap3A_158 {strides = array<i32>} : memref<2x80xi32, #tpu.memory_space<vmem>>, vector<1x16xi32>,
      }
      %scan3A_132 = arith.constant 5 : i32
      %run_scoped3A_133 = arith.constant 1 : i32
      %run_scoped3A_134 = arith.constant 1 : i32
      "tpu.region"() ({
        %run_scoped3A_135 = tpu.sem_alloc : memref<!tpu.dma_semaphore, #tpu.memory_space<semaphore_mem>>
        %dma_start3A_136 = arith.constant 0 : i32
        %dma_start3A_137 = arith.constant 0 : i32
        %dma_start3A_138 = tpu.memref_slice %arg7[%run_scoped3A_133, %dma_start3A_136, %dma_start3A_137] : memref<2x80x128xf32, #tpu.memory_space<vmem>> -> memref<1x80x128xf32, #tpu.memory_space<vmem>>
        %dma_start3A_139 = tpu.memref_squeeze %dma_start3A_138 : memref<1x80x128xf32, #tpu.memory_space<vmem>> -> memref<80x128xf32, #tpu.memory_space<vmem>>
        %dma_start3A_140 = arith.constant 0 : i32
        %dma_start3A_141 = tpu.memref_slice %arg6[%run_scoped3A_134, %dma_start3A_140] : memref<2x80xi32, #tpu.memory_space<vmem>> -> memref<1x80xi32, #tpu.memory_space<vmem>>
        %dma_start3A_142 = tpu.memref_squeeze %dma_start3A_141 : memref<1x80xi32, #tpu.memory_space<vmem>> -> memref<80xi32, #tpu.memory_space<vmem>>
        %dma_start3A_143 = arith.constant 0 : i32
        %dma_start3A_144 = arith.constant 0 : i32
        %dma_start3A_145 = tpu.memref_slice %arg9[%dma_start3A_143, %dma_start3A_144] : memref<5128x128xf32, #tpu.memory_space<vmem_shared>> -> memref<5128x128xf32, #tpu.memory_space<vmem_shared>>
        tpu.enqueue_indirect_dma source(%dma_start3A_139 : memref<80x128xf32, #tpu.memory_space<vmem>>) target(%dma_start3A_145 : memref<5128x128xf32, #tpu.memory_space<vmem_shared>>) offsets(%dma_start3A_142 : memref<80xi32, #tpu.memory_space<vmem>>) semaphore(%run_scoped3A_135 : memref<!tpu.dma_semaphore, #tpu.memory_space<semaphore_mem>>) {add = true}
        %dma_wait3A_146 = arith.constant 0 : i32
        %dma_wait3A_147 = arith.constant 0 : i32
        %dma_wait3A_148 = tpu.memref_slice %arg7[%run_scoped3A_133, %dma_wait3A_146, %dma_wait3A_147] : memref<2x80x128xf32, #tpu.memory_space<vmem>> -> memref<1x80x128xf32, #tpu.memory_space<vmem>>
        %dma_wait3A_149 = tpu.memref_squeeze %dma_wait3A_148 : memref<1x80x128xf32, #tpu.memory_space<vmem>> -> memref<80x128xf32, #tpu.memory_space<vmem>>
        %dma_wait3A_150 = arith.constant 0 : i32
        %dma_wait3A_151 = tpu.memref_slice %arg6[%run_scoped3A_134, %dma_wait3A_150] : memref<2x80xi32, #tpu.memory_space<vmem>> -> memref<1x80xi32, #tpu.memory_space<vmem>>
        %dma_wait3A_152 = tpu.memref_squeeze %dma_wait3A_151 : memref<1x80xi32, #tpu.memory_space<vmem>> -> memref<80xi32, #tpu.memory_space<vmem>>
        %dma_wait3A_153 = arith.constant 0 : i32
        %dma_wait3A_154 = arith.constant 0 : i32
        %dma_wait3A_155 = tpu.memref_slice %arg9[%dma_wait3A_153, %dma_wait3A_154] : memref<5128x128xf32, #tpu.memory_space<vmem_shared>> -> memref<5128x128xf32, #tpu.memory_space<vmem_shared>>
        tpu.wait_indirect_dma semaphore(%run_scoped3A_135 : memref<!tpu.dma_semaphore, #tpu.memory_space<semaphore_mem>>) src(%dma_wait3A_149 : memref<80x128xf32, #tpu.memory_space<vmem>>) dst(%dma_wait3A_155 : memref<5128x128xf32, #tpu.memory_space<vmem_shared>>)
        tpu.yield
      }) : () -> ()
    }
    %scan3A_30 = arith.constant 125 : i32
    %barrier3A_31 = arith.constant 0 : index
    tpu.barrier barrier_id(%barrier3A_31)
    "tpu.region"() ({
      %run_scoped3A = tpu.sem_alloc : memref<!tpu.dma_semaphore, #tpu.memory_space<semaphore_mem>>
      %dma_start3A_33 = arith.constant 0 : i32
      %dma_start3A_34 = tpu.memref_slice %arg9[%mul3A_2, %dma_start3A_33] : memref<5128x128xf32, #tpu.memory_space<vmem_shared>> -> memref<320x128xf32, #tpu.memory_space<vmem_shared>>
      %dma_start3A_35 = arith.constant 0 : i32
      %dma_start3A_36 = tpu.memref_slice %arg9[%mul3A_2, %dma_start3A_35] : memref<5128x128xf32, #tpu.memory_space<vmem_shared>> -> memref<320x128xf32, #tpu.memory_space<vmem_shared>>
      tpu.enqueue_dma source(%dma_start3A_36 : memref<320x128xf32, #tpu.memory_space<vmem_shared>>) target(%arg8 : memref<320x128xf32, #tpu.memory_space<vmem>>) target_semaphore(%run_scoped3A : memref<!tpu.dma_semaphore, #tpu.memory_space<semaphore_mem>>)
      %dma_wait3A = arith.constant 0 : i32
      %dma_wait3A_37 = tpu.memref_slice %arg9[%mul3A_2, %dma_wait3A] : memref<5128x128xf32, #tpu.memory_space<vmem_shared>> -> memref<320x128xf32, #tpu.memory_space<vmem_shared>>
      %dma_wait3A_38 = arith.constant 0 : i32
      %dma_wait3A_39 = tpu.memref_slice %arg9[%mul3A_2, %dma_wait3A_38] : memref<5128x128xf32, #tpu.memory_space<vmem_shared>> -> memref<320x128xf32, #tpu.memory_space<vmem_shared>>
      tpu.wait_dma2 semaphore(%run_scoped3A : memref<!tpu.dma_semaphore, #tpu.memory_space<semaphore_mem>>) src(%dma_wait3A_39 : memref<320x128xf32, #tpu.memory_space<vmem_shared>>) dst(%arg8 : memref<320x128xf32, #tpu.memory_space<vmem>>)
      tpu.yield
    }) : () -> ()
    %add3A_32 = arith.addi %mul3A_0, %mul3A_2 : i32
    "tpu.region"() ({
      %run_scoped3A = tpu.sem_alloc : memref<!tpu.dma_semaphore, #tpu.memory_space<semaphore_mem>>
      %dma_start3A_33 = arith.constant 0 : i32
      %dma_start3A_34 = tpu.memref_slice %arg5[%add3A_32, %dma_start3A_33] : memref<10240x128xf32, #tpu.memory_space<hbm>> -> memref<320x128xf32, #tpu.memory_space<hbm>>
      %dma_start3A_35 = arith.constant 0 : i32
      %dma_start3A_36 = tpu.memref_slice %arg5[%add3A_32, %dma_start3A_35] : memref<10240x128xf32, #tpu.memory_space<hbm>> -> memref<320x128xf32, #tpu.memory_space<hbm>>
      tpu.enqueue_dma source(%arg8 : memref<320x128xf32, #tpu.memory_space<vmem>>) target(%dma_start3A_36 : memref<320x128xf32, #tpu.memory_space<hbm>>) target_semaphore(%run_scoped3A : memref<!tpu.dma_semaphore, #tpu.memory_space<semaphore_mem>>)
      %dma_wait3A = arith.constant 0 : i32
      %dma_wait3A_37 = tpu.memref_slice %arg5[%add3A_32, %dma_wait3A] : memref<10240x128xf32, #tpu.memory_space<hbm>> -> memref<320x128xf32, #tpu.memory_space<hbm>>
      %dma_wait3A_38 = arith.constant 0 : i32
      %dma_wait3A_39 = tpu.memref_slice %arg5[%add3A_32, %dma_wait3A_38] : memref<10240x128xf32, #tpu.memory_space<hbm>> -> memref<320x128xf32, #tpu.memory_space<hbm>>
      tpu.wait_dma2 semaphore(%run_scoped3A : memref<!tpu.dma_semaphore, #tpu.memory_space<semaphore_mem>>) src(%arg8 : memref<320x128xf32, #tpu.memory_space<vmem>>) dst(%dma_wait3A_39 : memref<320x128xf32, #tpu.memory_space<hbm>>)
      tpu.yield
    }) : () -> ()
    return
  }
}

module attributes {stable_mosaic.version = 14 : i64} {
  func.func @_edge_body(%arg0: i32, %arg1: memref<2560x128xf32, #tpu.memory_space<vmem>>, %arg2: memref<2560x128xi32, #tpu.memory_space<vmem>>, %arg3: memref<2560x128xf32, #tpu.memory_space<vmem>>, %arg4: memref<2560x1xf32, #tpu.memory_space<vmem>>, %arg5: memref<128x128xf32, #tpu.memory_space<vmem>>, %arg6: memref<1x128xf32, #tpu.memory_space<vmem>>, %arg7: memref<2560x128xf32, #tpu.memory_space<vmem>>, %arg8: memref<2560x128xf32, #tpu.memory_space<vmem>>, %arg9: memref<2560x128xbf16, #tpu.memory_space<vmem>>, %arg10: memref<8x128xf32, #tpu.memory_space<vmem>>) attributes {dimension_semantics = [#tpu.dimension_semantics<arbitrary>], iteration_bounds = array<i64: 36>, scalar_prefetch = 0 : i64, scratch_operands = 0 : i64, tpu.core_type = #tpu.core_type<tc>, window_params = [{transform_indices = @transform_0, window_bounds = array<i64: 2560, 128>}, {transform_indices = @transform_1, window_bounds = array<i64: 2560, 128>}, {transform_indices = @transform_2, window_bounds = array<i64: 2560, 128>}, {transform_indices = @transform_3, window_bounds = array<i64: 2560, 1>}, {pipeline_mode = #tpu.pipeline_mode<synchronous>, transform_indices = @transform_4, window_bounds = array<i64: 128, 128>}, {pipeline_mode = #tpu.pipeline_mode<synchronous>, transform_indices = @transform_5, window_bounds = array<i64: 1, 128>}, {transform_indices = @transform_6, window_bounds = array<i64: 2560, 128>}, {transform_indices = @transform_7, window_bounds = array<i64: 2560, 128>}, {transform_indices = @transform_8, window_bounds = array<i64: 2560, 128>}, {pipeline_mode = #tpu.pipeline_mode<synchronous>, transform_indices = @transform_9, window_bounds = array<i64: 8, 128>}]} {
    %get3A = arith.constant 0 : index
    %get3A_0 = arith.constant 0 : index
    %get3A_1 = vector.load %arg1[%get3A, %get3A_0] : memref<2560x128xf32, #tpu.memory_space<vmem>>, vector<2560x128xf32>
    %get3A_2 = arith.constant 0 : index
    %get3A_3 = arith.constant 0 : index
    %get3A_4 = vector.load %arg5[%get3A_2, %get3A_3] : memref<128x128xf32, #tpu.memory_space<vmem>>, vector<128x128xf32>
    %dot_general3A = arith.constant dense<0.000000e+00> : vector<2560x128xf32>
    %dot_general3A_5 = tpu.matmul %get3A_1, %get3A_4, %dot_general3A {dimension_numbers = #tpu.dot_dimension_numbers<[1], [0], [0], [1], [0, 0, 1, 1], [], []>, transpose_lhs_hint = false} : vector<2560x128xf32>, vector<128x128xf32>, vector<2560x128xf32> -> vector<2560x128xf32>
    %get3A_6 = arith.constant 0 : index
    %get3A_7 = arith.constant 0 : index
    %get3A_8 = vector.load %arg6[%get3A_6, %get3A_7] : memref<1x128xf32, #tpu.memory_space<vmem>>, vector<1x128xf32>
    %add3A = vector.broadcast %get3A_8 : vector<1x128xf32> to vector<2560x128xf32>
    %add3A_9 = arith.addf %dot_general3A_5, %add3A : vector<2560x128xf32>
    %get3A_10 = arith.constant 0 : index
    %get3A_11 = arith.constant 0 : index
    %get3A_12 = vector.load %arg2[%get3A_10, %get3A_11] : memref<2560x128xi32, #tpu.memory_space<vmem>>, vector<2560x128xi32>
    %and3A = arith.constant -65536 : i32
    %and3A_13 = vector.broadcast %and3A : i32 to vector<2560x128xi32>
    %and3A_14 = arith.andi %get3A_12, %and3A_13 : vector<2560x128xi32>
    %bitcast_convert_type3A = tpu.bitcast %and3A_14 : vector<2560x128xi32> -> vector<2560x128xf32>
    %add3A_15 = arith.addf %add3A_9, %bitcast_convert_type3A : vector<2560x128xf32>
    %get3A_16 = arith.constant 0 : index
    %get3A_17 = arith.constant 0 : index
    %get3A_18 = vector.load %arg3[%get3A_16, %get3A_17] : memref<2560x128xf32, #tpu.memory_space<vmem>>, vector<2560x128xf32>
    %add3A_19 = arith.addf %add3A_15, %get3A_18 : vector<2560x128xf32>
    %logistic3A = arith.negf %add3A_19 : vector<2560x128xf32>
    %logistic3A_20 = math.exp %logistic3A : vector<2560x128xf32>
    %logistic3A_21 = arith.constant 1.000000e+00 : f32
    %logistic3A_22 = vector.broadcast %logistic3A_21 : f32 to vector<2560x128xf32>
    %logistic3A_23 = arith.addf %logistic3A_22, %logistic3A_20 : vector<2560x128xf32>
    %logistic3A_24 = arith.divf %logistic3A_22, %logistic3A_23 : vector<2560x128xf32>
    %shift_left3A = arith.constant 16 : i32
    %shift_left3A_25 = vector.broadcast %shift_left3A : i32 to vector<2560x128xi32>
    %shift_left3A_26 = arith.shli %get3A_12, %shift_left3A_25 : vector<2560x128xi32>
    %bitcast_convert_type3A_27 = tpu.bitcast %shift_left3A_26 : vector<2560x128xi32> -> vector<2560x128xf32>
    %mul3A = arith.mulf %logistic3A_24, %bitcast_convert_type3A_27 : vector<2560x128xf32>
    %swap3A = arith.constant 0 : index
    %swap3A_28 = arith.constant 0 : index
    %swap3A_29 = vector.load %arg7[%swap3A, %swap3A_28] : memref<2560x128xf32, #tpu.memory_space<vmem>>, vector<2560x128xf32>
    tpu.vector_store %arg7[%swap3A, %swap3A_28], %mul3A {strides = array<i32>} : memref<2560x128xf32, #tpu.memory_space<vmem>>, vector<2560x128xf32>,
    %swap3A_30 = arith.constant 0 : index
    %swap3A_31 = arith.constant 0 : index
    %swap3A_32 = vector.load %arg8[%swap3A_30, %swap3A_31] : memref<2560x128xf32, #tpu.memory_space<vmem>>, vector<2560x128xf32>
    tpu.vector_store %arg8[%swap3A_30, %swap3A_31], %logistic3A_24 {strides = array<i32>} : memref<2560x128xf32, #tpu.memory_space<vmem>>, vector<2560x128xf32>,
    %get3A_33 = arith.constant 0 : index
    %get3A_34 = arith.constant 0 : index
    %get3A_35 = vector.load %arg4[%get3A_33, %get3A_34] : memref<2560x1xf32, #tpu.memory_space<vmem>>, vector<2560x1xf32>
    %mul3A_36 = vector.broadcast %get3A_35 : vector<2560x1xf32> to vector<2560x128xf32>
    %mul3A_37 = arith.mulf %add3A_19, %mul3A_36 : vector<2560x128xf32>
    %convert_element_type3A = arith.truncf %mul3A_37 : vector<2560x128xf32> to vector<2560x128xbf16>
    %swap3A_38 = arith.constant 0 : index
    %swap3A_39 = arith.constant 0 : index
    %swap3A_40 = vector.load %arg9[%swap3A_38, %swap3A_39] : memref<2560x128xbf16, #tpu.memory_space<vmem>>, vector<2560x128xbf16>
    tpu.vector_store %arg9[%swap3A_38, %swap3A_39], %convert_element_type3A {strides = array<i32>} : memref<2560x128xbf16, #tpu.memory_space<vmem>>, vector<2560x128xbf16>,
    %eq3A = arith.constant 0 : i32
    %eq3A_41 = arith.cmpi eq, %arg0, %eq3A : i32
    %convert_element_type3A_42 = arith.extui %eq3A_41 : i1 to i32
    %cond3A = arith.constant 0 : i32
    %cond3A_43 = arith.cmpi ne, %convert_element_type3A_42, %cond3A : i32
    scf.if %cond3A_43 {
      %broadcast_in_dim3A_63 = arith.constant 0.000000e+00 : f32
      %broadcast_in_dim3A_64 = vector.broadcast %broadcast_in_dim3A_63 : f32 to vector<8x128xf32>
      %swap3A_65 = arith.constant 0 : index
      %swap3A_66 = arith.constant 0 : index
      %swap3A_67 = vector.load %arg10[%swap3A_65, %swap3A_66] : memref<8x128xf32, #tpu.memory_space<vmem>>, vector<8x128xf32>
      tpu.vector_store %arg10[%swap3A_65, %swap3A_66], %broadcast_in_dim3A_64 {strides = array<i32>} : memref<8x128xf32, #tpu.memory_space<vmem>>, vector<8x128xf32>,
    } else {
    }
    %get3A_44 = arith.constant 0 : index
    %get3A_45 = arith.constant 0 : index
    %get3A_46 = vector.load %arg10[%get3A_44, %get3A_45] : memref<8x128xf32, #tpu.memory_space<vmem>>, vector<1x128xf32>
    %reduce_sum3A = arith.constant dense<0.000000e+00> : vector<128xf32>
    %reduce_sum3A_47 = vector.multi_reduction <add>, %mul3A_37, %reduce_sum3A [0] : vector<2560x128xf32> to vector<128xf32>
    %broadcast_in_dim3A = vector.shape_cast %reduce_sum3A_47 : vector<128xf32> to vector<1x128xf32>
    %add3A_48 = arith.addf %get3A_46, %broadcast_in_dim3A : vector<1x128xf32>
    %swap3A_49 = arith.constant 0 : index
    %swap3A_50 = arith.constant 0 : index
    %swap3A_51 = vector.load %arg10[%swap3A_49, %swap3A_50] : memref<8x128xf32, #tpu.memory_space<vmem>>, vector<1x128xf32>
    tpu.vector_store %arg10[%swap3A_49, %swap3A_50], %add3A_48 {strides = array<i32>} : memref<8x128xf32, #tpu.memory_space<vmem>>, vector<1x128xf32>,
    %get3A_52 = arith.constant 1 : index
    %get3A_53 = arith.constant 0 : index
    %get3A_54 = vector.load %arg10[%get3A_52, %get3A_53] : memref<8x128xf32, #tpu.memory_space<vmem>>, vector<1x128xf32>
    %mul3A_55 = arith.mulf %mul3A_37, %mul3A_37 : vector<2560x128xf32>
    %reduce_sum3A_56 = arith.constant dense<0.000000e+00> : vector<128xf32>
    %reduce_sum3A_57 = vector.multi_reduction <add>, %mul3A_55, %reduce_sum3A_56 [0] : vector<2560x128xf32> to vector<128xf32>
    %broadcast_in_dim3A_58 = vector.shape_cast %reduce_sum3A_57 : vector<128xf32> to vector<1x128xf32>
    %add3A_59 = arith.addf %get3A_54, %broadcast_in_dim3A_58 : vector<1x128xf32>
    %swap3A_60 = arith.constant 1 : index
    %swap3A_61 = arith.constant 0 : index
    %swap3A_62 = vector.load %arg10[%swap3A_60, %swap3A_61] : memref<8x128xf32, #tpu.memory_space<vmem>>, vector<1x128xf32>
    tpu.vector_store %arg10[%swap3A_60, %swap3A_61], %add3A_59 {strides = array<i32>} : memref<8x128xf32, #tpu.memory_space<vmem>>, vector<1x128xf32>,
    return
  }
  func.func @transform_0(%arg0: i32) -> (i32, i32) {
    %add3A = arith.constant 0 : i32
    %add3A_0 = arith.addi %arg0, %add3A : i32
    %c0_i32 = arith.constant 0 : i32
    %c0_i32_1 = arith.constant 0 : i32
    return %add3A_0, %c0_i32 : i32, i32
  }
  func.func @transform_1(%arg0: i32) -> (i32, i32) {
    %c0_i32 = arith.constant 0 : i32
    %c0_i32_0 = arith.constant 0 : i32
    return %arg0, %c0_i32 : i32, i32
  }
  func.func @transform_2(%arg0: i32) -> (i32, i32) {
    %c0_i32 = arith.constant 0 : i32
    %c0_i32_0 = arith.constant 0 : i32
    return %arg0, %c0_i32 : i32, i32
  }
  func.func @transform_3(%arg0: i32) -> (i32, i32) {
    %add3A = arith.constant 0 : i32
    %add3A_0 = arith.addi %arg0, %add3A : i32
    %c0_i32 = arith.constant 0 : i32
    %c0_i32_1 = arith.constant 0 : i32
    return %add3A_0, %c0_i32 : i32, i32
  }
  func.func @transform_4(%arg0: i32) -> (i32, i32) {
    %c0_i32 = arith.constant 0 : i32
    %c0_i32_0 = arith.constant 0 : i32
    %c0_i32_1 = arith.constant 0 : i32
    return %c0_i32, %c0_i32_0 : i32, i32
  }
  func.func @transform_5(%arg0: i32) -> (i32, i32) {
    %c0_i32 = arith.constant 0 : i32
    %c0_i32_0 = arith.constant 0 : i32
    %c0_i32_1 = arith.constant 0 : i32
    return %c0_i32, %c0_i32_0 : i32, i32
  }
  func.func @transform_6(%arg0: i32) -> (i32, i32) {
    %add3A = arith.constant 0 : i32
    %add3A_0 = arith.addi %arg0, %add3A : i32
    %c0_i32 = arith.constant 0 : i32
    %c0_i32_1 = arith.constant 0 : i32
    return %add3A_0, %c0_i32 : i32, i32
  }
  func.func @transform_7(%arg0: i32) -> (i32, i32) {
    %add3A = arith.constant 0 : i32
    %add3A_0 = arith.addi %arg0, %add3A : i32
    %c0_i32 = arith.constant 0 : i32
    %c0_i32_1 = arith.constant 0 : i32
    return %add3A_0, %c0_i32 : i32, i32
  }
  func.func @transform_8(%arg0: i32) -> (i32, i32) {
    %add3A = arith.constant 0 : i32
    %add3A_0 = arith.addi %arg0, %add3A : i32
    %c0_i32 = arith.constant 0 : i32
    %c0_i32_1 = arith.constant 0 : i32
    return %add3A_0, %c0_i32 : i32, i32
  }
  func.func @transform_9(%arg0: i32) -> (i32, i32) {
    %c0_i32 = arith.constant 0 : i32
    %c0_i32_0 = arith.constant 0 : i32
    %c0_i32_1 = arith.constant 0 : i32
    return %c0_i32, %c0_i32_0 : i32, i32
  }
}

module attributes {stable_mosaic.version = 14 : i64} {
  func.func @_linears_body(%arg0: memref<10000x128xf32, #tpu.memory_space<vmem>>, %arg1: memref<128x128xf32, #tpu.memory_space<vmem>>, %arg2: memref<1x128xf32, #tpu.memory_space<vmem>>, %arg3: memref<128x128xf32, #tpu.memory_space<vmem>>, %arg4: memref<1x128xf32, #tpu.memory_space<vmem>>, %arg5: memref<128x128xf32, #tpu.memory_space<vmem>>, %arg6: memref<1x128xf32, #tpu.memory_space<vmem>>, %arg7: memref<128x128xf32, #tpu.memory_space<vmem>>, %arg8: memref<1x128xf32, #tpu.memory_space<vmem>>, %arg9: memref<10000x128xf32, #tpu.memory_space<vmem>>, %arg10: memref<10000x128xi32, #tpu.memory_space<vmem>>, %arg11: memref<10000x128xf32, #tpu.memory_space<vmem>>) attributes {dimension_semantics = [], scalar_prefetch = 0 : i64, scratch_operands = 0 : i64, tpu.core_type = #tpu.core_type<tc>} {
    %get3A = arith.constant 0 : index
    %get3A_0 = arith.constant 0 : index
    %get3A_1 = vector.load %arg0[%get3A, %get3A_0] : memref<10000x128xf32, #tpu.memory_space<vmem>>, vector<10000x128xf32>
    %get3A_2 = arith.constant 0 : index
    %get3A_3 = arith.constant 0 : index
    %get3A_4 = vector.load %arg1[%get3A_2, %get3A_3] : memref<128x128xf32, #tpu.memory_space<vmem>>, vector<128x128xf32>
    %dot_general3A = arith.constant dense<0.000000e+00> : vector<10000x128xf32>
    %dot_general3A_5 = tpu.matmul %get3A_1, %get3A_4, %dot_general3A {dimension_numbers = #tpu.dot_dimension_numbers<[1], [0], [0], [1], [0, 0, 1, 1], [], []>, transpose_lhs_hint = false} : vector<10000x128xf32>, vector<128x128xf32>, vector<10000x128xf32> -> vector<10000x128xf32>
    %get3A_6 = arith.constant 0 : index
    %get3A_7 = arith.constant 0 : index
    %get3A_8 = vector.load %arg2[%get3A_6, %get3A_7] : memref<1x128xf32, #tpu.memory_space<vmem>>, vector<1x128xf32>
    %add3A = vector.broadcast %get3A_8 : vector<1x128xf32> to vector<10000x128xf32>
    %add3A_9 = arith.addf %dot_general3A_5, %add3A : vector<10000x128xf32>
    %swap3A = arith.constant 0 : index
    %swap3A_10 = arith.constant 0 : index
    %swap3A_11 = vector.load %arg9[%swap3A, %swap3A_10] : memref<10000x128xf32, #tpu.memory_space<vmem>>, vector<10000x128xf32>
    tpu.vector_store %arg9[%swap3A, %swap3A_10], %add3A_9 {strides = array<i32>} : memref<10000x128xf32, #tpu.memory_space<vmem>>, vector<10000x128xf32>,
    %get3A_12 = arith.constant 0 : index
    %get3A_13 = arith.constant 0 : index
    %get3A_14 = vector.load %arg5[%get3A_12, %get3A_13] : memref<128x128xf32, #tpu.memory_space<vmem>>, vector<128x128xf32>
    %dot_general3A_15 = arith.constant dense<0.000000e+00> : vector<10000x128xf32>
    %dot_general3A_16 = tpu.matmul %get3A_1, %get3A_14, %dot_general3A_15 {dimension_numbers = #tpu.dot_dimension_numbers<[1], [0], [0], [1], [0, 0, 1, 1], [], []>, transpose_lhs_hint = false} : vector<10000x128xf32>, vector<128x128xf32>, vector<10000x128xf32> -> vector<10000x128xf32>
    %get3A_17 = arith.constant 0 : index
    %get3A_18 = arith.constant 0 : index
    %get3A_19 = vector.load %arg6[%get3A_17, %get3A_18] : memref<1x128xf32, #tpu.memory_space<vmem>>, vector<1x128xf32>
    %add3A_20 = vector.broadcast %get3A_19 : vector<1x128xf32> to vector<10000x128xf32>
    %add3A_21 = arith.addf %dot_general3A_16, %add3A_20 : vector<10000x128xf32>
    %get3A_22 = arith.constant 0 : index
    %get3A_23 = arith.constant 0 : index
    %get3A_24 = vector.load %arg3[%get3A_22, %get3A_23] : memref<128x128xf32, #tpu.memory_space<vmem>>, vector<128x128xf32>
    %dot_general3A_25 = arith.constant dense<0.000000e+00> : vector<10000x128xf32>
    %dot_general3A_26 = tpu.matmul %get3A_1, %get3A_24, %dot_general3A_25 {dimension_numbers = #tpu.dot_dimension_numbers<[1], [0], [0], [1], [0, 0, 1, 1], [], []>, transpose_lhs_hint = false} : vector<10000x128xf32>, vector<128x128xf32>, vector<10000x128xf32> -> vector<10000x128xf32>
    %get3A_27 = arith.constant 0 : index
    %get3A_28 = arith.constant 0 : index
    %get3A_29 = vector.load %arg4[%get3A_27, %get3A_28] : memref<1x128xf32, #tpu.memory_space<vmem>>, vector<1x128xf32>
    %add3A_30 = vector.broadcast %get3A_29 : vector<1x128xf32> to vector<10000x128xf32>
    %add3A_31 = arith.addf %dot_general3A_26, %add3A_30 : vector<10000x128xf32>
    %convert_element_type3A = arith.truncf %add3A_21 : vector<10000x128xf32> to vector<10000x128xbf16>
    %bitcast_convert_type3A = tpu.bitcast %convert_element_type3A : vector<10000x128xbf16> -> vector<10000x128xi16>
    %convert_element_type3A_32 = arith.extui %bitcast_convert_type3A : vector<10000x128xi16> to vector<10000x128xi32>
    %convert_element_type3A_33 = arith.truncf %add3A_31 : vector<10000x128xf32> to vector<10000x128xbf16>
    %bitcast_convert_type3A_34 = tpu.bitcast %convert_element_type3A_33 : vector<10000x128xbf16> -> vector<10000x128xi16>
    %convert_element_type3A_35 = arith.extui %bitcast_convert_type3A_34 : vector<10000x128xi16> to vector<10000x128xi32>
    %shift_left3A = arith.constant 16 : i32
    %shift_left3A_36 = vector.broadcast %shift_left3A : i32 to vector<10000x128xi32>
    %shift_left3A_37 = arith.shli %convert_element_type3A_32, %shift_left3A_36 : vector<10000x128xi32>
    %or3A = arith.ori %shift_left3A_37, %convert_element_type3A_35 : vector<10000x128xi32>
    %bitcast_convert_type3A_38 = tpu.bitcast %or3A : vector<10000x128xi32> -> vector<10000x128xi32>
    %swap3A_39 = arith.constant 0 : index
    %swap3A_40 = arith.constant 0 : index
    %swap3A_41 = vector.load %arg10[%swap3A_39, %swap3A_40] : memref<10000x128xi32, #tpu.memory_space<vmem>>, vector<10000x128xi32>
    tpu.vector_store %arg10[%swap3A_39, %swap3A_40], %bitcast_convert_type3A_38 {strides = array<i32>} : memref<10000x128xi32, #tpu.memory_space<vmem>>, vector<10000x128xi32>,
    %get3A_42 = arith.constant 0 : index
    %get3A_43 = arith.constant 0 : index
    %get3A_44 = vector.load %arg7[%get3A_42, %get3A_43] : memref<128x128xf32, #tpu.memory_space<vmem>>, vector<128x128xf32>
    %dot_general3A_45 = arith.constant dense<0.000000e+00> : vector<10000x128xf32>
    %dot_general3A_46 = tpu.matmul %get3A_1, %get3A_44, %dot_general3A_45 {dimension_numbers = #tpu.dot_dimension_numbers<[1], [0], [0], [1], [0, 0, 1, 1], [], []>, transpose_lhs_hint = false} : vector<10000x128xf32>, vector<128x128xf32>, vector<10000x128xf32> -> vector<10000x128xf32>
    %get3A_47 = arith.constant 0 : index
    %get3A_48 = arith.constant 0 : index
    %get3A_49 = vector.load %arg8[%get3A_47, %get3A_48] : memref<1x128xf32, #tpu.memory_space<vmem>>, vector<1x128xf32>
    %add3A_50 = vector.broadcast %get3A_49 : vector<1x128xf32> to vector<10000x128xf32>
    %add3A_51 = arith.addf %dot_general3A_46, %add3A_50 : vector<10000x128xf32>
    %swap3A_52 = arith.constant 0 : index
    %swap3A_53 = arith.constant 0 : index
    %swap3A_54 = vector.load %arg11[%swap3A_52, %swap3A_53] : memref<10000x128xf32, #tpu.memory_space<vmem>>, vector<10000x128xf32>
    tpu.vector_store %arg11[%swap3A_52, %swap3A_53], %add3A_51 {strides = array<i32>} : memref<10000x128xf32, #tpu.memory_space<vmem>>, vector<10000x128xf32>,
    return
  }
}

module attributes {stable_mosaic.version = 14 : i64} {
  func.func @_edge_body(%arg0: i32, %arg1: memref<2560x128xf32, #tpu.memory_space<vmem>>, %arg2: memref<2560x128xi32, #tpu.memory_space<vmem>>, %arg3: memref<2560x128xf32, #tpu.memory_space<vmem>>, %arg4: memref<2560x1xf32, #tpu.memory_space<vmem>>, %arg5: memref<128x128xf32, #tpu.memory_space<vmem>>, %arg6: memref<1x128xf32, #tpu.memory_space<vmem>>, %arg7: memref<320000x128xf32, #tpu.memory_space<any>>, %arg8: memref<320000x128xf32, #tpu.memory_space<any>>, %arg9: memref<320000x128xbf16, #tpu.memory_space<any>>, %arg10: memref<2560x128xf32, #tpu.memory_space<vmem>>, %arg11: memref<2560x128xf32, #tpu.memory_space<vmem>>, %arg12: memref<2560x128xbf16, #tpu.memory_space<vmem>>, %arg13: memref<8x128xf32, #tpu.memory_space<vmem>>) attributes {dimension_semantics = [#tpu.dimension_semantics<arbitrary>], iteration_bounds = array<i64: 36>, scalar_prefetch = 0 : i64, scratch_operands = 0 : i64, tpu.core_type = #tpu.core_type<tc>, window_params = [{transform_indices = @transform_0, window_bounds = array<i64: 2560, 128>}, {transform_indices = @transform_1, window_bounds = array<i64: 2560, 128>}, {transform_indices = @transform_2, window_bounds = array<i64: 2560, 128>}, {transform_indices = @transform_3, window_bounds = array<i64: 2560, 1>}, {pipeline_mode = #tpu.pipeline_mode<synchronous>, transform_indices = @transform_4, window_bounds = array<i64: 128, 128>}, {pipeline_mode = #tpu.pipeline_mode<synchronous>, transform_indices = @transform_5, window_bounds = array<i64: 1, 128>}, {}, {}, {}, {transform_indices = @transform_9, window_bounds = array<i64: 2560, 128>}, {transform_indices = @transform_10, window_bounds = array<i64: 2560, 128>}, {transform_indices = @transform_11, window_bounds = array<i64: 2560, 128>}, {pipeline_mode = #tpu.pipeline_mode<synchronous>, transform_indices = @transform_12, window_bounds = array<i64: 8, 128>}]} {
    %get3A = arith.constant 0 : index
    %get3A_0 = arith.constant 0 : index
    %get3A_1 = vector.load %arg1[%get3A, %get3A_0] : memref<2560x128xf32, #tpu.memory_space<vmem>>, vector<2560x128xf32>
    %get3A_2 = arith.constant 0 : index
    %get3A_3 = arith.constant 0 : index
    %get3A_4 = vector.load %arg5[%get3A_2, %get3A_3] : memref<128x128xf32, #tpu.memory_space<vmem>>, vector<128x128xf32>
    %dot_general3A = arith.constant dense<0.000000e+00> : vector<2560x128xf32>
    %dot_general3A_5 = tpu.matmul %get3A_1, %get3A_4, %dot_general3A {dimension_numbers = #tpu.dot_dimension_numbers<[1], [0], [0], [1], [0, 0, 1, 1], [], []>, transpose_lhs_hint = false} : vector<2560x128xf32>, vector<128x128xf32>, vector<2560x128xf32> -> vector<2560x128xf32>
    %get3A_6 = arith.constant 0 : index
    %get3A_7 = arith.constant 0 : index
    %get3A_8 = vector.load %arg6[%get3A_6, %get3A_7] : memref<1x128xf32, #tpu.memory_space<vmem>>, vector<1x128xf32>
    %add3A = vector.broadcast %get3A_8 : vector<1x128xf32> to vector<2560x128xf32>
    %add3A_9 = arith.addf %dot_general3A_5, %add3A : vector<2560x128xf32>
    %get3A_10 = arith.constant 0 : index
    %get3A_11 = arith.constant 0 : index
    %get3A_12 = vector.load %arg2[%get3A_10, %get3A_11] : memref<2560x128xi32, #tpu.memory_space<vmem>>, vector<2560x128xi32>
    %and3A = arith.constant -65536 : i32
    %and3A_13 = vector.broadcast %and3A : i32 to vector<2560x128xi32>
    %and3A_14 = arith.andi %get3A_12, %and3A_13 : vector<2560x128xi32>
    %bitcast_convert_type3A = tpu.bitcast %and3A_14 : vector<2560x128xi32> -> vector<2560x128xf32>
    %add3A_15 = arith.addf %add3A_9, %bitcast_convert_type3A : vector<2560x128xf32>
    %get3A_16 = arith.constant 0 : index
    %get3A_17 = arith.constant 0 : index
    %get3A_18 = vector.load %arg3[%get3A_16, %get3A_17] : memref<2560x128xf32, #tpu.memory_space<vmem>>, vector<2560x128xf32>
    %add3A_19 = arith.addf %add3A_15, %get3A_18 : vector<2560x128xf32>
    %logistic3A = arith.negf %add3A_19 : vector<2560x128xf32>
    %logistic3A_20 = math.exp %logistic3A : vector<2560x128xf32>
    %logistic3A_21 = arith.constant 1.000000e+00 : f32
    %logistic3A_22 = vector.broadcast %logistic3A_21 : f32 to vector<2560x128xf32>
    %logistic3A_23 = arith.addf %logistic3A_22, %logistic3A_20 : vector<2560x128xf32>
    %logistic3A_24 = arith.divf %logistic3A_22, %logistic3A_23 : vector<2560x128xf32>
    %shift_left3A = arith.constant 16 : i32
    %shift_left3A_25 = vector.broadcast %shift_left3A : i32 to vector<2560x128xi32>
    %shift_left3A_26 = arith.shli %get3A_12, %shift_left3A_25 : vector<2560x128xi32>
    %bitcast_convert_type3A_27 = tpu.bitcast %shift_left3A_26 : vector<2560x128xi32> -> vector<2560x128xf32>
    %mul3A = arith.mulf %logistic3A_24, %bitcast_convert_type3A_27 : vector<2560x128xf32>
    %swap3A = arith.constant 0 : index
    %swap3A_28 = arith.constant 0 : index
    %swap3A_29 = vector.load %arg10[%swap3A, %swap3A_28] : memref<2560x128xf32, #tpu.memory_space<vmem>>, vector<2560x128xf32>
    tpu.vector_store %arg10[%swap3A, %swap3A_28], %mul3A {strides = array<i32>} : memref<2560x128xf32, #tpu.memory_space<vmem>>, vector<2560x128xf32>,
    %swap3A_30 = arith.constant 0 : index
    %swap3A_31 = arith.constant 0 : index
    %swap3A_32 = vector.load %arg11[%swap3A_30, %swap3A_31] : memref<2560x128xf32, #tpu.memory_space<vmem>>, vector<2560x128xf32>
    tpu.vector_store %arg11[%swap3A_30, %swap3A_31], %logistic3A_24 {strides = array<i32>} : memref<2560x128xf32, #tpu.memory_space<vmem>>, vector<2560x128xf32>,
    %get3A_33 = arith.constant 0 : index
    %get3A_34 = arith.constant 0 : index
    %get3A_35 = vector.load %arg4[%get3A_33, %get3A_34] : memref<2560x1xf32, #tpu.memory_space<vmem>>, vector<2560x1xf32>
    %mul3A_36 = vector.broadcast %get3A_35 : vector<2560x1xf32> to vector<2560x128xf32>
    %mul3A_37 = arith.mulf %add3A_19, %mul3A_36 : vector<2560x128xf32>
    %convert_element_type3A = arith.truncf %mul3A_37 : vector<2560x128xf32> to vector<2560x128xbf16>
    %swap3A_38 = arith.constant 0 : index
    %swap3A_39 = arith.constant 0 : index
    %swap3A_40 = vector.load %arg12[%swap3A_38, %swap3A_39] : memref<2560x128xbf16, #tpu.memory_space<vmem>>, vector<2560x128xbf16>
    tpu.vector_store %arg12[%swap3A_38, %swap3A_39], %convert_element_type3A {strides = array<i32>} : memref<2560x128xbf16, #tpu.memory_space<vmem>>, vector<2560x128xbf16>,
    %eq3A = arith.constant 0 : i32
    %eq3A_41 = arith.cmpi eq, %arg0, %eq3A : i32
    %convert_element_type3A_42 = arith.extui %eq3A_41 : i1 to i32
    %cond3A = arith.constant 0 : i32
    %cond3A_43 = arith.cmpi ne, %convert_element_type3A_42, %cond3A : i32
    scf.if %cond3A_43 {
      %broadcast_in_dim3A_63 = arith.constant 0.000000e+00 : f32
      %broadcast_in_dim3A_64 = vector.broadcast %broadcast_in_dim3A_63 : f32 to vector<8x128xf32>
      %swap3A_65 = arith.constant 0 : index
      %swap3A_66 = arith.constant 0 : index
      %swap3A_67 = vector.load %arg13[%swap3A_65, %swap3A_66] : memref<8x128xf32, #tpu.memory_space<vmem>>, vector<8x128xf32>
      tpu.vector_store %arg13[%swap3A_65, %swap3A_66], %broadcast_in_dim3A_64 {strides = array<i32>} : memref<8x128xf32, #tpu.memory_space<vmem>>, vector<8x128xf32>,
    } else {
    }
    %get3A_44 = arith.constant 0 : index
    %get3A_45 = arith.constant 0 : index
    %get3A_46 = vector.load %arg13[%get3A_44, %get3A_45] : memref<8x128xf32, #tpu.memory_space<vmem>>, vector<1x128xf32>
    %reduce_sum3A = arith.constant dense<0.000000e+00> : vector<128xf32>
    %reduce_sum3A_47 = vector.multi_reduction <add>, %mul3A_37, %reduce_sum3A [0] : vector<2560x128xf32> to vector<128xf32>
    %broadcast_in_dim3A = vector.shape_cast %reduce_sum3A_47 : vector<128xf32> to vector<1x128xf32>
    %add3A_48 = arith.addf %get3A_46, %broadcast_in_dim3A : vector<1x128xf32>
    %swap3A_49 = arith.constant 0 : index
    %swap3A_50 = arith.constant 0 : index
    %swap3A_51 = vector.load %arg13[%swap3A_49, %swap3A_50] : memref<8x128xf32, #tpu.memory_space<vmem>>, vector<1x128xf32>
    tpu.vector_store %arg13[%swap3A_49, %swap3A_50], %add3A_48 {strides = array<i32>} : memref<8x128xf32, #tpu.memory_space<vmem>>, vector<1x128xf32>,
    %get3A_52 = arith.constant 1 : index
    %get3A_53 = arith.constant 0 : index
    %get3A_54 = vector.load %arg13[%get3A_52, %get3A_53] : memref<8x128xf32, #tpu.memory_space<vmem>>, vector<1x128xf32>
    %mul3A_55 = arith.mulf %mul3A_37, %mul3A_37 : vector<2560x128xf32>
    %reduce_sum3A_56 = arith.constant dense<0.000000e+00> : vector<128xf32>
    %reduce_sum3A_57 = vector.multi_reduction <add>, %mul3A_55, %reduce_sum3A_56 [0] : vector<2560x128xf32> to vector<128xf32>
    %broadcast_in_dim3A_58 = vector.shape_cast %reduce_sum3A_57 : vector<128xf32> to vector<1x128xf32>
    %add3A_59 = arith.addf %get3A_54, %broadcast_in_dim3A_58 : vector<1x128xf32>
    %swap3A_60 = arith.constant 1 : index
    %swap3A_61 = arith.constant 0 : index
    %swap3A_62 = vector.load %arg13[%swap3A_60, %swap3A_61] : memref<8x128xf32, #tpu.memory_space<vmem>>, vector<1x128xf32>
    tpu.vector_store %arg13[%swap3A_60, %swap3A_61], %add3A_59 {strides = array<i32>} : memref<8x128xf32, #tpu.memory_space<vmem>>, vector<1x128xf32>,
    return
  }
  func.func @transform_0(%arg0: i32) -> (i32, i32) {
    %add3A = arith.constant 36 : i32
    %add3A_0 = arith.addi %arg0, %add3A : i32
    %c0_i32 = arith.constant 0 : i32
    %c0_i32_1 = arith.constant 0 : i32
    return %add3A_0, %c0_i32 : i32, i32
  }
  func.func @transform_1(%arg0: i32) -> (i32, i32) {
    %c0_i32 = arith.constant 0 : i32
    %c0_i32_0 = arith.constant 0 : i32
    return %arg0, %c0_i32 : i32, i32
  }
  func.func @transform_2(%arg0: i32) -> (i32, i32) {
    %c0_i32 = arith.constant 0 : i32
    %c0_i32_0 = arith.constant 0 : i32
    return %arg0, %c0_i32 : i32, i32
  }
  func.func @transform_3(%arg0: i32) -> (i32, i32) {
    %add3A = arith.constant 36 : i32
    %add3A_0 = arith.addi %arg0, %add3A : i32
    %c0_i32 = arith.constant 0 : i32
    %c0_i32_1 = arith.constant 0 : i32
    return %add3A_0, %c0_i32 : i32, i32
  }
  func.func @transform_4(%arg0: i32) -> (i32, i32) {
    %c0_i32 = arith.constant 0 : i32
    %c0_i32_0 = arith.constant 0 : i32
    %c0_i32_1 = arith.constant 0 : i32
    return %c0_i32, %c0_i32_0 : i32, i32
  }
  func.func @transform_5(%arg0: i32) -> (i32, i32) {
    %c0_i32 = arith.constant 0 : i32
    %c0_i32_0 = arith.constant 0 : i32
    %c0_i32_1 = arith.constant 0 : i32
    return %c0_i32, %c0_i32_0 : i32, i32
  }
  func.func @transform_9(%arg0: i32) -> (i32, i32) {
    %add3A = arith.constant 36 : i32
    %add3A_0 = arith.addi %arg0, %add3A : i32
    %c0_i32 = arith.constant 0 : i32
    %c0_i32_1 = arith.constant 0 : i32
    return %add3A_0, %c0_i32 : i32, i32
  }
  func.func @transform_10(%arg0: i32) -> (i32, i32) {
    %add3A = arith.constant 36 : i32
    %add3A_0 = arith.addi %arg0, %add3A : i32
    %c0_i32 = arith.constant 0 : i32
    %c0_i32_1 = arith.constant 0 : i32
    return %add3A_0, %c0_i32 : i32, i32
  }
  func.func @transform_11(%arg0: i32) -> (i32, i32) {
    %add3A = arith.constant 36 : i32
    %add3A_0 = arith.addi %arg0, %add3A : i32
    %c0_i32 = arith.constant 0 : i32
    %c0_i32_1 = arith.constant 0 : i32
    return %add3A_0, %c0_i32 : i32, i32
  }
  func.func @transform_12(%arg0: i32) -> (i32, i32) {
    %c0_i32 = arith.constant 0 : i32
    %c0_i32_0 = arith.constant 0 : i32
    %c0_i32_1 = arith.constant 0 : i32
    return %c0_i32, %c0_i32_0 : i32, i32
  }
}

module attributes {stable_mosaic.version = 14 : i64} {
  func.func @_edge_body(%arg0: i32, %arg1: memref<2560x128xf32, #tpu.memory_space<vmem>>, %arg2: memref<2560x128xi32, #tpu.memory_space<vmem>>, %arg3: memref<2560x128xf32, #tpu.memory_space<vmem>>, %arg4: memref<2560x1xf32, #tpu.memory_space<vmem>>, %arg5: memref<128x128xf32, #tpu.memory_space<vmem>>, %arg6: memref<1x128xf32, #tpu.memory_space<vmem>>, %arg7: memref<320000x128xf32, #tpu.memory_space<any>>, %arg8: memref<320000x128xf32, #tpu.memory_space<any>>, %arg9: memref<320000x128xbf16, #tpu.memory_space<any>>, %arg10: memref<2560x128xf32, #tpu.memory_space<vmem>>, %arg11: memref<2560x128xf32, #tpu.memory_space<vmem>>, %arg12: memref<2560x128xbf16, #tpu.memory_space<vmem>>, %arg13: memref<8x128xf32, #tpu.memory_space<vmem>>) attributes {dimension_semantics = [#tpu.dimension_semantics<arbitrary>], iteration_bounds = array<i64: 38>, scalar_prefetch = 0 : i64, scratch_operands = 0 : i64, tpu.core_type = #tpu.core_type<tc>, window_params = [{transform_indices = @transform_0, window_bounds = array<i64: 2560, 128>}, {transform_indices = @transform_1, window_bounds = array<i64: 2560, 128>}, {transform_indices = @transform_2, window_bounds = array<i64: 2560, 128>}, {transform_indices = @transform_3, window_bounds = array<i64: 2560, 1>}, {pipeline_mode = #tpu.pipeline_mode<synchronous>, transform_indices = @transform_4, window_bounds = array<i64: 128, 128>}, {pipeline_mode = #tpu.pipeline_mode<synchronous>, transform_indices = @transform_5, window_bounds = array<i64: 1, 128>}, {}, {}, {}, {transform_indices = @transform_9, window_bounds = array<i64: 2560, 128>}, {transform_indices = @transform_10, window_bounds = array<i64: 2560, 128>}, {transform_indices = @transform_11, window_bounds = array<i64: 2560, 128>}, {pipeline_mode = #tpu.pipeline_mode<synchronous>, transform_indices = @transform_12, window_bounds = array<i64: 8, 128>}]} {
    %get3A = arith.constant 0 : index
    %get3A_0 = arith.constant 0 : index
    %get3A_1 = vector.load %arg1[%get3A, %get3A_0] : memref<2560x128xf32, #tpu.memory_space<vmem>>, vector<2560x128xf32>
    %get3A_2 = arith.constant 0 : index
    %get3A_3 = arith.constant 0 : index
    %get3A_4 = vector.load %arg5[%get3A_2, %get3A_3] : memref<128x128xf32, #tpu.memory_space<vmem>>, vector<128x128xf32>
    %dot_general3A = arith.constant dense<0.000000e+00> : vector<2560x128xf32>
    %dot_general3A_5 = tpu.matmul %get3A_1, %get3A_4, %dot_general3A {dimension_numbers = #tpu.dot_dimension_numbers<[1], [0], [0], [1], [0, 0, 1, 1], [], []>, transpose_lhs_hint = false} : vector<2560x128xf32>, vector<128x128xf32>, vector<2560x128xf32> -> vector<2560x128xf32>
    %get3A_6 = arith.constant 0 : index
    %get3A_7 = arith.constant 0 : index
    %get3A_8 = vector.load %arg6[%get3A_6, %get3A_7] : memref<1x128xf32, #tpu.memory_space<vmem>>, vector<1x128xf32>
    %add3A = vector.broadcast %get3A_8 : vector<1x128xf32> to vector<2560x128xf32>
    %add3A_9 = arith.addf %dot_general3A_5, %add3A : vector<2560x128xf32>
    %get3A_10 = arith.constant 0 : index
    %get3A_11 = arith.constant 0 : index
    %get3A_12 = vector.load %arg2[%get3A_10, %get3A_11] : memref<2560x128xi32, #tpu.memory_space<vmem>>, vector<2560x128xi32>
    %and3A = arith.constant -65536 : i32
    %and3A_13 = vector.broadcast %and3A : i32 to vector<2560x128xi32>
    %and3A_14 = arith.andi %get3A_12, %and3A_13 : vector<2560x128xi32>
    %bitcast_convert_type3A = tpu.bitcast %and3A_14 : vector<2560x128xi32> -> vector<2560x128xf32>
    %add3A_15 = arith.addf %add3A_9, %bitcast_convert_type3A : vector<2560x128xf32>
    %get3A_16 = arith.constant 0 : index
    %get3A_17 = arith.constant 0 : index
    %get3A_18 = vector.load %arg3[%get3A_16, %get3A_17] : memref<2560x128xf32, #tpu.memory_space<vmem>>, vector<2560x128xf32>
    %add3A_19 = arith.addf %add3A_15, %get3A_18 : vector<2560x128xf32>
    %logistic3A = arith.negf %add3A_19 : vector<2560x128xf32>
    %logistic3A_20 = math.exp %logistic3A : vector<2560x128xf32>
    %logistic3A_21 = arith.constant 1.000000e+00 : f32
    %logistic3A_22 = vector.broadcast %logistic3A_21 : f32 to vector<2560x128xf32>
    %logistic3A_23 = arith.addf %logistic3A_22, %logistic3A_20 : vector<2560x128xf32>
    %logistic3A_24 = arith.divf %logistic3A_22, %logistic3A_23 : vector<2560x128xf32>
    %shift_left3A = arith.constant 16 : i32
    %shift_left3A_25 = vector.broadcast %shift_left3A : i32 to vector<2560x128xi32>
    %shift_left3A_26 = arith.shli %get3A_12, %shift_left3A_25 : vector<2560x128xi32>
    %bitcast_convert_type3A_27 = tpu.bitcast %shift_left3A_26 : vector<2560x128xi32> -> vector<2560x128xf32>
    %mul3A = arith.mulf %logistic3A_24, %bitcast_convert_type3A_27 : vector<2560x128xf32>
    %swap3A = arith.constant 0 : index
    %swap3A_28 = arith.constant 0 : index
    %swap3A_29 = vector.load %arg10[%swap3A, %swap3A_28] : memref<2560x128xf32, #tpu.memory_space<vmem>>, vector<2560x128xf32>
    tpu.vector_store %arg10[%swap3A, %swap3A_28], %mul3A {strides = array<i32>} : memref<2560x128xf32, #tpu.memory_space<vmem>>, vector<2560x128xf32>,
    %swap3A_30 = arith.constant 0 : index
    %swap3A_31 = arith.constant 0 : index
    %swap3A_32 = vector.load %arg11[%swap3A_30, %swap3A_31] : memref<2560x128xf32, #tpu.memory_space<vmem>>, vector<2560x128xf32>
    tpu.vector_store %arg11[%swap3A_30, %swap3A_31], %logistic3A_24 {strides = array<i32>} : memref<2560x128xf32, #tpu.memory_space<vmem>>, vector<2560x128xf32>,
    %get3A_33 = arith.constant 0 : index
    %get3A_34 = arith.constant 0 : index
    %get3A_35 = vector.load %arg4[%get3A_33, %get3A_34] : memref<2560x1xf32, #tpu.memory_space<vmem>>, vector<2560x1xf32>
    %mul3A_36 = vector.broadcast %get3A_35 : vector<2560x1xf32> to vector<2560x128xf32>
    %mul3A_37 = arith.mulf %add3A_19, %mul3A_36 : vector<2560x128xf32>
    %convert_element_type3A = arith.truncf %mul3A_37 : vector<2560x128xf32> to vector<2560x128xbf16>
    %swap3A_38 = arith.constant 0 : index
    %swap3A_39 = arith.constant 0 : index
    %swap3A_40 = vector.load %arg12[%swap3A_38, %swap3A_39] : memref<2560x128xbf16, #tpu.memory_space<vmem>>, vector<2560x128xbf16>
    tpu.vector_store %arg12[%swap3A_38, %swap3A_39], %convert_element_type3A {strides = array<i32>} : memref<2560x128xbf16, #tpu.memory_space<vmem>>, vector<2560x128xbf16>,
    %eq3A = arith.constant 0 : i32
    %eq3A_41 = arith.cmpi eq, %arg0, %eq3A : i32
    %convert_element_type3A_42 = arith.extui %eq3A_41 : i1 to i32
    %cond3A = arith.constant 0 : i32
    %cond3A_43 = arith.cmpi ne, %convert_element_type3A_42, %cond3A : i32
    scf.if %cond3A_43 {
      %broadcast_in_dim3A_63 = arith.constant 0.000000e+00 : f32
      %broadcast_in_dim3A_64 = vector.broadcast %broadcast_in_dim3A_63 : f32 to vector<8x128xf32>
      %swap3A_65 = arith.constant 0 : index
      %swap3A_66 = arith.constant 0 : index
      %swap3A_67 = vector.load %arg13[%swap3A_65, %swap3A_66] : memref<8x128xf32, #tpu.memory_space<vmem>>, vector<8x128xf32>
      tpu.vector_store %arg13[%swap3A_65, %swap3A_66], %broadcast_in_dim3A_64 {strides = array<i32>} : memref<8x128xf32, #tpu.memory_space<vmem>>, vector<8x128xf32>,
    } else {
    }
    %get3A_44 = arith.constant 0 : index
    %get3A_45 = arith.constant 0 : index
    %get3A_46 = vector.load %arg13[%get3A_44, %get3A_45] : memref<8x128xf32, #tpu.memory_space<vmem>>, vector<1x128xf32>
    %reduce_sum3A = arith.constant dense<0.000000e+00> : vector<128xf32>
    %reduce_sum3A_47 = vector.multi_reduction <add>, %mul3A_37, %reduce_sum3A [0] : vector<2560x128xf32> to vector<128xf32>
    %broadcast_in_dim3A = vector.shape_cast %reduce_sum3A_47 : vector<128xf32> to vector<1x128xf32>
    %add3A_48 = arith.addf %get3A_46, %broadcast_in_dim3A : vector<1x128xf32>
    %swap3A_49 = arith.constant 0 : index
    %swap3A_50 = arith.constant 0 : index
    %swap3A_51 = vector.load %arg13[%swap3A_49, %swap3A_50] : memref<8x128xf32, #tpu.memory_space<vmem>>, vector<1x128xf32>
    tpu.vector_store %arg13[%swap3A_49, %swap3A_50], %add3A_48 {strides = array<i32>} : memref<8x128xf32, #tpu.memory_space<vmem>>, vector<1x128xf32>,
    %get3A_52 = arith.constant 1 : index
    %get3A_53 = arith.constant 0 : index
    %get3A_54 = vector.load %arg13[%get3A_52, %get3A_53] : memref<8x128xf32, #tpu.memory_space<vmem>>, vector<1x128xf32>
    %mul3A_55 = arith.mulf %mul3A_37, %mul3A_37 : vector<2560x128xf32>
    %reduce_sum3A_56 = arith.constant dense<0.000000e+00> : vector<128xf32>
    %reduce_sum3A_57 = vector.multi_reduction <add>, %mul3A_55, %reduce_sum3A_56 [0] : vector<2560x128xf32> to vector<128xf32>
    %broadcast_in_dim3A_58 = vector.shape_cast %reduce_sum3A_57 : vector<128xf32> to vector<1x128xf32>
    %add3A_59 = arith.addf %get3A_54, %broadcast_in_dim3A_58 : vector<1x128xf32>
    %swap3A_60 = arith.constant 1 : index
    %swap3A_61 = arith.constant 0 : index
    %swap3A_62 = vector.load %arg13[%swap3A_60, %swap3A_61] : memref<8x128xf32, #tpu.memory_space<vmem>>, vector<1x128xf32>
    tpu.vector_store %arg13[%swap3A_60, %swap3A_61], %add3A_59 {strides = array<i32>} : memref<8x128xf32, #tpu.memory_space<vmem>>, vector<1x128xf32>,
    return
  }
  func.func @transform_0(%arg0: i32) -> (i32, i32) {
    %add3A = arith.constant 72 : i32
    %add3A_0 = arith.addi %arg0, %add3A : i32
    %c0_i32 = arith.constant 0 : i32
    %c0_i32_1 = arith.constant 0 : i32
    return %add3A_0, %c0_i32 : i32, i32
  }
  func.func @transform_1(%arg0: i32) -> (i32, i32) {
    %c0_i32 = arith.constant 0 : i32
    %c0_i32_0 = arith.constant 0 : i32
    return %arg0, %c0_i32 : i32, i32
  }
  func.func @transform_2(%arg0: i32) -> (i32, i32) {
    %c0_i32 = arith.constant 0 : i32
    %c0_i32_0 = arith.constant 0 : i32
    return %arg0, %c0_i32 : i32, i32
  }
  func.func @transform_3(%arg0: i32) -> (i32, i32) {
    %add3A = arith.constant 72 : i32
    %add3A_0 = arith.addi %arg0, %add3A : i32
    %c0_i32 = arith.constant 0 : i32
    %c0_i32_1 = arith.constant 0 : i32
    return %add3A_0, %c0_i32 : i32, i32
  }
  func.func @transform_4(%arg0: i32) -> (i32, i32) {
    %c0_i32 = arith.constant 0 : i32
    %c0_i32_0 = arith.constant 0 : i32
    %c0_i32_1 = arith.constant 0 : i32
    return %c0_i32, %c0_i32_0 : i32, i32
  }
  func.func @transform_5(%arg0: i32) -> (i32, i32) {
    %c0_i32 = arith.constant 0 : i32
    %c0_i32_0 = arith.constant 0 : i32
    %c0_i32_1 = arith.constant 0 : i32
    return %c0_i32, %c0_i32_0 : i32, i32
  }
  func.func @transform_9(%arg0: i32) -> (i32, i32) {
    %add3A = arith.constant 72 : i32
    %add3A_0 = arith.addi %arg0, %add3A : i32
    %c0_i32 = arith.constant 0 : i32
    %c0_i32_1 = arith.constant 0 : i32
    return %add3A_0, %c0_i32 : i32, i32
  }
  func.func @transform_10(%arg0: i32) -> (i32, i32) {
    %add3A = arith.constant 72 : i32
    %add3A_0 = arith.addi %arg0, %add3A : i32
    %c0_i32 = arith.constant 0 : i32
    %c0_i32_1 = arith.constant 0 : i32
    return %add3A_0, %c0_i32 : i32, i32
  }
  func.func @transform_11(%arg0: i32) -> (i32, i32) {
    %add3A = arith.constant 72 : i32
    %add3A_0 = arith.addi %arg0, %add3A : i32
    %c0_i32 = arith.constant 0 : i32
    %c0_i32_1 = arith.constant 0 : i32
    return %add3A_0, %c0_i32 : i32, i32
  }
  func.func @transform_12(%arg0: i32) -> (i32, i32) {
    %c0_i32 = arith.constant 0 : i32
    %c0_i32_0 = arith.constant 0 : i32
    %c0_i32_1 = arith.constant 0 : i32
    return %c0_i32, %c0_i32_0 : i32, i32
  }
}

module attributes {stable_mosaic.version = 14 : i64} {
  func.func @_edge_body(%arg0: i32, %arg1: memref<2560x128xf32, #tpu.memory_space<vmem>>, %arg2: memref<2560x128xi32, #tpu.memory_space<vmem>>, %arg3: memref<2560x128xf32, #tpu.memory_space<vmem>>, %arg4: memref<2560x1xf32, #tpu.memory_space<vmem>>, %arg5: memref<128x128xf32, #tpu.memory_space<vmem>>, %arg6: memref<1x128xf32, #tpu.memory_space<vmem>>, %arg7: memref<320000x128xf32, #tpu.memory_space<any>>, %arg8: memref<320000x128xf32, #tpu.memory_space<any>>, %arg9: memref<320000x128xbf16, #tpu.memory_space<any>>, %arg10: memref<2560x128xf32, #tpu.memory_space<vmem>>, %arg11: memref<2560x128xf32, #tpu.memory_space<vmem>>, %arg12: memref<2560x128xbf16, #tpu.memory_space<vmem>>, %arg13: memref<8x128xf32, #tpu.memory_space<vmem>>) attributes {dimension_semantics = [#tpu.dimension_semantics<arbitrary>], iteration_bounds = array<i64: 15>, scalar_prefetch = 0 : i64, scratch_operands = 0 : i64, tpu.core_type = #tpu.core_type<tc>, window_params = [{transform_indices = @transform_0, window_bounds = array<i64: 2560, 128>}, {transform_indices = @transform_1, window_bounds = array<i64: 2560, 128>}, {transform_indices = @transform_2, window_bounds = array<i64: 2560, 128>}, {transform_indices = @transform_3, window_bounds = array<i64: 2560, 1>}, {pipeline_mode = #tpu.pipeline_mode<synchronous>, transform_indices = @transform_4, window_bounds = array<i64: 128, 128>}, {pipeline_mode = #tpu.pipeline_mode<synchronous>, transform_indices = @transform_5, window_bounds = array<i64: 1, 128>}, {}, {}, {}, {transform_indices = @transform_9, window_bounds = array<i64: 2560, 128>}, {transform_indices = @transform_10, window_bounds = array<i64: 2560, 128>}, {transform_indices = @transform_11, window_bounds = array<i64: 2560, 128>}, {pipeline_mode = #tpu.pipeline_mode<synchronous>, transform_indices = @transform_12, window_bounds = array<i64: 8, 128>}]} {
    %get3A = arith.constant 0 : index
    %get3A_0 = arith.constant 0 : index
    %get3A_1 = vector.load %arg1[%get3A, %get3A_0] : memref<2560x128xf32, #tpu.memory_space<vmem>>, vector<2560x128xf32>
    %get3A_2 = arith.constant 0 : index
    %get3A_3 = arith.constant 0 : index
    %get3A_4 = vector.load %arg5[%get3A_2, %get3A_3] : memref<128x128xf32, #tpu.memory_space<vmem>>, vector<128x128xf32>
    %dot_general3A = arith.constant dense<0.000000e+00> : vector<2560x128xf32>
    %dot_general3A_5 = tpu.matmul %get3A_1, %get3A_4, %dot_general3A {dimension_numbers = #tpu.dot_dimension_numbers<[1], [0], [0], [1], [0, 0, 1, 1], [], []>, transpose_lhs_hint = false} : vector<2560x128xf32>, vector<128x128xf32>, vector<2560x128xf32> -> vector<2560x128xf32>
    %get3A_6 = arith.constant 0 : index
    %get3A_7 = arith.constant 0 : index
    %get3A_8 = vector.load %arg6[%get3A_6, %get3A_7] : memref<1x128xf32, #tpu.memory_space<vmem>>, vector<1x128xf32>
    %add3A = vector.broadcast %get3A_8 : vector<1x128xf32> to vector<2560x128xf32>
    %add3A_9 = arith.addf %dot_general3A_5, %add3A : vector<2560x128xf32>
    %get3A_10 = arith.constant 0 : index
    %get3A_11 = arith.constant 0 : index
    %get3A_12 = vector.load %arg2[%get3A_10, %get3A_11] : memref<2560x128xi32, #tpu.memory_space<vmem>>, vector<2560x128xi32>
    %and3A = arith.constant -65536 : i32
    %and3A_13 = vector.broadcast %and3A : i32 to vector<2560x128xi32>
    %and3A_14 = arith.andi %get3A_12, %and3A_13 : vector<2560x128xi32>
    %bitcast_convert_type3A = tpu.bitcast %and3A_14 : vector<2560x128xi32> -> vector<2560x128xf32>
    %add3A_15 = arith.addf %add3A_9, %bitcast_convert_type3A : vector<2560x128xf32>
    %get3A_16 = arith.constant 0 : index
    %get3A_17 = arith.constant 0 : index
    %get3A_18 = vector.load %arg3[%get3A_16, %get3A_17] : memref<2560x128xf32, #tpu.memory_space<vmem>>, vector<2560x128xf32>
    %add3A_19 = arith.addf %add3A_15, %get3A_18 : vector<2560x128xf32>
    %logistic3A = arith.negf %add3A_19 : vector<2560x128xf32>
    %logistic3A_20 = math.exp %logistic3A : vector<2560x128xf32>
    %logistic3A_21 = arith.constant 1.000000e+00 : f32
    %logistic3A_22 = vector.broadcast %logistic3A_21 : f32 to vector<2560x128xf32>
    %logistic3A_23 = arith.addf %logistic3A_22, %logistic3A_20 : vector<2560x128xf32>
    %logistic3A_24 = arith.divf %logistic3A_22, %logistic3A_23 : vector<2560x128xf32>
    %shift_left3A = arith.constant 16 : i32
    %shift_left3A_25 = vector.broadcast %shift_left3A : i32 to vector<2560x128xi32>
    %shift_left3A_26 = arith.shli %get3A_12, %shift_left3A_25 : vector<2560x128xi32>
    %bitcast_convert_type3A_27 = tpu.bitcast %shift_left3A_26 : vector<2560x128xi32> -> vector<2560x128xf32>
    %mul3A = arith.mulf %logistic3A_24, %bitcast_convert_type3A_27 : vector<2560x128xf32>
    %swap3A = arith.constant 0 : index
    %swap3A_28 = arith.constant 0 : index
    %swap3A_29 = vector.load %arg10[%swap3A, %swap3A_28] : memref<2560x128xf32, #tpu.memory_space<vmem>>, vector<2560x128xf32>
    tpu.vector_store %arg10[%swap3A, %swap3A_28], %mul3A {strides = array<i32>} : memref<2560x128xf32, #tpu.memory_space<vmem>>, vector<2560x128xf32>,
    %swap3A_30 = arith.constant 0 : index
    %swap3A_31 = arith.constant 0 : index
    %swap3A_32 = vector.load %arg11[%swap3A_30, %swap3A_31] : memref<2560x128xf32, #tpu.memory_space<vmem>>, vector<2560x128xf32>
    tpu.vector_store %arg11[%swap3A_30, %swap3A_31], %logistic3A_24 {strides = array<i32>} : memref<2560x128xf32, #tpu.memory_space<vmem>>, vector<2560x128xf32>,
    %get3A_33 = arith.constant 0 : index
    %get3A_34 = arith.constant 0 : index
    %get3A_35 = vector.load %arg4[%get3A_33, %get3A_34] : memref<2560x1xf32, #tpu.memory_space<vmem>>, vector<2560x1xf32>
    %mul3A_36 = vector.broadcast %get3A_35 : vector<2560x1xf32> to vector<2560x128xf32>
    %mul3A_37 = arith.mulf %add3A_19, %mul3A_36 : vector<2560x128xf32>
    %convert_element_type3A = arith.truncf %mul3A_37 : vector<2560x128xf32> to vector<2560x128xbf16>
    %swap3A_38 = arith.constant 0 : index
    %swap3A_39 = arith.constant 0 : index
    %swap3A_40 = vector.load %arg12[%swap3A_38, %swap3A_39] : memref<2560x128xbf16, #tpu.memory_space<vmem>>, vector<2560x128xbf16>
    tpu.vector_store %arg12[%swap3A_38, %swap3A_39], %convert_element_type3A {strides = array<i32>} : memref<2560x128xbf16, #tpu.memory_space<vmem>>, vector<2560x128xbf16>,
    %eq3A = arith.constant 0 : i32
    %eq3A_41 = arith.cmpi eq, %arg0, %eq3A : i32
    %convert_element_type3A_42 = arith.extui %eq3A_41 : i1 to i32
    %cond3A = arith.constant 0 : i32
    %cond3A_43 = arith.cmpi ne, %convert_element_type3A_42, %cond3A : i32
    scf.if %cond3A_43 {
      %broadcast_in_dim3A_63 = arith.constant 0.000000e+00 : f32
      %broadcast_in_dim3A_64 = vector.broadcast %broadcast_in_dim3A_63 : f32 to vector<8x128xf32>
      %swap3A_65 = arith.constant 0 : index
      %swap3A_66 = arith.constant 0 : index
      %swap3A_67 = vector.load %arg13[%swap3A_65, %swap3A_66] : memref<8x128xf32, #tpu.memory_space<vmem>>, vector<8x128xf32>
      tpu.vector_store %arg13[%swap3A_65, %swap3A_66], %broadcast_in_dim3A_64 {strides = array<i32>} : memref<8x128xf32, #tpu.memory_space<vmem>>, vector<8x128xf32>,
    } else {
    }
    %get3A_44 = arith.constant 0 : index
    %get3A_45 = arith.constant 0 : index
    %get3A_46 = vector.load %arg13[%get3A_44, %get3A_45] : memref<8x128xf32, #tpu.memory_space<vmem>>, vector<1x128xf32>
    %reduce_sum3A = arith.constant dense<0.000000e+00> : vector<128xf32>
    %reduce_sum3A_47 = vector.multi_reduction <add>, %mul3A_37, %reduce_sum3A [0] : vector<2560x128xf32> to vector<128xf32>
    %broadcast_in_dim3A = vector.shape_cast %reduce_sum3A_47 : vector<128xf32> to vector<1x128xf32>
    %add3A_48 = arith.addf %get3A_46, %broadcast_in_dim3A : vector<1x128xf32>
    %swap3A_49 = arith.constant 0 : index
    %swap3A_50 = arith.constant 0 : index
    %swap3A_51 = vector.load %arg13[%swap3A_49, %swap3A_50] : memref<8x128xf32, #tpu.memory_space<vmem>>, vector<1x128xf32>
    tpu.vector_store %arg13[%swap3A_49, %swap3A_50], %add3A_48 {strides = array<i32>} : memref<8x128xf32, #tpu.memory_space<vmem>>, vector<1x128xf32>,
    %get3A_52 = arith.constant 1 : index
    %get3A_53 = arith.constant 0 : index
    %get3A_54 = vector.load %arg13[%get3A_52, %get3A_53] : memref<8x128xf32, #tpu.memory_space<vmem>>, vector<1x128xf32>
    %mul3A_55 = arith.mulf %mul3A_37, %mul3A_37 : vector<2560x128xf32>
    %reduce_sum3A_56 = arith.constant dense<0.000000e+00> : vector<128xf32>
    %reduce_sum3A_57 = vector.multi_reduction <add>, %mul3A_55, %reduce_sum3A_56 [0] : vector<2560x128xf32> to vector<128xf32>
    %broadcast_in_dim3A_58 = vector.shape_cast %reduce_sum3A_57 : vector<128xf32> to vector<1x128xf32>
    %add3A_59 = arith.addf %get3A_54, %broadcast_in_dim3A_58 : vector<1x128xf32>
    %swap3A_60 = arith.constant 1 : index
    %swap3A_61 = arith.constant 0 : index
    %swap3A_62 = vector.load %arg13[%swap3A_60, %swap3A_61] : memref<8x128xf32, #tpu.memory_space<vmem>>, vector<1x128xf32>
    tpu.vector_store %arg13[%swap3A_60, %swap3A_61], %add3A_59 {strides = array<i32>} : memref<8x128xf32, #tpu.memory_space<vmem>>, vector<1x128xf32>,
    return
  }
  func.func @transform_0(%arg0: i32) -> (i32, i32) {
    %add3A = arith.constant 110 : i32
    %add3A_0 = arith.addi %arg0, %add3A : i32
    %c0_i32 = arith.constant 0 : i32
    %c0_i32_1 = arith.constant 0 : i32
    return %add3A_0, %c0_i32 : i32, i32
  }
  func.func @transform_1(%arg0: i32) -> (i32, i32) {
    %c0_i32 = arith.constant 0 : i32
    %c0_i32_0 = arith.constant 0 : i32
    return %arg0, %c0_i32 : i32, i32
  }
  func.func @transform_2(%arg0: i32) -> (i32, i32) {
    %c0_i32 = arith.constant 0 : i32
    %c0_i32_0 = arith.constant 0 : i32
    return %arg0, %c0_i32 : i32, i32
  }
  func.func @transform_3(%arg0: i32) -> (i32, i32) {
    %add3A = arith.constant 110 : i32
    %add3A_0 = arith.addi %arg0, %add3A : i32
    %c0_i32 = arith.constant 0 : i32
    %c0_i32_1 = arith.constant 0 : i32
    return %add3A_0, %c0_i32 : i32, i32
  }
  func.func @transform_4(%arg0: i32) -> (i32, i32) {
    %c0_i32 = arith.constant 0 : i32
    %c0_i32_0 = arith.constant 0 : i32
    %c0_i32_1 = arith.constant 0 : i32
    return %c0_i32, %c0_i32_0 : i32, i32
  }
  func.func @transform_5(%arg0: i32) -> (i32, i32) {
    %c0_i32 = arith.constant 0 : i32
    %c0_i32_0 = arith.constant 0 : i32
    %c0_i32_1 = arith.constant 0 : i32
    return %c0_i32, %c0_i32_0 : i32, i32
  }
  func.func @transform_9(%arg0: i32) -> (i32, i32) {
    %add3A = arith.constant 110 : i32
    %add3A_0 = arith.addi %arg0, %add3A : i32
    %c0_i32 = arith.constant 0 : i32
    %c0_i32_1 = arith.constant 0 : i32
    return %add3A_0, %c0_i32 : i32, i32
  }
  func.func @transform_10(%arg0: i32) -> (i32, i32) {
    %add3A = arith.constant 110 : i32
    %add3A_0 = arith.addi %arg0, %add3A : i32
    %c0_i32 = arith.constant 0 : i32
    %c0_i32_1 = arith.constant 0 : i32
    return %add3A_0, %c0_i32 : i32, i32
  }
  func.func @transform_11(%arg0: i32) -> (i32, i32) {
    %add3A = arith.constant 110 : i32
    %add3A_0 = arith.addi %arg0, %add3A : i32
    %c0_i32 = arith.constant 0 : i32
    %c0_i32_1 = arith.constant 0 : i32
    return %add3A_0, %c0_i32 : i32, i32
  }
  func.func @transform_12(%arg0: i32) -> (i32, i32) {
    %c0_i32 = arith.constant 0 : i32
    %c0_i32_0 = arith.constant 0 : i32
    %c0_i32_1 = arith.constant 0 : i32
    return %c0_i32, %c0_i32_0 : i32, i32
  }
}

module attributes {stable_mosaic.version = 14 : i64} {
  func.func @_e_body(%arg0: i32, %arg1: memref<2560x128xbf16, #tpu.memory_space<vmem>>, %arg2: memref<2560x128xf32, #tpu.memory_space<vmem>>, %arg3: memref<8x128xf32, #tpu.memory_space<vmem>>, %arg4: memref<8x128xf32, #tpu.memory_space<vmem>>, %arg5: memref<8x128xf32, #tpu.memory_space<vmem>>, %arg6: memref<8x128xf32, #tpu.memory_space<vmem>>, %arg7: memref<1x128xf32, #tpu.memory_space<vmem>>, %arg8: memref<1x128xf32, #tpu.memory_space<vmem>>, %arg9: memref<2560x128xf32, #tpu.memory_space<vmem>>) attributes {dimension_semantics = [#tpu.dimension_semantics<arbitrary>], iteration_bounds = array<i64: 125>, scalar_prefetch = 0 : i64, scratch_operands = 0 : i64, tpu.core_type = #tpu.core_type<tc>, window_params = [{transform_indices = @transform_0, window_bounds = array<i64: 2560, 128>}, {transform_indices = @transform_1, window_bounds = array<i64: 2560, 128>}, {pipeline_mode = #tpu.pipeline_mode<synchronous>, transform_indices = @transform_2, window_bounds = array<i64: 8, 128>}, {pipeline_mode = #tpu.pipeline_mode<synchronous>, transform_indices = @transform_3, window_bounds = array<i64: 8, 128>}, {pipeline_mode = #tpu.pipeline_mode<synchronous>, transform_indices = @transform_4, window_bounds = array<i64: 8, 128>}, {pipeline_mode = #tpu.pipeline_mode<synchronous>, transform_indices = @transform_5, window_bounds = array<i64: 8, 128>}, {pipeline_mode = #tpu.pipeline_mode<synchronous>, transform_indices = @transform_6, window_bounds = array<i64: 1, 128>}, {pipeline_mode = #tpu.pipeline_mode<synchronous>, transform_indices = @transform_7, window_bounds = array<i64: 1, 128>}, {transform_indices = @transform_8, window_bounds = array<i64: 2560, 128>}]} {
    %get3A = arith.constant 0 : index
    %get3A_0 = arith.constant 0 : index
    %get3A_1 = vector.load %arg3[%get3A, %get3A_0] : memref<8x128xf32, #tpu.memory_space<vmem>>, vector<8x128xf32>
    %get3A_2 = arith.constant 0 : index
    %get3A_3 = arith.constant 0 : index
    %get3A_4 = vector.load %arg4[%get3A_2, %get3A_3] : memref<8x128xf32, #tpu.memory_space<vmem>>, vector<8x128xf32>
    %add3A = arith.addf %get3A_1, %get3A_4 : vector<8x128xf32>
    %get3A_5 = arith.constant 0 : index
    %get3A_6 = arith.constant 0 : index
    %get3A_7 = vector.load %arg5[%get3A_5, %get3A_6] : memref<8x128xf32, #tpu.memory_space<vmem>>, vector<8x128xf32>
    %get3A_8 = arith.constant 0 : index
    %get3A_9 = arith.constant 0 : index
    %get3A_10 = vector.load %arg6[%get3A_8, %get3A_9] : memref<8x128xf32, #tpu.memory_space<vmem>>, vector<8x128xf32>
    %add3A_11 = arith.addf %get3A_7, %get3A_10 : vector<8x128xf32>
    %add3A_12 = arith.addf %add3A, %add3A_11 : vector<8x128xf32>
    %slice3A = vector.extract_strided_slice %add3A_12 {offsets = [0, 0], sizes = [1, 128], strides = [1, 1]} : vector<8x128xf32> to vector<1x128xf32>
    %mul3A = arith.constant 3.125000e-06 : f32
    %mul3A_13 = vector.broadcast %mul3A : f32 to vector<1x128xf32>
    %mul3A_14 = arith.mulf %slice3A, %mul3A_13 : vector<1x128xf32>
    %slice3A_15 = vector.extract_strided_slice %add3A_12 {offsets = [1, 0], sizes = [1, 128], strides = [1, 1]} : vector<8x128xf32> to vector<1x128xf32>
    %mul3A_16 = arith.constant 3.125000e-06 : f32
    %mul3A_17 = vector.broadcast %mul3A_16 : f32 to vector<1x128xf32>
    %mul3A_18 = arith.mulf %slice3A_15, %mul3A_17 : vector<1x128xf32>
    %mul3A_19 = arith.mulf %mul3A_14, %mul3A_14 : vector<1x128xf32>
    %sub3A = arith.subf %mul3A_18, %mul3A_19 : vector<1x128xf32>
    %get3A_20 = arith.constant 0 : index
    %get3A_21 = arith.constant 0 : index
    %get3A_22 = vector.load %arg1[%get3A_20, %get3A_21] : memref<2560x128xbf16, #tpu.memory_space<vmem>>, vector<2560x128xbf16>
    %convert_element_type3A = arith.extf %get3A_22 : vector<2560x128xbf16> to vector<2560x128xf32>
    %sub3A_23 = vector.broadcast %mul3A_14 : vector<1x128xf32> to vector<2560x128xf32>
    %sub3A_24 = arith.subf %convert_element_type3A, %sub3A_23 : vector<2560x128xf32>
    %add3A_25 = arith.constant 9.99999974E-6 : f32
    %add3A_26 = vector.broadcast %add3A_25 : f32 to vector<1x128xf32>
    %add3A_27 = arith.addf %sub3A, %add3A_26 : vector<1x128xf32>
    %sqrt3A = math.sqrt %add3A_27 : vector<1x128xf32>
    %div3A = vector.broadcast %sqrt3A : vector<1x128xf32> to vector<2560x128xf32>
    %div3A_28 = arith.divf %sub3A_24, %div3A : vector<2560x128xf32>
    %get3A_29 = arith.constant 0 : index
    %get3A_30 = arith.constant 0 : index
    %get3A_31 = vector.load %arg7[%get3A_29, %get3A_30] : memref<1x128xf32, #tpu.memory_space<vmem>>, vector<1x128xf32>
    %mul3A_32 = vector.broadcast %get3A_31 : vector<1x128xf32> to vector<2560x128xf32>
    %mul3A_33 = arith.mulf %div3A_28, %mul3A_32 : vector<2560x128xf32>
    %get3A_34 = arith.constant 0 : index
    %get3A_35 = arith.constant 0 : index
    %get3A_36 = vector.load %arg8[%get3A_34, %get3A_35] : memref<1x128xf32, #tpu.memory_space<vmem>>, vector<1x128xf32>
    %add3A_37 = vector.broadcast %get3A_36 : vector<1x128xf32> to vector<2560x128xf32>
    %add3A_38 = arith.addf %mul3A_33, %add3A_37 : vector<2560x128xf32>
    %get3A_39 = arith.constant 0 : index
    %get3A_40 = arith.constant 0 : index
    %get3A_41 = vector.load %arg2[%get3A_39, %get3A_40] : memref<2560x128xf32, #tpu.memory_space<vmem>>, vector<2560x128xf32>
    %max3A = arith.constant 0.000000e+00 : f32
    %max3A_42 = vector.broadcast %max3A : f32 to vector<2560x128xf32>
    %max3A_43 = arith.maximumf %add3A_38, %max3A_42 : vector<2560x128xf32>
    %add3A_44 = arith.addf %get3A_41, %max3A_43 : vector<2560x128xf32>
    %swap3A = arith.constant 0 : index
    %swap3A_45 = arith.constant 0 : index
    %swap3A_46 = vector.load %arg9[%swap3A, %swap3A_45] : memref<2560x128xf32, #tpu.memory_space<vmem>>, vector<2560x128xf32>
    tpu.vector_store %arg9[%swap3A, %swap3A_45], %add3A_44 {strides = array<i32>} : memref<2560x128xf32, #tpu.memory_space<vmem>>, vector<2560x128xf32>,
    return
  }
  func.func @transform_0(%arg0: i32) -> (i32, i32) {
    %c0_i32 = arith.constant 0 : i32
    %c0_i32_0 = arith.constant 0 : i32
    return %arg0, %c0_i32 : i32, i32
  }
  func.func @transform_1(%arg0: i32) -> (i32, i32) {
    %c0_i32 = arith.constant 0 : i32
    %c0_i32_0 = arith.constant 0 : i32
    return %arg0, %c0_i32 : i32, i32
  }
  func.func @transform_2(%arg0: i32) -> (i32, i32) {
    %c0_i32 = arith.constant 0 : i32
    %c0_i32_0 = arith.constant 0 : i32
    %c0_i32_1 = arith.constant 0 : i32
    return %c0_i32, %c0_i32_0 : i32, i32
  }
  func.func @transform_3(%arg0: i32) -> (i32, i32) {
    %c0_i32 = arith.constant 0 : i32
    %c0_i32_0 = arith.constant 0 : i32
    %c0_i32_1 = arith.constant 0 : i32
    return %c0_i32, %c0_i32_0 : i32, i32
  }
  func.func @transform_4(%arg0: i32) -> (i32, i32) {
    %c0_i32 = arith.constant 0 : i32
    %c0_i32_0 = arith.constant 0 : i32
    %c0_i32_1 = arith.constant 0 : i32
    return %c0_i32, %c0_i32_0 : i32, i32
  }
  func.func @transform_5(%arg0: i32) -> (i32, i32) {
    %c0_i32 = arith.constant 0 : i32
    %c0_i32_0 = arith.constant 0 : i32
    %c0_i32_1 = arith.constant 0 : i32
    return %c0_i32, %c0_i32_0 : i32, i32
  }
  func.func @transform_6(%arg0: i32) -> (i32, i32) {
    %c0_i32 = arith.constant 0 : i32
    %c0_i32_0 = arith.constant 0 : i32
    %c0_i32_1 = arith.constant 0 : i32
    return %c0_i32, %c0_i32_0 : i32, i32
  }
  func.func @transform_7(%arg0: i32) -> (i32, i32) {
    %c0_i32 = arith.constant 0 : i32
    %c0_i32_0 = arith.constant 0 : i32
    %c0_i32_1 = arith.constant 0 : i32
    return %c0_i32, %c0_i32_0 : i32, i32
  }
  func.func @transform_8(%arg0: i32) -> (i32, i32) {
    %c0_i32 = arith.constant 0 : i32
    %c0_i32_0 = arith.constant 0 : i32
    return %arg0, %c0_i32 : i32, i32
  }
}

module attributes {stable_mosaic.version = 14 : i64} {
  func.func @_h_body(%arg0: memref<10000x128xf32, #tpu.memory_space<vmem>>, %arg1: memref<10000x128xf32, #tpu.memory_space<vmem>>, %arg2: memref<10000x128xf32, #tpu.memory_space<vmem>>, %arg3: memref<10000x128xf32, #tpu.memory_space<vmem>>, %arg4: memref<10000x1xf32, #tpu.memory_space<vmem>>, %arg5: memref<1x128xf32, #tpu.memory_space<vmem>>, %arg6: memref<1x128xf32, #tpu.memory_space<vmem>>, %arg7: memref<10000x128xf32, #tpu.memory_space<vmem>>) attributes {dimension_semantics = [], scalar_prefetch = 0 : i64, scratch_operands = 0 : i64, tpu.core_type = #tpu.core_type<tc>} {
    %get3A = arith.constant 0 : index
    %get3A_0 = arith.constant 0 : index
    %get3A_1 = vector.load %arg0[%get3A, %get3A_0] : memref<10000x128xf32, #tpu.memory_space<vmem>>, vector<10000x128xf32>
    %get3A_2 = arith.constant 0 : index
    %get3A_3 = arith.constant 0 : index
    %get3A_4 = vector.load %arg3[%get3A_2, %get3A_3] : memref<10000x128xf32, #tpu.memory_space<vmem>>, vector<10000x128xf32>
    %ne3A = arith.constant 0.000000e+00 : f32
    %ne3A_5 = vector.broadcast %ne3A : f32 to vector<10000x128xf32>
    %ne3A_6 = arith.cmpf one, %get3A_4, %ne3A_5 : vector<10000x128xf32>
    %jit3A = arith.constant 1.000000e+00 : f32
    %broadcast_in_dim3A = vector.broadcast %jit3A : f32 to vector<10000x128xf32>
    %select_n3A = arith.select %ne3A_6, %get3A_4, %broadcast_in_dim3A : vector<10000x128xi1>, vector<10000x128xf32>
    %gt3A = arith.constant 0.000000e+00 : f32
    %gt3A_7 = vector.broadcast %gt3A : f32 to vector<10000x128xf32>
    %gt3A_8 = arith.cmpf ogt, %get3A_4, %gt3A_7 : vector<10000x128xf32>
    %get3A_9 = arith.constant 0 : index
    %get3A_10 = arith.constant 0 : index
    %get3A_11 = vector.load %arg1[%get3A_9, %get3A_10] : memref<10000x128xf32, #tpu.memory_space<vmem>>, vector<10000x128xf32>
    %get3A_12 = arith.constant 0 : index
    %get3A_13 = arith.constant 0 : index
    %get3A_14 = vector.load %arg2[%get3A_12, %get3A_13] : memref<10000x128xf32, #tpu.memory_space<vmem>>, vector<10000x128xf32>
    %div3A = arith.divf %get3A_14, %select_n3A : vector<10000x128xf32>
    %add3A = arith.addf %get3A_11, %div3A : vector<10000x128xf32>
    %select_n3A_15 = arith.select %gt3A_8, %add3A, %get3A_1 : vector<10000x128xi1>, vector<10000x128xf32>
    %get3A_16 = arith.constant 0 : index
    %get3A_17 = arith.constant 0 : index
    %get3A_18 = vector.load %arg4[%get3A_16, %get3A_17] : memref<10000x1xf32, #tpu.memory_space<vmem>>, vector<10000x1xf32>
    %mul3A = vector.broadcast %get3A_18 : vector<10000x1xf32> to vector<10000x128xf32>
    %mul3A_19 = arith.mulf %select_n3A_15, %mul3A : vector<10000x128xf32>
    %reduce_sum3A = arith.constant dense<0.000000e+00> : vector<128xf32>
    %reduce_sum3A_20 = vector.multi_reduction <add>, %mul3A_19, %reduce_sum3A [0] : vector<10000x128xf32> to vector<128xf32>
    %broadcast_in_dim3A_21 = vector.shape_cast %reduce_sum3A_20 : vector<128xf32> to vector<1x128xf32>
    %div3A_22 = arith.constant 1.000000e+04 : f32
    %div3A_23 = vector.broadcast %div3A_22 : f32 to vector<1x128xf32>
    %div3A_24 = arith.divf %broadcast_in_dim3A_21, %div3A_23 : vector<1x128xf32>
    %sub3A = vector.broadcast %div3A_24 : vector<1x128xf32> to vector<10000x128xf32>
    %sub3A_25 = arith.subf %mul3A_19, %sub3A : vector<10000x128xf32>
    %integer_pow3A = arith.mulf %sub3A_25, %sub3A_25 : vector<10000x128xf32>
    %reduce_sum3A_26 = arith.constant dense<0.000000e+00> : vector<128xf32>
    %reduce_sum3A_27 = vector.multi_reduction <add>, %integer_pow3A, %reduce_sum3A_26 [0] : vector<10000x128xf32> to vector<128xf32>
    %broadcast_in_dim3A_28 = vector.shape_cast %reduce_sum3A_27 : vector<128xf32> to vector<1x128xf32>
    %div3A_29 = arith.constant 1.000000e+04 : f32
    %div3A_30 = vector.broadcast %div3A_29 : f32 to vector<1x128xf32>
    %div3A_31 = arith.divf %broadcast_in_dim3A_28, %div3A_30 : vector<1x128xf32>
    %sub3A_32 = vector.broadcast %div3A_24 : vector<1x128xf32> to vector<10000x128xf32>
    %sub3A_33 = arith.subf %mul3A_19, %sub3A_32 : vector<10000x128xf32>
    %add3A_34 = arith.constant 9.99999974E-6 : f32
    %add3A_35 = vector.broadcast %add3A_34 : f32 to vector<1x128xf32>
    %add3A_36 = arith.addf %div3A_31, %add3A_35 : vector<1x128xf32>
    %sqrt3A = math.sqrt %add3A_36 : vector<1x128xf32>
    %div3A_37 = vector.broadcast %sqrt3A : vector<1x128xf32> to vector<10000x128xf32>
    %div3A_38 = arith.divf %sub3A_33, %div3A_37 : vector<10000x128xf32>
    %get3A_39 = arith.constant 0 : index
    %get3A_40 = arith.constant 0 : index
    %get3A_41 = vector.load %arg5[%get3A_39, %get3A_40] : memref<1x128xf32, #tpu.memory_space<vmem>>, vector<1x128xf32>
    %mul3A_42 = vector.broadcast %get3A_41 : vector<1x128xf32> to vector<10000x128xf32>
    %mul3A_43 = arith.mulf %div3A_38, %mul3A_42 : vector<10000x128xf32>
    %get3A_44 = arith.constant 0 : index
    %get3A_45 = arith.constant 0 : index
    %get3A_46 = vector.load %arg6[%get3A_44, %get3A_45] : memref<1x128xf32, #tpu.memory_space<vmem>>, vector<1x128xf32>
    %add3A_47 = vector.broadcast %get3A_46 : vector<1x128xf32> to vector<10000x128xf32>
    %add3A_48 = arith.addf %mul3A_43, %add3A_47 : vector<10000x128xf32>
    %max3A = arith.constant 0.000000e+00 : f32
    %max3A_49 = vector.broadcast %max3A : f32 to vector<10000x128xf32>
    %max3A_50 = arith.maximumf %add3A_48, %max3A_49 : vector<10000x128xf32>
    %add3A_51 = arith.addf %get3A_1, %max3A_50 : vector<10000x128xf32>
    %swap3A = arith.constant 0 : index
    %swap3A_52 = arith.constant 0 : index
    %swap3A_53 = vector.load %arg7[%swap3A, %swap3A_52] : memref<10000x128xf32, #tpu.memory_space<vmem>>, vector<10000x128xf32>
    tpu.vector_store %arg7[%swap3A, %swap3A_52], %add3A_51 {strides = array<i32>} : memref<10000x128xf32, #tpu.memory_space<vmem>>, vector<10000x128xf32>,
    return
  }
}

</mosaic_0001>

<sc_bundles>
// kernel: kernel.15.cloned.1.call-start
scs
__scs_entry_jumppad:
0x0: {  	(pc) =	sbr.rel $0x88, $3  }
0x1: {  	(tag) =	ssettag $0x0;
	lr =	simm.s32 $0x1  }
0x2: {  	[smem:$0x3F8E] =	sst lr;
	_ =	strace $0xD0000000  }
0x3: {  	_ = 	snop  }
0x4: {  	_ = 	snop  }
0x5: {  	_ = 	snop  }
0x6: {  	_ = 	snop  }
0x7: {  	_ = 	snop  }
__scs_overlays_trampoline_lowered:
0x8: {  	[smem:$0x3F9D] =	sst s0  }
0x9: {  	[smem:$0x3F9E] =	sst s1  }
0xa: {  	[smem:$0x3F9F] =	sst s2  }
0xb: {  	[smem:$0x3FA0] =	sst s3  }
0xc: {  	[smem:$0x3FA1] =	sst s4  }
0xd: {  	[smem:$0x3FA2] =	sst s5  }
0xe: {  	[smem:$0x3FA3] =	sst s6  }
0xf: {  	[smem:$0x3FA4] =	sst s7  }
0x10: {  	[smem:$0x3FA5] =	sst s8  }
0x11: {  	[smem:$0x3FA6] =	sst s9;
	s0 =	simm.s32 @!p0 $0x0  }
0x12: {  	s1 =	sld [smem:$0x3F8C];
	s0 =	simm.s32 @p0 $0x1  }
0x13: {  	[smem:$0x3FA7] =	sst s0;
	s0 =	simm.s32 @!p1 $0x0  }
0x14: {  	s2 =	sld [smem:$0x3F8B];
	s0 =	simm.s32 @p1 $0x1  }
0x15: {  	[smem:$0x3FA8] =	sst s0;
	s0 =	simm.s32 @!p2 $0x0  }
0x16: {  	s3 =	sld [smem:$0x3FDB];
	s0 =	simm.s32 @p2 $0x1  }
0x17: {  	s4 =	simm.s32 $0x1BF5;
	[smem:$0x3FAA] =	sst s0  }
0x18: {  	s0 =	sld [smem:$0x3F8D];
	_ =	swait.ge [sflag:s4], $0x0  }
0x19: {  	s7 =	sld [smem:$0x3F8E]  }
0x1a: {  	s8 =	sadd.s32 $0xFFFFE003, lr  }
0x1b: {  	s9 =	sadd.s32 $0xFFFFFEF7, lr;
	s5 =	simm.s32 $0xFFFFFFFF;
	p2 =	slt.u32 s8, $0xFFFFF086  }
0x1c: {  	p1 =	slt.u32 s9, $0xF7A;
	s5 =	simm.s32 @!p2 $0x0  }
0x1d: {  	s5 =	simm.s32 @p1 $0x1;
	p0 =	seq.s32 s7, s2  }
0x1e: {  	s7 =	smul.u32 @!p0 $0xF7A, s2;
	p2 =	seq.s32 @!p0 s5, $0x0  }
0x1f: {  	s9 =	smul.u32 $0xF7A, s1;
	s8 =	simm.s32 @!p0 $0x1BF5;
	p2 =	por !p2, p0  }
0x20: {  	[sflag:s8] =	ssyncset.s32 @!p0 $0xFFFFF086;
	s6 =	sadd.s32 @!p0 s3, s7;
	s7 =	simm.s32 @!p0 $0x108  }
0x21: {  	s3 =	sadd.s32 s3, s9;
	s6 =	sadd.s32 @!p0 $0x88, s6;
	s7 =	simm.s32 @p2 $0x1082  }
0x22: {  	[simem:s7], [sflag:s8] =	dma.local @!p0 [hbm:s6], $0xF7A  }
0x23: {  	s9 =	sor.u32 $0xD0000000, s2;
	s6 =	simm.s32 $0x108;
	_ =	swait.ge @!p0 [sflag:s8], $0x0  }
0x24: {  	s3 =	sadd.s32 $0x88, s3;
	s6 =	simm.s32 @!p1 $0x1082;
	[sflag:s4] =	ssyncset.s32 $0xFFFFF086  }
0x25: {  	[simem:s6], [sflag:s4] =	dma.local [hbm:s3], $0xF7A  }
0x26: {  	[smem:$0x3F8E] =	sst s1;
	(tag) =	ssettag s2;
	_ =	strace s9  }
0x27: {  	s1 =	sld [smem:$0x3F9E]  }
0x28: {  	s2 =	sld [smem:$0x3F9F]  }
0x29: {  	s4 =	sld [smem:$0x3FA1]  }
0x2a: {  	p0 =	seq.s32 s5, $0x0;
	s5 =	sld [smem:$0x3FA2]  }
0x2b: {  	s6 =	sld [smem:$0x3FA3]  }
0x2c: {  	s7 =	sld [smem:$0x3FA4]  }
0x2d: {  	s3 =	simm.s32 $0x108;
	s8 =	sld [smem:$0x3FA5]  }
0x2e: {  	s3 =	simm.s32 @!p0 $0x1082;
	s9 =	sld [smem:$0x3FA6]  }
0x2f: {  	lr =	sadd.s32 s0, s3;
	s0 =	sld [smem:$0x3F9D]  }
0x30: {  	s3 =	sld [smem:$0x3FA0]  }
0x31: {  	[smem:$0x3FA9] =	sst s10  }
0x32: {  	s10 =	sld [smem:$0x3FA7];
	_ =	sdelay $0x3  }
0x33: {  	p0 =	seq.s32 s10, $0x1;
	s10 =	sld [smem:$0x3FA9];
	_ =	sdelay $0x3  }
0x34: {  	[smem:$0x3FA9] =	sst s10  }
0x35: {  	s10 =	sld [smem:$0x3FA8];
	_ =	sdelay $0x3  }
0x36: {  	p1 =	seq.s32 s10, $0x1;
	s10 =	sld [smem:$0x3FA9];
	_ =	sdelay $0x3  }
0x37: {  	[smem:$0x3FA9] =	sst s10  }
0x38: {  	s10 =	sld [smem:$0x3FAA]  }
0x39: {  	_ = 	snop;
	(pc) =	sbr.ind lr, $3  }
0x3a: {  	_ = 	snop  }
0x3b: {  	_ = 	snop  }
0x3c: {  	p2 =	seq.s32 s10, $0x1;
	s10 =	sld [smem:$0x3FA9]  }
0x3d: {  	_ =	shalt  }
0x3e: {  	_ =	shalt  }
0x3f: {  	_ =	shalt  }
0x40: {  	_ =	shalt  }
0x41: {  	_ =	shalt  }
0x42: {  	_ =	shalt  }
0x43: {  	_ =	shalt  }
0x44: {  	_ =	shalt  }
0x45: {  	_ =	shalt  }
0x46: {  	_ =	shalt  }
0x47: {  	_ =	shalt  }
0x48: {  	_ =	shalt  }
0x49: {  	_ =	shalt  }
0x4a: {  	_ =	shalt  }
0x4b: {  	_ =	shalt  }
0x4c: {  	_ =	shalt  }
0x4d: {  	_ =	shalt  }
0x4e: {  	_ =	shalt  }
0x4f: {  	_ =	shalt  }
0x50: {  	_ =	shalt  }
0x51: {  	_ =	shalt  }
0x52: {  	_ =	shalt  }
0x53: {  	_ =	shalt  }
0x54: {  	_ =	shalt  }
0x55: {  	_ =	shalt  }
0x56: {  	_ =	shalt  }
0x57: {  	_ =	shalt  }
0x58: {  	_ =	shalt  }
0x59: {  	_ =	shalt  }
0x5a: {  	_ =	shalt  }
0x5b: {  	_ =	shalt  }
0x5c: {  	_ =	shalt  }
0x5d: {  	_ =	shalt  }
0x5e: {  	_ =	shalt  }
0x5f: {  	_ =	shalt  }
0x60: {  	_ =	shalt  }
0x61: {  	_ =	shalt  }
0x62: {  	_ =	shalt  }
0x63: {  	_ =	shalt  }
0x64: {  	_ =	shalt  }
0x65: {  	_ =	shalt  }
0x66: {  	_ =	shalt  }
0x67: {  	_ =	shalt  }
0x68: {  	_ =	shalt  }
0x69: {  	_ =	shalt  }
0x6a: {  	_ =	shalt  }
0x6b: {  	_ =	shalt  }
0x6c: {  	_ =	shalt  }
0x6d: {  	_ =	shalt  }
0x6e: {  	_ =	shalt  }
0x6f: {  	_ =	shalt  }
0x70: {  	_ =	shalt  }
0x71: {  	_ =	shalt  }
0x72: {  	_ =	shalt  }
0x73: {  	_ =	shalt  }
0x74: {  	_ =	shalt  }
0x75: {  	_ =	shalt  }
0x76: {  	_ =	shalt  }
0x77: {  	_ =	shalt  }
0x78: {  	_ =	shalt  }
0x79: {  	_ =	shalt  }
0x7a: {  	_ =	shalt  }
0x7b: {  	_ =	shalt  }
0x7c: {  	_ =	shalt  }
0x7d: {  	_ =	shalt  }
0x7e: {  	_ =	shalt  }
0x7f: {  	_ =	shalt  }
0x80: {  	_ =	shalt  }
0x81: {  	_ =	shalt  }
0x82: {  	_ =	shalt  }
0x83: {  	_ =	shalt  }
0x84: {  	_ =	shalt  }
0x85: {  	_ =	shalt  }
0x86: {  	_ =	shalt  }
0x87: {  	_ =	shalt  }
.Lfunc_end0:
.L_simem_size_0:
called_computation_lowered:
.L_overlay_start_0:
0x88: {  	s2 =	sld [smem:$0x3FD9]  }
0x89: {  	s3 =	sld [smem:$0x3FFE];
	_ =	sdelay $0x1  }
0x8a: {  	s1 =	srdreg.scid  }
0x8b: {  	s0 =	sand.u32 $0x1, s1  }
0x8c: {  	s16 =	sshll.u32 s0, $0xA;
	s2 =	sadd.s32 s3, s2  }
0x8d: {  	s2 =	sadd.s32 s2, s16  }
0x8e: {  	[smem:$0x3FB5] =	sst s2  }
0x8f: {  	_ = 	snop  }
0x90: {  	(tm) =	ssettm $0x1  }
0x91: {  	s17 =	sld [smem:$0x3FFB];
	_ =	sdelay $0x3  }
0x92: {  	_ =	strace s17  }
0x93: {  	s2 =	sld [smem:$0x3FFC];
	_ =	sdelay $0x3  }
0x94: {  	_ =	strace s2  }
0x95: {  	s2 =	sld [smem:$0x3FFD];
	_ =	sdelay $0x3  }
0x96: {  	_ =	strace s2  }
0x97: {  	_ =	strace $0x8FFFFFFF  }
0x98: {  	s18 =	sld [smem:$0x3FDB];
	_ =	sdelay $0x1  }
0x99: {  	s19 =	simm.s32 $_scs_section_size  }
0x9a: {  	s4 =	simm.s32 $_size__tile_overlayer_lowered;
	s5 =	simm.s32 $_tile_overlayer_lowered  }
0x9b: {  	s22 =	simm.s32 $0x1BFF;
	s21 =	sshll.u32 s5, $0x1;
	s2 =	sadd.s32 s19, s18  }
0x9c: {  	s6 =	simm.s32 $0x0;
	s20 =	sshll.u32 s4, $0x1;
	s4 =	sadd.s32 s21, s2  }
0x9d: {  	[timem:s6], [sflag:s22] =	dma.local [hbm:s4], s20  }
0x9e: {  	_ =	swait.ge [sflag:s22], s20  }
0x9f: {  	s3 =	ssub.s32 $0x0, s20;
	[sflag:s22] =	ssyncset.done $0x0  }
0xa0: {  	[sflag:s22] =	ssyncadd.s32 s3;
	_ =	sdelay $0x1  }
0xa1: {  	s23 =	simm.s32 $0x1B8B  }
0xa2: {  	_ =	swait.ge [sflag:s23], $0x1  }
0xa3: {  	[sflag:s23] =	ssyncset.done $0x0  }
0xa4: {  	s25 =	simm.s32 $0x1B8E;
	s24 =	sld [smem:$0x3FFE];
	[sflag:s23] =	ssyncadd.s32 $0xFFFFFFFF  }
0xa5: {  	s26 =	simm.s32 $execute0_lowered;
	[smem:$0x3FD2] =	sst s25  }
0xa6: {  	s4 =	sshll.u32 s26, $0x1;
	_ =	strace $0x80000046;
	[dreg:$0x1] =	wrdreg $0xFFFFFFFF  }
0xa7: {  	s28 =	simm.s32 $_size_execute0_lowered;
	s2 =	sadd.s32 s2, s4;
	[dreg:$0x0] =	wrdreg $0x0  }
0xa8: {  	s4 =	sshll.u32 s28, $0x1;
	[dreg:$0x2] =	wrdreg s2  }
0xa9: {  	[dreg:$0x3] =	wrdreg s4  }
0xaa: {  	[dreg:$0x4] =	wrdreg $0xC0  }
0xab: {  	_ =	task [dreg:s6], $0x5FFFF  }
0xac: {  	[dreg:$0x1] =	wrdreg $0xFFFFFFFF  }
0xad: {  	[dreg:$0x0] =	wrdreg $0x60  }
0xae: {  	[dreg:$0x2] =	wrdreg s24  }
0xaf: {  	[dreg:$0x3] =	wrdreg $0x9  }
0xb0: {  	_ =	task.clear_ibuf [dreg:s6], $0x4FFFF;
	_ =	strace $0x90000046  }
0xb1: {  	s29 =	simm.s32 $0x9;
	_ =	strace $0x80000048  }
0xb2: {  	_ =	swait.ge [sflag:s29], $0x1  }
0xb3: {  	[sflag:s29] =	ssyncadd.s32 $0xFFFFFFFF  }
0xb4: {  	_ =	strace $0x90000048  }
0xb5: {  	_ =	sfence  }
0xb6: {  	s30 =	sld [smem:$0x0];
	_ =	sdelay $0x2  }
0xb7: {  	s31 =	sshll.u32 s1, $0xD;
	s1 =	sshrl.u32 s1, $0x2  }
0xb8: {  	s3 =	sand.u32 $0x4000, s31;
	s1 =	sadd.s32 s1, s30  }
0xb9: {  	s0 =	sor.u32 s3, s0;
	s1 =	sshll.u32 s1, $0x11  }
0xba: {  	s0 =	sor.u32 s1, s0  }
0xbb: {  	s0 =	sadd.s32 $0x8F2B, s0  }
0xbc: {  	[sflag:s0] =	ssyncadd.remote.s32 $0x1  }
0xbd: {  	_ =	sfence.sel $0xFFFF  }
0xbe: {  	[dreg:$0x0] =	wrdreg $0xFFFFFFFF;
	(pc) =	sbr.abs _section_cstart, $3  }
0xbf: {  	[dreg:$0x1] =	wrdreg $0xFFFFFFFF  }
0xc0: {  	_ =	task.clear_ibuf [dreg:s6], $0x2FFFF;
	_ =	strace $0x9FFFFFFF  }
0xc1: {  	(tm) =	ssettm $0x7FFFFFFF  }
tec
execute0_lowered:
.L_overlay_start_1:
0x0: {  	(tag) =	ssettag $0x1  }
0x1: {  	s0 =	rddreg [dreg:$0x0];
	s2 =	simm.s32 $0x0;
	s6 =	stileid.u32  }
0x2: {  	s1 =	srdreg.scid;
	s17 =	simm.s32 $0x100;
	s18 =	simm.s32 $0x80  }
0x3: {  	s19 =	simm.s32 $0x180;
	s28 =	simm.s32 $0x7A00;
	s29 =	simm.s32 $0x5  }
0x4: {  	s30 =	simm.s32 $0x4;
	s31 =	simm.s32 $0x0;
	[smem:$0x7FF] =	sst s2  }
0x5: {  	s1 =	sand.u32 $0x1, s1;
	s3 =	sshll.u32 s6, $0x1;
	s7 =	smul.u32 $0x16800, s6  }
0x6: {  	s4 =	sadd.s32 $0x42200, s0;
	s10 =	smul.u32 $0x1680, s6;
	s6 =	sadd.s32 $0x11200, s0  }
0x7: {  	_ =	strace $0x80000047;
	s5 =	sor.u32 s1, s3;
	s12 =	smul.u32 $0xB40, s1  }
0x8: {  	s3 =	sadd.s32 $0x1B000, s0;
	s9 =	ssub.s32 $0x2, s1;
	s1 =	smul.u32 $0xB400, s1  }
0x9: {  	s8 =	smul.u32 $0xB40, s5;
	s5 =	sadd.s32 $0x7400, s0;
	s11 =	sshrl.u32 s9, $0x1  }
0xa: {  	s0 =	sadd.s32 s7, s0;
	s20 =	ssub.s32 s9, s11;
	s12 =	sadd.s32 s12, s10  }
0xb: {  	s0 =	sadd.s32 s1, s0;
	s8 =	sshrl.u32 s8, $0x3;
	s23 =	sadd.s32 $0xF0, s12  }
0xc: {  	s7 =	smax.u32 s20, $0x1;
	s14 =	sadd.s32 $0x69400, s0;
	s15 =	sadd.s32 $0x1D1400, s0  }
0xd: {  	s0 =	sadd.s32 $0xA0, s12;
	s21 =	sadd.s32 s5, s8;
	[dreg:$0x6] =	wrdreg s7  }
0xe: {  	s22 =	sadd.s32 s6, s8;
	s8 =	sadd.s32 $0xA, s8;
	[dreg:$0x2] =	wrdreg s21  }
0xf: {  	s13 =	sshrl.u32 s23, $0x3;
	[dreg:$0x3] =	wrdreg s22;
	s24 =	sadd.s32 s5, s8  }
.Ltmp0:
0x10: {  	s8 =	sadd.s32 s6, s8;
	[dreg:$0x4] =	wrdreg s24;
	(pc) =	sbr.rel .LBB2_1-.Ltmp0, $4  }
0x11: {  	s20 =	simm.s32 $0x1;
	s25 =	sadd.s32 s13, s6;
	[dreg:$0x5] =	wrdreg s8  }
0x12: {  	s23 =	simm.s32 $0x5200;
	s26 =	sadd.s32 s13, s5;
	[dreg:$0x7] =	wrdreg s25  }
0x13: {  	s21 =	simm.s32 $0x50;
	s22 =	simm.s32 $0x200;
	[dreg:$0x8] =	wrdreg s26  }
0x14: {  	s24 =	simm.s32 $0x2;
	s25 =	simm.s32 $0x3;
	s26 =	simm.s32 $0x2A00  }
.LBB2_4:
0x15: {  	s31 =	sadd.s32 $0x1, s31;
	s1 =	rddreg [dreg:$0x6]  }
0x16: {  	p0 =	sne.s32 s31, s1  }
.Ltmp1:
0x17: {  	_ = 	snop;
	(pc) =	sbr.rel @!p0 .LBB2_5-.Ltmp1, $1  }
0x18: {  	_ =	sdelay $0x3  }
.LBB2_1:
0x19: {  	s1 =	rddreg [dreg:$0x2]  }
0x1a: {  	[tilespmem:s2], [sflag:$0x1] =	stream.linear.gather [hbm4b:s1+s2], $0x50, $0x38;
	[tilespmem:$0xA200] =	vst v63  }
0x1b: {  	s12 =	rddreg [dreg:$0x3]  }
0x1c: {  	[tilespmem:s17], [sflag:$0x1] =	stream.linear.gather [hbm4b:s12+s2], $0x50, $0x38;
	[tilespmem:$0xA200] =	vst v63  }
0x1d: {  	s13 =	rddreg [dreg:$0x4]  }
0x1e: {  	[tilespmem:s18], [sflag:$0x2] =	stream.linear.gather [hbm4b:s13+s2], $0x50, $0x38;
	[tilespmem:$0xA200] =	vst v63  }
0x1f: {  	s16 =	rddreg [dreg:$0x5]  }
0x20: {  	[tilespmem:s19], [sflag:$0x2] =	stream.linear.gather [hbm4b:s16+s2], $0x50, $0x38;
	[tilespmem:$0xA200] =	vst v63  }
0x21: {  	_ =	swait.ge [sflag:s20], $0x50  }
0x22: {  	[sflag:s20] =	ssyncset.done $0x0  }
0x23: {  	[sflag:s20] =	ssyncadd.s32 $0xFFFFFFB0  }
0x24: {  	_ =	swait.ge [sflag:s20], $0x50  }
0x25: {  	[sflag:s20] =	ssyncset.done $0x0  }
0x26: {  	s13 =	rddreg [dreg:$0x8];
	[sflag:s20] =	ssyncadd.s32 $0xFFFFFFB0  }
0x27: {  	[tilespmem:s22], [sflag:$0x3] =	stream.indirect.gather [hbm4b:s3+s21], $0x80, s2, s21, $0xb8;
	[tilespmem:$0xA200] =	vst v63  }
0x28: {  	s1 =	simm.s32 $0x0;
	s16 =	smov.u32 s0;
	s12 =	rddreg [dreg:$0x7]  }
0x29: {  	[tilespmem:s23], [sflag:$0x3] =	stream.indirect.gather [hbm4b:s4+s21], $0x80, s17, s21, $0xb8;
	[tilespmem:$0xA200] =	vst v63  }
.LBB2_2:
0x2a: {  	_ =	swait.ge [sflag:s24], $0x50  }
0x2b: {  	[sflag:s24] =	ssyncset.done $0x0  }
0x2c: {  	[sflag:s24] =	ssyncadd.s32 $0xFFFFFFB0  }
0x2d: {  	_ =	swait.ge [sflag:s24], $0x50  }
0x2e: {  	[sflag:s24] =	ssyncset.done $0x0  }
0x2f: {  	[sflag:s24] =	ssyncadd.s32 $0xFFFFFFB0  }
0x30: {  	_ =	swait.ge [sflag:s25], $0x2800  }
0x31: {  	[sflag:s25] =	ssyncset.done $0x0  }
0x32: {  	[sflag:s25] =	ssyncadd.s32 $0xFFFFD800  }
0x33: {  	_ =	swait.ge [sflag:s25], $0x2800  }
0x34: {  	[sflag:s25] =	ssyncset.done $0x0  }
0x35: {  	[sflag:s25] =	ssyncadd.s32 $0xFFFFD800  }
0x36: {  	[tilespmem:s26], [sflag:$0x4] =	stream.indirect.gather [hbm4b:s3+s21], $0x80, s18, s21, $0xb8;
	[tilespmem:$0xA200] =	vst v63  }
0x37: {  	_ = 	snop  }
0x38: {  	[tilespmem:s28], [sflag:$0x4] =	stream.indirect.gather [hbm4b:s4+s21], $0x80, s19, s21, $0xb8;
	[tilespmem:$0xA200] =	vst v63  }
0x39: {  	s9 =	sadd.s32 s1, s14  }
0x3a: {  	[hbm4b:s9+s2] =	stream.linear.scatter [tilespmem:s22], [sflag:$0x5], $0x2800, $0x38;
	[tilespmem:$0xA200] =	vst v63  }
0x3b: {  	_ =	swait.ge [sflag:s29], $0x2800  }
0x3c: {  	[sflag:s29] =	ssyncset.done $0x0  }
0x3d: {  	s10 =	sadd.s32 s1, s15;
	[sflag:s29] =	ssyncadd.s32 $0xFFFFD800  }
0x3e: {  	[hbm4b:s10+s2] =	stream.linear.scatter [tilespmem:s23], [sflag:$0x5], $0x2800, $0x38;
	[tilespmem:$0xA200] =	vst v63  }
0x3f: {  	p0 =	seq.s32 s1, $0xAA00;
	_ =	swait.ge [sflag:s29], $0x2800  }
0x40: {  	s11 =	sshrl.u32 @!p0 s16, $0x3;
	[sflag:s29] =	ssyncset.done $0x0  }
0x41: {  	s7 =	simm.s32 @!p0 $0x0;
	s8 =	sadd.s32 @!p0 s5, s11;
	[sflag:s29] =	ssyncadd.s32 $0xFFFFD800  }
0x42: {  	[tilespmem:s7], [sflag:$0x1] =	stream.linear.gather @!p0 [hbm4b:s8+s7], $0x50, $0x38;
	[tilespmem:$0xA200] =	vst v63  }
0x43: {  	s8 =	sadd.s32 @!p0 s6, s11;
	s11 =	simm.s32 @!p0 $0x100  }
0x44: {  	[tilespmem:s11], [sflag:$0x1] =	stream.linear.gather @!p0 [hbm4b:s8+s7], $0x50, $0x38;
	[tilespmem:$0xA200] =	vst v63  }
0x45: {  	_ =	swait.ge [sflag:s30], $0x2800  }
0x46: {  	[sflag:s30] =	ssyncset.done $0x0  }
0x47: {  	[sflag:s30] =	ssyncadd.s32 $0xFFFFD800  }
0x48: {  	_ =	swait.ge [sflag:s30], $0x2800  }
0x49: {  	[sflag:s30] =	ssyncset.done $0x0  }
0x4a: {  	s9 =	sadd.s32 $0x500, s9;
	[sflag:s30] =	ssyncadd.s32 $0xFFFFD800  }
0x4b: {  	[hbm4b:s9+s2] =	stream.linear.scatter [tilespmem:s26], [sflag:$0x5], $0x2800, $0x38;
	[tilespmem:$0xA200] =	vst v63  }
0x4c: {  	_ =	swait.ge [sflag:s29], $0x2800  }
0x4d: {  	[sflag:s29] =	ssyncset.done $0x0  }
.Ltmp2:
0x4e: {  	s11 =	sadd.s32 $0x500, s10;
	[sflag:s29] =	ssyncadd.s32 $0xFFFFD800;
	(pc) =	sbr.rel @p0 .LBB2_4-.Ltmp2, $4  }
0x4f: {  	[hbm4b:s11+s2] =	stream.linear.scatter [tilespmem:s28], [sflag:$0x5], $0x2800, $0x38;
	[tilespmem:$0xA200] =	vst v63  }
0x50: {  	_ =	swait.ge [sflag:s29], $0x2800  }
0x51: {  	[sflag:s29] =	ssyncset.done $0x0  }
0x52: {  	[sflag:s29] =	ssyncadd.s32 $0xFFFFD800  }
0x53: {  	[tilespmem:s18], [sflag:$0x2] =	stream.linear.gather [hbm4b:s13+s2], $0x50, $0x38;
	[tilespmem:$0xA200] =	vst v63  }
0x54: {  	_ = 	snop  }
0x55: {  	[tilespmem:s19], [sflag:$0x2] =	stream.linear.gather [hbm4b:s12+s2], $0x50, $0x38;
	[tilespmem:$0xA200] =	vst v63  }
0x56: {  	_ =	swait.ge [sflag:s20], $0x50  }
0x57: {  	[sflag:s20] =	ssyncset.done $0x0  }
0x58: {  	[sflag:s20] =	ssyncadd.s32 $0xFFFFFFB0  }
0x59: {  	_ =	swait.ge [sflag:s20], $0x50  }
.Ltmp3:
0x5a: {  	[sflag:s20] =	ssyncset.done $0x0;
	(pc) =	sbr.rel .LBB2_2-.Ltmp3, $4  }
0x5b: {  	s13 =	sadd.s32 $0x14, s13;
	[sflag:s20] =	ssyncadd.s32 $0xFFFFFFB0  }
0x5c: {  	[tilespmem:s22], [sflag:$0x3] =	stream.indirect.gather [hbm4b:s3+s21], $0x80, s2, s21, $0xb8;
	[tilespmem:$0xA200] =	vst v63  }
0x5d: {  	s1 =	sadd.s32 $0xA00, s1;
	s16 =	sadd.s32 $0xA0, s16;
	s12 =	sadd.s32 $0x14, s12  }
0x5e: {  	[tilespmem:s23], [sflag:$0x3] =	stream.indirect.gather [hbm4b:s4+s21], $0x80, s17, s21, $0xb8;
	[tilespmem:$0xA200] =	vst v63  }
.LBB2_5:
0x5f: {  	_ =	sfence.sel $0x180000  }
0x60: {  	[bflag:$0x0] =	sbarrier.arrive $0xFFFF  }
0x61: {  	_ =	strace $0x90000047  }
0x62: {  	s0 =	stileid.u32;
	[bflag:$0x2] =	sbarrier.arrive $0xFFFF  }
0x63: {  	p0 =	sne.s32 s0, $0x0;
	s0 =	rddreg [dreg:$0x1]  }
0x64: {  	s0 =	sadd.s32 @!p0 $0x100000, s0  }
0x65: {  	[sflag:s0] =	ssyncadd.tile.s32 @!p0 $0x1;
	_ =	shalt  }
.Lfunc_end2:
_tile_overlayer_lowered:
.L_overlay_start_2:
0x66: {  	(tag) =	ssettag $0x2  }
0x67: {  	s0 =	rddreg [dreg:$0x0];
	s2 =	stileid.u32  }
0x68: {  	s1 =	rddreg [dreg:$0x1];
	p0 =	sne.s32 s2, $0x0  }
0x69: {  	s3 =	rddreg [dreg:$0x2];
	[bflag:$0x3] =	sbarrier.arrive $0xFFFF;
	s2 =	simm.s32 @!p0 $0x1C05  }
0x6a: {  	[timem:s3], [sflag:s2] =	dma.local @!p0 [hbm:s0], s1  }
0x6b: {  	s0 =	simm.s32 @!p0 $0x5  }
0x6c: {  	_ =	swait.ge @!p0 [sflag:s0], s1  }
0x6d: {  	s1 =	ssub.s32 @!p0 $0x0, s1;
	[sflag:s0] =	ssyncset.done @!p0 $0x0  }
0x6e: {  	[sflag:s0] =	ssyncadd.s32 @!p0 s1  }
0x6f: {  	[bflag:$0x3] =	sbarrier.arrive $0xFFFF  }
0x70: {  	_ =	shalt  }

// kernel: kernel.18.cloned.1.call-start
scs
__scs_entry_jumppad:
0x0: {  	(pc) =	sbr.rel $0x88, $3  }
0x1: {  	(tag) =	ssettag $0x0;
	lr =	simm.s32 $0x1  }
0x2: {  	[smem:$0x3F8E] =	sst lr;
	_ =	strace $0xD0000000  }
0x3: {  	_ = 	snop  }
0x4: {  	_ = 	snop  }
0x5: {  	_ = 	snop  }
0x6: {  	_ = 	snop  }
0x7: {  	_ = 	snop  }
__scs_overlays_trampoline_lowered:
0x8: {  	[smem:$0x3F9D] =	sst s0  }
0x9: {  	[smem:$0x3F9E] =	sst s1  }
0xa: {  	[smem:$0x3F9F] =	sst s2  }
0xb: {  	[smem:$0x3FA0] =	sst s3  }
0xc: {  	[smem:$0x3FA1] =	sst s4  }
0xd: {  	[smem:$0x3FA2] =	sst s5  }
0xe: {  	[smem:$0x3FA3] =	sst s6  }
0xf: {  	[smem:$0x3FA4] =	sst s7  }
0x10: {  	[smem:$0x3FA5] =	sst s8  }
0x11: {  	[smem:$0x3FA6] =	sst s9;
	s0 =	simm.s32 @!p0 $0x0  }
0x12: {  	s1 =	sld [smem:$0x3F8C];
	s0 =	simm.s32 @p0 $0x1  }
0x13: {  	[smem:$0x3FA7] =	sst s0;
	s0 =	simm.s32 @!p1 $0x0  }
0x14: {  	s2 =	sld [smem:$0x3F8B];
	s0 =	simm.s32 @p1 $0x1  }
0x15: {  	[smem:$0x3FA8] =	sst s0;
	s0 =	simm.s32 @!p2 $0x0  }
0x16: {  	s3 =	sld [smem:$0x3FDB];
	s0 =	simm.s32 @p2 $0x1  }
0x17: {  	s4 =	simm.s32 $0x1BF5;
	[smem:$0x3FAA] =	sst s0  }
0x18: {  	s0 =	sld [smem:$0x3F8D];
	_ =	swait.ge [sflag:s4], $0x0  }
0x19: {  	s7 =	sld [smem:$0x3F8E]  }
0x1a: {  	s8 =	sadd.s32 $0xFFFFE003, lr  }
0x1b: {  	s9 =	sadd.s32 $0xFFFFFEF7, lr;
	s5 =	simm.s32 $0xFFFFFFFF;
	p2 =	slt.u32 s8, $0xFFFFF086  }
0x1c: {  	p1 =	slt.u32 s9, $0xF7A;
	s5 =	simm.s32 @!p2 $0x0  }
0x1d: {  	s5 =	simm.s32 @p1 $0x1;
	p0 =	seq.s32 s7, s2  }
0x1e: {  	s7 =	smul.u32 @!p0 $0xF7A, s2;
	p2 =	seq.s32 @!p0 s5, $0x0  }
0x1f: {  	s9 =	smul.u32 $0xF7A, s1;
	s8 =	simm.s32 @!p0 $0x1BF5;
	p2 =	por !p2, p0  }
0x20: {  	[sflag:s8] =	ssyncset.s32 @!p0 $0xFFFFF086;
	s6 =	sadd.s32 @!p0 s3, s7;
	s7 =	simm.s32 @!p0 $0x108  }
0x21: {  	s3 =	sadd.s32 s3, s9;
	s6 =	sadd.s32 @!p0 $0x88, s6;
	s7 =	simm.s32 @p2 $0x1082  }
0x22: {  	[simem:s7], [sflag:s8] =	dma.local @!p0 [hbm:s6], $0xF7A  }
0x23: {  	s9 =	sor.u32 $0xD0000000, s2;
	s6 =	simm.s32 $0x108;
	_ =	swait.ge @!p0 [sflag:s8], $0x0  }
0x24: {  	s3 =	sadd.s32 $0x88, s3;
	s6 =	simm.s32 @!p1 $0x1082;
	[sflag:s4] =	ssyncset.s32 $0xFFFFF086  }
0x25: {  	[simem:s6], [sflag:s4] =	dma.local [hbm:s3], $0xF7A  }
0x26: {  	[smem:$0x3F8E] =	sst s1;
	(tag) =	ssettag s2;
	_ =	strace s9  }
0x27: {  	s1 =	sld [smem:$0x3F9E]  }
0x28: {  	s2 =	sld [smem:$0x3F9F]  }
0x29: {  	s4 =	sld [smem:$0x3FA1]  }
0x2a: {  	p0 =	seq.s32 s5, $0x0;
	s5 =	sld [smem:$0x3FA2]  }
0x2b: {  	s6 =	sld [smem:$0x3FA3]  }
0x2c: {  	s7 =	sld [smem:$0x3FA4]  }
0x2d: {  	s3 =	simm.s32 $0x108;
	s8 =	sld [smem:$0x3FA5]  }
0x2e: {  	s3 =	simm.s32 @!p0 $0x1082;
	s9 =	sld [smem:$0x3FA6]  }
0x2f: {  	lr =	sadd.s32 s0, s3;
	s0 =	sld [smem:$0x3F9D]  }
0x30: {  	s3 =	sld [smem:$0x3FA0]  }
0x31: {  	[smem:$0x3FA9] =	sst s10  }
0x32: {  	s10 =	sld [smem:$0x3FA7];
	_ =	sdelay $0x3  }
0x33: {  	p0 =	seq.s32 s10, $0x1;
	s10 =	sld [smem:$0x3FA9];
	_ =	sdelay $0x3  }
0x34: {  	[smem:$0x3FA9] =	sst s10  }
0x35: {  	s10 =	sld [smem:$0x3FA8];
	_ =	sdelay $0x3  }
0x36: {  	p1 =	seq.s32 s10, $0x1;
	s10 =	sld [smem:$0x3FA9];
	_ =	sdelay $0x3  }
0x37: {  	[smem:$0x3FA9] =	sst s10  }
0x38: {  	s10 =	sld [smem:$0x3FAA]  }
0x39: {  	_ = 	snop;
	(pc) =	sbr.ind lr, $3  }
0x3a: {  	_ = 	snop  }
0x3b: {  	_ = 	snop  }
0x3c: {  	p2 =	seq.s32 s10, $0x1;
	s10 =	sld [smem:$0x3FA9]  }
0x3d: {  	_ =	shalt  }
0x3e: {  	_ =	shalt  }
0x3f: {  	_ =	shalt  }
0x40: {  	_ =	shalt  }
0x41: {  	_ =	shalt  }
0x42: {  	_ =	shalt  }
0x43: {  	_ =	shalt  }
0x44: {  	_ =	shalt  }
0x45: {  	_ =	shalt  }
0x46: {  	_ =	shalt  }
0x47: {  	_ =	shalt  }
0x48: {  	_ =	shalt  }
0x49: {  	_ =	shalt  }
0x4a: {  	_ =	shalt  }
0x4b: {  	_ =	shalt  }
0x4c: {  	_ =	shalt  }
0x4d: {  	_ =	shalt  }
0x4e: {  	_ =	shalt  }
0x4f: {  	_ =	shalt  }
0x50: {  	_ =	shalt  }
0x51: {  	_ =	shalt  }
0x52: {  	_ =	shalt  }
0x53: {  	_ =	shalt  }
0x54: {  	_ =	shalt  }
0x55: {  	_ =	shalt  }
0x56: {  	_ =	shalt  }
0x57: {  	_ =	shalt  }
0x58: {  	_ =	shalt  }
0x59: {  	_ =	shalt  }
0x5a: {  	_ =	shalt  }
0x5b: {  	_ =	shalt  }
0x5c: {  	_ =	shalt  }
0x5d: {  	_ =	shalt  }
0x5e: {  	_ =	shalt  }
0x5f: {  	_ =	shalt  }
0x60: {  	_ =	shalt  }
0x61: {  	_ =	shalt  }
0x62: {  	_ =	shalt  }
0x63: {  	_ =	shalt  }
0x64: {  	_ =	shalt  }
0x65: {  	_ =	shalt  }
0x66: {  	_ =	shalt  }
0x67: {  	_ =	shalt  }
0x68: {  	_ =	shalt  }
0x69: {  	_ =	shalt  }
0x6a: {  	_ =	shalt  }
0x6b: {  	_ =	shalt  }
0x6c: {  	_ =	shalt  }
0x6d: {  	_ =	shalt  }
0x6e: {  	_ =	shalt  }
0x6f: {  	_ =	shalt  }
0x70: {  	_ =	shalt  }
0x71: {  	_ =	shalt  }
0x72: {  	_ =	shalt  }
0x73: {  	_ =	shalt  }
0x74: {  	_ =	shalt  }
0x75: {  	_ =	shalt  }
0x76: {  	_ =	shalt  }
0x77: {  	_ =	shalt  }
0x78: {  	_ =	shalt  }
0x79: {  	_ =	shalt  }
0x7a: {  	_ =	shalt  }
0x7b: {  	_ =	shalt  }
0x7c: {  	_ =	shalt  }
0x7d: {  	_ =	shalt  }
0x7e: {  	_ =	shalt  }
0x7f: {  	_ =	shalt  }
0x80: {  	_ =	shalt  }
0x81: {  	_ =	shalt  }
0x82: {  	_ =	shalt  }
0x83: {  	_ =	shalt  }
0x84: {  	_ =	shalt  }
0x85: {  	_ =	shalt  }
0x86: {  	_ =	shalt  }
0x87: {  	_ =	shalt  }
.Lfunc_end0:
.L_simem_size_0:
called_computation.1_lowered:
.L_overlay_start_0:
0x88: {  	s2 =	sld [smem:$0x3FD9]  }
0x89: {  	s3 =	sld [smem:$0x3FFE];
	_ =	sdelay $0x1  }
0x8a: {  	s1 =	srdreg.scid  }
0x8b: {  	s0 =	sand.u32 $0x1, s1  }
0x8c: {  	s17 =	sshll.u32 s0, $0xA;
	s2 =	sadd.s32 s3, s2  }
0x8d: {  	s2 =	sadd.s32 s2, s17  }
0x8e: {  	[smem:$0x3FB5] =	sst s2  }
0x8f: {  	_ = 	snop  }
0x90: {  	(tm) =	ssettm $0x1  }
0x91: {  	s18 =	sld [smem:$0x3FFB];
	_ =	sdelay $0x3  }
0x92: {  	_ =	strace s18  }
0x93: {  	s2 =	sld [smem:$0x3FFC];
	_ =	sdelay $0x3  }
0x94: {  	_ =	strace s2  }
0x95: {  	s2 =	sld [smem:$0x3FFD];
	_ =	sdelay $0x3  }
0x96: {  	_ =	strace s2  }
0x97: {  	_ =	strace $0x8FFFFFFF  }
0x98: {  	s19 =	sld [smem:$0x3FDB];
	_ =	sdelay $0x1  }
0x99: {  	s20 =	simm.s32 $_scs_section_size  }
0x9a: {  	s4 =	simm.s32 $_size__tile_overlayer_lowered;
	s5 =	simm.s32 $_tile_overlayer_lowered  }
0x9b: {  	s6 =	simm.s32 $0x1BFF;
	s21 =	sshll.u32 s5, $0x1;
	s3 =	sadd.s32 s20, s19  }
0x9c: {  	s22 =	simm.s32 $0x0;
	s4 =	sshll.u32 s4, $0x1;
	s5 =	sadd.s32 s21, s3  }
0x9d: {  	[timem:s22], [sflag:s6] =	dma.local [hbm:s5], s4  }
0x9e: {  	_ =	swait.ge [sflag:s6], s4  }
0x9f: {  	s4 =	ssub.s32 $0x0, s4;
	[sflag:s6] =	ssyncset.done $0x0  }
0xa0: {  	[sflag:s6] =	ssyncadd.s32 s4;
	_ =	sdelay $0x1  }
0xa1: {  	s23 =	simm.s32 $0x1B8B  }
0xa2: {  	_ =	swait.ge [sflag:s23], $0x1  }
0xa3: {  	[sflag:s23] =	ssyncset.done $0x0  }
0xa4: {  	[sflag:s23] =	ssyncadd.s32 $0xFFFFFFFF  }
0xa5: {  	s4 =	sld [smem:$0x0]  }
0xa6: {  	s5 =	sand.u32 $0xFFFFFFFE, s1  }
0xa7: {  	p0 =	sne.s32 s1, s5  }
0xa8: {  	s5 =	sshll.u32 @p0 s5, $0xE  }
0xa9: {  	s5 =	sadd.s32 @p0 $0x11B8D, s5;
	s6 =	sshll.u32 @p0 s4, $0x11  }
0xaa: {  	s5 =	sor.u32 @p0 s6, s5  }
0xab: {  	[sflag:s5] =	ssyncadd.remote.s32 @p0 $0x1;
	_ =	sdelay $0x1  }
0xac: {  	s5 =	simm.s32 @p0 $0x1B8D  }
0xad: {  	_ =	swait.eq @p0 [sflag:s5], $0x1  }
0xae: {  	[sflag:s5] =	ssyncadd.s32 @p0 $0xFFFFFFFF  }
0xaf: {  	s6 =	sshll.u32 @!p0 s1, $0xE  }
0xb0: {  	s6 =	sor.u32 @!p0 $0x4000, s6;
	s5 =	simm.s32 @!p0 $0x1B8D  }
0xb1: {  	s4 =	sshll.u32 @!p0 s4, $0x11;
	s6 =	sadd.s32 @!p0 $0x11B8D, s6;
	_ =	swait.eq @!p0 [sflag:s5], $0x1  }
0xb2: {  	s4 =	sor.u32 @!p0 s4, s6;
	[sflag:s5] =	ssyncadd.s32 @!p0 $0xFFFFFFFF  }
0xb3: {  	s25 =	simm.s32 $0x1B8E;
	s24 =	sld [smem:$0x3FFE];
	[sflag:s4] =	ssyncadd.remote.s32 @!p0 $0x1  }
0xb4: {  	s26 =	simm.s32 $execute0_lowered;
	[smem:$0x3FD2] =	sst s25  }
0xb5: {  	s5 =	sshll.u32 s26, $0x1;
	_ =	strace $0x80000049;
	[dreg:$0x1] =	wrdreg $0xFFFFFFFF  }
0xb6: {  	s28 =	simm.s32 $_size_execute0_lowered;
	s3 =	sadd.s32 s3, s5;
	[dreg:$0x0] =	wrdreg $0x0  }
0xb7: {  	s5 =	sshll.u32 s28, $0x1;
	[dreg:$0x2] =	wrdreg s3  }
0xb8: {  	[dreg:$0x3] =	wrdreg s5  }
0xb9: {  	[dreg:$0x4] =	wrdreg $0xC0  }
0xba: {  	_ =	task [dreg:s22], $0x5FFFF  }
0xbb: {  	[dreg:$0x1] =	wrdreg $0xFFFFFFFF  }
0xbc: {  	[dreg:$0x0] =	wrdreg $0x60  }
0xbd: {  	[dreg:$0x2] =	wrdreg s24  }
0xbe: {  	[dreg:$0x3] =	wrdreg $0xA  }
0xbf: {  	_ =	task.clear_ibuf [dreg:s22], $0x4FFFF;
	_ =	strace $0x90000049  }
0xc0: {  	s29 =	simm.s32 $0xA;
	_ =	strace $0x8000004B  }
0xc1: {  	_ =	swait.ge [sflag:s29], $0x1  }
0xc2: {  	[sflag:s29] =	ssyncadd.s32 $0xFFFFFFFF  }
0xc3: {  	_ =	strace $0x9000004B  }
0xc4: {  	_ =	sfence  }
0xc5: {  	s30 =	sld [smem:$0x0];
	_ =	sdelay $0x2  }
0xc6: {  	s31 =	sshll.u32 s1, $0xD;
	s1 =	sshrl.u32 s1, $0x2  }
0xc7: {  	s4 =	sand.u32 $0x4000, s31;
	s1 =	sadd.s32 s1, s30  }
0xc8: {  	s0 =	sor.u32 s4, s0;
	s1 =	sshll.u32 s1, $0x11  }
0xc9: {  	s0 =	sor.u32 s1, s0  }
0xca: {  	s0 =	sadd.s32 $0x8F2B, s0  }
0xcb: {  	[sflag:s0] =	ssyncadd.remote.s32 $0x1  }
0xcc: {  	_ =	sfence.sel $0xFFFF  }
0xcd: {  	[dreg:$0x0] =	wrdreg $0xFFFFFFFF;
	(pc) =	sbr.abs _section_cstart, $3  }
0xce: {  	[dreg:$0x1] =	wrdreg $0xFFFFFFFF  }
0xcf: {  	_ =	task.clear_ibuf [dreg:s22], $0x2FFFF;
	_ =	strace $0x9FFFFFFF  }
0xd0: {  	(tm) =	ssettm $0x7FFFFFFF  }
0xd1: {  	_ =	shalt  }
tec
execute0_lowered:
.L_overlay_start_1:
0x0: {  	(tag) =	ssettag $0x1  }
0x1: {  	s0 =	rddreg [dreg:$0x0];
	s2 =	simm.s32 $0x0;
	s8 =	stileid.u32  }
0x2: {  	s1 =	srdreg.scid;
	s16 =	simm.s32 $0x100;
	s17 =	simm.s32 $0x80  }
0x3: {  	s18 =	simm.s32 $0x180;
	s19 =	simm.s32 $0x1;
	s20 =	simm.s32 $0x50  }
0x4: {  	s21 =	simm.s32 $0x200;
	s22 =	simm.s32 $0x5200;
	s28 =	simm.s32 $0x5  }
0x5: {  	s29 =	simm.s32 $0x4;
	s30 =	simm.s32 $0x0;
	[smem:$0x7FF] =	sst s2  }
0x6: {  	s1 =	sand.u32 $0x1, s1;
	s4 =	sshll.u32 s8, $0x1;
	s5 =	smul.u32 $0x16800, s8  }
0x7: {  	s3 =	sadd.s32 $0x1B000, s0;
	s12 =	sadd.s32 $0x7400, s0;
	s8 =	smul.u32 $0x1680, s8  }
0x8: {  	s14 =	sadd.s32 $0x11200, s0;
	_ =	strace $0x8000004A;
	s10 =	smul.u32 $0xB40, s1  }
0x9: {  	s6 =	sor.u32 s1, s4;
	s7 =	ssub.s32 $0x2, s1;
	s1 =	smul.u32 $0xB400, s1  }
0xa: {  	s4 =	sadd.s32 $0x42200, s0;
	s6 =	smul.u32 $0xB40, s6;
	s9 =	sshrl.u32 s7, $0x1  }
0xb: {  	s0 =	sadd.s32 s5, s0;
	s9 =	ssub.s32 s7, s9;
	s13 =	sadd.s32 s10, s8  }
0xc: {  	s1 =	sadd.s32 s1, s0;
	s6 =	sshrl.u32 s6, $0x3;
	s10 =	sadd.s32 $0x168F0, s13  }
0xd: {  	s9 =	smax.u32 s9, $0x1;
	s13 =	sadd.s32 $0x168A0, s13;
	s0 =	sadd.s32 $0x339900, s1  }
0xe: {  	s23 =	sadd.s32 $0x2D00, s6;
	s11 =	sadd.s32 $0x2D0A, s6;
	s31 =	sshrl.u32 s10, $0x3  }
0xf: {  	s15 =	sshrl.u32 s13, $0x3;
	s13 =	sadd.s32 $0x4A1900, s1;
	s24 =	sadd.s32 s12, s23  }
.Ltmp0:
0x10: {  	s25 =	sadd.s32 s14, s23;
	s26 =	sadd.s32 s12, s11;
	(pc) =	sbr.rel .LBB2_1-.Ltmp0, $4  }
0x11: {  	s8 =	sadd.s32 s14, s11;
	s10 =	sadd.s32 s31, s14;
	[dreg:$0x2] =	wrdreg s24  }
0x12: {  	s11 =	sadd.s32 s31, s12;
	s14 =	sadd.s32 s15, s14;
	[dreg:$0x3] =	wrdreg s25  }
0x13: {  	s15 =	sadd.s32 s15, s12;
	s23 =	simm.s32 $0x2;
	[dreg:$0x4] =	wrdreg s26  }
0x14: {  	s24 =	simm.s32 $0x3;
	s25 =	simm.s32 $0x2A00;
	s26 =	simm.s32 $0x7A00  }
.LBB2_4:
0x15: {  	s30 =	sadd.s32 $0x1, s30  }
0x16: {  	p0 =	sne.s32 s30, s9  }
.Ltmp1:
0x17: {  	_ = 	snop;
	(pc) =	sbr.rel @!p0 .LBB2_5-.Ltmp1, $1  }
0x18: {  	_ =	sdelay $0x3  }
.LBB2_1:
0x19: {  	s1 =	rddreg [dreg:$0x2]  }
0x1a: {  	[tilespmem:s2], [sflag:$0x1] =	stream.linear.gather [hbm4b:s1+s2], $0x50, $0x38;
	[tilespmem:$0xA200] =	vst v63  }
0x1b: {  	s7 =	rddreg [dreg:$0x3]  }
0x1c: {  	[tilespmem:s16], [sflag:$0x1] =	stream.linear.gather [hbm4b:s7+s2], $0x50, $0x38;
	[tilespmem:$0xA200] =	vst v63  }
0x1d: {  	s12 =	rddreg [dreg:$0x4]  }
0x1e: {  	[tilespmem:s17], [sflag:$0x2] =	stream.linear.gather [hbm4b:s12+s2], $0x50, $0x38;
	[tilespmem:$0xA200] =	vst v63  }
0x1f: {  	_ = 	snop  }
0x20: {  	[tilespmem:s18], [sflag:$0x2] =	stream.linear.gather [hbm4b:s8+s2], $0x50, $0x38;
	[tilespmem:$0xA200] =	vst v63  }
0x21: {  	_ =	swait.ge [sflag:s19], $0x50  }
0x22: {  	[sflag:s19] =	ssyncset.done $0x0  }
0x23: {  	[sflag:s19] =	ssyncadd.s32 $0xFFFFFFB0  }
0x24: {  	_ =	swait.ge [sflag:s19], $0x50  }
0x25: {  	[sflag:s19] =	ssyncset.done $0x0  }
0x26: {  	[sflag:s19] =	ssyncadd.s32 $0xFFFFFFB0  }
0x27: {  	[tilespmem:s21], [sflag:$0x3] =	stream.indirect.gather [hbm4b:s3+s20], $0x80, s2, s20, $0xb8;
	[tilespmem:$0xA200] =	vst v63  }
0x28: {  	s31 =	smov.u32 s13;
	s1 =	simm.s32 $0x0;
	s12 =	smov.u32 s0  }
0x29: {  	[tilespmem:s22], [sflag:$0x3] =	stream.indirect.gather [hbm4b:s4+s20], $0x80, s16, s20, $0xb8;
	[tilespmem:$0xA200] =	vst v63  }
.LBB2_2:
0x2a: {  	_ =	swait.ge [sflag:s23], $0x50  }
0x2b: {  	[sflag:s23] =	ssyncset.done $0x0  }
0x2c: {  	[sflag:s23] =	ssyncadd.s32 $0xFFFFFFB0  }
0x2d: {  	_ =	swait.ge [sflag:s23], $0x50  }
0x2e: {  	[sflag:s23] =	ssyncset.done $0x0  }
0x2f: {  	[sflag:s23] =	ssyncadd.s32 $0xFFFFFFB0  }
0x30: {  	_ =	swait.ge [sflag:s24], $0x2800  }
0x31: {  	[sflag:s24] =	ssyncset.done $0x0  }
0x32: {  	[sflag:s24] =	ssyncadd.s32 $0xFFFFD800  }
0x33: {  	_ =	swait.ge [sflag:s24], $0x2800  }
0x34: {  	[sflag:s24] =	ssyncset.done $0x0  }
0x35: {  	[sflag:s24] =	ssyncadd.s32 $0xFFFFD800  }
0x36: {  	[tilespmem:s25], [sflag:$0x4] =	stream.indirect.gather [hbm4b:s3+s20], $0x80, s17, s20, $0xb8;
	[tilespmem:$0xA200] =	vst v63  }
0x37: {  	_ = 	snop  }
0x38: {  	[tilespmem:s26], [sflag:$0x4] =	stream.indirect.gather [hbm4b:s4+s20], $0x80, s18, s20, $0xb8;
	[tilespmem:$0xA200] =	vst v63  }
0x39: {  	s5 =	sadd.s32 $0xFFFFFB00, s12  }
0x3a: {  	[hbm4b:s5+s2] =	stream.linear.scatter [tilespmem:s21], [sflag:$0x5], $0x2800, $0x38;
	[tilespmem:$0xA200] =	vst v63  }
0x3b: {  	_ =	swait.ge [sflag:s28], $0x2800  }
0x3c: {  	[sflag:s28] =	ssyncset.done $0x0  }
0x3d: {  	s7 =	sadd.s32 $0xFFFFFB00, s31;
	[sflag:s28] =	ssyncadd.s32 $0xFFFFD800  }
0x3e: {  	[hbm4b:s7+s2] =	stream.linear.scatter [tilespmem:s22], [sflag:$0x5], $0x2800, $0x38;
	[tilespmem:$0xA200] =	vst v63  }
0x3f: {  	_ =	swait.ge [sflag:s28], $0x2800  }
0x40: {  	p0 =	seq.s32 s1, $0x154;
	[sflag:s28] =	ssyncset.done $0x0  }
0x41: {  	s6 =	simm.s32 @!p0 $0x0;
	s5 =	sadd.s32 @!p0 s1, s15;
	[sflag:s28] =	ssyncadd.s32 $0xFFFFD800  }
0x42: {  	[tilespmem:s6], [sflag:$0x1] =	stream.linear.gather @!p0 [hbm4b:s5+s6], $0x50, $0x38;
	[tilespmem:$0xA200] =	vst v63  }
0x43: {  	s7 =	simm.s32 @!p0 $0x100;
	s5 =	sadd.s32 @!p0 s1, s14  }
0x44: {  	[tilespmem:s7], [sflag:$0x1] =	stream.linear.gather @!p0 [hbm4b:s5+s6], $0x50, $0x38;
	[tilespmem:$0xA200] =	vst v63  }
0x45: {  	_ =	swait.ge [sflag:s29], $0x2800  }
0x46: {  	[sflag:s29] =	ssyncset.done $0x0  }
0x47: {  	[sflag:s29] =	ssyncadd.s32 $0xFFFFD800  }
0x48: {  	_ =	swait.ge [sflag:s29], $0x2800  }
0x49: {  	[sflag:s29] =	ssyncset.done $0x0  }
0x4a: {  	[sflag:s29] =	ssyncadd.s32 $0xFFFFD800  }
0x4b: {  	[hbm4b:s12+s2] =	stream.linear.scatter [tilespmem:s25], [sflag:$0x5], $0x2800, $0x38;
	[tilespmem:$0xA200] =	vst v63  }
0x4c: {  	_ =	swait.ge [sflag:s28], $0x2800  }
0x4d: {  	[sflag:s28] =	ssyncset.done $0x0  }
.Ltmp2:
0x4e: {  	[sflag:s28] =	ssyncadd.s32 $0xFFFFD800;
	(pc) =	sbr.rel @p0 .LBB2_4-.Ltmp2, $4  }
0x4f: {  	[hbm4b:s31+s2] =	stream.linear.scatter [tilespmem:s26], [sflag:$0x5], $0x2800, $0x38;
	[tilespmem:$0xA200] =	vst v63  }
0x50: {  	_ =	swait.ge [sflag:s28], $0x2800  }
0x51: {  	[sflag:s28] =	ssyncset.done $0x0  }
0x52: {  	[sflag:s28] =	ssyncadd.s32 $0xFFFFD800  }
0x53: {  	s5 =	sadd.s32 s1, s11  }
0x54: {  	[tilespmem:s17], [sflag:$0x2] =	stream.linear.gather [hbm4b:s5+s2], $0x50, $0x38;
	[tilespmem:$0xA200] =	vst v63  }
0x55: {  	s7 =	sadd.s32 s1, s10  }
0x56: {  	[tilespmem:s18], [sflag:$0x2] =	stream.linear.gather [hbm4b:s7+s2], $0x50, $0x38;
	[tilespmem:$0xA200] =	vst v63  }
0x57: {  	_ =	swait.ge [sflag:s19], $0x50  }
0x58: {  	[sflag:s19] =	ssyncset.done $0x0  }
0x59: {  	[sflag:s19] =	ssyncadd.s32 $0xFFFFFFB0  }
0x5a: {  	_ =	swait.ge [sflag:s19], $0x50  }
.Ltmp3:
0x5b: {  	[sflag:s19] =	ssyncset.done $0x0;
	(pc) =	sbr.rel .LBB2_2-.Ltmp3, $4  }
0x5c: {  	[sflag:s19] =	ssyncadd.s32 $0xFFFFFFB0  }
0x5d: {  	[tilespmem:s21], [sflag:$0x3] =	stream.indirect.gather [hbm4b:s3+s20], $0x80, s2, s20, $0xb8;
	[tilespmem:$0xA200] =	vst v63  }
0x5e: {  	s1 =	sadd.s32 $0x14, s1;
	s12 =	sadd.s32 $0xA00, s12;
	s31 =	sadd.s32 $0xA00, s31  }
0x5f: {  	[tilespmem:s22], [sflag:$0x3] =	stream.indirect.gather [hbm4b:s4+s20], $0x80, s16, s20, $0xb8;
	[tilespmem:$0xA200] =	vst v63  }
.LBB2_5:
0x60: {  	_ =	sfence.sel $0x180000  }
0x61: {  	[bflag:$0x0] =	sbarrier.arrive $0xFFFF  }
0x62: {  	_ =	strace $0x9000004A  }
0x63: {  	s0 =	stileid.u32;
	[bflag:$0x2] =	sbarrier.arrive $0xFFFF  }
0x64: {  	p0 =	sne.s32 s0, $0x0;
	s0 =	rddreg [dreg:$0x1]  }
0x65: {  	s0 =	sadd.s32 @!p0 $0x100000, s0  }
0x66: {  	[sflag:s0] =	ssyncadd.tile.s32 @!p0 $0x1;
	_ =	shalt  }
.Lfunc_end2:
_tile_overlayer_lowered:
.L_overlay_start_2:
0x67: {  	(tag) =	ssettag $0x2  }
0x68: {  	s0 =	rddreg [dreg:$0x0];
	s2 =	stileid.u32  }
0x69: {  	s1 =	rddreg [dreg:$0x1];
	p0 =	sne.s32 s2, $0x0  }
0x6a: {  	s3 =	rddreg [dreg:$0x2];
	[bflag:$0x3] =	sbarrier.arrive $0xFFFF;
	s2 =	simm.s32 @!p0 $0x1C05  }
0x6b: {  	[timem:s3], [sflag:s2] =	dma.local @!p0 [hbm:s0], s1  }
0x6c: {  	s0 =	simm.s32 @!p0 $0x5  }
0x6d: {  	_ =	swait.ge @!p0 [sflag:s0], s1  }
0x6e: {  	s1 =	ssub.s32 @!p0 $0x0, s1;
	[sflag:s0] =	ssyncset.done @!p0 $0x0  }
0x6f: {  	[sflag:s0] =	ssyncadd.s32 @!p0 s1  }
0x70: {  	[bflag:$0x3] =	sbarrier.arrive $0xFFFF  }
0x71: {  	_ =	shalt  }

// kernel: kernel.21.cloned.1.call-start
scs
__scs_entry_jumppad:
0x0: {  	(pc) =	sbr.rel $0x88, $3  }
0x1: {  	(tag) =	ssettag $0x0;
	lr =	simm.s32 $0x1  }
0x2: {  	[smem:$0x3F8E] =	sst lr;
	_ =	strace $0xD0000000  }
0x3: {  	_ = 	snop  }
0x4: {  	_ = 	snop  }
0x5: {  	_ = 	snop  }
0x6: {  	_ = 	snop  }
0x7: {  	_ = 	snop  }
__scs_overlays_trampoline_lowered:
0x8: {  	[smem:$0x3F9D] =	sst s0  }
0x9: {  	[smem:$0x3F9E] =	sst s1  }
0xa: {  	[smem:$0x3F9F] =	sst s2  }
0xb: {  	[smem:$0x3FA0] =	sst s3  }
0xc: {  	[smem:$0x3FA1] =	sst s4  }
0xd: {  	[smem:$0x3FA2] =	sst s5  }
0xe: {  	[smem:$0x3FA3] =	sst s6  }
0xf: {  	[smem:$0x3FA4] =	sst s7  }
0x10: {  	[smem:$0x3FA5] =	sst s8  }
0x11: {  	[smem:$0x3FA6] =	sst s9;
	s0 =	simm.s32 @!p0 $0x0  }
0x12: {  	s1 =	sld [smem:$0x3F8C];
	s0 =	simm.s32 @p0 $0x1  }
0x13: {  	[smem:$0x3FA7] =	sst s0;
	s0 =	simm.s32 @!p1 $0x0  }
0x14: {  	s2 =	sld [smem:$0x3F8B];
	s0 =	simm.s32 @p1 $0x1  }
0x15: {  	[smem:$0x3FA8] =	sst s0;
	s0 =	simm.s32 @!p2 $0x0  }
0x16: {  	s3 =	sld [smem:$0x3FDB];
	s0 =	simm.s32 @p2 $0x1  }
0x17: {  	s4 =	simm.s32 $0x1BF5;
	[smem:$0x3FAA] =	sst s0  }
0x18: {  	s0 =	sld [smem:$0x3F8D];
	_ =	swait.ge [sflag:s4], $0x0  }
0x19: {  	s7 =	sld [smem:$0x3F8E]  }
0x1a: {  	s8 =	sadd.s32 $0xFFFFE003, lr  }
0x1b: {  	s9 =	sadd.s32 $0xFFFFFEF7, lr;
	s5 =	simm.s32 $0xFFFFFFFF;
	p2 =	slt.u32 s8, $0xFFFFF086  }
0x1c: {  	p1 =	slt.u32 s9, $0xF7A;
	s5 =	simm.s32 @!p2 $0x0  }
0x1d: {  	s5 =	simm.s32 @p1 $0x1;
	p0 =	seq.s32 s7, s2  }
0x1e: {  	s7 =	smul.u32 @!p0 $0xF7A, s2;
	p2 =	seq.s32 @!p0 s5, $0x0  }
0x1f: {  	s9 =	smul.u32 $0xF7A, s1;
	s8 =	simm.s32 @!p0 $0x1BF5;
	p2 =	por !p2, p0  }
0x20: {  	[sflag:s8] =	ssyncset.s32 @!p0 $0xFFFFF086;
	s6 =	sadd.s32 @!p0 s3, s7;
	s7 =	simm.s32 @!p0 $0x108  }
0x21: {  	s3 =	sadd.s32 s3, s9;
	s6 =	sadd.s32 @!p0 $0x88, s6;
	s7 =	simm.s32 @p2 $0x1082  }
0x22: {  	[simem:s7], [sflag:s8] =	dma.local @!p0 [hbm:s6], $0xF7A  }
0x23: {  	s9 =	sor.u32 $0xD0000000, s2;
	s6 =	simm.s32 $0x108;
	_ =	swait.ge @!p0 [sflag:s8], $0x0  }
0x24: {  	s3 =	sadd.s32 $0x88, s3;
	s6 =	simm.s32 @!p1 $0x1082;
	[sflag:s4] =	ssyncset.s32 $0xFFFFF086  }
0x25: {  	[simem:s6], [sflag:s4] =	dma.local [hbm:s3], $0xF7A  }
0x26: {  	[smem:$0x3F8E] =	sst s1;
	(tag) =	ssettag s2;
	_ =	strace s9  }
0x27: {  	s1 =	sld [smem:$0x3F9E]  }
0x28: {  	s2 =	sld [smem:$0x3F9F]  }
0x29: {  	s4 =	sld [smem:$0x3FA1]  }
0x2a: {  	p0 =	seq.s32 s5, $0x0;
	s5 =	sld [smem:$0x3FA2]  }
0x2b: {  	s6 =	sld [smem:$0x3FA3]  }
0x2c: {  	s7 =	sld [smem:$0x3FA4]  }
0x2d: {  	s3 =	simm.s32 $0x108;
	s8 =	sld [smem:$0x3FA5]  }
0x2e: {  	s3 =	simm.s32 @!p0 $0x1082;
	s9 =	sld [smem:$0x3FA6]  }
0x2f: {  	lr =	sadd.s32 s0, s3;
	s0 =	sld [smem:$0x3F9D]  }
0x30: {  	s3 =	sld [smem:$0x3FA0]  }
0x31: {  	[smem:$0x3FA9] =	sst s10  }
0x32: {  	s10 =	sld [smem:$0x3FA7];
	_ =	sdelay $0x3  }
0x33: {  	p0 =	seq.s32 s10, $0x1;
	s10 =	sld [smem:$0x3FA9];
	_ =	sdelay $0x3  }
0x34: {  	[smem:$0x3FA9] =	sst s10  }
0x35: {  	s10 =	sld [smem:$0x3FA8];
	_ =	sdelay $0x3  }
0x36: {  	p1 =	seq.s32 s10, $0x1;
	s10 =	sld [smem:$0x3FA9];
	_ =	sdelay $0x3  }
0x37: {  	[smem:$0x3FA9] =	sst s10  }
0x38: {  	s10 =	sld [smem:$0x3FAA]  }
0x39: {  	_ = 	snop;
	(pc) =	sbr.ind lr, $3  }
0x3a: {  	_ = 	snop  }
0x3b: {  	_ = 	snop  }
0x3c: {  	p2 =	seq.s32 s10, $0x1;
	s10 =	sld [smem:$0x3FA9]  }
0x3d: {  	_ =	shalt  }
0x3e: {  	_ =	shalt  }
0x3f: {  	_ =	shalt  }
0x40: {  	_ =	shalt  }
0x41: {  	_ =	shalt  }
0x42: {  	_ =	shalt  }
0x43: {  	_ =	shalt  }
0x44: {  	_ =	shalt  }
0x45: {  	_ =	shalt  }
0x46: {  	_ =	shalt  }
0x47: {  	_ =	shalt  }
0x48: {  	_ =	shalt  }
0x49: {  	_ =	shalt  }
0x4a: {  	_ =	shalt  }
0x4b: {  	_ =	shalt  }
0x4c: {  	_ =	shalt  }
0x4d: {  	_ =	shalt  }
0x4e: {  	_ =	shalt  }
0x4f: {  	_ =	shalt  }
0x50: {  	_ =	shalt  }
0x51: {  	_ =	shalt  }
0x52: {  	_ =	shalt  }
0x53: {  	_ =	shalt  }
0x54: {  	_ =	shalt  }
0x55: {  	_ =	shalt  }
0x56: {  	_ =	shalt  }
0x57: {  	_ =	shalt  }
0x58: {  	_ =	shalt  }
0x59: {  	_ =	shalt  }
0x5a: {  	_ =	shalt  }
0x5b: {  	_ =	shalt  }
0x5c: {  	_ =	shalt  }
0x5d: {  	_ =	shalt  }
0x5e: {  	_ =	shalt  }
0x5f: {  	_ =	shalt  }
0x60: {  	_ =	shalt  }
0x61: {  	_ =	shalt  }
0x62: {  	_ =	shalt  }
0x63: {  	_ =	shalt  }
0x64: {  	_ =	shalt  }
0x65: {  	_ =	shalt  }
0x66: {  	_ =	shalt  }
0x67: {  	_ =	shalt  }
0x68: {  	_ =	shalt  }
0x69: {  	_ =	shalt  }
0x6a: {  	_ =	shalt  }
0x6b: {  	_ =	shalt  }
0x6c: {  	_ =	shalt  }
0x6d: {  	_ =	shalt  }
0x6e: {  	_ =	shalt  }
0x6f: {  	_ =	shalt  }
0x70: {  	_ =	shalt  }
0x71: {  	_ =	shalt  }
0x72: {  	_ =	shalt  }
0x73: {  	_ =	shalt  }
0x74: {  	_ =	shalt  }
0x75: {  	_ =	shalt  }
0x76: {  	_ =	shalt  }
0x77: {  	_ =	shalt  }
0x78: {  	_ =	shalt  }
0x79: {  	_ =	shalt  }
0x7a: {  	_ =	shalt  }
0x7b: {  	_ =	shalt  }
0x7c: {  	_ =	shalt  }
0x7d: {  	_ =	shalt  }
0x7e: {  	_ =	shalt  }
0x7f: {  	_ =	shalt  }
0x80: {  	_ =	shalt  }
0x81: {  	_ =	shalt  }
0x82: {  	_ =	shalt  }
0x83: {  	_ =	shalt  }
0x84: {  	_ =	shalt  }
0x85: {  	_ =	shalt  }
0x86: {  	_ =	shalt  }
0x87: {  	_ =	shalt  }
.Lfunc_end0:
.L_simem_size_0:
called_computation.2_lowered:
.L_overlay_start_0:
0x88: {  	s2 =	sld [smem:$0x3FD9]  }
0x89: {  	s3 =	sld [smem:$0x3FFE];
	_ =	sdelay $0x1  }
0x8a: {  	s1 =	srdreg.scid  }
0x8b: {  	s0 =	sand.u32 $0x1, s1  }
0x8c: {  	s17 =	sshll.u32 s0, $0xA;
	s2 =	sadd.s32 s3, s2  }
0x8d: {  	s2 =	sadd.s32 s2, s17  }
0x8e: {  	[smem:$0x3FB5] =	sst s2  }
0x8f: {  	_ = 	snop  }
0x90: {  	(tm) =	ssettm $0x1  }
0x91: {  	s18 =	sld [smem:$0x3FFB];
	_ =	sdelay $0x3  }
0x92: {  	_ =	strace s18  }
0x93: {  	s2 =	sld [smem:$0x3FFC];
	_ =	sdelay $0x3  }
0x94: {  	_ =	strace s2  }
0x95: {  	s2 =	sld [smem:$0x3FFD];
	_ =	sdelay $0x3  }
0x96: {  	_ =	strace s2  }
0x97: {  	_ =	strace $0x8FFFFFFF  }
0x98: {  	s19 =	sld [smem:$0x3FDB];
	_ =	sdelay $0x1  }
0x99: {  	s20 =	simm.s32 $_scs_section_size  }
0x9a: {  	s4 =	simm.s32 $_size__tile_overlayer_lowered;
	s5 =	simm.s32 $_tile_overlayer_lowered  }
0x9b: {  	s6 =	simm.s32 $0x1BFF;
	s21 =	sshll.u32 s5, $0x1;
	s3 =	sadd.s32 s20, s19  }
0x9c: {  	s22 =	simm.s32 $0x0;
	s4 =	sshll.u32 s4, $0x1;
	s5 =	sadd.s32 s21, s3  }
0x9d: {  	[timem:s22], [sflag:s6] =	dma.local [hbm:s5], s4  }
0x9e: {  	_ =	swait.ge [sflag:s6], s4  }
0x9f: {  	s4 =	ssub.s32 $0x0, s4;
	[sflag:s6] =	ssyncset.done $0x0  }
0xa0: {  	[sflag:s6] =	ssyncadd.s32 s4;
	_ =	sdelay $0x1  }
0xa1: {  	s23 =	simm.s32 $0x1B8B  }
0xa2: {  	_ =	swait.ge [sflag:s23], $0x1  }
0xa3: {  	[sflag:s23] =	ssyncset.done $0x0  }
0xa4: {  	[sflag:s23] =	ssyncadd.s32 $0xFFFFFFFF  }
0xa5: {  	s4 =	sld [smem:$0x0]  }
0xa6: {  	s5 =	sand.u32 $0xFFFFFFFE, s1  }
0xa7: {  	p0 =	sne.s32 s1, s5  }
0xa8: {  	s5 =	sshll.u32 @p0 s5, $0xE  }
0xa9: {  	s5 =	sadd.s32 @p0 $0x11B8D, s5;
	s6 =	sshll.u32 @p0 s4, $0x11  }
0xaa: {  	s5 =	sor.u32 @p0 s6, s5  }
0xab: {  	[sflag:s5] =	ssyncadd.remote.s32 @p0 $0x1;
	_ =	sdelay $0x1  }
0xac: {  	s5 =	simm.s32 @p0 $0x1B8D  }
0xad: {  	_ =	swait.eq @p0 [sflag:s5], $0x1  }
0xae: {  	[sflag:s5] =	ssyncadd.s32 @p0 $0xFFFFFFFF  }
0xaf: {  	s6 =	sshll.u32 @!p0 s1, $0xE  }
0xb0: {  	s6 =	sor.u32 @!p0 $0x4000, s6;
	s5 =	simm.s32 @!p0 $0x1B8D  }
0xb1: {  	s4 =	sshll.u32 @!p0 s4, $0x11;
	s6 =	sadd.s32 @!p0 $0x11B8D, s6;
	_ =	swait.eq @!p0 [sflag:s5], $0x1  }
0xb2: {  	s4 =	sor.u32 @!p0 s4, s6;
	[sflag:s5] =	ssyncadd.s32 @!p0 $0xFFFFFFFF  }
0xb3: {  	s25 =	simm.s32 $0x1B8E;
	s24 =	sld [smem:$0x3FFE];
	[sflag:s4] =	ssyncadd.remote.s32 @!p0 $0x1  }
0xb4: {  	s26 =	simm.s32 $execute0_lowered;
	[smem:$0x3FD2] =	sst s25  }
0xb5: {  	s5 =	sshll.u32 s26, $0x1;
	_ =	strace $0x8000004C;
	[dreg:$0x1] =	wrdreg $0xFFFFFFFF  }
0xb6: {  	s28 =	simm.s32 $_size_execute0_lowered;
	s3 =	sadd.s32 s3, s5;
	[dreg:$0x0] =	wrdreg $0x0  }
0xb7: {  	s5 =	sshll.u32 s28, $0x1;
	[dreg:$0x2] =	wrdreg s3  }
0xb8: {  	[dreg:$0x3] =	wrdreg s5  }
0xb9: {  	[dreg:$0x4] =	wrdreg $0xC0  }
0xba: {  	_ =	task [dreg:s22], $0x5FFFF  }
0xbb: {  	[dreg:$0x1] =	wrdreg $0xFFFFFFFF  }
0xbc: {  	[dreg:$0x0] =	wrdreg $0x60  }
0xbd: {  	[dreg:$0x2] =	wrdreg s24  }
0xbe: {  	[dreg:$0x3] =	wrdreg $0xB  }
0xbf: {  	_ =	task.clear_ibuf [dreg:s22], $0x4FFFF;
	_ =	strace $0x9000004C  }
0xc0: {  	s29 =	simm.s32 $0xB;
	_ =	strace $0x8000004E  }
0xc1: {  	_ =	swait.ge [sflag:s29], $0x1  }
0xc2: {  	[sflag:s29] =	ssyncadd.s32 $0xFFFFFFFF  }
0xc3: {  	_ =	strace $0x9000004E  }
0xc4: {  	_ =	sfence  }
0xc5: {  	s30 =	sld [smem:$0x0];
	_ =	sdelay $0x2  }
0xc6: {  	s31 =	sshll.u32 s1, $0xD;
	s1 =	sshrl.u32 s1, $0x2  }
0xc7: {  	s4 =	sand.u32 $0x4000, s31;
	s1 =	sadd.s32 s1, s30  }
0xc8: {  	s0 =	sor.u32 s4, s0;
	s1 =	sshll.u32 s1, $0x11  }
0xc9: {  	s0 =	sor.u32 s1, s0  }
0xca: {  	s0 =	sadd.s32 $0x8F2B, s0  }
0xcb: {  	[sflag:s0] =	ssyncadd.remote.s32 $0x1  }
0xcc: {  	_ =	sfence.sel $0xFFFF  }
0xcd: {  	[dreg:$0x0] =	wrdreg $0xFFFFFFFF;
	(pc) =	sbr.abs _section_cstart, $3  }
0xce: {  	[dreg:$0x1] =	wrdreg $0xFFFFFFFF  }
0xcf: {  	_ =	task.clear_ibuf [dreg:s22], $0x2FFFF;
	_ =	strace $0x9FFFFFFF  }
0xd0: {  	(tm) =	ssettm $0x7FFFFFFF  }
0xd1: {  	_ =	shalt  }
tec
execute0_lowered:
.L_overlay_start_1:
0x0: {  	(tag) =	ssettag $0x1  }
0x1: {  	s0 =	rddreg [dreg:$0x0];
	s2 =	simm.s32 $0x0;
	s8 =	stileid.u32  }
0x2: {  	s1 =	srdreg.scid;
	s16 =	simm.s32 $0x100;
	s17 =	simm.s32 $0x80  }
0x3: {  	s18 =	simm.s32 $0x180;
	s19 =	simm.s32 $0x1;
	s20 =	simm.s32 $0x50  }
0x4: {  	s21 =	simm.s32 $0x200;
	s22 =	simm.s32 $0x5200;
	s28 =	simm.s32 $0x5  }
0x5: {  	s29 =	simm.s32 $0x4;
	s30 =	simm.s32 $0x0;
	[smem:$0x7FF] =	sst s2  }
0x6: {  	s1 =	sand.u32 $0x1, s1;
	s4 =	sshll.u32 s8, $0x1;
	s5 =	smul.u32 $0x17C00, s8  }
0x7: {  	s3 =	sadd.s32 $0x1B000, s0;
	s12 =	sadd.s32 $0x7400, s0;
	s8 =	smul.u32 $0x17C0, s8  }
0x8: {  	s14 =	sadd.s32 $0x11200, s0;
	_ =	strace $0x8000004D;
	s10 =	smul.u32 $0xBE0, s1  }
0x9: {  	s6 =	sor.u32 s1, s4;
	s7 =	ssub.s32 $0x2, s1;
	s1 =	smul.u32 $0xBE00, s1  }
0xa: {  	s4 =	sadd.s32 $0x42200, s0;
	s6 =	smul.u32 $0xBE0, s6;
	s9 =	sshrl.u32 s7, $0x1  }
0xb: {  	s0 =	sadd.s32 s5, s0;
	s9 =	ssub.s32 s7, s9;
	s13 =	sadd.s32 s10, s8  }
0xc: {  	s1 =	sadd.s32 s1, s0;
	s6 =	sshrl.u32 s6, $0x3;
	s10 =	sadd.s32 $0x2D0F0, s13  }
0xd: {  	s9 =	smax.u32 s9, $0x1;
	s13 =	sadd.s32 $0x2D0A0, s13;
	s0 =	sadd.s32 $0x609900, s1  }
0xe: {  	s23 =	sadd.s32 $0x5A00, s6;
	s11 =	sadd.s32 $0x5A0A, s6;
	s31 =	sshrl.u32 s10, $0x3  }
0xf: {  	s15 =	sshrl.u32 s13, $0x3;
	s13 =	sadd.s32 $0x785900, s1;
	s24 =	sadd.s32 s12, s23  }
.Ltmp0:
0x10: {  	s25 =	sadd.s32 s14, s23;
	s26 =	sadd.s32 s12, s11;
	(pc) =	sbr.rel .LBB2_1-.Ltmp0, $4  }
0x11: {  	s8 =	sadd.s32 s14, s11;
	s10 =	sadd.s32 s31, s14;
	[dreg:$0x2] =	wrdreg s24  }
0x12: {  	s11 =	sadd.s32 s31, s12;
	s14 =	sadd.s32 s15, s14;
	[dreg:$0x3] =	wrdreg s25  }
0x13: {  	s15 =	sadd.s32 s15, s12;
	s23 =	simm.s32 $0x2;
	[dreg:$0x4] =	wrdreg s26  }
0x14: {  	s24 =	simm.s32 $0x3;
	s25 =	simm.s32 $0x2A00;
	s26 =	simm.s32 $0x7A00  }
.LBB2_4:
0x15: {  	s30 =	sadd.s32 $0x1, s30  }
0x16: {  	p0 =	sne.s32 s30, s9  }
.Ltmp1:
0x17: {  	_ = 	snop;
	(pc) =	sbr.rel @!p0 .LBB2_5-.Ltmp1, $1  }
0x18: {  	_ =	sdelay $0x3  }
.LBB2_1:
0x19: {  	s1 =	rddreg [dreg:$0x2]  }
0x1a: {  	[tilespmem:s2], [sflag:$0x1] =	stream.linear.gather [hbm4b:s1+s2], $0x50, $0x38;
	[tilespmem:$0xA200] =	vst v63  }
0x1b: {  	s7 =	rddreg [dreg:$0x3]  }
0x1c: {  	[tilespmem:s16], [sflag:$0x1] =	stream.linear.gather [hbm4b:s7+s2], $0x50, $0x38;
	[tilespmem:$0xA200] =	vst v63  }
0x1d: {  	s12 =	rddreg [dreg:$0x4]  }
0x1e: {  	[tilespmem:s17], [sflag:$0x2] =	stream.linear.gather [hbm4b:s12+s2], $0x50, $0x38;
	[tilespmem:$0xA200] =	vst v63  }
0x1f: {  	_ = 	snop  }
0x20: {  	[tilespmem:s18], [sflag:$0x2] =	stream.linear.gather [hbm4b:s8+s2], $0x50, $0x38;
	[tilespmem:$0xA200] =	vst v63  }
0x21: {  	_ =	swait.ge [sflag:s19], $0x50  }
0x22: {  	[sflag:s19] =	ssyncset.done $0x0  }
0x23: {  	[sflag:s19] =	ssyncadd.s32 $0xFFFFFFB0  }
0x24: {  	_ =	swait.ge [sflag:s19], $0x50  }
0x25: {  	[sflag:s19] =	ssyncset.done $0x0  }
0x26: {  	[sflag:s19] =	ssyncadd.s32 $0xFFFFFFB0  }
0x27: {  	[tilespmem:s21], [sflag:$0x3] =	stream.indirect.gather [hbm4b:s3+s20], $0x80, s2, s20, $0xb8;
	[tilespmem:$0xA200] =	vst v63  }
0x28: {  	s31 =	smov.u32 s13;
	s1 =	simm.s32 $0x0;
	s12 =	smov.u32 s0  }
0x29: {  	[tilespmem:s22], [sflag:$0x3] =	stream.indirect.gather [hbm4b:s4+s20], $0x80, s16, s20, $0xb8;
	[tilespmem:$0xA200] =	vst v63  }
.LBB2_2:
0x2a: {  	_ =	swait.ge [sflag:s23], $0x50  }
0x2b: {  	[sflag:s23] =	ssyncset.done $0x0  }
0x2c: {  	[sflag:s23] =	ssyncadd.s32 $0xFFFFFFB0  }
0x2d: {  	_ =	swait.ge [sflag:s23], $0x50  }
0x2e: {  	[sflag:s23] =	ssyncset.done $0x0  }
0x2f: {  	[sflag:s23] =	ssyncadd.s32 $0xFFFFFFB0  }
0x30: {  	_ =	swait.ge [sflag:s24], $0x2800  }
0x31: {  	[sflag:s24] =	ssyncset.done $0x0  }
0x32: {  	[sflag:s24] =	ssyncadd.s32 $0xFFFFD800  }
0x33: {  	_ =	swait.ge [sflag:s24], $0x2800  }
0x34: {  	[sflag:s24] =	ssyncset.done $0x0  }
0x35: {  	[sflag:s24] =	ssyncadd.s32 $0xFFFFD800  }
0x36: {  	[tilespmem:s25], [sflag:$0x4] =	stream.indirect.gather [hbm4b:s3+s20], $0x80, s17, s20, $0xb8;
	[tilespmem:$0xA200] =	vst v63  }
0x37: {  	_ = 	snop  }
0x38: {  	[tilespmem:s26], [sflag:$0x4] =	stream.indirect.gather [hbm4b:s4+s20], $0x80, s18, s20, $0xb8;
	[tilespmem:$0xA200] =	vst v63  }
0x39: {  	s5 =	sadd.s32 $0xFFFFFB00, s12  }
0x3a: {  	[hbm4b:s5+s2] =	stream.linear.scatter [tilespmem:s21], [sflag:$0x5], $0x2800, $0x38;
	[tilespmem:$0xA200] =	vst v63  }
0x3b: {  	_ =	swait.ge [sflag:s28], $0x2800  }
0x3c: {  	[sflag:s28] =	ssyncset.done $0x0  }
0x3d: {  	s7 =	sadd.s32 $0xFFFFFB00, s31;
	[sflag:s28] =	ssyncadd.s32 $0xFFFFD800  }
0x3e: {  	[hbm4b:s7+s2] =	stream.linear.scatter [tilespmem:s22], [sflag:$0x5], $0x2800, $0x38;
	[tilespmem:$0xA200] =	vst v63  }
0x3f: {  	_ =	swait.ge [sflag:s28], $0x2800  }
0x40: {  	p0 =	seq.s32 s1, $0x168;
	[sflag:s28] =	ssyncset.done $0x0  }
0x41: {  	s6 =	simm.s32 @!p0 $0x0;
	s5 =	sadd.s32 @!p0 s1, s15;
	[sflag:s28] =	ssyncadd.s32 $0xFFFFD800  }
0x42: {  	[tilespmem:s6], [sflag:$0x1] =	stream.linear.gather @!p0 [hbm4b:s5+s6], $0x50, $0x38;
	[tilespmem:$0xA200] =	vst v63  }
0x43: {  	s7 =	simm.s32 @!p0 $0x100;
	s5 =	sadd.s32 @!p0 s1, s14  }
0x44: {  	[tilespmem:s7], [sflag:$0x1] =	stream.linear.gather @!p0 [hbm4b:s5+s6], $0x50, $0x38;
	[tilespmem:$0xA200] =	vst v63  }
0x45: {  	_ =	swait.ge [sflag:s29], $0x2800  }
0x46: {  	[sflag:s29] =	ssyncset.done $0x0  }
0x47: {  	[sflag:s29] =	ssyncadd.s32 $0xFFFFD800  }
0x48: {  	_ =	swait.ge [sflag:s29], $0x2800  }
0x49: {  	[sflag:s29] =	ssyncset.done $0x0  }
0x4a: {  	[sflag:s29] =	ssyncadd.s32 $0xFFFFD800  }
0x4b: {  	[hbm4b:s12+s2] =	stream.linear.scatter [tilespmem:s25], [sflag:$0x5], $0x2800, $0x38;
	[tilespmem:$0xA200] =	vst v63  }
0x4c: {  	_ =	swait.ge [sflag:s28], $0x2800  }
0x4d: {  	[sflag:s28] =	ssyncset.done $0x0  }
.Ltmp2:
0x4e: {  	[sflag:s28] =	ssyncadd.s32 $0xFFFFD800;
	(pc) =	sbr.rel @p0 .LBB2_4-.Ltmp2, $4  }
0x4f: {  	[hbm4b:s31+s2] =	stream.linear.scatter [tilespmem:s26], [sflag:$0x5], $0x2800, $0x38;
	[tilespmem:$0xA200] =	vst v63  }
0x50: {  	_ =	swait.ge [sflag:s28], $0x2800  }
0x51: {  	[sflag:s28] =	ssyncset.done $0x0  }
0x52: {  	[sflag:s28] =	ssyncadd.s32 $0xFFFFD800  }
0x53: {  	s5 =	sadd.s32 s1, s11  }
0x54: {  	[tilespmem:s17], [sflag:$0x2] =	stream.linear.gather [hbm4b:s5+s2], $0x50, $0x38;
	[tilespmem:$0xA200] =	vst v63  }
0x55: {  	s7 =	sadd.s32 s1, s10  }
0x56: {  	[tilespmem:s18], [sflag:$0x2] =	stream.linear.gather [hbm4b:s7+s2], $0x50, $0x38;
	[tilespmem:$0xA200] =	vst v63  }
0x57: {  	_ =	swait.ge [sflag:s19], $0x50  }
0x58: {  	[sflag:s19] =	ssyncset.done $0x0  }
0x59: {  	[sflag:s19] =	ssyncadd.s32 $0xFFFFFFB0  }
0x5a: {  	_ =	swait.ge [sflag:s19], $0x50  }
.Ltmp3:
0x5b: {  	[sflag:s19] =	ssyncset.done $0x0;
	(pc) =	sbr.rel .LBB2_2-.Ltmp3, $4  }
0x5c: {  	[sflag:s19] =	ssyncadd.s32 $0xFFFFFFB0  }
0x5d: {  	[tilespmem:s21], [sflag:$0x3] =	stream.indirect.gather [hbm4b:s3+s20], $0x80, s2, s20, $0xb8;
	[tilespmem:$0xA200] =	vst v63  }
0x5e: {  	s1 =	sadd.s32 $0x14, s1;
	s12 =	sadd.s32 $0xA00, s12;
	s31 =	sadd.s32 $0xA00, s31  }
0x5f: {  	[tilespmem:s22], [sflag:$0x3] =	stream.indirect.gather [hbm4b:s4+s20], $0x80, s16, s20, $0xb8;
	[tilespmem:$0xA200] =	vst v63  }
.LBB2_5:
0x60: {  	_ =	sfence.sel $0x180000  }
0x61: {  	[bflag:$0x0] =	sbarrier.arrive $0xFFFF  }
0x62: {  	_ =	strace $0x9000004D  }
0x63: {  	s0 =	stileid.u32;
	[bflag:$0x2] =	sbarrier.arrive $0xFFFF  }
0x64: {  	p0 =	sne.s32 s0, $0x0;
	s0 =	rddreg [dreg:$0x1]  }
0x65: {  	s0 =	sadd.s32 @!p0 $0x100000, s0  }
0x66: {  	[sflag:s0] =	ssyncadd.tile.s32 @!p0 $0x1;
	_ =	shalt  }
.Lfunc_end2:
_tile_overlayer_lowered:
.L_overlay_start_2:
0x67: {  	(tag) =	ssettag $0x2  }
0x68: {  	s0 =	rddreg [dreg:$0x0];
	s2 =	stileid.u32  }
0x69: {  	s1 =	rddreg [dreg:$0x1];
	p0 =	sne.s32 s2, $0x0  }
0x6a: {  	s3 =	rddreg [dreg:$0x2];
	[bflag:$0x3] =	sbarrier.arrive $0xFFFF;
	s2 =	simm.s32 @!p0 $0x1C05  }
0x6b: {  	[timem:s3], [sflag:s2] =	dma.local @!p0 [hbm:s0], s1  }
0x6c: {  	s0 =	simm.s32 @!p0 $0x5  }
0x6d: {  	_ =	swait.ge @!p0 [sflag:s0], s1  }
0x6e: {  	s1 =	ssub.s32 @!p0 $0x0, s1;
	[sflag:s0] =	ssyncset.done @!p0 $0x0  }
0x6f: {  	[sflag:s0] =	ssyncadd.s32 @!p0 s1  }
0x70: {  	[bflag:$0x3] =	sbarrier.arrive $0xFFFF  }
0x71: {  	_ =	shalt  }

// kernel: kernel.24.cloned.1.call-start
scs
__scs_entry_jumppad:
0x0: {  	(pc) =	sbr.rel $0x88, $3  }
0x1: {  	(tag) =	ssettag $0x0;
	lr =	simm.s32 $0x1  }
0x2: {  	[smem:$0x3F8E] =	sst lr;
	_ =	strace $0xD0000000  }
0x3: {  	_ = 	snop  }
0x4: {  	_ = 	snop  }
0x5: {  	_ = 	snop  }
0x6: {  	_ = 	snop  }
0x7: {  	_ = 	snop  }
__scs_overlays_trampoline_lowered:
0x8: {  	[smem:$0x3F9D] =	sst s0  }
0x9: {  	[smem:$0x3F9E] =	sst s1  }
0xa: {  	[smem:$0x3F9F] =	sst s2  }
0xb: {  	[smem:$0x3FA0] =	sst s3  }
0xc: {  	[smem:$0x3FA1] =	sst s4  }
0xd: {  	[smem:$0x3FA2] =	sst s5  }
0xe: {  	[smem:$0x3FA3] =	sst s6  }
0xf: {  	[smem:$0x3FA4] =	sst s7  }
0x10: {  	[smem:$0x3FA5] =	sst s8  }
0x11: {  	[smem:$0x3FA6] =	sst s9;
	s0 =	simm.s32 @!p0 $0x0  }
0x12: {  	s1 =	sld [smem:$0x3F8C];
	s0 =	simm.s32 @p0 $0x1  }
0x13: {  	[smem:$0x3FA7] =	sst s0;
	s0 =	simm.s32 @!p1 $0x0  }
0x14: {  	s2 =	sld [smem:$0x3F8B];
	s0 =	simm.s32 @p1 $0x1  }
0x15: {  	[smem:$0x3FA8] =	sst s0;
	s0 =	simm.s32 @!p2 $0x0  }
0x16: {  	s3 =	sld [smem:$0x3FDB];
	s0 =	simm.s32 @p2 $0x1  }
0x17: {  	s4 =	simm.s32 $0x1BF5;
	[smem:$0x3FAA] =	sst s0  }
0x18: {  	s0 =	sld [smem:$0x3F8D];
	_ =	swait.ge [sflag:s4], $0x0  }
0x19: {  	s7 =	sld [smem:$0x3F8E]  }
0x1a: {  	s8 =	sadd.s32 $0xFFFFE003, lr  }
0x1b: {  	s9 =	sadd.s32 $0xFFFFFEF7, lr;
	s5 =	simm.s32 $0xFFFFFFFF;
	p2 =	slt.u32 s8, $0xFFFFF086  }
0x1c: {  	p1 =	slt.u32 s9, $0xF7A;
	s5 =	simm.s32 @!p2 $0x0  }
0x1d: {  	s5 =	simm.s32 @p1 $0x1;
	p0 =	seq.s32 s7, s2  }
0x1e: {  	s7 =	smul.u32 @!p0 $0xF7A, s2;
	p2 =	seq.s32 @!p0 s5, $0x0  }
0x1f: {  	s9 =	smul.u32 $0xF7A, s1;
	s8 =	simm.s32 @!p0 $0x1BF5;
	p2 =	por !p2, p0  }
0x20: {  	[sflag:s8] =	ssyncset.s32 @!p0 $0xFFFFF086;
	s6 =	sadd.s32 @!p0 s3, s7;
	s7 =	simm.s32 @!p0 $0x108  }
0x21: {  	s3 =	sadd.s32 s3, s9;
	s6 =	sadd.s32 @!p0 $0x88, s6;
	s7 =	simm.s32 @p2 $0x1082  }
0x22: {  	[simem:s7], [sflag:s8] =	dma.local @!p0 [hbm:s6], $0xF7A  }
0x23: {  	s9 =	sor.u32 $0xD0000000, s2;
	s6 =	simm.s32 $0x108;
	_ =	swait.ge @!p0 [sflag:s8], $0x0  }
0x24: {  	s3 =	sadd.s32 $0x88, s3;
	s6 =	simm.s32 @!p1 $0x1082;
	[sflag:s4] =	ssyncset.s32 $0xFFFFF086  }
0x25: {  	[simem:s6], [sflag:s4] =	dma.local [hbm:s3], $0xF7A  }
0x26: {  	[smem:$0x3F8E] =	sst s1;
	(tag) =	ssettag s2;
	_ =	strace s9  }
0x27: {  	s1 =	sld [smem:$0x3F9E]  }
0x28: {  	s2 =	sld [smem:$0x3F9F]  }
0x29: {  	s4 =	sld [smem:$0x3FA1]  }
0x2a: {  	p0 =	seq.s32 s5, $0x0;
	s5 =	sld [smem:$0x3FA2]  }
0x2b: {  	s6 =	sld [smem:$0x3FA3]  }
0x2c: {  	s7 =	sld [smem:$0x3FA4]  }
0x2d: {  	s3 =	simm.s32 $0x108;
	s8 =	sld [smem:$0x3FA5]  }
0x2e: {  	s3 =	simm.s32 @!p0 $0x1082;
	s9 =	sld [smem:$0x3FA6]  }
0x2f: {  	lr =	sadd.s32 s0, s3;
	s0 =	sld [smem:$0x3F9D]  }
0x30: {  	s3 =	sld [smem:$0x3FA0]  }
0x31: {  	[smem:$0x3FA9] =	sst s10  }
0x32: {  	s10 =	sld [smem:$0x3FA7];
	_ =	sdelay $0x3  }
0x33: {  	p0 =	seq.s32 s10, $0x1;
	s10 =	sld [smem:$0x3FA9];
	_ =	sdelay $0x3  }
0x34: {  	[smem:$0x3FA9] =	sst s10  }
0x35: {  	s10 =	sld [smem:$0x3FA8];
	_ =	sdelay $0x3  }
0x36: {  	p1 =	seq.s32 s10, $0x1;
	s10 =	sld [smem:$0x3FA9];
	_ =	sdelay $0x3  }
0x37: {  	[smem:$0x3FA9] =	sst s10  }
0x38: {  	s10 =	sld [smem:$0x3FAA]  }
0x39: {  	_ = 	snop;
	(pc) =	sbr.ind lr, $3  }
0x3a: {  	_ = 	snop  }
0x3b: {  	_ = 	snop  }
0x3c: {  	p2 =	seq.s32 s10, $0x1;
	s10 =	sld [smem:$0x3FA9]  }
0x3d: {  	_ =	shalt  }
0x3e: {  	_ =	shalt  }
0x3f: {  	_ =	shalt  }
0x40: {  	_ =	shalt  }
0x41: {  	_ =	shalt  }
0x42: {  	_ =	shalt  }
0x43: {  	_ =	shalt  }
0x44: {  	_ =	shalt  }
0x45: {  	_ =	shalt  }
0x46: {  	_ =	shalt  }
0x47: {  	_ =	shalt  }
0x48: {  	_ =	shalt  }
0x49: {  	_ =	shalt  }
0x4a: {  	_ =	shalt  }
0x4b: {  	_ =	shalt  }
0x4c: {  	_ =	shalt  }
0x4d: {  	_ =	shalt  }
0x4e: {  	_ =	shalt  }
0x4f: {  	_ =	shalt  }
0x50: {  	_ =	shalt  }
0x51: {  	_ =	shalt  }
0x52: {  	_ =	shalt  }
0x53: {  	_ =	shalt  }
0x54: {  	_ =	shalt  }
0x55: {  	_ =	shalt  }
0x56: {  	_ =	shalt  }
0x57: {  	_ =	shalt  }
0x58: {  	_ =	shalt  }
0x59: {  	_ =	shalt  }
0x5a: {  	_ =	shalt  }
0x5b: {  	_ =	shalt  }
0x5c: {  	_ =	shalt  }
0x5d: {  	_ =	shalt  }
0x5e: {  	_ =	shalt  }
0x5f: {  	_ =	shalt  }
0x60: {  	_ =	shalt  }
0x61: {  	_ =	shalt  }
0x62: {  	_ =	shalt  }
0x63: {  	_ =	shalt  }
0x64: {  	_ =	shalt  }
0x65: {  	_ =	shalt  }
0x66: {  	_ =	shalt  }
0x67: {  	_ =	shalt  }
0x68: {  	_ =	shalt  }
0x69: {  	_ =	shalt  }
0x6a: {  	_ =	shalt  }
0x6b: {  	_ =	shalt  }
0x6c: {  	_ =	shalt  }
0x6d: {  	_ =	shalt  }
0x6e: {  	_ =	shalt  }
0x6f: {  	_ =	shalt  }
0x70: {  	_ =	shalt  }
0x71: {  	_ =	shalt  }
0x72: {  	_ =	shalt  }
0x73: {  	_ =	shalt  }
0x74: {  	_ =	shalt  }
0x75: {  	_ =	shalt  }
0x76: {  	_ =	shalt  }
0x77: {  	_ =	shalt  }
0x78: {  	_ =	shalt  }
0x79: {  	_ =	shalt  }
0x7a: {  	_ =	shalt  }
0x7b: {  	_ =	shalt  }
0x7c: {  	_ =	shalt  }
0x7d: {  	_ =	shalt  }
0x7e: {  	_ =	shalt  }
0x7f: {  	_ =	shalt  }
0x80: {  	_ =	shalt  }
0x81: {  	_ =	shalt  }
0x82: {  	_ =	shalt  }
0x83: {  	_ =	shalt  }
0x84: {  	_ =	shalt  }
0x85: {  	_ =	shalt  }
0x86: {  	_ =	shalt  }
0x87: {  	_ =	shalt  }
.Lfunc_end0:
.L_simem_size_0:
called_computation.3_lowered:
.L_overlay_start_0:
0x88: {  	s2 =	sld [smem:$0x3FD9]  }
0x89: {  	s3 =	sld [smem:$0x3FFE];
	_ =	sdelay $0x1  }
0x8a: {  	s1 =	srdreg.scid  }
0x8b: {  	s0 =	sand.u32 $0x1, s1  }
0x8c: {  	s17 =	sshll.u32 s0, $0xA;
	s2 =	sadd.s32 s3, s2  }
0x8d: {  	s2 =	sadd.s32 s2, s17  }
0x8e: {  	[smem:$0x3FB5] =	sst s2  }
0x8f: {  	_ = 	snop  }
0x90: {  	(tm) =	ssettm $0x1  }
0x91: {  	s18 =	sld [smem:$0x3FFB];
	_ =	sdelay $0x3  }
0x92: {  	_ =	strace s18  }
0x93: {  	s2 =	sld [smem:$0x3FFC];
	_ =	sdelay $0x3  }
0x94: {  	_ =	strace s2  }
0x95: {  	s2 =	sld [smem:$0x3FFD];
	_ =	sdelay $0x3  }
0x96: {  	_ =	strace s2  }
0x97: {  	_ =	strace $0x8FFFFFFF  }
0x98: {  	s19 =	sld [smem:$0x3FDB];
	_ =	sdelay $0x1  }
0x99: {  	s20 =	simm.s32 $_scs_section_size  }
0x9a: {  	s4 =	simm.s32 $_size__tile_overlayer_lowered;
	s5 =	simm.s32 $_tile_overlayer_lowered  }
0x9b: {  	s6 =	simm.s32 $0x1BFF;
	s21 =	sshll.u32 s5, $0x1;
	s3 =	sadd.s32 s20, s19  }
0x9c: {  	s22 =	simm.s32 $0x0;
	s4 =	sshll.u32 s4, $0x1;
	s5 =	sadd.s32 s21, s3  }
0x9d: {  	[timem:s22], [sflag:s6] =	dma.local [hbm:s5], s4  }
0x9e: {  	_ =	swait.ge [sflag:s6], s4  }
0x9f: {  	s4 =	ssub.s32 $0x0, s4;
	[sflag:s6] =	ssyncset.done $0x0  }
0xa0: {  	[sflag:s6] =	ssyncadd.s32 s4;
	_ =	sdelay $0x1  }
0xa1: {  	s23 =	simm.s32 $0x1B8B  }
0xa2: {  	_ =	swait.ge [sflag:s23], $0x1  }
0xa3: {  	[sflag:s23] =	ssyncset.done $0x0  }
0xa4: {  	[sflag:s23] =	ssyncadd.s32 $0xFFFFFFFF  }
0xa5: {  	s4 =	sld [smem:$0x0]  }
0xa6: {  	s5 =	sand.u32 $0xFFFFFFFE, s1  }
0xa7: {  	p0 =	sne.s32 s1, s5  }
0xa8: {  	s5 =	sshll.u32 @p0 s5, $0xE  }
0xa9: {  	s5 =	sadd.s32 @p0 $0x11B8D, s5;
	s6 =	sshll.u32 @p0 s4, $0x11  }
0xaa: {  	s5 =	sor.u32 @p0 s6, s5  }
0xab: {  	[sflag:s5] =	ssyncadd.remote.s32 @p0 $0x1;
	_ =	sdelay $0x1  }
0xac: {  	s5 =	simm.s32 @p0 $0x1B8D  }
0xad: {  	_ =	swait.eq @p0 [sflag:s5], $0x1  }
0xae: {  	[sflag:s5] =	ssyncadd.s32 @p0 $0xFFFFFFFF  }
0xaf: {  	s6 =	sshll.u32 @!p0 s1, $0xE  }
0xb0: {  	s6 =	sor.u32 @!p0 $0x4000, s6;
	s5 =	simm.s32 @!p0 $0x1B8D  }
0xb1: {  	s4 =	sshll.u32 @!p0 s4, $0x11;
	s6 =	sadd.s32 @!p0 $0x11B8D, s6;
	_ =	swait.eq @!p0 [sflag:s5], $0x1  }
0xb2: {  	s4 =	sor.u32 @!p0 s4, s6;
	[sflag:s5] =	ssyncadd.s32 @!p0 $0xFFFFFFFF  }
0xb3: {  	s25 =	simm.s32 $0x1B8E;
	s24 =	sld [smem:$0x3FFE];
	[sflag:s4] =	ssyncadd.remote.s32 @!p0 $0x1  }
0xb4: {  	s26 =	simm.s32 $execute0_lowered;
	[smem:$0x3FD2] =	sst s25  }
0xb5: {  	s5 =	sshll.u32 s26, $0x1;
	_ =	strace $0x8000004F;
	[dreg:$0x1] =	wrdreg $0xFFFFFFFF  }
0xb6: {  	s28 =	simm.s32 $_size_execute0_lowered;
	s3 =	sadd.s32 s3, s5;
	[dreg:$0x0] =	wrdreg $0x0  }
0xb7: {  	s5 =	sshll.u32 s28, $0x1;
	[dreg:$0x2] =	wrdreg s3  }
0xb8: {  	[dreg:$0x3] =	wrdreg s5  }
0xb9: {  	[dreg:$0x4] =	wrdreg $0xC0  }
0xba: {  	_ =	task [dreg:s22], $0x5FFFF  }
0xbb: {  	[dreg:$0x1] =	wrdreg $0xFFFFFFFF  }
0xbc: {  	[dreg:$0x0] =	wrdreg $0x60  }
0xbd: {  	[dreg:$0x2] =	wrdreg s24  }
0xbe: {  	[dreg:$0x3] =	wrdreg $0xC  }
0xbf: {  	_ =	task.clear_ibuf [dreg:s22], $0x4FFFF;
	_ =	strace $0x9000004F  }
0xc0: {  	s29 =	simm.s32 $0xC;
	_ =	strace $0x80000051  }
0xc1: {  	_ =	swait.ge [sflag:s29], $0x1  }
0xc2: {  	[sflag:s29] =	ssyncadd.s32 $0xFFFFFFFF  }
0xc3: {  	_ =	strace $0x90000051  }
0xc4: {  	_ =	sfence  }
0xc5: {  	s30 =	sld [smem:$0x0];
	_ =	sdelay $0x2  }
0xc6: {  	s31 =	sshll.u32 s1, $0xD;
	s1 =	sshrl.u32 s1, $0x2  }
0xc7: {  	s4 =	sand.u32 $0x4000, s31;
	s1 =	sadd.s32 s1, s30  }
0xc8: {  	s0 =	sor.u32 s4, s0;
	s1 =	sshll.u32 s1, $0x11  }
0xc9: {  	s0 =	sor.u32 s1, s0  }
0xca: {  	s0 =	sadd.s32 $0x8F2B, s0  }
0xcb: {  	[sflag:s0] =	ssyncadd.remote.s32 $0x1  }
0xcc: {  	_ =	sfence.sel $0xFFFF  }
0xcd: {  	[dreg:$0x0] =	wrdreg $0xFFFFFFFF;
	(pc) =	sbr.abs _section_cstart, $3  }
0xce: {  	[dreg:$0x1] =	wrdreg $0xFFFFFFFF  }
0xcf: {  	_ =	task.clear_ibuf [dreg:s22], $0x2FFFF;
	_ =	strace $0x9FFFFFFF  }
0xd0: {  	(tm) =	ssettm $0x7FFFFFFF  }
0xd1: {  	_ =	shalt  }
tec
execute0_lowered:
.L_overlay_start_1:
0x0: {  	(tag) =	ssettag $0x1  }
0x1: {  	s0 =	rddreg [dreg:$0x0]  }
0x2: {  	s2 =	simm.s32 $0x0;
	s1 =	srdreg.scid;
	s17 =	stileid.u32  }
0x3: {  	s28 =	simm.s32 $0x5;
	s29 =	simm.s32 $0x4;
	s30 =	simm.s32 $0x0  }
0x4: {  	[smem:$0x7FF] =	sst s2;
	s1 =	sand.u32 $0x1, s1;
	s4 =	sshll.u32 s17, $0x1  }
0x5: {  	s3 =	sadd.s32 $0x1B000, s0;
	s12 =	sadd.s32 $0x11200, s0;
	s9 =	smul.u32 $0x960, s17  }
0x6: {  	s14 =	sadd.s32 $0x901400, s0;
	s17 =	smul.u32 $0x9600, s17;
	s5 =	sor.u32 s1, s4  }
0x7: {  	s13 =	sadd.s32 $0x7400, s0;
	_ =	strace $0x80000050;
	s6 =	smul.u32 $0x4B0, s5  }
0x8: {  	s4 =	sadd.s32 $0x42200, s0;
	s0 =	sadd.s32 $0x997400, s0;
	s11 =	smul.u32 $0x4B0, s1  }
0x9: {  	s7 =	ssub.s32 $0x2, s1;
	s1 =	smul.u32 $0x4B00, s1;
	s8 =	sshrl.u32 s6, $0x3  }
0xa: {  	s15 =	sshrl.u32 s7, $0x1;
	s5 =	smul.u32 $0x25800, s5;
	s10 =	sadd.s32 $0x8980, s8  }
0xb: {  	s25 =	sadd.s32 s17, s14;
	s15 =	ssub.s32 s7, s15;
	s16 =	sadd.s32 s13, s10  }
0xc: {  	s8 =	sadd.s32 $0x898A, s8;
	s18 =	sadd.s32 s12, s10;
	[dreg:$0x4] =	wrdreg s16  }
0xd: {  	s5 =	sshrl.u32 s5, $0x3;
	s19 =	sadd.s32 s13, s8;
	[dreg:$0x5] =	wrdreg s18  }
0xe: {  	s5 =	sadd.s32 $0x4600, s5;
	s20 =	sadd.s32 s12, s8;
	[dreg:$0x6] =	wrdreg s19  }
0xf: {  	s22 =	sadd.s32 s14, s5;
	s5 =	sadd.s32 s0, s5;
	[dreg:$0x7] =	wrdreg s20  }
0x10: {  	s0 =	sadd.s32 s17, s0;
	s17 =	simm.s32 $0x80;
	[dreg:$0x8] =	wrdreg s22  }
0x11: {  	s16 =	sadd.s32 s11, s9;
	[dreg:$0x9] =	wrdreg s5;
	s11 =	smax.u32 s15, $0x1  }
0x12: {  	s5 =	sadd.s32 s1, s25;
	s1 =	sadd.s32 s1, s0;
	s18 =	simm.s32 $0x180  }
0x13: {  	s19 =	simm.s32 $0x1;
	s20 =	simm.s32 $0x50;
	s22 =	simm.s32 $0x5200  }
0x14: {  	s25 =	simm.s32 $0x2A00;
	s9 =	sadd.s32 $0x44CF0, s16;
	s26 =	sadd.s32 $0x44CA0, s16  }
0x15: {  	s0 =	sadd.s32 $0x500, s5;
	s1 =	sadd.s32 $0x500, s1;
	s16 =	simm.s32 $0x100  }
0x16: {  	s21 =	sshrl.u32 s9, $0x3;
	s31 =	sshrl.u32 s26, $0x3;
	s26 =	simm.s32 $0x7A00  }
0x17: {  	s23 =	sadd.s32 s21, s12;
	s24 =	sadd.s32 s21, s13;
	s14 =	sadd.s32 s31, s12  }
0x18: {  	s15 =	sadd.s32 s31, s13;
	s21 =	simm.s32 $0x200;
	[dreg:$0x2] =	wrdreg s23  }
0x19: {  	[dreg:$0x3] =	wrdreg s24;
	s23 =	simm.s32 $0x2;
	s24 =	simm.s32 $0x3  }
.LBB2_1:
0x1a: {  	s5 =	rddreg [dreg:$0x4]  }
0x1b: {  	[tilespmem:s2], [sflag:$0x1] =	stream.linear.gather [hbm4b:s5+s2], $0x50, $0x38;
	[tilespmem:$0xA200] =	vst v63  }
0x1c: {  	s6 =	rddreg [dreg:$0x5]  }
0x1d: {  	[tilespmem:s16], [sflag:$0x1] =	stream.linear.gather [hbm4b:s6+s2], $0x50, $0x38;
	[tilespmem:$0xA200] =	vst v63  }
0x1e: {  	s7 =	rddreg [dreg:$0x6]  }
0x1f: {  	[tilespmem:s17], [sflag:$0x2] =	stream.linear.gather [hbm4b:s7+s2], $0x50, $0x38;
	[tilespmem:$0xA200] =	vst v63  }
0x20: {  	s8 =	rddreg [dreg:$0x7]  }
0x21: {  	[tilespmem:s18], [sflag:$0x2] =	stream.linear.gather [hbm4b:s8+s2], $0x50, $0x38;
	[tilespmem:$0xA200] =	vst v63  }
0x22: {  	_ =	swait.ge [sflag:s19], $0x50  }
0x23: {  	[sflag:s19] =	ssyncset.done $0x0  }
0x24: {  	[sflag:s19] =	ssyncadd.s32 $0xFFFFFFB0  }
0x25: {  	_ =	swait.ge [sflag:s19], $0x50  }
0x26: {  	[sflag:s19] =	ssyncset.done $0x0  }
0x27: {  	[sflag:s19] =	ssyncadd.s32 $0xFFFFFFB0  }
0x28: {  	[tilespmem:s21], [sflag:$0x3] =	stream.indirect.gather [hbm4b:s3+s20], $0x80, s2, s20, $0xb8;
	[tilespmem:$0xA200] =	vst v63  }
0x29: {  	_ = 	snop  }
0x2a: {  	[tilespmem:s22], [sflag:$0x3] =	stream.indirect.gather [hbm4b:s4+s20], $0x80, s16, s20, $0xb8;
	[tilespmem:$0xA200] =	vst v63  }
0x2b: {  	_ =	swait.ge [sflag:s23], $0x50  }
0x2c: {  	[sflag:s23] =	ssyncset.done $0x0  }
0x2d: {  	[sflag:s23] =	ssyncadd.s32 $0xFFFFFFB0  }
0x2e: {  	_ =	swait.ge [sflag:s23], $0x50  }
0x2f: {  	[sflag:s23] =	ssyncset.done $0x0  }
0x30: {  	[sflag:s23] =	ssyncadd.s32 $0xFFFFFFB0  }
0x31: {  	_ =	swait.ge [sflag:s24], $0x2800  }
0x32: {  	[sflag:s24] =	ssyncset.done $0x0  }
0x33: {  	[sflag:s24] =	ssyncadd.s32 $0xFFFFD800  }
0x34: {  	_ =	swait.ge [sflag:s24], $0x2800  }
0x35: {  	[sflag:s24] =	ssyncset.done $0x0  }
0x36: {  	[sflag:s24] =	ssyncadd.s32 $0xFFFFD800  }
0x37: {  	[tilespmem:s25], [sflag:$0x4] =	stream.indirect.gather [hbm4b:s3+s20], $0x80, s17, s20, $0xb8;
	[tilespmem:$0xA200] =	vst v63  }
0x38: {  	_ = 	snop  }
0x39: {  	[tilespmem:s26], [sflag:$0x4] =	stream.indirect.gather [hbm4b:s4+s20], $0x80, s18, s20, $0xb8;
	[tilespmem:$0xA200] =	vst v63  }
0x3a: {  	s9 =	sadd.s32 $0xFFFFFB00, s0  }
0x3b: {  	[hbm4b:s9+s2] =	stream.linear.scatter [tilespmem:s21], [sflag:$0x5], $0x2800, $0x38;
	[tilespmem:$0xA200] =	vst v63  }
0x3c: {  	_ =	swait.ge [sflag:s28], $0x2800  }
0x3d: {  	[sflag:s28] =	ssyncset.done $0x0  }
0x3e: {  	s10 =	sadd.s32 $0xFFFFFB00, s1;
	[sflag:s28] =	ssyncadd.s32 $0xFFFFD800  }
0x3f: {  	[hbm4b:s10+s2] =	stream.linear.scatter [tilespmem:s22], [sflag:$0x5], $0x2800, $0x38;
	[tilespmem:$0xA200] =	vst v63  }
0x40: {  	_ =	swait.ge [sflag:s28], $0x2800  }
0x41: {  	[sflag:s28] =	ssyncset.done $0x0  }
0x42: {  	s12 =	sadd.s32 $0x0, s15;
	[sflag:s28] =	ssyncadd.s32 $0xFFFFD800  }
0x43: {  	[tilespmem:s2], [sflag:$0x1] =	stream.linear.gather [hbm4b:s12+s2], $0x50, $0x38;
	[tilespmem:$0xA200] =	vst v63  }
0x44: {  	s13 =	sadd.s32 $0x0, s14  }
0x45: {  	[tilespmem:s16], [sflag:$0x1] =	stream.linear.gather [hbm4b:s13+s2], $0x50, $0x38;
	[tilespmem:$0xA200] =	vst v63  }
0x46: {  	_ =	swait.ge [sflag:s29], $0x2800  }
0x47: {  	[sflag:s29] =	ssyncset.done $0x0  }
0x48: {  	[sflag:s29] =	ssyncadd.s32 $0xFFFFD800  }
0x49: {  	_ =	swait.ge [sflag:s29], $0x2800  }
0x4a: {  	[sflag:s29] =	ssyncset.done $0x0  }
0x4b: {  	[sflag:s29] =	ssyncadd.s32 $0xFFFFD800  }
0x4c: {  	[hbm4b:s0+s2] =	stream.linear.scatter [tilespmem:s25], [sflag:$0x5], $0x2800, $0x38;
	[tilespmem:$0xA200] =	vst v63  }
0x4d: {  	_ =	swait.ge [sflag:s28], $0x2800  }
0x4e: {  	[sflag:s28] =	ssyncset.done $0x0  }
0x4f: {  	p0 =	por $0x0, $0x0;
	[sflag:s28] =	ssyncadd.s32 $0xFFFFD800  }
0x50: {  	[hbm4b:s1+s2] =	stream.linear.scatter [tilespmem:s26], [sflag:$0x5], $0x2800, $0x38;
	[tilespmem:$0xA200] =	vst v63  }
0x51: {  	s31 =	simm.s32 @!p0 $0x80;
	_ =	swait.ge [sflag:s28], $0x2800  }
0x52: {  	s13 =	simm.s32 @!p0 $0x0;
	s5 =	rddreg [dreg:$0x3];
	[sflag:s28] =	ssyncset.done $0x0  }
0x53: {  	s12 =	rddreg [dreg:$0x2];
	[sflag:s28] =	ssyncadd.s32 $0xFFFFD800;
	s5 =	sadd.s32 @!p0 $0x0, s5  }
0x54: {  	[tilespmem:s31], [sflag:$0x2] =	stream.linear.gather @!p0 [hbm4b:s5+s13], $0x50, $0x38;
	[tilespmem:$0xA200] =	vst v63  }
0x55: {  	s12 =	sadd.s32 @!p0 $0x0, s12;
	s5 =	simm.s32 @!p0 $0x180  }
0x56: {  	[tilespmem:s5], [sflag:$0x2] =	stream.linear.gather @!p0 [hbm4b:s12+s13], $0x50, $0x38;
	[tilespmem:$0xA200] =	vst v63  }
0x57: {  	_ =	swait.ge [sflag:s19], $0x50  }
0x58: {  	[sflag:s19] =	ssyncset.done $0x0  }
0x59: {  	[sflag:s19] =	ssyncadd.s32 $0xFFFFFFB0  }
0x5a: {  	_ =	swait.ge [sflag:s19], $0x50  }
0x5b: {  	s31 =	simm.s32 $0x14;
	[sflag:s19] =	ssyncset.done $0x0  }
0x5c: {  	s12 =	smov.u32 s0;
	s13 =	smov.u32 s1;
	[sflag:s19] =	ssyncadd.s32 $0xFFFFFFB0  }
0x5d: {  	[tilespmem:s21], [sflag:$0x3] =	stream.indirect.gather [hbm4b:s3+s20], $0x80, s2, s20, $0xb8;
	[tilespmem:$0xA200] =	vst v63  }
.LBB2_2:
0x5e: {  	[tilespmem:s22], [sflag:$0x3] =	stream.indirect.gather [hbm4b:s4+s20], $0x80, s16, s20, $0xb8;
	[tilespmem:$0xA200] =	vst v63  }
0x5f: {  	_ =	swait.ge [sflag:s23], $0x50  }
0x60: {  	[sflag:s23] =	ssyncset.done $0x0  }
0x61: {  	[sflag:s23] =	ssyncadd.s32 $0xFFFFFFB0  }
0x62: {  	_ =	swait.ge [sflag:s23], $0x50  }
0x63: {  	[sflag:s23] =	ssyncset.done $0x0  }
0x64: {  	[sflag:s23] =	ssyncadd.s32 $0xFFFFFFB0  }
0x65: {  	_ =	swait.ge [sflag:s24], $0x2800  }
0x66: {  	[sflag:s24] =	ssyncset.done $0x0  }
0x67: {  	[sflag:s24] =	ssyncadd.s32 $0xFFFFD800  }
0x68: {  	_ =	swait.ge [sflag:s24], $0x2800  }
0x69: {  	[sflag:s24] =	ssyncset.done $0x0  }
0x6a: {  	[sflag:s24] =	ssyncadd.s32 $0xFFFFD800  }
0x6b: {  	[tilespmem:s25], [sflag:$0x4] =	stream.indirect.gather [hbm4b:s3+s20], $0x80, s17, s20, $0xb8;
	[tilespmem:$0xA200] =	vst v63  }
0x6c: {  	s12 =	sadd.s32 $0xA00, s12  }
0x6d: {  	[tilespmem:s26], [sflag:$0x4] =	stream.indirect.gather [hbm4b:s4+s20], $0x80, s18, s20, $0xb8;
	[tilespmem:$0xA200] =	vst v63  }
0x6e: {  	s6 =	sadd.s32 $0xFFFFFB00, s12  }
0x6f: {  	[hbm4b:s6+s2] =	stream.linear.scatter [tilespmem:s21], [sflag:$0x5], $0x2800, $0x38;
	[tilespmem:$0xA200] =	vst v63  }
0x70: {  	_ =	swait.ge [sflag:s28], $0x2800  }
0x71: {  	s13 =	sadd.s32 $0xA00, s13;
	[sflag:s28] =	ssyncset.done $0x0  }
0x72: {  	s8 =	sadd.s32 $0xFFFFFB00, s13;
	[sflag:s28] =	ssyncadd.s32 $0xFFFFD800  }
0x73: {  	[hbm4b:s8+s2] =	stream.linear.scatter [tilespmem:s22], [sflag:$0x5], $0x2800, $0x38;
	[tilespmem:$0xA200] =	vst v63  }
0x74: {  	_ =	swait.ge [sflag:s28], $0x2800  }
0x75: {  	s5 =	smov.u32 s31;
	[sflag:s28] =	ssyncset.done $0x0  }
0x76: {  	s9 =	sadd.s32 s5, s15;
	[sflag:s28] =	ssyncadd.s32 $0xFFFFD800  }
0x77: {  	[tilespmem:s2], [sflag:$0x1] =	stream.linear.gather [hbm4b:s9+s2], $0x50, $0x38;
	[tilespmem:$0xA200] =	vst v63  }
0x78: {  	s10 =	sadd.s32 s5, s14  }
0x79: {  	[tilespmem:s16], [sflag:$0x1] =	stream.linear.gather [hbm4b:s10+s2], $0x50, $0x38;
	[tilespmem:$0xA200] =	vst v63  }
0x7a: {  	_ =	swait.ge [sflag:s29], $0x2800  }
0x7b: {  	[sflag:s29] =	ssyncset.done $0x0  }
0x7c: {  	[sflag:s29] =	ssyncadd.s32 $0xFFFFD800  }
0x7d: {  	_ =	swait.ge [sflag:s29], $0x2800  }
0x7e: {  	[sflag:s29] =	ssyncset.done $0x0  }
0x7f: {  	[sflag:s29] =	ssyncadd.s32 $0xFFFFD800  }
0x80: {  	[hbm4b:s12+s2] =	stream.linear.scatter [tilespmem:s25], [sflag:$0x5], $0x2800, $0x38;
	[tilespmem:$0xA200] =	vst v63  }
0x81: {  	_ =	swait.ge [sflag:s28], $0x2800  }
0x82: {  	[sflag:s28] =	ssyncset.done $0x0  }
0x83: {  	p1 =	seq.s32 s5, $0x78;
	[sflag:s28] =	ssyncadd.s32 $0xFFFFD800  }
0x84: {  	[hbm4b:s13+s2] =	stream.linear.scatter [tilespmem:s26], [sflag:$0x5], $0x2800, $0x38;
	[tilespmem:$0xA200] =	vst v63  }
0x85: {  	s8 =	simm.s32 @!p1 $0x0;
	_ =	swait.ge [sflag:s28], $0x2800  }
0x86: {  	s9 =	simm.s32 @!p1 $0x80;
	s6 =	rddreg [dreg:$0x3];
	[sflag:s28] =	ssyncset.done $0x0  }
0x87: {  	s7 =	rddreg [dreg:$0x2];
	[sflag:s28] =	ssyncadd.s32 $0xFFFFD800;
	s6 =	sadd.s32 @!p1 s5, s6  }
0x88: {  	[tilespmem:s9], [sflag:$0x2] =	stream.linear.gather @!p1 [hbm4b:s6+s8], $0x50, $0x38;
	[tilespmem:$0xA200] =	vst v63  }
0x89: {  	s10 =	simm.s32 @!p1 $0x180;
	s5 =	sadd.s32 @!p1 s5, s7  }
0x8a: {  	[tilespmem:s10], [sflag:$0x2] =	stream.linear.gather @!p1 [hbm4b:s5+s8], $0x50, $0x38;
	[tilespmem:$0xA200] =	vst v63  }
0x8b: {  	s31 =	sadd.s32 $0x14, s31;
	_ =	swait.ge [sflag:s19], $0x50  }
0x8c: {  	p0 =	sne.s32 s31, $0x8C;
	[sflag:s19] =	ssyncset.done $0x0  }
.Ltmp0:
0x8d: {  	[sflag:s19] =	ssyncadd.s32 $0xFFFFFFB0;
	(pc) =	sbr.rel @p0 .LBB2_2-.Ltmp0, $4  }
0x8e: {  	_ =	swait.ge [sflag:s19], $0x50  }
0x8f: {  	[sflag:s19] =	ssyncset.done $0x0  }
0x90: {  	[sflag:s19] =	ssyncadd.s32 $0xFFFFFFB0  }
0x91: {  	[tilespmem:s21], [sflag:$0x3] =	stream.indirect.gather [hbm4b:s3+s20], $0x80, s2, s20, $0xb8;
	[tilespmem:$0xA200] =	vst v63  }
0x92: {  	[tilespmem:s22], [sflag:$0x3] =	stream.indirect.gather [hbm4b:s4+s20], $0x80, s16, s20, $0xb8;
	[tilespmem:$0xA200] =	vst v63  }
0x93: {  	_ =	swait.ge [sflag:s24], $0x2800  }
0x94: {  	[sflag:s24] =	ssyncset.done $0x0  }
0x95: {  	[sflag:s24] =	ssyncadd.s32 $0xFFFFD800  }
0x96: {  	_ =	swait.ge [sflag:s24], $0x2800  }
0x97: {  	[sflag:s24] =	ssyncset.done $0x0  }
0x98: {  	s5 =	rddreg [dreg:$0x8];
	[sflag:s24] =	ssyncadd.s32 $0xFFFFD800  }
0x99: {  	[hbm4b:s5+s2] =	stream.linear.scatter [tilespmem:s21], [sflag:$0x5], $0x2800, $0x38;
	[tilespmem:$0xA200] =	vst v63  }
0x9a: {  	s30 =	sadd.s32 $0x1, s30;
	_ =	swait.ge [sflag:s28], $0x2800  }
0x9b: {  	p0 =	sne.s32 s30, s11;
	[sflag:s28] =	ssyncset.done $0x0  }
.Ltmp1:
0x9c: {  	s31 =	rddreg [dreg:$0x9];
	[sflag:s28] =	ssyncadd.s32 $0xFFFFD800;
	(pc) =	sbr.rel @p0 .LBB2_1-.Ltmp1, $4  }
0x9d: {  	[hbm4b:s31+s2] =	stream.linear.scatter [tilespmem:s22], [sflag:$0x5], $0x2800, $0x38;
	[tilespmem:$0xA200] =	vst v63  }
0x9e: {  	_ =	swait.ge [sflag:s28], $0x2800  }
0x9f: {  	[sflag:s28] =	ssyncset.done $0x0  }
0xa0: {  	[sflag:s28] =	ssyncadd.s32 $0xFFFFD800  }
0xa1: {  	_ =	sfence.sel $0x180000  }
0xa2: {  	[bflag:$0x0] =	sbarrier.arrive $0xFFFF  }
0xa3: {  	_ =	strace $0x90000050  }
0xa4: {  	s0 =	stileid.u32;
	[bflag:$0x2] =	sbarrier.arrive $0xFFFF  }
0xa5: {  	p0 =	sne.s32 s0, $0x0;
	s0 =	rddreg [dreg:$0x1]  }
0xa6: {  	s0 =	sadd.s32 @!p0 $0x100000, s0  }
0xa7: {  	[sflag:s0] =	ssyncadd.tile.s32 @!p0 $0x1;
	_ =	shalt  }
.Lfunc_end2:
_tile_overlayer_lowered:
.L_overlay_start_2:
0xa8: {  	(tag) =	ssettag $0x2  }
0xa9: {  	s0 =	rddreg [dreg:$0x0];
	s2 =	stileid.u32  }
0xaa: {  	s1 =	rddreg [dreg:$0x1];
	p0 =	sne.s32 s2, $0x0  }
0xab: {  	s3 =	rddreg [dreg:$0x2];
	[bflag:$0x3] =	sbarrier.arrive $0xFFFF;
	s2 =	simm.s32 @!p0 $0x1C05  }
0xac: {  	[timem:s3], [sflag:s2] =	dma.local @!p0 [hbm:s0], s1  }
0xad: {  	s0 =	simm.s32 @!p0 $0x5  }
0xae: {  	_ =	swait.ge @!p0 [sflag:s0], s1  }
0xaf: {  	s1 =	ssub.s32 @!p0 $0x0, s1;
	[sflag:s0] =	ssyncset.done @!p0 $0x0  }
0xb0: {  	[sflag:s0] =	ssyncadd.s32 @!p0 s1  }
0xb1: {  	[bflag:$0x3] =	sbarrier.arrive $0xFFFF  }
0xb2: {  	_ =	shalt  }

// kernel: kernel.27.cloned.1.call-start
scs
__scs_entry_jumppad:
0x0: {  	(pc) =	sbr.rel $0x88, $3  }
0x1: {  	(tag) =	ssettag $0x0;
	lr =	simm.s32 $0x1  }
0x2: {  	[smem:$0x3F8E] =	sst lr;
	_ =	strace $0xD0000000  }
0x3: {  	_ = 	snop  }
0x4: {  	_ = 	snop  }
0x5: {  	_ = 	snop  }
0x6: {  	_ = 	snop  }
0x7: {  	_ = 	snop  }
__scs_overlays_trampoline_lowered:
0x8: {  	[smem:$0x3F9D] =	sst s0  }
0x9: {  	[smem:$0x3F9E] =	sst s1  }
0xa: {  	[smem:$0x3F9F] =	sst s2  }
0xb: {  	[smem:$0x3FA0] =	sst s3  }
0xc: {  	[smem:$0x3FA1] =	sst s4  }
0xd: {  	[smem:$0x3FA2] =	sst s5  }
0xe: {  	[smem:$0x3FA3] =	sst s6  }
0xf: {  	[smem:$0x3FA4] =	sst s7  }
0x10: {  	[smem:$0x3FA5] =	sst s8  }
0x11: {  	[smem:$0x3FA6] =	sst s9;
	s0 =	simm.s32 @!p0 $0x0  }
0x12: {  	s1 =	sld [smem:$0x3F8C];
	s0 =	simm.s32 @p0 $0x1  }
0x13: {  	[smem:$0x3FA7] =	sst s0;
	s0 =	simm.s32 @!p1 $0x0  }
0x14: {  	s2 =	sld [smem:$0x3F8B];
	s0 =	simm.s32 @p1 $0x1  }
0x15: {  	[smem:$0x3FA8] =	sst s0;
	s0 =	simm.s32 @!p2 $0x0  }
0x16: {  	s3 =	sld [smem:$0x3FDB];
	s0 =	simm.s32 @p2 $0x1  }
0x17: {  	s4 =	simm.s32 $0x1BF5;
	[smem:$0x3FAA] =	sst s0  }
0x18: {  	s0 =	sld [smem:$0x3F8D];
	_ =	swait.ge [sflag:s4], $0x0  }
0x19: {  	s7 =	sld [smem:$0x3F8E]  }
0x1a: {  	s8 =	sadd.s32 $0xFFFFE003, lr  }
0x1b: {  	s9 =	sadd.s32 $0xFFFFFEF7, lr;
	s5 =	simm.s32 $0xFFFFFFFF;
	p2 =	slt.u32 s8, $0xFFFFF086  }
0x1c: {  	p1 =	slt.u32 s9, $0xF7A;
	s5 =	simm.s32 @!p2 $0x0  }
0x1d: {  	s5 =	simm.s32 @p1 $0x1;
	p0 =	seq.s32 s7, s2  }
0x1e: {  	s7 =	smul.u32 @!p0 $0xF7A, s2;
	p2 =	seq.s32 @!p0 s5, $0x0  }
0x1f: {  	s9 =	smul.u32 $0xF7A, s1;
	s8 =	simm.s32 @!p0 $0x1BF5;
	p2 =	por !p2, p0  }
0x20: {  	[sflag:s8] =	ssyncset.s32 @!p0 $0xFFFFF086;
	s6 =	sadd.s32 @!p0 s3, s7;
	s7 =	simm.s32 @!p0 $0x108  }
0x21: {  	s3 =	sadd.s32 s3, s9;
	s6 =	sadd.s32 @!p0 $0x88, s6;
	s7 =	simm.s32 @p2 $0x1082  }
0x22: {  	[simem:s7], [sflag:s8] =	dma.local @!p0 [hbm:s6], $0xF7A  }
0x23: {  	s9 =	sor.u32 $0xD0000000, s2;
	s6 =	simm.s32 $0x108;
	_ =	swait.ge @!p0 [sflag:s8], $0x0  }
0x24: {  	s3 =	sadd.s32 $0x88, s3;
	s6 =	simm.s32 @!p1 $0x1082;
	[sflag:s4] =	ssyncset.s32 $0xFFFFF086  }
0x25: {  	[simem:s6], [sflag:s4] =	dma.local [hbm:s3], $0xF7A  }
0x26: {  	[smem:$0x3F8E] =	sst s1;
	(tag) =	ssettag s2;
	_ =	strace s9  }
0x27: {  	s1 =	sld [smem:$0x3F9E]  }
0x28: {  	s2 =	sld [smem:$0x3F9F]  }
0x29: {  	s4 =	sld [smem:$0x3FA1]  }
0x2a: {  	p0 =	seq.s32 s5, $0x0;
	s5 =	sld [smem:$0x3FA2]  }
0x2b: {  	s6 =	sld [smem:$0x3FA3]  }
0x2c: {  	s7 =	sld [smem:$0x3FA4]  }
0x2d: {  	s3 =	simm.s32 $0x108;
	s8 =	sld [smem:$0x3FA5]  }
0x2e: {  	s3 =	simm.s32 @!p0 $0x1082;
	s9 =	sld [smem:$0x3FA6]  }
0x2f: {  	lr =	sadd.s32 s0, s3;
	s0 =	sld [smem:$0x3F9D]  }
0x30: {  	s3 =	sld [smem:$0x3FA0]  }
0x31: {  	[smem:$0x3FA9] =	sst s10  }
0x32: {  	s10 =	sld [smem:$0x3FA7];
	_ =	sdelay $0x3  }
0x33: {  	p0 =	seq.s32 s10, $0x1;
	s10 =	sld [smem:$0x3FA9];
	_ =	sdelay $0x3  }
0x34: {  	[smem:$0x3FA9] =	sst s10  }
0x35: {  	s10 =	sld [smem:$0x3FA8];
	_ =	sdelay $0x3  }
0x36: {  	p1 =	seq.s32 s10, $0x1;
	s10 =	sld [smem:$0x3FA9];
	_ =	sdelay $0x3  }
0x37: {  	[smem:$0x3FA9] =	sst s10  }
0x38: {  	s10 =	sld [smem:$0x3FAA]  }
0x39: {  	_ = 	snop;
	(pc) =	sbr.ind lr, $3  }
0x3a: {  	_ = 	snop  }
0x3b: {  	_ = 	snop  }
0x3c: {  	p2 =	seq.s32 s10, $0x1;
	s10 =	sld [smem:$0x3FA9]  }
0x3d: {  	_ =	shalt  }
0x3e: {  	_ =	shalt  }
0x3f: {  	_ =	shalt  }
0x40: {  	_ =	shalt  }
0x41: {  	_ =	shalt  }
0x42: {  	_ =	shalt  }
0x43: {  	_ =	shalt  }
0x44: {  	_ =	shalt  }
0x45: {  	_ =	shalt  }
0x46: {  	_ =	shalt  }
0x47: {  	_ =	shalt  }
0x48: {  	_ =	shalt  }
0x49: {  	_ =	shalt  }
0x4a: {  	_ =	shalt  }
0x4b: {  	_ =	shalt  }
0x4c: {  	_ =	shalt  }
0x4d: {  	_ =	shalt  }
0x4e: {  	_ =	shalt  }
0x4f: {  	_ =	shalt  }
0x50: {  	_ =	shalt  }
0x51: {  	_ =	shalt  }
0x52: {  	_ =	shalt  }
0x53: {  	_ =	shalt  }
0x54: {  	_ =	shalt  }
0x55: {  	_ =	shalt  }
0x56: {  	_ =	shalt  }
0x57: {  	_ =	shalt  }
0x58: {  	_ =	shalt  }
0x59: {  	_ =	shalt  }
0x5a: {  	_ =	shalt  }
0x5b: {  	_ =	shalt  }
0x5c: {  	_ =	shalt  }
0x5d: {  	_ =	shalt  }
0x5e: {  	_ =	shalt  }
0x5f: {  	_ =	shalt  }
0x60: {  	_ =	shalt  }
0x61: {  	_ =	shalt  }
0x62: {  	_ =	shalt  }
0x63: {  	_ =	shalt  }
0x64: {  	_ =	shalt  }
0x65: {  	_ =	shalt  }
0x66: {  	_ =	shalt  }
0x67: {  	_ =	shalt  }
0x68: {  	_ =	shalt  }
0x69: {  	_ =	shalt  }
0x6a: {  	_ =	shalt  }
0x6b: {  	_ =	shalt  }
0x6c: {  	_ =	shalt  }
0x6d: {  	_ =	shalt  }
0x6e: {  	_ =	shalt  }
0x6f: {  	_ =	shalt  }
0x70: {  	_ =	shalt  }
0x71: {  	_ =	shalt  }
0x72: {  	_ =	shalt  }
0x73: {  	_ =	shalt  }
0x74: {  	_ =	shalt  }
0x75: {  	_ =	shalt  }
0x76: {  	_ =	shalt  }
0x77: {  	_ =	shalt  }
0x78: {  	_ =	shalt  }
0x79: {  	_ =	shalt  }
0x7a: {  	_ =	shalt  }
0x7b: {  	_ =	shalt  }
0x7c: {  	_ =	shalt  }
0x7d: {  	_ =	shalt  }
0x7e: {  	_ =	shalt  }
0x7f: {  	_ =	shalt  }
0x80: {  	_ =	shalt  }
0x81: {  	_ =	shalt  }
0x82: {  	_ =	shalt  }
0x83: {  	_ =	shalt  }
0x84: {  	_ =	shalt  }
0x85: {  	_ =	shalt  }
0x86: {  	_ =	shalt  }
0x87: {  	_ =	shalt  }
.Lfunc_end0:
.L_simem_size_0:
called_computation.4_lowered:
.L_overlay_start_0:
0x88: {  	s2 =	sld [smem:$0x3FD9]  }
0x89: {  	s3 =	sld [smem:$0x3FFE];
	_ =	sdelay $0x1  }
0x8a: {  	s1 =	srdreg.scid  }
0x8b: {  	s0 =	sand.u32 $0x1, s1  }
0x8c: {  	s17 =	sshll.u32 s0, $0xA;
	s2 =	sadd.s32 s3, s2  }
0x8d: {  	s2 =	sadd.s32 s2, s17  }
0x8e: {  	[smem:$0x3FB5] =	sst s2  }
0x8f: {  	_ = 	snop  }
0x90: {  	(tm) =	ssettm $0x1  }
0x91: {  	s18 =	sld [smem:$0x3FFB];
	_ =	sdelay $0x3  }
0x92: {  	_ =	strace s18  }
0x93: {  	s2 =	sld [smem:$0x3FFC];
	_ =	sdelay $0x3  }
0x94: {  	_ =	strace s2  }
0x95: {  	s2 =	sld [smem:$0x3FFD];
	_ =	sdelay $0x3  }
0x96: {  	_ =	strace s2  }
0x97: {  	_ =	strace $0x8FFFFFFF  }
0x98: {  	s19 =	sld [smem:$0x3FDB];
	_ =	sdelay $0x1  }
0x99: {  	s20 =	simm.s32 $_scs_section_size  }
0x9a: {  	s4 =	simm.s32 $_size__tile_overlayer_lowered;
	s5 =	simm.s32 $_tile_overlayer_lowered  }
0x9b: {  	s6 =	simm.s32 $0x1BFF;
	s21 =	sshll.u32 s5, $0x1;
	s3 =	sadd.s32 s20, s19  }
0x9c: {  	s22 =	simm.s32 $0x0;
	s4 =	sshll.u32 s4, $0x1;
	s5 =	sadd.s32 s21, s3  }
0x9d: {  	[timem:s22], [sflag:s6] =	dma.local [hbm:s5], s4  }
0x9e: {  	_ =	swait.ge [sflag:s6], s4  }
0x9f: {  	s4 =	ssub.s32 $0x0, s4;
	[sflag:s6] =	ssyncset.done $0x0  }
0xa0: {  	[sflag:s6] =	ssyncadd.s32 s4;
	_ =	sdelay $0x1  }
0xa1: {  	s23 =	simm.s32 $0x1B8B  }
0xa2: {  	_ =	swait.ge [sflag:s23], $0x1  }
0xa3: {  	[sflag:s23] =	ssyncset.done $0x0  }
0xa4: {  	[sflag:s23] =	ssyncadd.s32 $0xFFFFFFFF  }
0xa5: {  	s4 =	sld [smem:$0x0]  }
0xa6: {  	s5 =	sand.u32 $0xFFFFFFFE, s1  }
0xa7: {  	p0 =	sne.s32 s1, s5  }
0xa8: {  	s5 =	sshll.u32 @p0 s5, $0xE  }
0xa9: {  	s5 =	sadd.s32 @p0 $0x11B8D, s5;
	s6 =	sshll.u32 @p0 s4, $0x11  }
0xaa: {  	s5 =	sor.u32 @p0 s6, s5  }
0xab: {  	[sflag:s5] =	ssyncadd.remote.s32 @p0 $0x1;
	_ =	sdelay $0x1  }
0xac: {  	s5 =	simm.s32 @p0 $0x1B8D  }
0xad: {  	_ =	swait.eq @p0 [sflag:s5], $0x1  }
0xae: {  	[sflag:s5] =	ssyncadd.s32 @p0 $0xFFFFFFFF  }
0xaf: {  	s6 =	sshll.u32 @!p0 s1, $0xE  }
0xb0: {  	s6 =	sor.u32 @!p0 $0x4000, s6;
	s5 =	simm.s32 @!p0 $0x1B8D  }
0xb1: {  	s4 =	sshll.u32 @!p0 s4, $0x11;
	s6 =	sadd.s32 @!p0 $0x11B8D, s6;
	_ =	swait.eq @!p0 [sflag:s5], $0x1  }
0xb2: {  	s4 =	sor.u32 @!p0 s4, s6;
	[sflag:s5] =	ssyncadd.s32 @!p0 $0xFFFFFFFF  }
0xb3: {  	s25 =	simm.s32 $0x1B8E;
	s24 =	sld [smem:$0x3FFE];
	[sflag:s4] =	ssyncadd.remote.s32 @!p0 $0x1  }
0xb4: {  	s26 =	simm.s32 $execute0_lowered;
	[smem:$0x3FD2] =	sst s25  }
0xb5: {  	s5 =	sshll.u32 s26, $0x1;
	_ =	strace $0x80000055;
	[dreg:$0x1] =	wrdreg $0xFFFFFFFF  }
0xb6: {  	s28 =	simm.s32 $_size_execute0_lowered;
	s3 =	sadd.s32 s3, s5;
	[dreg:$0x0] =	wrdreg $0x0  }
0xb7: {  	s5 =	sshll.u32 s28, $0x1;
	[dreg:$0x2] =	wrdreg s3  }
0xb8: {  	[dreg:$0x3] =	wrdreg s5  }
0xb9: {  	[dreg:$0x4] =	wrdreg $0xC0  }
0xba: {  	_ =	task [dreg:s22], $0x5FFFF  }
0xbb: {  	[dreg:$0x1] =	wrdreg $0xFFFFFFFF  }
0xbc: {  	[dreg:$0x0] =	wrdreg $0x60  }
0xbd: {  	[dreg:$0x2] =	wrdreg s24  }
0xbe: {  	[dreg:$0x3] =	wrdreg $0xF1000  }
0xbf: {  	[dreg:$0x4] =	wrdreg $0x9  }
0xc0: {  	_ =	task.clear_ibuf [dreg:s22], $0x5FFFF;
	_ =	strace $0x90000055  }
0xc1: {  	s29 =	simm.s32 $0x9;
	_ =	strace $0x80000057  }
0xc2: {  	_ =	swait.ge [sflag:s29], $0x1  }
0xc3: {  	[sflag:s29] =	ssyncadd.s32 $0xFFFFFFFF  }
0xc4: {  	_ =	strace $0x90000057  }
0xc5: {  	_ =	sfence  }
0xc6: {  	s30 =	sld [smem:$0x0];
	_ =	sdelay $0x2  }
0xc7: {  	s31 =	sshll.u32 s1, $0xD;
	s1 =	sshrl.u32 s1, $0x2  }
0xc8: {  	s4 =	sand.u32 $0x4000, s31;
	s1 =	sadd.s32 s1, s30  }
0xc9: {  	s0 =	sor.u32 s4, s0;
	s1 =	sshll.u32 s1, $0x11  }
0xca: {  	s0 =	sor.u32 s1, s0  }
0xcb: {  	s0 =	sadd.s32 $0x8F2B, s0  }
0xcc: {  	[sflag:s0] =	ssyncadd.remote.s32 $0x1  }
0xcd: {  	_ =	sfence.sel $0xFFFF  }
0xce: {  	[dreg:$0x0] =	wrdreg $0xFFFFFFFF;
	(pc) =	sbr.abs _section_cstart, $3  }
0xcf: {  	[dreg:$0x1] =	wrdreg $0xFFFFFFFF  }
0xd0: {  	_ =	task.clear_ibuf [dreg:s22], $0x2FFFF;
	_ =	strace $0x9FFFFFFF  }
0xd1: {  	(tm) =	ssettm $0x7FFFFFFF  }
tec
execute0_lowered:
.L_overlay_start_1:
0x0: {  	(tag) =	ssettag $0x1  }
0x1: {  	s5 =	rddreg [dreg:$0x0];
	s0 =	stileid.u32  }
0x2: {  	s1 =	srdreg.scid;
	s2 =	rddreg [dreg:$0x1];
	s3 =	simm.s32 $0x0  }
0x3: {  	s13 =	simm.s32 $0x100;
	s14 =	simm.s32 $0x80;
	s4 =	smul.u32 $0x4E200, s0  }
0x4: {  	s15 =	simm.s32 $0x2900;
	s16 =	simm.s32 $0x1;
	s7 =	smul.u32 $0x140, s0  }
0x5: {  	s17 =	simm.s32 $0x3;
	s18 =	simm.s32 $0x50;
	s28 =	smul.u32 $0x28000, s0  }
0x6: {  	s20 =	simm.s32 $0x4;
	s21 =	simm.s32 $0x0;
	s12 =	smul.u32 $0x4E20, s0  }
0x7: {  	s6 =	sand.u32 $0x1, s1;
	s1 =	rddreg [dreg:$0x2];
	s31 =	smul.u32 $0x9C4, s0  }
0x8: {  	[smem:$0x7FF] =	sst s3;
	s10 =	sadd.s32 $0x11200, s5;
	s19 =	smul.u32 $0x1400, s6  }
0x9: {  	_ =	strace $0x80000056;
	s6 =	ssub.s32 $0x2, s6;
	s8 =	sadd.s32 s4, s5  }
0xa: {  	s11 =	sshrl.u32 s6, $0x1;
	s4 =	sadd.s32 $0x7400, s5;
	s29 =	sshrl.u32 s28, $0x2  }
0xb: {  	s30 =	sshrl.u32 s12, $0x3;
	s12 =	simm.s32 $0x5;
	s26 =	sadd.s32 s7, s19  }
0xc: {  	s11 =	ssub.s32 s6, s11;
	s6 =	sadd.s32 s10, s30;
	s7 =	sadd.s32 $0xA2D400, s8  }
0xd: {  	s10 =	sadd.s32 s31, s10;
	v0 =	vmov s19;
	s19 =	simm.s32 $0x2;
	s9 =	sshll.u32 s26, $0x4  }
0xe: {  	s10 =	sadd.s32 $0x14, s10;
	s9 =	sadd.s32 s9, s5;
	s5 =	sadd.s32 s29, s2  }
0xf: {  	s8 =	sadd.s32 $0x69A00, s9;
	s9 =	smax.u32 s11, $0x1;
	s11 =	simm.s32 $0x5100  }
.LBB2_1:
0x10: {  	[tilespmem:s11], [sflag:$0x5] =	stream.linear.gather [hbm4b:s4+s3], $0xA000, $0x38;
	[tilespmem:$0x19140] =	vst v63  }
0x11: {  	_ =	swait.ge [sflag:s12], $0xA000  }
0x12: {  	[sflag:s12] =	ssyncset.done $0x0  }
0x13: {  	[sflag:s12] =	ssyncadd.s32 $0xFFFF6000  }
0x14: {  	[spmem:s5] =	stream.linear.scatter [tilespmem:s11], [sflag:$0x5], $0xA000, $0x38;
	[tilespmem:$0x19140] =	vst v63  }
0x15: {  	_ =	swait.ge [sflag:s12], $0xA000  }
0x16: {  	[sflag:s12] =	ssyncset.done $0x0  }
0x17: {  	[sflag:s12] =	ssyncadd.s32 $0xFFFF6000  }
0x18: {  	[bflag:$0x0] =	sbarrier.arrive $0xFFFF  }
0x19: {  	[tilespmem:s3], [sflag:$0x1] =	stream.linear.gather [hbm4b:s6+s3], $0x50, $0x38;
	[tilespmem:$0x19140] =	vst v63  }
0x1a: {  	_ = 	snop  }
0x1b: {  	[tilespmem:s13], [sflag:$0x3] =	stream.linear.gather [hbm4b:s7+s3], $0x2800, $0x38;
	[tilespmem:$0x19140] =	vst v63  }
0x1c: {  	s22 =	sadd.s32 $0xFFFFFFF6, s10;
	s23 =	sadd.s32 $0x0, s7  }
0x1d: {  	[tilespmem:s14], [sflag:$0x2] =	stream.linear.gather [hbm4b:s22+s3], $0x50, $0x38;
	[tilespmem:$0x19140] =	vst v63  }
0x1e: {  	s31 =	sadd.s32 $0x500, s23  }
0x1f: {  	[tilespmem:s15], [sflag:$0x4] =	stream.linear.gather [hbm4b:s31+s3], $0x2800, $0x38;
	[tilespmem:$0x19140] =	vst v63  }
0x20: {  	_ =	swait.ge [sflag:s16], $0x50  }
0x21: {  	[sflag:s16] =	ssyncset.done $0x0  }
0x22: {  	[sflag:s16] =	ssyncadd.s32 $0xFFFFFFB0  }
0x23: {  	_ =	swait.ge [sflag:s17], $0x2800  }
0x24: {  	[sflag:s17] =	ssyncset.done $0x0  }
0x25: {  	[sflag:s17] =	ssyncadd.s32 $0xFFFFD800  }
0x26: {  	v1 =	vld [tilespmem:$0x0]  }
0x27: {  	v2 =	vld [tilespmem:$0x40]  }
0x28: {  	v3 =	vld [tilespmem:$0x30]  }
0x29: {  	v4 =	vld [tilespmem:$0x20]  }
0x2a: {  	v5 =	vld [tilespmem:$0x10]  }
0x2b: {  	v1 =	vsub.s32 v1, v0  }
0x2c: {  	v2 =	vsub.s32 v2, v0;
	v1 =	vmin.u32 v1, $0x1400  }
0x2d: {  	v2 =	vmin.u32 v2, $0x1400;
	[tilespmem:$0x0] =	vst v1;
	v1 =	vsub.s32 v3, v0  }
0x2e: {  	v3 =	vsub.s32 v4, v0;
	[tilespmem:$0x40] =	vst v2;
	v1 =	vmin.u32 v1, $0x1400  }
0x2f: {  	v2 =	vsub.s32 v5, v0;
	v3 =	vmin.u32 v3, $0x1400;
	[tilespmem:$0x30] =	vst v1  }
0x30: {  	v1 =	vmin.u32 v2, $0x1400;
	[tilespmem:$0x20] =	vst v3  }
0x31: {  	[tilespmem:$0x10] =	vst v1  }
0x32: {  	[spmem:s2] =	stream.indirect.scatter.add.f32 [tilespmem:s13], [sflag:$0x5], $0x80, s3, s18, $0xb8;
	[tilespmem:$0x19140] =	vst v63  }
0x33: {  	_ =	swait.ge [sflag:s12], $0x2800  }
0x34: {  	p0 =	por $0x0, $0x0;
	[sflag:s12] =	ssyncset.done $0x0  }
0x35: {  	s23 =	sadd.s32 @!p0 $0x0, s7;
	s22 =	simm.s32 @!p0 $0x0;
	[sflag:s12] =	ssyncadd.s32 $0xFFFFD800  }
0x36: {  	[tilespmem:s22], [sflag:$0x1] =	stream.linear.gather @!p0 [hbm4b:s10+s22], $0x50, $0x38;
	[tilespmem:$0x19140] =	vst v63  }
0x37: {  	s24 =	simm.s32 @!p0 $0x100;
	s23 =	sadd.s32 @!p0 $0xA00, s23  }
0x38: {  	[tilespmem:s24], [sflag:$0x3] =	stream.linear.gather @!p0 [hbm4b:s23+s22], $0x2800, $0x38;
	[tilespmem:$0x19140] =	vst v63  }
0x39: {  	_ =	swait.ge [sflag:s19], $0x50  }
0x3a: {  	[sflag:s19] =	ssyncset.done $0x0  }
0x3b: {  	[sflag:s19] =	ssyncadd.s32 $0xFFFFFFB0  }
0x3c: {  	_ =	swait.ge [sflag:s20], $0x2800  }
0x3d: {  	[sflag:s20] =	ssyncset.done $0x0  }
0x3e: {  	[sflag:s20] =	ssyncadd.s32 $0xFFFFD800  }
0x3f: {  	v1 =	vld [tilespmem:$0x80]  }
0x40: {  	v2 =	vld [tilespmem:$0x90]  }
0x41: {  	v3 =	vld [tilespmem:$0xA0]  }
0x42: {  	v62 =	vld [tilespmem:$0xB0]  }
0x43: {  	v63 =	vld [tilespmem:$0xC0]  }
0x44: {  	v1 =	vsub.s32 v1, v0  }
0x45: {  	v2 =	vsub.s32 v2, v0;
	v1 =	vmin.u32 v1, $0x1400  }
0x46: {  	[tilespmem:$0x80] =	vst v1;
	v1 =	vmin.u32 v2, $0x1400;
	v2 =	vsub.s32 v3, v0  }
0x47: {  	[tilespmem:$0x90] =	vst v1;
	v1 =	vmin.u32 v2, $0x1400;
	v2 =	vsub.s32 v62, v0  }
0x48: {  	[tilespmem:$0xA0] =	vst v1;
	v1 =	vmin.u32 v2, $0x1400;
	v2 =	vsub.s32 v63, v0  }
0x49: {  	s24 =	sadd.s32 $0x14, s10;
	[tilespmem:$0xB0] =	vst v1;
	v1 =	vmin.u32 v2, $0x1400  }
0x4a: {  	s25 =	simm.s32 $0x1400;
	s22 =	simm.s32 $0xA00;
	s23 =	smov.u32 s24;
	[tilespmem:$0xC0] =	vst v1  }
0x4b: {  	[spmem:s2] =	stream.indirect.scatter.add.f32 [tilespmem:s15], [sflag:$0x5], $0x80, s14, s18, $0xb8;
	[tilespmem:$0x19140] =	vst v63  }
.LBB2_2:
0x4c: {  	s24 =	sadd.s32 $0x14, s24  }
0x4d: {  	_ =	swait.ge [sflag:s12], $0x2800;
	s26 =	smov.u32 s25;
	s25 =	sadd.s32 $0xA00, s25  }
0x4e: {  	p0 =	sne.s32 s25, $0x4E200;
	[sflag:s12] =	ssyncset.done $0x0  }
0x4f: {  	s28 =	sadd.s32 $0xFFFFFFF6, s23;
	s29 =	sadd.s32 s22, s7;
	[sflag:s12] =	ssyncadd.s32 $0xFFFFD800  }
0x50: {  	[tilespmem:s14], [sflag:$0x2] =	stream.linear.gather [hbm4b:s28+s3], $0x50, $0x38;
	[tilespmem:$0x19140] =	vst v63  }
0x51: {  	s28 =	sadd.s32 $0x500, s29  }
0x52: {  	[tilespmem:s15], [sflag:$0x4] =	stream.linear.gather [hbm4b:s28+s3], $0x2800, $0x38;
	[tilespmem:$0x19140] =	vst v63  }
0x53: {  	_ =	swait.ge [sflag:s16], $0x50  }
0x54: {  	[sflag:s16] =	ssyncset.done $0x0  }
0x55: {  	[sflag:s16] =	ssyncadd.s32 $0xFFFFFFB0  }
0x56: {  	_ =	swait.ge [sflag:s17], $0x2800  }
0x57: {  	[sflag:s17] =	ssyncset.done $0x0  }
0x58: {  	[sflag:s17] =	ssyncadd.s32 $0xFFFFD800  }
0x59: {  	v1 =	vld [tilespmem:$0x0]  }
0x5a: {  	v2 =	vld [tilespmem:$0x40]  }
0x5b: {  	v3 =	vld [tilespmem:$0x30]  }
0x5c: {  	v4 =	vld [tilespmem:$0x20]  }
0x5d: {  	v5 =	vld [tilespmem:$0x10]  }
0x5e: {  	v1 =	vsub.s32 v1, v0  }
0x5f: {  	v1 =	vmin.u32 v1, $0x1400;
	v2 =	vsub.s32 v2, v0  }
0x60: {  	[tilespmem:$0x0] =	vst v1;
	v1 =	vsub.s32 v3, v0;
	v2 =	vmin.u32 v2, $0x1400  }
0x61: {  	v3 =	vsub.s32 v4, v0;
	v1 =	vmin.u32 v1, $0x1400;
	[tilespmem:$0x40] =	vst v2  }
0x62: {  	v2 =	vsub.s32 v5, v0;
	v3 =	vmin.u32 v3, $0x1400;
	[tilespmem:$0x30] =	vst v1  }
0x63: {  	v1 =	vmin.u32 v2, $0x1400;
	[tilespmem:$0x20] =	vst v3  }
0x64: {  	[tilespmem:$0x10] =	vst v1  }
0x65: {  	[spmem:s2] =	stream.indirect.scatter.add.f32 [tilespmem:s13], [sflag:$0x5], $0x80, s3, s18, $0xb8;
	[tilespmem:$0x19140] =	vst v63  }
0x66: {  	_ =	swait.ge [sflag:s12], $0x2800  }
0x67: {  	p1 =	seq.s32 s22, $0x4D800;
	[sflag:s12] =	ssyncset.done $0x0  }
0x68: {  	s22 =	sadd.s32 @!p1 s22, s7;
	s28 =	simm.s32 @!p1 $0x0;
	[sflag:s12] =	ssyncadd.s32 $0xFFFFD800  }
0x69: {  	[tilespmem:s28], [sflag:$0x1] =	stream.linear.gather @!p1 [hbm4b:s23+s28], $0x50, $0x38;
	[tilespmem:$0x19140] =	vst v63  }
0x6a: {  	s29 =	simm.s32 @!p1 $0x100;
	s23 =	sadd.s32 @!p1 $0xA00, s22;
	s22 =	smov.u32 s26  }
0x6b: {  	[tilespmem:s29], [sflag:$0x3] =	stream.linear.gather @!p1 [hbm4b:s23+s28], $0x2800, $0x38;
	[tilespmem:$0x19140] =	vst v63  }
0x6c: {  	s23 =	smov.u32 s24;
	_ =	swait.ge [sflag:s19], $0x50  }
0x6d: {  	[sflag:s19] =	ssyncset.done $0x0  }
0x6e: {  	[sflag:s19] =	ssyncadd.s32 $0xFFFFFFB0  }
0x6f: {  	_ =	swait.ge [sflag:s20], $0x2800  }
0x70: {  	[sflag:s20] =	ssyncset.done $0x0  }
0x71: {  	[sflag:s20] =	ssyncadd.s32 $0xFFFFD800  }
0x72: {  	v1 =	vld [tilespmem:$0x80]  }
0x73: {  	v2 =	vld [tilespmem:$0x90]  }
0x74: {  	v3 =	vld [tilespmem:$0xA0]  }
0x75: {  	v4 =	vld [tilespmem:$0xB0]  }
0x76: {  	v5 =	vld [tilespmem:$0xC0]  }
0x77: {  	v1 =	vsub.s32 v1, v0  }
0x78: {  	v1 =	vmin.u32 v1, $0x1400;
	v2 =	vsub.s32 v2, v0  }
0x79: {  	[tilespmem:$0x80] =	vst v1;
	v1 =	vmin.u32 v2, $0x1400;
	v2 =	vsub.s32 v3, v0  }
.Ltmp0:
0x7a: {  	[tilespmem:$0x90] =	vst v1;
	v1 =	vmin.u32 v2, $0x1400;
	v2 =	vsub.s32 v4, v0;
	(pc) =	sbr.rel @p0 .LBB2_2-.Ltmp0, $4  }
0x7b: {  	[tilespmem:$0xA0] =	vst v1;
	v1 =	vmin.u32 v2, $0x1400;
	v2 =	vsub.s32 v5, v0  }
0x7c: {  	[tilespmem:$0xB0] =	vst v1;
	v1 =	vmin.u32 v2, $0x1400  }
0x7d: {  	[tilespmem:$0xC0] =	vst v1  }
0x7e: {  	[spmem:s2] =	stream.indirect.scatter.add.f32 [tilespmem:s15], [sflag:$0x5], $0x80, s14, s18, $0xb8;
	[tilespmem:$0x19140] =	vst v63  }
0x7f: {  	_ =	swait.ge [sflag:s12], $0x2800  }
0x80: {  	[sflag:s12] =	ssyncset.done $0x0  }
0x81: {  	s24 =	sadd.s32 $0xFFFFFFF6, s23;
	s25 =	sadd.s32 s22, s7;
	[sflag:s12] =	ssyncadd.s32 $0xFFFFD800  }
0x82: {  	[tilespmem:s14], [sflag:$0x2] =	stream.linear.gather [hbm4b:s24+s3], $0x50, $0x38;
	[tilespmem:$0x19140] =	vst v63  }
0x83: {  	s31 =	sadd.s32 $0x500, s25  }
0x84: {  	[tilespmem:s15], [sflag:$0x4] =	stream.linear.gather [hbm4b:s31+s3], $0x2800, $0x38;
	[tilespmem:$0x19140] =	vst v63  }
0x85: {  	_ =	swait.ge [sflag:s16], $0x50  }
0x86: {  	[sflag:s16] =	ssyncset.done $0x0  }
0x87: {  	[sflag:s16] =	ssyncadd.s32 $0xFFFFFFB0  }
0x88: {  	_ =	swait.ge [sflag:s17], $0x2800  }
0x89: {  	[sflag:s17] =	ssyncset.done $0x0  }
0x8a: {  	[sflag:s17] =	ssyncadd.s32 $0xFFFFD800  }
0x8b: {  	v1 =	vld [tilespmem:$0x0]  }
0x8c: {  	v2 =	vld [tilespmem:$0x40]  }
0x8d: {  	v3 =	vld [tilespmem:$0x30]  }
0x8e: {  	v4 =	vld [tilespmem:$0x20]  }
0x8f: {  	v5 =	vld [tilespmem:$0x10]  }
0x90: {  	v1 =	vsub.s32 v1, v0  }
0x91: {  	v2 =	vsub.s32 v2, v0;
	v1 =	vmin.u32 v1, $0x1400  }
0x92: {  	v2 =	vmin.u32 v2, $0x1400;
	[tilespmem:$0x0] =	vst v1;
	v1 =	vsub.s32 v3, v0  }
0x93: {  	v3 =	vsub.s32 v4, v0;
	[tilespmem:$0x40] =	vst v2;
	v1 =	vmin.u32 v1, $0x1400  }
0x94: {  	v2 =	vsub.s32 v5, v0;
	v3 =	vmin.u32 v3, $0x1400;
	[tilespmem:$0x30] =	vst v1  }
0x95: {  	v1 =	vmin.u32 v2, $0x1400;
	[tilespmem:$0x20] =	vst v3  }
0x96: {  	[tilespmem:$0x10] =	vst v1  }
0x97: {  	[spmem:s2] =	stream.indirect.scatter.add.f32 [tilespmem:s13], [sflag:$0x5], $0x80, s3, s18, $0xb8;
	[tilespmem:$0x19140] =	vst v63  }
0x98: {  	_ =	swait.ge [sflag:s12], $0x2800  }
0x99: {  	p0 =	seq.s32 s22, $0x4D800;
	[sflag:s12] =	ssyncset.done $0x0  }
0x9a: {  	s22 =	sadd.s32 @!p0 s22, s7;
	s24 =	simm.s32 @!p0 $0x0;
	[sflag:s12] =	ssyncadd.s32 $0xFFFFD800  }
0x9b: {  	[tilespmem:s24], [sflag:$0x1] =	stream.linear.gather @!p0 [hbm4b:s23+s24], $0x50, $0x38;
	[tilespmem:$0x19140] =	vst v63  }
0x9c: {  	s22 =	sadd.s32 @!p0 $0xA00, s22;
	s23 =	simm.s32 @!p0 $0x100  }
0x9d: {  	[tilespmem:s23], [sflag:$0x3] =	stream.linear.gather @!p0 [hbm4b:s22+s24], $0x2800, $0x38;
	[tilespmem:$0x19140] =	vst v63  }
0x9e: {  	_ =	swait.ge [sflag:s19], $0x50  }
0x9f: {  	[sflag:s19] =	ssyncset.done $0x0  }
0xa0: {  	[sflag:s19] =	ssyncadd.s32 $0xFFFFFFB0  }
0xa1: {  	_ =	swait.ge [sflag:s20], $0x2800  }
0xa2: {  	[sflag:s20] =	ssyncset.done $0x0  }
0xa3: {  	[sflag:s20] =	ssyncadd.s32 $0xFFFFD800  }
0xa4: {  	v1 =	vld [tilespmem:$0x80]  }
0xa5: {  	v2 =	vld [tilespmem:$0x90]  }
0xa6: {  	v3 =	vld [tilespmem:$0xA0]  }
0xa7: {  	v62 =	vld [tilespmem:$0xB0]  }
0xa8: {  	v63 =	vld [tilespmem:$0xC0]  }
0xa9: {  	v1 =	vsub.s32 v1, v0  }
0xaa: {  	v2 =	vsub.s32 v2, v0;
	v1 =	vmin.u32 v1, $0x1400  }
0xab: {  	[tilespmem:$0x80] =	vst v1;
	v1 =	vmin.u32 v2, $0x1400;
	v2 =	vsub.s32 v3, v0  }
0xac: {  	[tilespmem:$0x90] =	vst v1;
	v1 =	vmin.u32 v2, $0x1400;
	v2 =	vsub.s32 v62, v0  }
0xad: {  	[tilespmem:$0xA0] =	vst v1;
	v1 =	vmin.u32 v2, $0x1400;
	v2 =	vsub.s32 v63, v0  }
0xae: {  	[tilespmem:$0xB0] =	vst v1;
	v1 =	vmin.u32 v2, $0x1400  }
0xaf: {  	[tilespmem:$0xC0] =	vst v1  }
0xb0: {  	[spmem:s2] =	stream.indirect.scatter.add.f32 [tilespmem:s15], [sflag:$0x5], $0x80, s14, s18, $0xb8;
	[tilespmem:$0x19140] =	vst v63  }
0xb1: {  	_ =	swait.ge [sflag:s12], $0x2800  }
0xb2: {  	[sflag:s12] =	ssyncset.done $0x0  }
0xb3: {  	[sflag:s12] =	ssyncadd.s32 $0xFFFFD800  }
0xb4: {  	[bflag:$0x0] =	sbarrier.arrive $0xFFFF  }
0xb5: {  	[tilespmem:s11], [sflag:$0x5] =	stream.linear.gather [spmem:s5], $0xA000, $0x38;
	[tilespmem:$0x19140] =	vst v63  }
0xb6: {  	s21 =	sadd.s32 $0x1, s21;
	_ =	swait.ge [sflag:s12], $0xA000  }
0xb7: {  	p0 =	sne.s32 s21, s9;
	[sflag:s12] =	ssyncset.done $0x0  }
.Ltmp1:
0xb8: {  	[sflag:s12] =	ssyncadd.s32 $0xFFFF6000;
	(pc) =	sbr.rel @p0 .LBB2_1-.Ltmp1, $4  }
0xb9: {  	[hbm4b:s8+s3] =	stream.linear.scatter [tilespmem:s11], [sflag:$0x5], $0xA000, $0x38;
	[tilespmem:$0x19140] =	vst v63  }
0xba: {  	_ =	swait.ge [sflag:s12], $0xA000  }
0xbb: {  	[sflag:s12] =	ssyncset.done $0x0  }
0xbc: {  	[sflag:s12] =	ssyncadd.s32 $0xFFFF6000  }
0xbd: {  	_ =	sfence.sel $0x180000  }
0xbe: {  	[bflag:$0x0] =	sbarrier.arrive $0xFFFF  }
0xbf: {  	p0 =	sne.s32 s0, $0x0;
	_ =	strace $0x90000056  }
0xc0: {  	s0 =	sadd.s32 @!p0 $0x100000, s1;
	[bflag:$0x2] =	sbarrier.arrive $0xFFFF  }
0xc1: {  	[sflag:s0] =	ssyncadd.tile.s32 @!p0 $0x1;
	_ =	shalt  }
.Lfunc_end2:
_tile_overlayer_lowered:
.L_overlay_start_2:
0xc2: {  	(tag) =	ssettag $0x2  }
0xc3: {  	s0 =	rddreg [dreg:$0x0];
	s2 =	stileid.u32  }
0xc4: {  	s1 =	rddreg [dreg:$0x1];
	p0 =	sne.s32 s2, $0x0  }
0xc5: {  	s3 =	rddreg [dreg:$0x2];
	[bflag:$0x3] =	sbarrier.arrive $0xFFFF;
	s2 =	simm.s32 @!p0 $0x1C05  }
0xc6: {  	[timem:s3], [sflag:s2] =	dma.local @!p0 [hbm:s0], s1  }
0xc7: {  	s0 =	simm.s32 @!p0 $0x5  }
0xc8: {  	_ =	swait.ge @!p0 [sflag:s0], s1  }
0xc9: {  	s1 =	ssub.s32 @!p0 $0x0, s1;
	[sflag:s0] =	ssyncset.done @!p0 $0x0  }
0xca: {  	[sflag:s0] =	ssyncadd.s32 @!p0 s1  }
0xcb: {  	[bflag:$0x3] =	sbarrier.arrive $0xFFFF  }
0xcc: {  	_ =	shalt  }

// kernel: kernel.30.cloned.1.call-start
scs
__scs_entry_jumppad:
0x0: {  	(pc) =	sbr.rel $0x88, $3  }
0x1: {  	(tag) =	ssettag $0x0;
	lr =	simm.s32 $0x1  }
0x2: {  	[smem:$0x3F8E] =	sst lr;
	_ =	strace $0xD0000000  }
0x3: {  	_ = 	snop  }
0x4: {  	_ = 	snop  }
0x5: {  	_ = 	snop  }
0x6: {  	_ = 	snop  }
0x7: {  	_ = 	snop  }
__scs_overlays_trampoline_lowered:
0x8: {  	[smem:$0x3F9D] =	sst s0  }
0x9: {  	[smem:$0x3F9E] =	sst s1  }
0xa: {  	[smem:$0x3F9F] =	sst s2  }
0xb: {  	[smem:$0x3FA0] =	sst s3  }
0xc: {  	[smem:$0x3FA1] =	sst s4  }
0xd: {  	[smem:$0x3FA2] =	sst s5  }
0xe: {  	[smem:$0x3FA3] =	sst s6  }
0xf: {  	[smem:$0x3FA4] =	sst s7  }
0x10: {  	[smem:$0x3FA5] =	sst s8  }
0x11: {  	[smem:$0x3FA6] =	sst s9;
	s0 =	simm.s32 @!p0 $0x0  }
0x12: {  	s1 =	sld [smem:$0x3F8C];
	s0 =	simm.s32 @p0 $0x1  }
0x13: {  	[smem:$0x3FA7] =	sst s0;
	s0 =	simm.s32 @!p1 $0x0  }
0x14: {  	s2 =	sld [smem:$0x3F8B];
	s0 =	simm.s32 @p1 $0x1  }
0x15: {  	[smem:$0x3FA8] =	sst s0;
	s0 =	simm.s32 @!p2 $0x0  }
0x16: {  	s3 =	sld [smem:$0x3FDB];
	s0 =	simm.s32 @p2 $0x1  }
0x17: {  	s4 =	simm.s32 $0x1BF5;
	[smem:$0x3FAA] =	sst s0  }
0x18: {  	s0 =	sld [smem:$0x3F8D];
	_ =	swait.ge [sflag:s4], $0x0  }
0x19: {  	s7 =	sld [smem:$0x3F8E]  }
0x1a: {  	s8 =	sadd.s32 $0xFFFFE003, lr  }
0x1b: {  	s9 =	sadd.s32 $0xFFFFFEF7, lr;
	s5 =	simm.s32 $0xFFFFFFFF;
	p2 =	slt.u32 s8, $0xFFFFF086  }
0x1c: {  	p1 =	slt.u32 s9, $0xF7A;
	s5 =	simm.s32 @!p2 $0x0  }
0x1d: {  	s5 =	simm.s32 @p1 $0x1;
	p0 =	seq.s32 s7, s2  }
0x1e: {  	s7 =	smul.u32 @!p0 $0xF7A, s2;
	p2 =	seq.s32 @!p0 s5, $0x0  }
0x1f: {  	s9 =	smul.u32 $0xF7A, s1;
	s8 =	simm.s32 @!p0 $0x1BF5;
	p2 =	por !p2, p0  }
0x20: {  	[sflag:s8] =	ssyncset.s32 @!p0 $0xFFFFF086;
	s6 =	sadd.s32 @!p0 s3, s7;
	s7 =	simm.s32 @!p0 $0x108  }
0x21: {  	s3 =	sadd.s32 s3, s9;
	s6 =	sadd.s32 @!p0 $0x88, s6;
	s7 =	simm.s32 @p2 $0x1082  }
0x22: {  	[simem:s7], [sflag:s8] =	dma.local @!p0 [hbm:s6], $0xF7A  }
0x23: {  	s9 =	sor.u32 $0xD0000000, s2;
	s6 =	simm.s32 $0x108;
	_ =	swait.ge @!p0 [sflag:s8], $0x0  }
0x24: {  	s3 =	sadd.s32 $0x88, s3;
	s6 =	simm.s32 @!p1 $0x1082;
	[sflag:s4] =	ssyncset.s32 $0xFFFFF086  }
0x25: {  	[simem:s6], [sflag:s4] =	dma.local [hbm:s3], $0xF7A  }
0x26: {  	[smem:$0x3F8E] =	sst s1;
	(tag) =	ssettag s2;
	_ =	strace s9  }
0x27: {  	s1 =	sld [smem:$0x3F9E]  }
0x28: {  	s2 =	sld [smem:$0x3F9F]  }
0x29: {  	s4 =	sld [smem:$0x3FA1]  }
0x2a: {  	p0 =	seq.s32 s5, $0x0;
	s5 =	sld [smem:$0x3FA2]  }
0x2b: {  	s6 =	sld [smem:$0x3FA3]  }
0x2c: {  	s7 =	sld [smem:$0x3FA4]  }
0x2d: {  	s3 =	simm.s32 $0x108;
	s8 =	sld [smem:$0x3FA5]  }
0x2e: {  	s3 =	simm.s32 @!p0 $0x1082;
	s9 =	sld [smem:$0x3FA6]  }
0x2f: {  	lr =	sadd.s32 s0, s3;
	s0 =	sld [smem:$0x3F9D]  }
0x30: {  	s3 =	sld [smem:$0x3FA0]  }
0x31: {  	[smem:$0x3FA9] =	sst s10  }
0x32: {  	s10 =	sld [smem:$0x3FA7];
	_ =	sdelay $0x3  }
0x33: {  	p0 =	seq.s32 s10, $0x1;
	s10 =	sld [smem:$0x3FA9];
	_ =	sdelay $0x3  }
0x34: {  	[smem:$0x3FA9] =	sst s10  }
0x35: {  	s10 =	sld [smem:$0x3FA8];
	_ =	sdelay $0x3  }
0x36: {  	p1 =	seq.s32 s10, $0x1;
	s10 =	sld [smem:$0x3FA9];
	_ =	sdelay $0x3  }
0x37: {  	[smem:$0x3FA9] =	sst s10  }
0x38: {  	s10 =	sld [smem:$0x3FAA]  }
0x39: {  	_ = 	snop;
	(pc) =	sbr.ind lr, $3  }
0x3a: {  	_ = 	snop  }
0x3b: {  	_ = 	snop  }
0x3c: {  	p2 =	seq.s32 s10, $0x1;
	s10 =	sld [smem:$0x3FA9]  }
0x3d: {  	_ =	shalt  }
0x3e: {  	_ =	shalt  }
0x3f: {  	_ =	shalt  }
0x40: {  	_ =	shalt  }
0x41: {  	_ =	shalt  }
0x42: {  	_ =	shalt  }
0x43: {  	_ =	shalt  }
0x44: {  	_ =	shalt  }
0x45: {  	_ =	shalt  }
0x46: {  	_ =	shalt  }
0x47: {  	_ =	shalt  }
0x48: {  	_ =	shalt  }
0x49: {  	_ =	shalt  }
0x4a: {  	_ =	shalt  }
0x4b: {  	_ =	shalt  }
0x4c: {  	_ =	shalt  }
0x4d: {  	_ =	shalt  }
0x4e: {  	_ =	shalt  }
0x4f: {  	_ =	shalt  }
0x50: {  	_ =	shalt  }
0x51: {  	_ =	shalt  }
0x52: {  	_ =	shalt  }
0x53: {  	_ =	shalt  }
0x54: {  	_ =	shalt  }
0x55: {  	_ =	shalt  }
0x56: {  	_ =	shalt  }
0x57: {  	_ =	shalt  }
0x58: {  	_ =	shalt  }
0x59: {  	_ =	shalt  }
0x5a: {  	_ =	shalt  }
0x5b: {  	_ =	shalt  }
0x5c: {  	_ =	shalt  }
0x5d: {  	_ =	shalt  }
0x5e: {  	_ =	shalt  }
0x5f: {  	_ =	shalt  }
0x60: {  	_ =	shalt  }
0x61: {  	_ =	shalt  }
0x62: {  	_ =	shalt  }
0x63: {  	_ =	shalt  }
0x64: {  	_ =	shalt  }
0x65: {  	_ =	shalt  }
0x66: {  	_ =	shalt  }
0x67: {  	_ =	shalt  }
0x68: {  	_ =	shalt  }
0x69: {  	_ =	shalt  }
0x6a: {  	_ =	shalt  }
0x6b: {  	_ =	shalt  }
0x6c: {  	_ =	shalt  }
0x6d: {  	_ =	shalt  }
0x6e: {  	_ =	shalt  }
0x6f: {  	_ =	shalt  }
0x70: {  	_ =	shalt  }
0x71: {  	_ =	shalt  }
0x72: {  	_ =	shalt  }
0x73: {  	_ =	shalt  }
0x74: {  	_ =	shalt  }
0x75: {  	_ =	shalt  }
0x76: {  	_ =	shalt  }
0x77: {  	_ =	shalt  }
0x78: {  	_ =	shalt  }
0x79: {  	_ =	shalt  }
0x7a: {  	_ =	shalt  }
0x7b: {  	_ =	shalt  }
0x7c: {  	_ =	shalt  }
0x7d: {  	_ =	shalt  }
0x7e: {  	_ =	shalt  }
0x7f: {  	_ =	shalt  }
0x80: {  	_ =	shalt  }
0x81: {  	_ =	shalt  }
0x82: {  	_ =	shalt  }
0x83: {  	_ =	shalt  }
0x84: {  	_ =	shalt  }
0x85: {  	_ =	shalt  }
0x86: {  	_ =	shalt  }
0x87: {  	_ =	shalt  }
.Lfunc_end0:
.L_simem_size_0:
called_computation.5_lowered:
.L_overlay_start_0:
0x88: {  	s2 =	sld [smem:$0x3FD9]  }
0x89: {  	s3 =	sld [smem:$0x3FFE];
	_ =	sdelay $0x1  }
0x8a: {  	s1 =	srdreg.scid  }
0x8b: {  	s0 =	sand.u32 $0x1, s1  }
0x8c: {  	s16 =	sshll.u32 s0, $0xA;
	s2 =	sadd.s32 s3, s2  }
0x8d: {  	s2 =	sadd.s32 s2, s16  }
0x8e: {  	[smem:$0x3FB5] =	sst s2  }
0x8f: {  	_ = 	snop  }
0x90: {  	(tm) =	ssettm $0x1  }
0x91: {  	s17 =	sld [smem:$0x3FFB];
	_ =	sdelay $0x3  }
0x92: {  	_ =	strace s17  }
0x93: {  	s2 =	sld [smem:$0x3FFC];
	_ =	sdelay $0x3  }
0x94: {  	_ =	strace s2  }
0x95: {  	s2 =	sld [smem:$0x3FFD];
	_ =	sdelay $0x3  }
0x96: {  	_ =	strace s2  }
0x97: {  	_ =	strace $0x8FFFFFFF  }
0x98: {  	s18 =	sld [smem:$0x3FDB];
	_ =	sdelay $0x1  }
0x99: {  	s19 =	simm.s32 $_scs_section_size  }
0x9a: {  	s4 =	simm.s32 $_size__tile_overlayer_lowered;
	s5 =	simm.s32 $_tile_overlayer_lowered  }
0x9b: {  	s22 =	simm.s32 $0x1BFF;
	s21 =	sshll.u32 s5, $0x1;
	s2 =	sadd.s32 s19, s18  }
0x9c: {  	s6 =	simm.s32 $0x0;
	s20 =	sshll.u32 s4, $0x1;
	s4 =	sadd.s32 s21, s2  }
0x9d: {  	[timem:s6], [sflag:s22] =	dma.local [hbm:s4], s20  }
0x9e: {  	_ =	swait.ge [sflag:s22], s20  }
0x9f: {  	s3 =	ssub.s32 $0x0, s20;
	[sflag:s22] =	ssyncset.done $0x0  }
0xa0: {  	[sflag:s22] =	ssyncadd.s32 s3;
	_ =	sdelay $0x1  }
0xa1: {  	s23 =	simm.s32 $0x1B8B  }
0xa2: {  	_ =	swait.ge [sflag:s23], $0x1  }
0xa3: {  	[sflag:s23] =	ssyncset.done $0x0  }
0xa4: {  	s25 =	simm.s32 $0x1B8E;
	s24 =	sld [smem:$0x3FFE];
	[sflag:s23] =	ssyncadd.s32 $0xFFFFFFFF  }
0xa5: {  	s26 =	simm.s32 $execute0_lowered;
	[smem:$0x3FD2] =	sst s25  }
0xa6: {  	s4 =	sshll.u32 s26, $0x1;
	_ =	strace $0x80000052;
	[dreg:$0x1] =	wrdreg $0xFFFFFFFF  }
0xa7: {  	s28 =	simm.s32 $_size_execute0_lowered;
	s2 =	sadd.s32 s2, s4;
	[dreg:$0x0] =	wrdreg $0x0  }
0xa8: {  	s4 =	sshll.u32 s28, $0x1;
	[dreg:$0x2] =	wrdreg s2  }
0xa9: {  	[dreg:$0x3] =	wrdreg s4  }
0xaa: {  	[dreg:$0x4] =	wrdreg $0xC0  }
0xab: {  	_ =	task [dreg:s6], $0x5FFFF  }
0xac: {  	[dreg:$0x1] =	wrdreg $0xFFFFFFFF  }
0xad: {  	[dreg:$0x0] =	wrdreg $0x60  }
0xae: {  	[dreg:$0x2] =	wrdreg s24  }
0xaf: {  	[dreg:$0x3] =	wrdreg $0xF1000  }
0xb0: {  	[dreg:$0x4] =	wrdreg $0xA  }
0xb1: {  	_ =	task.clear_ibuf [dreg:s6], $0x5FFFF;
	_ =	strace $0x90000052  }
0xb2: {  	s29 =	simm.s32 $0xA;
	_ =	strace $0x80000054  }
0xb3: {  	_ =	swait.ge [sflag:s29], $0x1  }
0xb4: {  	[sflag:s29] =	ssyncadd.s32 $0xFFFFFFFF  }
0xb5: {  	_ =	strace $0x90000054  }
0xb6: {  	_ =	sfence  }
0xb7: {  	s30 =	sld [smem:$0x0];
	_ =	sdelay $0x2  }
0xb8: {  	s31 =	sshll.u32 s1, $0xD;
	s1 =	sshrl.u32 s1, $0x2  }
0xb9: {  	s3 =	sand.u32 $0x4000, s31;
	s1 =	sadd.s32 s1, s30  }
0xba: {  	s0 =	sor.u32 s3, s0;
	s1 =	sshll.u32 s1, $0x11  }
0xbb: {  	s0 =	sor.u32 s1, s0  }
0xbc: {  	s0 =	sadd.s32 $0x8F2B, s0  }
0xbd: {  	[sflag:s0] =	ssyncadd.remote.s32 $0x1  }
0xbe: {  	_ =	sfence.sel $0xFFFF  }
0xbf: {  	[dreg:$0x0] =	wrdreg $0xFFFFFFFF;
	(pc) =	sbr.abs _section_cstart, $3  }
0xc0: {  	[dreg:$0x1] =	wrdreg $0xFFFFFFFF  }
0xc1: {  	_ =	task.clear_ibuf [dreg:s6], $0x2FFFF;
	_ =	strace $0x9FFFFFFF  }
0xc2: {  	(tm) =	ssettm $0x7FFFFFFF  }
0xc3: {  	_ =	shalt  }
tec
execute0_lowered:
.L_overlay_start_1:
0x0: {  	(tag) =	ssettag $0x1  }
0x1: {  	s5 =	rddreg [dreg:$0x0];
	s0 =	stileid.u32  }
0x2: {  	s1 =	srdreg.scid;
	s2 =	rddreg [dreg:$0x1];
	s3 =	simm.s32 $0x0  }
0x3: {  	s13 =	simm.s32 $0x100;
	s14 =	simm.s32 $0x80;
	s4 =	smul.u32 $0x4E200, s0  }
0x4: {  	s15 =	simm.s32 $0x2900;
	s16 =	simm.s32 $0x1;
	s7 =	smul.u32 $0x140, s0  }
0x5: {  	s17 =	simm.s32 $0x3;
	s18 =	simm.s32 $0x50;
	s28 =	smul.u32 $0x28000, s0  }
0x6: {  	s20 =	simm.s32 $0x4;
	s21 =	simm.s32 $0x0;
	s12 =	smul.u32 $0x4E20, s0  }
0x7: {  	s6 =	sand.u32 $0x1, s1;
	s1 =	rddreg [dreg:$0x2];
	s31 =	smul.u32 $0x9C4, s0  }
0x8: {  	[smem:$0x7FF] =	sst s3;
	s10 =	sadd.s32 $0x11200, s5;
	s19 =	smul.u32 $0x1400, s6  }
0x9: {  	_ =	strace $0x80000053;
	s6 =	ssub.s32 $0x2, s6;
	s8 =	sadd.s32 s4, s5  }
0xa: {  	s11 =	sshrl.u32 s6, $0x1;
	s4 =	sadd.s32 $0x7400, s5;
	s29 =	sshrl.u32 s28, $0x2  }
0xb: {  	s30 =	sshrl.u32 s12, $0x3;
	s12 =	simm.s32 $0x5;
	s26 =	sadd.s32 s7, s19  }
0xc: {  	s11 =	ssub.s32 s6, s11;
	s6 =	sadd.s32 s10, s30;
	s7 =	sadd.s32 $0xF0F400, s8  }
0xd: {  	s10 =	sadd.s32 s31, s10;
	v0 =	vmov s19;
	s19 =	simm.s32 $0x2;
	s9 =	sshll.u32 s26, $0x4  }
0xe: {  	s10 =	sadd.s32 $0x14, s10;
	s9 =	sadd.s32 s9, s5;
	s5 =	sadd.s32 s29, s2  }
0xf: {  	s8 =	sadd.s32 $0x1B000, s9;
	s9 =	smax.u32 s11, $0x1;
	s11 =	simm.s32 $0x5100  }
.LBB2_1:
0x10: {  	[tilespmem:s11], [sflag:$0x5] =	stream.linear.gather [hbm4b:s4+s3], $0xA000, $0x38;
	[tilespmem:$0x19140] =	vst v63  }
0x11: {  	_ =	swait.ge [sflag:s12], $0xA000  }
0x12: {  	[sflag:s12] =	ssyncset.done $0x0  }
0x13: {  	[sflag:s12] =	ssyncadd.s32 $0xFFFF6000  }
0x14: {  	[spmem:s5] =	stream.linear.scatter [tilespmem:s11], [sflag:$0x5], $0xA000, $0x38;
	[tilespmem:$0x19140] =	vst v63  }
0x15: {  	_ =	swait.ge [sflag:s12], $0xA000  }
0x16: {  	[sflag:s12] =	ssyncset.done $0x0  }
0x17: {  	[sflag:s12] =	ssyncadd.s32 $0xFFFF6000  }
0x18: {  	[bflag:$0x0] =	sbarrier.arrive $0xFFFF  }
0x19: {  	[tilespmem:s3], [sflag:$0x1] =	stream.linear.gather [hbm4b:s6+s3], $0x50, $0x38;
	[tilespmem:$0x19140] =	vst v63  }
0x1a: {  	_ = 	snop  }
0x1b: {  	[tilespmem:s13], [sflag:$0x3] =	stream.linear.gather [hbm4b:s7+s3], $0x2800, $0x38;
	[tilespmem:$0x19140] =	vst v63  }
0x1c: {  	s22 =	sadd.s32 $0xFFFFFFF6, s10;
	s23 =	sadd.s32 $0x0, s7  }
0x1d: {  	[tilespmem:s14], [sflag:$0x2] =	stream.linear.gather [hbm4b:s22+s3], $0x50, $0x38;
	[tilespmem:$0x19140] =	vst v63  }
0x1e: {  	s31 =	sadd.s32 $0x500, s23  }
0x1f: {  	[tilespmem:s15], [sflag:$0x4] =	stream.linear.gather [hbm4b:s31+s3], $0x2800, $0x38;
	[tilespmem:$0x19140] =	vst v63  }
0x20: {  	_ =	swait.ge [sflag:s16], $0x50  }
0x21: {  	[sflag:s16] =	ssyncset.done $0x0  }
0x22: {  	[sflag:s16] =	ssyncadd.s32 $0xFFFFFFB0  }
0x23: {  	_ =	swait.ge [sflag:s17], $0x2800  }
0x24: {  	[sflag:s17] =	ssyncset.done $0x0  }
0x25: {  	[sflag:s17] =	ssyncadd.s32 $0xFFFFD800  }
0x26: {  	v1 =	vld [tilespmem:$0x0]  }
0x27: {  	v2 =	vld [tilespmem:$0x40]  }
0x28: {  	v3 =	vld [tilespmem:$0x30]  }
0x29: {  	v4 =	vld [tilespmem:$0x20]  }
0x2a: {  	v5 =	vld [tilespmem:$0x10]  }
0x2b: {  	v1 =	vsub.s32 v1, v0  }
0x2c: {  	v2 =	vsub.s32 v2, v0;
	v1 =	vmin.u32 v1, $0x1400  }
0x2d: {  	v2 =	vmin.u32 v2, $0x1400;
	[tilespmem:$0x0] =	vst v1;
	v1 =	vsub.s32 v3, v0  }
0x2e: {  	v3 =	vsub.s32 v4, v0;
	[tilespmem:$0x40] =	vst v2;
	v1 =	vmin.u32 v1, $0x1400  }
0x2f: {  	v2 =	vsub.s32 v5, v0;
	v3 =	vmin.u32 v3, $0x1400;
	[tilespmem:$0x30] =	vst v1  }
0x30: {  	v1 =	vmin.u32 v2, $0x1400;
	[tilespmem:$0x20] =	vst v3  }
0x31: {  	[tilespmem:$0x10] =	vst v1  }
0x32: {  	[spmem:s2] =	stream.indirect.scatter.add.f32 [tilespmem:s13], [sflag:$0x5], $0x80, s3, s18, $0xb8;
	[tilespmem:$0x19140] =	vst v63  }
0x33: {  	_ =	swait.ge [sflag:s12], $0x2800  }
0x34: {  	p0 =	por $0x0, $0x0;
	[sflag:s12] =	ssyncset.done $0x0  }
0x35: {  	s23 =	sadd.s32 @!p0 $0x0, s7;
	s22 =	simm.s32 @!p0 $0x0;
	[sflag:s12] =	ssyncadd.s32 $0xFFFFD800  }
0x36: {  	[tilespmem:s22], [sflag:$0x1] =	stream.linear.gather @!p0 [hbm4b:s10+s22], $0x50, $0x38;
	[tilespmem:$0x19140] =	vst v63  }
0x37: {  	s24 =	simm.s32 @!p0 $0x100;
	s23 =	sadd.s32 @!p0 $0xA00, s23  }
0x38: {  	[tilespmem:s24], [sflag:$0x3] =	stream.linear.gather @!p0 [hbm4b:s23+s22], $0x2800, $0x38;
	[tilespmem:$0x19140] =	vst v63  }
0x39: {  	_ =	swait.ge [sflag:s19], $0x50  }
0x3a: {  	[sflag:s19] =	ssyncset.done $0x0  }
0x3b: {  	[sflag:s19] =	ssyncadd.s32 $0xFFFFFFB0  }
0x3c: {  	_ =	swait.ge [sflag:s20], $0x2800  }
0x3d: {  	[sflag:s20] =	ssyncset.done $0x0  }
0x3e: {  	[sflag:s20] =	ssyncadd.s32 $0xFFFFD800  }
0x3f: {  	v1 =	vld [tilespmem:$0x80]  }
0x40: {  	v2 =	vld [tilespmem:$0x90]  }
0x41: {  	v3 =	vld [tilespmem:$0xA0]  }
0x42: {  	v62 =	vld [tilespmem:$0xB0]  }
0x43: {  	v63 =	vld [tilespmem:$0xC0]  }
0x44: {  	v1 =	vsub.s32 v1, v0  }
0x45: {  	v2 =	vsub.s32 v2, v0;
	v1 =	vmin.u32 v1, $0x1400  }
0x46: {  	[tilespmem:$0x80] =	vst v1;
	v1 =	vmin.u32 v2, $0x1400;
	v2 =	vsub.s32 v3, v0  }
0x47: {  	[tilespmem:$0x90] =	vst v1;
	v1 =	vmin.u32 v2, $0x1400;
	v2 =	vsub.s32 v62, v0  }
0x48: {  	[tilespmem:$0xA0] =	vst v1;
	v1 =	vmin.u32 v2, $0x1400;
	v2 =	vsub.s32 v63, v0  }
0x49: {  	s24 =	sadd.s32 $0x14, s10;
	[tilespmem:$0xB0] =	vst v1;
	v1 =	vmin.u32 v2, $0x1400  }
0x4a: {  	s25 =	simm.s32 $0x1400;
	s22 =	simm.s32 $0xA00;
	s23 =	smov.u32 s24;
	[tilespmem:$0xC0] =	vst v1  }
0x4b: {  	[spmem:s2] =	stream.indirect.scatter.add.f32 [tilespmem:s15], [sflag:$0x5], $0x80, s14, s18, $0xb8;
	[tilespmem:$0x19140] =	vst v63  }
.LBB2_2:
0x4c: {  	s24 =	sadd.s32 $0x14, s24  }
0x4d: {  	_ =	swait.ge [sflag:s12], $0x2800;
	s26 =	smov.u32 s25;
	s25 =	sadd.s32 $0xA00, s25  }
0x4e: {  	p0 =	sne.s32 s25, $0x4E200;
	[sflag:s12] =	ssyncset.done $0x0  }
0x4f: {  	s28 =	sadd.s32 $0xFFFFFFF6, s23;
	s29 =	sadd.s32 s22, s7;
	[sflag:s12] =	ssyncadd.s32 $0xFFFFD800  }
0x50: {  	[tilespmem:s14], [sflag:$0x2] =	stream.linear.gather [hbm4b:s28+s3], $0x50, $0x38;
	[tilespmem:$0x19140] =	vst v63  }
0x51: {  	s28 =	sadd.s32 $0x500, s29  }
0x52: {  	[tilespmem:s15], [sflag:$0x4] =	stream.linear.gather [hbm4b:s28+s3], $0x2800, $0x38;
	[tilespmem:$0x19140] =	vst v63  }
0x53: {  	_ =	swait.ge [sflag:s16], $0x50  }
0x54: {  	[sflag:s16] =	ssyncset.done $0x0  }
0x55: {  	[sflag:s16] =	ssyncadd.s32 $0xFFFFFFB0  }
0x56: {  	_ =	swait.ge [sflag:s17], $0x2800  }
0x57: {  	[sflag:s17] =	ssyncset.done $0x0  }
0x58: {  	[sflag:s17] =	ssyncadd.s32 $0xFFFFD800  }
0x59: {  	v1 =	vld [tilespmem:$0x0]  }
0x5a: {  	v2 =	vld [tilespmem:$0x40]  }
0x5b: {  	v3 =	vld [tilespmem:$0x30]  }
0x5c: {  	v4 =	vld [tilespmem:$0x20]  }
0x5d: {  	v5 =	vld [tilespmem:$0x10]  }
0x5e: {  	v1 =	vsub.s32 v1, v0  }
0x5f: {  	v1 =	vmin.u32 v1, $0x1400;
	v2 =	vsub.s32 v2, v0  }
0x60: {  	[tilespmem:$0x0] =	vst v1;
	v1 =	vsub.s32 v3, v0;
	v2 =	vmin.u32 v2, $0x1400  }
0x61: {  	v3 =	vsub.s32 v4, v0;
	v1 =	vmin.u32 v1, $0x1400;
	[tilespmem:$0x40] =	vst v2  }
0x62: {  	v2 =	vsub.s32 v5, v0;
	v3 =	vmin.u32 v3, $0x1400;
	[tilespmem:$0x30] =	vst v1  }
0x63: {  	v1 =	vmin.u32 v2, $0x1400;
	[tilespmem:$0x20] =	vst v3  }
0x64: {  	[tilespmem:$0x10] =	vst v1  }
0x65: {  	[spmem:s2] =	stream.indirect.scatter.add.f32 [tilespmem:s13], [sflag:$0x5], $0x80, s3, s18, $0xb8;
	[tilespmem:$0x19140] =	vst v63  }
0x66: {  	_ =	swait.ge [sflag:s12], $0x2800  }
0x67: {  	p1 =	seq.s32 s22, $0x4D800;
	[sflag:s12] =	ssyncset.done $0x0  }
0x68: {  	s22 =	sadd.s32 @!p1 s22, s7;
	s28 =	simm.s32 @!p1 $0x0;
	[sflag:s12] =	ssyncadd.s32 $0xFFFFD800  }
0x69: {  	[tilespmem:s28], [sflag:$0x1] =	stream.linear.gather @!p1 [hbm4b:s23+s28], $0x50, $0x38;
	[tilespmem:$0x19140] =	vst v63  }
0x6a: {  	s29 =	simm.s32 @!p1 $0x100;
	s23 =	sadd.s32 @!p1 $0xA00, s22;
	s22 =	smov.u32 s26  }
0x6b: {  	[tilespmem:s29], [sflag:$0x3] =	stream.linear.gather @!p1 [hbm4b:s23+s28], $0x2800, $0x38;
	[tilespmem:$0x19140] =	vst v63  }
0x6c: {  	s23 =	smov.u32 s24;
	_ =	swait.ge [sflag:s19], $0x50  }
0x6d: {  	[sflag:s19] =	ssyncset.done $0x0  }
0x6e: {  	[sflag:s19] =	ssyncadd.s32 $0xFFFFFFB0  }
0x6f: {  	_ =	swait.ge [sflag:s20], $0x2800  }
0x70: {  	[sflag:s20] =	ssyncset.done $0x0  }
0x71: {  	[sflag:s20] =	ssyncadd.s32 $0xFFFFD800  }
0x72: {  	v1 =	vld [tilespmem:$0x80]  }
0x73: {  	v2 =	vld [tilespmem:$0x90]  }
0x74: {  	v3 =	vld [tilespmem:$0xA0]  }
0x75: {  	v4 =	vld [tilespmem:$0xB0]  }
0x76: {  	v5 =	vld [tilespmem:$0xC0]  }
0x77: {  	v1 =	vsub.s32 v1, v0  }
0x78: {  	v1 =	vmin.u32 v1, $0x1400;
	v2 =	vsub.s32 v2, v0  }
0x79: {  	[tilespmem:$0x80] =	vst v1;
	v1 =	vmin.u32 v2, $0x1400;
	v2 =	vsub.s32 v3, v0  }
.Ltmp0:
0x7a: {  	[tilespmem:$0x90] =	vst v1;
	v1 =	vmin.u32 v2, $0x1400;
	v2 =	vsub.s32 v4, v0;
	(pc) =	sbr.rel @p0 .LBB2_2-.Ltmp0, $4  }
0x7b: {  	[tilespmem:$0xA0] =	vst v1;
	v1 =	vmin.u32 v2, $0x1400;
	v2 =	vsub.s32 v5, v0  }
0x7c: {  	[tilespmem:$0xB0] =	vst v1;
	v1 =	vmin.u32 v2, $0x1400  }
0x7d: {  	[tilespmem:$0xC0] =	vst v1  }
0x7e: {  	[spmem:s2] =	stream.indirect.scatter.add.f32 [tilespmem:s15], [sflag:$0x5], $0x80, s14, s18, $0xb8;
	[tilespmem:$0x19140] =	vst v63  }
0x7f: {  	_ =	swait.ge [sflag:s12], $0x2800  }
0x80: {  	[sflag:s12] =	ssyncset.done $0x0  }
0x81: {  	s24 =	sadd.s32 $0xFFFFFFF6, s23;
	s25 =	sadd.s32 s22, s7;
	[sflag:s12] =	ssyncadd.s32 $0xFFFFD800  }
0x82: {  	[tilespmem:s14], [sflag:$0x2] =	stream.linear.gather [hbm4b:s24+s3], $0x50, $0x38;
	[tilespmem:$0x19140] =	vst v63  }
0x83: {  	s31 =	sadd.s32 $0x500, s25  }
0x84: {  	[tilespmem:s15], [sflag:$0x4] =	stream.linear.gather [hbm4b:s31+s3], $0x2800, $0x38;
	[tilespmem:$0x19140] =	vst v63  }
0x85: {  	_ =	swait.ge [sflag:s16], $0x50  }
0x86: {  	[sflag:s16] =	ssyncset.done $0x0  }
0x87: {  	[sflag:s16] =	ssyncadd.s32 $0xFFFFFFB0  }
0x88: {  	_ =	swait.ge [sflag:s17], $0x2800  }
0x89: {  	[sflag:s17] =	ssyncset.done $0x0  }
0x8a: {  	[sflag:s17] =	ssyncadd.s32 $0xFFFFD800  }
0x8b: {  	v1 =	vld [tilespmem:$0x0]  }
0x8c: {  	v2 =	vld [tilespmem:$0x40]  }
0x8d: {  	v3 =	vld [tilespmem:$0x30]  }
0x8e: {  	v4 =	vld [tilespmem:$0x20]  }
0x8f: {  	v5 =	vld [tilespmem:$0x10]  }
0x90: {  	v1 =	vsub.s32 v1, v0  }
0x91: {  	v2 =	vsub.s32 v2, v0;
	v1 =	vmin.u32 v1, $0x1400  }
0x92: {  	v2 =	vmin.u32 v2, $0x1400;
	[tilespmem:$0x0] =	vst v1;
	v1 =	vsub.s32 v3, v0  }
0x93: {  	v3 =	vsub.s32 v4, v0;
	[tilespmem:$0x40] =	vst v2;
	v1 =	vmin.u32 v1, $0x1400  }
0x94: {  	v2 =	vsub.s32 v5, v0;
	v3 =	vmin.u32 v3, $0x1400;
	[tilespmem:$0x30] =	vst v1  }
0x95: {  	v1 =	vmin.u32 v2, $0x1400;
	[tilespmem:$0x20] =	vst v3  }
0x96: {  	[tilespmem:$0x10] =	vst v1  }
0x97: {  	[spmem:s2] =	stream.indirect.scatter.add.f32 [tilespmem:s13], [sflag:$0x5], $0x80, s3, s18, $0xb8;
	[tilespmem:$0x19140] =	vst v63  }
0x98: {  	_ =	swait.ge [sflag:s12], $0x2800  }
0x99: {  	p0 =	seq.s32 s22, $0x4D800;
	[sflag:s12] =	ssyncset.done $0x0  }
0x9a: {  	s22 =	sadd.s32 @!p0 s22, s7;
	s24 =	simm.s32 @!p0 $0x0;
	[sflag:s12] =	ssyncadd.s32 $0xFFFFD800  }
0x9b: {  	[tilespmem:s24], [sflag:$0x1] =	stream.linear.gather @!p0 [hbm4b:s23+s24], $0x50, $0x38;
	[tilespmem:$0x19140] =	vst v63  }
0x9c: {  	s22 =	sadd.s32 @!p0 $0xA00, s22;
	s23 =	simm.s32 @!p0 $0x100  }
0x9d: {  	[tilespmem:s23], [sflag:$0x3] =	stream.linear.gather @!p0 [hbm4b:s22+s24], $0x2800, $0x38;
	[tilespmem:$0x19140] =	vst v63  }
0x9e: {  	_ =	swait.ge [sflag:s19], $0x50  }
0x9f: {  	[sflag:s19] =	ssyncset.done $0x0  }
0xa0: {  	[sflag:s19] =	ssyncadd.s32 $0xFFFFFFB0  }
0xa1: {  	_ =	swait.ge [sflag:s20], $0x2800  }
0xa2: {  	[sflag:s20] =	ssyncset.done $0x0  }
0xa3: {  	[sflag:s20] =	ssyncadd.s32 $0xFFFFD800  }
0xa4: {  	v1 =	vld [tilespmem:$0x80]  }
0xa5: {  	v2 =	vld [tilespmem:$0x90]  }
0xa6: {  	v3 =	vld [tilespmem:$0xA0]  }
0xa7: {  	v62 =	vld [tilespmem:$0xB0]  }
0xa8: {  	v63 =	vld [tilespmem:$0xC0]  }
0xa9: {  	v1 =	vsub.s32 v1, v0  }
0xaa: {  	v2 =	vsub.s32 v2, v0;
	v1 =	vmin.u32 v1, $0x1400  }
0xab: {  	[tilespmem:$0x80] =	vst v1;
	v1 =	vmin.u32 v2, $0x1400;
	v2 =	vsub.s32 v3, v0  }
0xac: {  	[tilespmem:$0x90] =	vst v1;
	v1 =	vmin.u32 v2, $0x1400;
	v2 =	vsub.s32 v62, v0  }
0xad: {  	[tilespmem:$0xA0] =	vst v1;
	v1 =	vmin.u32 v2, $0x1400;
	v2 =	vsub.s32 v63, v0  }
0xae: {  	[tilespmem:$0xB0] =	vst v1;
	v1 =	vmin.u32 v2, $0x1400  }
0xaf: {  	[tilespmem:$0xC0] =	vst v1  }
0xb0: {  	[spmem:s2] =	stream.indirect.scatter.add.f32 [tilespmem:s15], [sflag:$0x5], $0x80, s14, s18, $0xb8;
	[tilespmem:$0x19140] =	vst v63  }
0xb1: {  	_ =	swait.ge [sflag:s12], $0x2800  }
0xb2: {  	[sflag:s12] =	ssyncset.done $0x0  }
0xb3: {  	[sflag:s12] =	ssyncadd.s32 $0xFFFFD800  }
0xb4: {  	[bflag:$0x0] =	sbarrier.arrive $0xFFFF  }
0xb5: {  	[tilespmem:s11], [sflag:$0x5] =	stream.linear.gather [spmem:s5], $0xA000, $0x38;
	[tilespmem:$0x19140] =	vst v63  }
0xb6: {  	s21 =	sadd.s32 $0x1, s21;
	_ =	swait.ge [sflag:s12], $0xA000  }
0xb7: {  	p0 =	sne.s32 s21, s9;
	[sflag:s12] =	ssyncset.done $0x0  }
.Ltmp1:
0xb8: {  	[sflag:s12] =	ssyncadd.s32 $0xFFFF6000;
	(pc) =	sbr.rel @p0 .LBB2_1-.Ltmp1, $4  }
0xb9: {  	[hbm4b:s8+s3] =	stream.linear.scatter [tilespmem:s11], [sflag:$0x5], $0xA000, $0x38;
	[tilespmem:$0x19140] =	vst v63  }
0xba: {  	_ =	swait.ge [sflag:s12], $0xA000  }
0xbb: {  	[sflag:s12] =	ssyncset.done $0x0  }
0xbc: {  	[sflag:s12] =	ssyncadd.s32 $0xFFFF6000  }
0xbd: {  	_ =	sfence.sel $0x180000  }
0xbe: {  	[bflag:$0x0] =	sbarrier.arrive $0xFFFF  }
0xbf: {  	p0 =	sne.s32 s0, $0x0;
	_ =	strace $0x90000053  }
0xc0: {  	s0 =	sadd.s32 @!p0 $0x100000, s1;
	[bflag:$0x2] =	sbarrier.arrive $0xFFFF  }
0xc1: {  	[sflag:s0] =	ssyncadd.tile.s32 @!p0 $0x1;
	_ =	shalt  }
.Lfunc_end2:
_tile_overlayer_lowered:
.L_overlay_start_2:
0xc2: {  	(tag) =	ssettag $0x2  }
0xc3: {  	s0 =	rddreg [dreg:$0x0];
	s2 =	stileid.u32  }
0xc4: {  	s1 =	rddreg [dreg:$0x1];
	p0 =	sne.s32 s2, $0x0  }
0xc5: {  	s3 =	rddreg [dreg:$0x2];
	[bflag:$0x3] =	sbarrier.arrive $0xFFFF;
	s2 =	simm.s32 @!p0 $0x1C05  }
0xc6: {  	[timem:s3], [sflag:s2] =	dma.local @!p0 [hbm:s0], s1  }
0xc7: {  	s0 =	simm.s32 @!p0 $0x5  }
0xc8: {  	_ =	swait.ge @!p0 [sflag:s0], s1  }
0xc9: {  	s1 =	ssub.s32 @!p0 $0x0, s1;
	[sflag:s0] =	ssyncset.done @!p0 $0x0  }
0xca: {  	[sflag:s0] =	ssyncadd.s32 @!p0 s1  }
0xcb: {  	[bflag:$0x3] =	sbarrier.arrive $0xFFFF  }
0xcc: {  	_ =	shalt  }

</sc_bundles>
